<compile_context>
chip_gen: v7x
topology: tpu7x:2x2x1
jax: 0.10.2.dev20260603
libtpu: 0.0.44.dev20260713+nightly
codegen_flags: <defaults>
</compile_context>

<pallas_src>
import functools

import jax
import jax.numpy as jnp
from jax import lax
from jax.experimental import pallas as pl
from jax.experimental.pallas import tpu as pltpu, tpu_sc as plsc

N = 10000
E = 320000
D = 128
NC = 2
NS = 16
NW = NC * NS
CH = 128
KS = 8
ST = 10
KCH = KS * ST
EPW = KCH * CH
EPAD = NW * EPW
RPT = 640
NPAD = NS * RPT

_mesh = plsc.VectorSubcoreMesh(core_axis_name="c", subcore_axis_name="s")


@functools.partial(
    pl.kernel,
    out_type=(
        jax.ShapeDtypeStruct((NC, NPAD, D), jnp.float32),
        jax.ShapeDtypeStruct((NW, NPAD // 128, 128), jnp.float32),
    ),
    mesh=_mesh,
    compiler_params=pltpu.CompilerParams(needs_layout_passes=False),
    scratch_types=[
        pltpu.VMEM((KS, CH), jnp.int32),
        pltpu.VMEM((KS, CH), jnp.int32),
        pltpu.VMEM((KS, CH), jnp.int32),
        pltpu.VMEM((KS, CH), jnp.int32),
        pltpu.VMEM((CH, D), jnp.float32),
        pltpu.VMEM((CH, D), jnp.float32),
        pltpu.VMEM((NPAD // 128, 128), jnp.float32),
        pltpu.VMEM_SHARED((NPAD, D), jnp.float32),
        pltpu.SemaphoreType.DMA,
        pltpu.SemaphoreType.DMA,
        pltpu.SemaphoreType.DMA,
    ],
)
def _sc_aggregate(feat_hbm, srcv_hbm, dstv_hbm, out_hbm, deg_hbm,
                  src_a, dst_a, src_b, dst_b, rows0, rows1, deg_v, agg_sh,
                  sem0, sem1, sems):
    cid = lax.axis_index("c")
    sid = lax.axis_index("s")
    w = cid * NS + sid
    r0 = sid * RPT

    zero16 = jnp.zeros((16,), jnp.float32)
    one16 = jnp.ones((16,), jnp.float32)

    def zbody(i, carry):
        deg_v[i // 8, pl.ds((i % 8) * 16, 16)] = zero16
        return carry

    def _wait(sem, buf):
        pltpu.make_async_copy(feat_hbm.at[src_a.at[0]], buf, sem).wait()

    bufs = [(src_a, dst_a), (src_b, dst_b)]

    with jax.named_scope("stagecopy"):
        pltpu.sync_copy(srcv_hbm.at[w, pl.ds(0, KS)], src_a)
        pltpu.sync_copy(dstv_hbm.at[w, pl.ds(0, KS)], dst_a)
    pltpu.async_copy(feat_hbm.at[src_a.at[0]], rows0, sem0)
    pltpu.async_copy(feat_hbm.at[src_a.at[1]], rows1, sem1)

    DROWS = NPAD // 128
    with jax.named_scope("initzero"):
        lax.fori_loop(0, NPAD // 16, zbody, 0)
        for i in range(RPT // DROWS):
            pltpu.async_copy(deg_v, agg_sh.at[pl.ds(r0 + i * DROWS, DROWS)],
                             sems)
        for i in range(RPT // DROWS):
            pltpu.make_async_copy(deg_v, agg_sh.at[pl.ds(r0, DROWS)],
                                  sems).wait()
    plsc.subcore_barrier()

    for st in range(ST):
        sv, dv = bufs[st % 2]
        nsv, ndv = bufs[(st + 1) % 2]
        last = st == ST - 1

        if not last:
            pltpu.async_copy(srcv_hbm.at[w, pl.ds((st + 1) * KS, KS)],
                             nsv, sems)
            pltpu.async_copy(dstv_hbm.at[w, pl.ds((st + 1) * KS, KS)],
                             ndv, sems)

        def dbody(i, carry):
            idx = dv[i // 8, pl.ds((i % 8) * 16, 16)]
            plsc.addupdate_scatter(deg_v, [idx >> 7, idx & 127], one16)
            return carry

        with jax.named_scope("degloop"):
            lax.fori_loop(0, (KS * CH) // 16, dbody, 0)

        def body(j, carry):
            c = 2 * j
            _wait(sem0, rows0)
            pltpu.sync_copy(rows0, agg_sh.at[dv.at[c]], add=True)
            pltpu.async_copy(feat_hbm.at[sv.at[c + 2]], rows0, sem0)
            _wait(sem1, rows1)
            pltpu.sync_copy(rows1, agg_sh.at[dv.at[c + 1]], add=True)
            pltpu.async_copy(feat_hbm.at[sv.at[c + 3]], rows1, sem1)
            return carry

        with jax.named_scope("gsloop"):
            lax.fori_loop(0, (KS - 2) // 2, body, 0)

        _wait(sem0, rows0)
        pltpu.sync_copy(rows0, agg_sh.at[dv.at[KS - 2]], add=True)
        if not last:
            pltpu.make_async_copy(srcv_hbm.at[w, pl.ds(0, KS)],
                                  nsv, sems).wait()
            pltpu.make_async_copy(srcv_hbm.at[w, pl.ds(0, KS)],
                                  ndv, sems).wait()
            pltpu.async_copy(feat_hbm.at[nsv.at[0]], rows0, sem0)
        _wait(sem1, rows1)
        pltpu.sync_copy(rows1, agg_sh.at[dv.at[KS - 1]], add=True)
        if not last:
            pltpu.async_copy(feat_hbm.at[nsv.at[1]], rows1, sem1)

    with jax.named_scope("writeback"):
        pltpu.sync_copy(deg_v, deg_hbm.at[w])

        plsc.subcore_barrier()
        pltpu.sync_copy(agg_sh.at[pl.ds(r0, RPT)],
                        out_hbm.at[cid, pl.ds(r0, RPT)])


def _combine_body(feat_ref, agg_ref, deg_ref, wn_ref, ws_ref, b_ref, out_ref):
    x = feat_ref[...]
    neigh = agg_ref[0] + agg_ref[1]
    deg = jnp.sum(deg_ref[...], axis=0)[:, None]
    h = lax.dot_general(x, ws_ref[...], (((1,), (1,)), ((), ())),
                        preferred_element_type=jnp.float32)
    nb = lax.dot_general(neigh, wn_ref[...], (((1,), (1,)), ((), ())),
                         preferred_element_type=jnp.float32)
    out_ref[...] = h + b_ref[...] + nb * (1.0 / deg)


_BM = 2048


@jax.jit
def kernel(feat, edge_index, W_neigh, W_self, b_self):
    padw = EPW - E // NW
    src2 = edge_index[0].reshape(NW, E // NW)
    dst2 = edge_index[1].reshape(NW, E // NW)
    lane = jnp.arange(padw, dtype=jnp.int32)[None, :]
    wrow = jnp.arange(NW, dtype=jnp.int32)[:, None]
    pad_src = (wrow * padw + lane) % N
    pad_dst = jnp.broadcast_to(N + lane, (NW, padw))
    src_p = jnp.concatenate([src2, pad_src], axis=1).reshape(NW, KCH, CH)
    dst_p = jnp.concatenate([dst2, pad_dst], axis=1).reshape(NW, KCH, CH)

    aggout, degout = _sc_aggregate(feat, src_p, dst_p)
    degout = degout.reshape(NW, NPAD)

    rst = pl.pallas_call(
        _combine_body,
        grid=(pl.cdiv(N, _BM),),
        in_specs=[
            pl.BlockSpec((_BM, D), lambda i: (i, 0)),
            pl.BlockSpec((NC, _BM, D), lambda i: (0, i, 0)),
            pl.BlockSpec((NW, _BM), lambda i: (0, i)),
            pl.BlockSpec((D, D), lambda i: (0, 0)),
            pl.BlockSpec((D, D), lambda i: (0, 0)),
            pl.BlockSpec((1, D), lambda i: (0, 0)),
        ],
        out_specs=pl.BlockSpec((_BM, D), lambda i: (i, 0)),
        out_shape=jax.ShapeDtypeStruct((N, D), jnp.float32),
    )(feat, aggout, degout, W_neigh, W_self, b_self.reshape(1, D))
    return rst

# --- scband reference (transcript-rebuilt; emitter-appended) ---
"""Pipeline reference for scband-sageconv-39565238731129 (READ-ONLY COPY).

The authoritative reference and input builder live on the scoring server;
editing this copy changes nothing except your own understanding.
"""

import jax, jax.numpy as jnp
import numpy as np

N = 10000
E = 320000
D_IN = 128
D_OUT = 128


def setup_inputs(seed: int = 0) -> dict:
    key = jax.random.key(seed)
    k1, k2, k3, k4 = jax.random.split(key, 4)
    feat = jax.random.normal(k1, (N, D_IN), dtype=jnp.float32)
    # edge_index[0] = source node ids (rows of A), edge_index[1] = destination node ids (cols of A)
    edge_index = jax.random.randint(k2, (2, E), 0, N, dtype=jnp.int32)
    # xavier_uniform with gain = calculate_gain('relu') = sqrt(2)
    gain = float(np.sqrt(2.0))
    bound = gain * float(np.sqrt(6.0 / (D_IN + D_OUT)))
    W_neigh = jax.random.uniform(k3, (D_OUT, D_IN), minval=-bound, maxval=bound, dtype=jnp.float32)
    W_self = jax.random.uniform(k4, (D_OUT, D_IN), minval=-bound, maxval=bound, dtype=jnp.float32)
    b_self = jnp.zeros((D_OUT,), dtype=jnp.float32)
    return {"feat": feat, "edge_index": edge_index, "W_neigh": W_neigh, "W_self": W_self, "b_self": b_self}


def reference(feat, edge_index, W_neigh, W_self, b_self):
    # A is the N x N sparse adjacency with A[src, dst] = 1 for each edge.
    src = edge_index[0]
    dst = edge_index[1]
    # h_self = feat_dst = feat[:A.shape[0]] = feat (square A)
    h_self = feat
    # srcdata = fc_neigh(feat_src)
    srcdata = feat @ W_neigh.T
    # D_hat = diag(A.sum(0)) ** -1  -> per-column (destination) degree inverse
    deg = jax.ops.segment_sum(jnp.ones((E,), dtype=jnp.float32), dst, num_segments=N)
    inv_deg = 1.0 / deg
    # dstdata = (A @ D_hat).T @ srcdata  -> dstdata[j] = (1/deg[j]) * sum_{i: (i,j) in E} srcdata[i]
    msg = jnp.take(srcdata, src, axis=0)
    agg = jax.ops.segment_sum(msg, dst, num_segments=N)
    dstdata = agg * inv_deg[:, None]
    # rst = fc_self(h_self) + dstdata
    rst = h_self @ W_self.T + b_self + dstdata
    return rst

if __name__ == "__main__":
    import jax
    _d = setup_inputs()
    print(jax.jit(kernel)(*tuple(_d.values())))

</pallas_src>

<mosaic_0001>
#map = affine_map<(d0, d1) -> (0, 0)>
#map1 = affine_map<(d0, d1) -> (0, 0, 0)>
module attributes {stable_mosaic.version = 14 : i64} {
  func.func @_sc_aggregate(%arg0: i32, %arg1: i32, %arg2: memref<10000x128xf32, #tpu.memory_space<hbm>>, %arg3: memref<32x80x128xi32, #tpu.memory_space<hbm>>, %arg4: memref<32x80x128xi32, #tpu.memory_space<hbm>>, %arg5: memref<2x10240x128xf32, #tpu.memory_space<hbm>>, %arg6: memref<32x80x128xf32, #tpu.memory_space<hbm>>, %arg7: memref<8x128xi32, #tpu.memory_space<vmem>>, %arg8: memref<8x128xi32, #tpu.memory_space<vmem>>, %arg9: memref<8x128xi32, #tpu.memory_space<vmem>>, %arg10: memref<8x128xi32, #tpu.memory_space<vmem>>, %arg11: memref<128x128xf32, #tpu.memory_space<vmem>>, %arg12: memref<128x128xf32, #tpu.memory_space<vmem>>, %arg13: memref<80x128xf32, #tpu.memory_space<vmem>>, %arg14: memref<10240x128xf32, #tpu.memory_space<vmem_shared>>, %arg15: memref<!tpu.dma_semaphore, #tpu.memory_space<semaphore_mem>>, %arg16: memref<!tpu.dma_semaphore, #tpu.memory_space<semaphore_mem>>, %arg17: memref<!tpu.dma_semaphore, #tpu.memory_space<semaphore_mem>>) attributes {dimension_semantics = [#tpu.dimension_semantics<core_parallel>, #tpu.dimension_semantics<subcore_parallel>], iteration_bounds = array<i64: 2, 16>, scalar_prefetch = 0 : i64, scratch_operands = 11 : i64, tpu.core_type = #tpu.core_type<sc_vector_subcore>, window_params = [{transform_indices = #map}, {transform_indices = #map1}, {transform_indices = #map1}, {transform_indices = #map1}, {transform_indices = #map1}]} {
    %mul3A = arith.constant 16 : i32
    %mul3A_0 = arith.muli %arg0, %mul3A : i32
    %add3A = arith.addi %mul3A_0, %arg1 : i32
    %mul3A_1 = arith.constant 640 : i32
    %mul3A_2 = arith.muli %arg1, %mul3A_1 : i32
    %broadcast_in_dim3A = arith.constant 0.000000e+00 : f32
    %broadcast_in_dim3A_3 = vector.broadcast %broadcast_in_dim3A : f32 to vector<16xf32>
    %broadcast_in_dim3A_4 = arith.constant 1.000000e+00 : f32
    %broadcast_in_dim3A_5 = vector.broadcast %broadcast_in_dim3A_4 : f32 to vector<16xf32>
    "tpu.trace_start"() <{level = 10 : i32, message = "stagecopy"}> : () -> ()
    "tpu.region"() ({
      %run_scoped3A_797 = tpu.sem_alloc : memref<!tpu.dma_semaphore, #tpu.memory_space<semaphore_mem>>
      %dma_start3A_798 = arith.constant 0 : i32
      %dma_start3A_799 = arith.constant 0 : i32
      %dma_start3A_800 = tpu.memref_slice %arg3[%add3A, %dma_start3A_798, %dma_start3A_799] : memref<32x80x128xi32, #tpu.memory_space<hbm>> -> memref<1x8x128xi32, #tpu.memory_space<hbm>>
      %dma_start3A_801 = tpu.memref_squeeze %dma_start3A_800 : memref<1x8x128xi32, #tpu.memory_space<hbm>> -> memref<8x128xi32, #tpu.memory_space<hbm>>
      %dma_start3A_802 = arith.constant 0 : i32
      %dma_start3A_803 = arith.constant 0 : i32
      %dma_start3A_804 = tpu.memref_slice %arg3[%add3A, %dma_start3A_802, %dma_start3A_803] : memref<32x80x128xi32, #tpu.memory_space<hbm>> -> memref<1x8x128xi32, #tpu.memory_space<hbm>>
      %dma_start3A_805 = tpu.memref_squeeze %dma_start3A_804 : memref<1x8x128xi32, #tpu.memory_space<hbm>> -> memref<8x128xi32, #tpu.memory_space<hbm>>
      tpu.enqueue_dma source(%dma_start3A_805 : memref<8x128xi32, #tpu.memory_space<hbm>>) target(%arg7 : memref<8x128xi32, #tpu.memory_space<vmem>>) target_semaphore(%run_scoped3A_797 : memref<!tpu.dma_semaphore, #tpu.memory_space<semaphore_mem>>)
      %dma_wait3A_806 = arith.constant 0 : i32
      %dma_wait3A_807 = arith.constant 0 : i32
      %dma_wait3A_808 = tpu.memref_slice %arg3[%add3A, %dma_wait3A_806, %dma_wait3A_807] : memref<32x80x128xi32, #tpu.memory_space<hbm>> -> memref<1x8x128xi32, #tpu.memory_space<hbm>>
      %dma_wait3A_809 = tpu.memref_squeeze %dma_wait3A_808 : memref<1x8x128xi32, #tpu.memory_space<hbm>> -> memref<8x128xi32, #tpu.memory_space<hbm>>
      %dma_wait3A_810 = arith.constant 0 : i32
      %dma_wait3A_811 = arith.constant 0 : i32
      %dma_wait3A_812 = tpu.memref_slice %arg3[%add3A, %dma_wait3A_810, %dma_wait3A_811] : memref<32x80x128xi32, #tpu.memory_space<hbm>> -> memref<1x8x128xi32, #tpu.memory_space<hbm>>
      %dma_wait3A_813 = tpu.memref_squeeze %dma_wait3A_812 : memref<1x8x128xi32, #tpu.memory_space<hbm>> -> memref<8x128xi32, #tpu.memory_space<hbm>>
      tpu.wait_dma2 semaphore(%run_scoped3A_797 : memref<!tpu.dma_semaphore, #tpu.memory_space<semaphore_mem>>) src(%dma_wait3A_813 : memref<8x128xi32, #tpu.memory_space<hbm>>) dst(%arg7 : memref<8x128xi32, #tpu.memory_space<vmem>>)
      tpu.yield
    }) : () -> ()
    "tpu.region"() ({
      %run_scoped3A_797 = tpu.sem_alloc : memref<!tpu.dma_semaphore, #tpu.memory_space<semaphore_mem>>
      %dma_start3A_798 = arith.constant 0 : i32
      %dma_start3A_799 = arith.constant 0 : i32
      %dma_start3A_800 = tpu.memref_slice %arg4[%add3A, %dma_start3A_798, %dma_start3A_799] : memref<32x80x128xi32, #tpu.memory_space<hbm>> -> memref<1x8x128xi32, #tpu.memory_space<hbm>>
      %dma_start3A_801 = tpu.memref_squeeze %dma_start3A_800 : memref<1x8x128xi32, #tpu.memory_space<hbm>> -> memref<8x128xi32, #tpu.memory_space<hbm>>
      %dma_start3A_802 = arith.constant 0 : i32
      %dma_start3A_803 = arith.constant 0 : i32
      %dma_start3A_804 = tpu.memref_slice %arg4[%add3A, %dma_start3A_802, %dma_start3A_803] : memref<32x80x128xi32, #tpu.memory_space<hbm>> -> memref<1x8x128xi32, #tpu.memory_space<hbm>>
      %dma_start3A_805 = tpu.memref_squeeze %dma_start3A_804 : memref<1x8x128xi32, #tpu.memory_space<hbm>> -> memref<8x128xi32, #tpu.memory_space<hbm>>
      tpu.enqueue_dma source(%dma_start3A_805 : memref<8x128xi32, #tpu.memory_space<hbm>>) target(%arg8 : memref<8x128xi32, #tpu.memory_space<vmem>>) target_semaphore(%run_scoped3A_797 : memref<!tpu.dma_semaphore, #tpu.memory_space<semaphore_mem>>)
      %dma_wait3A_806 = arith.constant 0 : i32
      %dma_wait3A_807 = arith.constant 0 : i32
      %dma_wait3A_808 = tpu.memref_slice %arg4[%add3A, %dma_wait3A_806, %dma_wait3A_807] : memref<32x80x128xi32, #tpu.memory_space<hbm>> -> memref<1x8x128xi32, #tpu.memory_space<hbm>>
      %dma_wait3A_809 = tpu.memref_squeeze %dma_wait3A_808 : memref<1x8x128xi32, #tpu.memory_space<hbm>> -> memref<8x128xi32, #tpu.memory_space<hbm>>
      %dma_wait3A_810 = arith.constant 0 : i32
      %dma_wait3A_811 = arith.constant 0 : i32
      %dma_wait3A_812 = tpu.memref_slice %arg4[%add3A, %dma_wait3A_810, %dma_wait3A_811] : memref<32x80x128xi32, #tpu.memory_space<hbm>> -> memref<1x8x128xi32, #tpu.memory_space<hbm>>
      %dma_wait3A_813 = tpu.memref_squeeze %dma_wait3A_812 : memref<1x8x128xi32, #tpu.memory_space<hbm>> -> memref<8x128xi32, #tpu.memory_space<hbm>>
      tpu.wait_dma2 semaphore(%run_scoped3A_797 : memref<!tpu.dma_semaphore, #tpu.memory_space<semaphore_mem>>) src(%dma_wait3A_813 : memref<8x128xi32, #tpu.memory_space<hbm>>) dst(%arg8 : memref<8x128xi32, #tpu.memory_space<vmem>>)
      tpu.yield
    }) : () -> ()
    %dma_start3A = arith.constant 0 : i32
    "tpu.trace_stop"() : () -> ()
    %dma_start3A_6 = arith.constant 0 : i32
    %dma_start3A_7 = tpu.memref_slice %arg7[%dma_start3A, %dma_start3A_6] : memref<8x128xi32, #tpu.memory_space<vmem>> -> memref<1x128xi32, #tpu.memory_space<vmem>>
    %dma_start3A_8 = tpu.memref_squeeze %dma_start3A_7 : memref<1x128xi32, #tpu.memory_space<vmem>> -> memref<128xi32, #tpu.memory_space<vmem>>
    %dma_start3A_9 = arith.constant 0 : i32
    %dma_start3A_10 = arith.constant 0 : i32
    %dma_start3A_11 = tpu.memref_slice %arg2[%dma_start3A_9, %dma_start3A_10] : memref<10000x128xf32, #tpu.memory_space<hbm>> -> memref<10000x128xf32, #tpu.memory_space<hbm>>
    tpu.enqueue_indirect_dma source(%dma_start3A_11 : memref<10000x128xf32, #tpu.memory_space<hbm>>) target(%arg11 : memref<128x128xf32, #tpu.memory_space<vmem>>) offsets(%dma_start3A_8 : memref<128xi32, #tpu.memory_space<vmem>>) semaphore(%arg15 : memref<!tpu.dma_semaphore, #tpu.memory_space<semaphore_mem>>)
    %dma_start3A_12 = arith.constant 1 : i32
    %dma_start3A_13 = arith.constant 0 : i32
    %dma_start3A_14 = tpu.memref_slice %arg7[%dma_start3A_12, %dma_start3A_13] : memref<8x128xi32, #tpu.memory_space<vmem>> -> memref<1x128xi32, #tpu.memory_space<vmem>>
    %dma_start3A_15 = tpu.memref_squeeze %dma_start3A_14 : memref<1x128xi32, #tpu.memory_space<vmem>> -> memref<128xi32, #tpu.memory_space<vmem>>
    %dma_start3A_16 = arith.constant 0 : i32
    %dma_start3A_17 = arith.constant 0 : i32
    %dma_start3A_18 = tpu.memref_slice %arg2[%dma_start3A_16, %dma_start3A_17] : memref<10000x128xf32, #tpu.memory_space<hbm>> -> memref<10000x128xf32, #tpu.memory_space<hbm>>
    tpu.enqueue_indirect_dma source(%dma_start3A_18 : memref<10000x128xf32, #tpu.memory_space<hbm>>) target(%arg12 : memref<128x128xf32, #tpu.memory_space<vmem>>) offsets(%dma_start3A_15 : memref<128xi32, #tpu.memory_space<vmem>>) semaphore(%arg16 : memref<!tpu.dma_semaphore, #tpu.memory_space<semaphore_mem>>)
    "tpu.trace_start"() <{level = 10 : i32, message = "initzero"}> : () -> ()
    %scan3A = arith.constant 0 : i32
    %scan3A_19 = arith.constant 0 : i32
    %scan3A_20 = arith.constant 640 : i32
    %scan3A_21 = arith.addi %scan3A_19, %scan3A_20 : i32
    %scan3A_22 = arith.constant 1 : i32
    scf.for %scan3A_797 = %scan3A_19 to %scan3A_21 step %scan3A_22  : i32 {
      %jit3A = arith.constant 8 : i32
      %div3A = arith.divsi %scan3A_797, %jit3A : i32
      %sign3A = arith.constant 0 : i32
      %sign3A_798 = arith.cmpi sgt, %scan3A_797, %sign3A : i32
      %sign3A_799 = arith.extui %sign3A_798 : i1 to i32
      %sign3A_800 = arith.constant 0 : i32
      %sign3A_801 = arith.cmpi slt, %scan3A_797, %sign3A_800 : i32
      %sign3A_802 = arith.extui %sign3A_801 : i1 to i32
      %sign3A_803 = arith.subi %sign3A_799, %sign3A_802 : i32
      %sign3A_804 = arith.constant 0 : i32
      %sign3A_805 = arith.cmpi sgt, %jit3A, %sign3A_804 : i32
      %sign3A_806 = arith.extui %sign3A_805 : i1 to i32
      %sign3A_807 = arith.constant 0 : i32
      %sign3A_808 = arith.cmpi slt, %jit3A, %sign3A_807 : i32
      %sign3A_809 = arith.extui %sign3A_808 : i1 to i32
      %sign3A_810 = arith.subi %sign3A_806, %sign3A_809 : i32
      %ne3A = arith.cmpi ne, %sign3A_803, %sign3A_810 : i32
      %rem3A = arith.remsi %scan3A_797, %jit3A : i32
      %ne3A_811 = arith.constant 0 : i32
      %ne3A_812 = arith.cmpi ne, %rem3A, %ne3A_811 : i32
      %and3A = arith.andi %ne3A, %ne3A_812 : i1
      %sub3A = arith.constant 1 : i32
      %sub3A_813 = arith.subi %div3A, %sub3A : i32
      %select_n3A = arith.select %and3A, %sub3A_813, %div3A : i32
      %jit3A_814 = arith.constant 8 : i32
      %eq3A = arith.constant 0 : i32
      %eq3A_815 = arith.cmpi eq, %jit3A_814, %eq3A : i32
      %jit3A_816 = arith.constant 1 : i32
      %select_n3A_817 = arith.select %eq3A_815, %jit3A_816, %jit3A_814 : i32
      %rem3A_818 = arith.remsi %scan3A_797, %select_n3A_817 : i32
      %ne3A_819 = arith.constant 0 : i32
      %ne3A_820 = arith.cmpi ne, %rem3A_818, %ne3A_819 : i32
      %lt3A = arith.constant 0 : i32
      %lt3A_821 = arith.cmpi slt, %rem3A_818, %lt3A : i32
      %lt3A_822 = arith.constant 0 : i32
      %lt3A_823 = arith.cmpi slt, %select_n3A_817, %lt3A_822 : i32
      %ne3A_824 = arith.xori %lt3A_821, %lt3A_823 : i1
      %and3A_825 = arith.andi %ne3A_824, %ne3A_820 : i1
      %add3A_826 = arith.addi %rem3A_818, %select_n3A_817 : i32
      %select_n3A_827 = arith.select %and3A_825, %add3A_826, %rem3A_818 : i32
      %mul3A_828 = arith.constant 16 : i32
      %mul3A_829 = arith.muli %select_n3A_827, %mul3A_828 : i32
      %swap3A = arith.index_cast %select_n3A : i32 to index
      %swap3A_830 = arith.index_cast %mul3A_829 : i32 to index
      %swap3A_831 = tpu.vector_load %arg13[%swap3A, %swap3A_830] {strides = array<i32>} : memref<80x128xf32, #tpu.memory_space<vmem>>, vector<16xf32>,
      tpu.vector_store %arg13[%swap3A, %swap3A_830], %broadcast_in_dim3A_3 {strides = array<i32>} : memref<80x128xf32, #tpu.memory_space<vmem>>, vector<16xf32>,
    }
    %scan3A_23 = arith.constant 640 : i32
    %add3A_24 = arith.constant 0 : i32
    %add3A_25 = arith.addi %mul3A_2, %add3A_24 : i32
    %dma_start3A_26 = arith.constant 0 : i32
    %dma_start3A_27 = tpu.memref_slice %arg14[%add3A_25, %dma_start3A_26] : memref<10240x128xf32, #tpu.memory_space<vmem_shared>> -> memref<80x128xf32, #tpu.memory_space<vmem_shared>>
    %dma_start3A_28 = arith.constant 0 : i32
    %dma_start3A_29 = tpu.memref_slice %arg14[%add3A_25, %dma_start3A_28] : memref<10240x128xf32, #tpu.memory_space<vmem_shared>> -> memref<80x128xf32, #tpu.memory_space<vmem_shared>>
    tpu.enqueue_dma source(%arg13 : memref<80x128xf32, #tpu.memory_space<vmem>>) target(%dma_start3A_29 : memref<80x128xf32, #tpu.memory_space<vmem_shared>>) target_semaphore(%arg17 : memref<!tpu.dma_semaphore, #tpu.memory_space<semaphore_mem>>)
    %add3A_30 = arith.constant 80 : i32
    %add3A_31 = arith.addi %mul3A_2, %add3A_30 : i32
    %dma_start3A_32 = arith.constant 0 : i32
    %dma_start3A_33 = tpu.memref_slice %arg14[%add3A_31, %dma_start3A_32] : memref<10240x128xf32, #tpu.memory_space<vmem_shared>> -> memref<80x128xf32, #tpu.memory_space<vmem_shared>>
    %dma_start3A_34 = arith.constant 0 : i32
    %dma_start3A_35 = tpu.memref_slice %arg14[%add3A_31, %dma_start3A_34] : memref<10240x128xf32, #tpu.memory_space<vmem_shared>> -> memref<80x128xf32, #tpu.memory_space<vmem_shared>>
    tpu.enqueue_dma source(%arg13 : memref<80x128xf32, #tpu.memory_space<vmem>>) target(%dma_start3A_35 : memref<80x128xf32, #tpu.memory_space<vmem_shared>>) target_semaphore(%arg17 : memref<!tpu.dma_semaphore, #tpu.memory_space<semaphore_mem>>)
    %add3A_36 = arith.constant 160 : i32
    %add3A_37 = arith.addi %mul3A_2, %add3A_36 : i32
    %dma_start3A_38 = arith.constant 0 : i32
    %dma_start3A_39 = tpu.memref_slice %arg14[%add3A_37, %dma_start3A_38] : memref<10240x128xf32, #tpu.memory_space<vmem_shared>> -> memref<80x128xf32, #tpu.memory_space<vmem_shared>>
    %dma_start3A_40 = arith.constant 0 : i32
    %dma_start3A_41 = tpu.memref_slice %arg14[%add3A_37, %dma_start3A_40] : memref<10240x128xf32, #tpu.memory_space<vmem_shared>> -> memref<80x128xf32, #tpu.memory_space<vmem_shared>>
    tpu.enqueue_dma source(%arg13 : memref<80x128xf32, #tpu.memory_space<vmem>>) target(%dma_start3A_41 : memref<80x128xf32, #tpu.memory_space<vmem_shared>>) target_semaphore(%arg17 : memref<!tpu.dma_semaphore, #tpu.memory_space<semaphore_mem>>)
    %add3A_42 = arith.constant 240 : i32
    %add3A_43 = arith.addi %mul3A_2, %add3A_42 : i32
    %dma_start3A_44 = arith.constant 0 : i32
    %dma_start3A_45 = tpu.memref_slice %arg14[%add3A_43, %dma_start3A_44] : memref<10240x128xf32, #tpu.memory_space<vmem_shared>> -> memref<80x128xf32, #tpu.memory_space<vmem_shared>>
    %dma_start3A_46 = arith.constant 0 : i32
    %dma_start3A_47 = tpu.memref_slice %arg14[%add3A_43, %dma_start3A_46] : memref<10240x128xf32, #tpu.memory_space<vmem_shared>> -> memref<80x128xf32, #tpu.memory_space<vmem_shared>>
    tpu.enqueue_dma source(%arg13 : memref<80x128xf32, #tpu.memory_space<vmem>>) target(%dma_start3A_47 : memref<80x128xf32, #tpu.memory_space<vmem_shared>>) target_semaphore(%arg17 : memref<!tpu.dma_semaphore, #tpu.memory_space<semaphore_mem>>)
    %add3A_48 = arith.constant 320 : i32
    %add3A_49 = arith.addi %mul3A_2, %add3A_48 : i32
    %dma_start3A_50 = arith.constant 0 : i32
    %dma_start3A_51 = tpu.memref_slice %arg14[%add3A_49, %dma_start3A_50] : memref<10240x128xf32, #tpu.memory_space<vmem_shared>> -> memref<80x128xf32, #tpu.memory_space<vmem_shared>>
    %dma_start3A_52 = arith.constant 0 : i32
    %dma_start3A_53 = tpu.memref_slice %arg14[%add3A_49, %dma_start3A_52] : memref<10240x128xf32, #tpu.memory_space<vmem_shared>> -> memref<80x128xf32, #tpu.memory_space<vmem_shared>>
    tpu.enqueue_dma source(%arg13 : memref<80x128xf32, #tpu.memory_space<vmem>>) target(%dma_start3A_53 : memref<80x128xf32, #tpu.memory_space<vmem_shared>>) target_semaphore(%arg17 : memref<!tpu.dma_semaphore, #tpu.memory_space<semaphore_mem>>)
    %add3A_54 = arith.constant 400 : i32
    %add3A_55 = arith.addi %mul3A_2, %add3A_54 : i32
    %dma_start3A_56 = arith.constant 0 : i32
    %dma_start3A_57 = tpu.memref_slice %arg14[%add3A_55, %dma_start3A_56] : memref<10240x128xf32, #tpu.memory_space<vmem_shared>> -> memref<80x128xf32, #tpu.memory_space<vmem_shared>>
    %dma_start3A_58 = arith.constant 0 : i32
    %dma_start3A_59 = tpu.memref_slice %arg14[%add3A_55, %dma_start3A_58] : memref<10240x128xf32, #tpu.memory_space<vmem_shared>> -> memref<80x128xf32, #tpu.memory_space<vmem_shared>>
    tpu.enqueue_dma source(%arg13 : memref<80x128xf32, #tpu.memory_space<vmem>>) target(%dma_start3A_59 : memref<80x128xf32, #tpu.memory_space<vmem_shared>>) target_semaphore(%arg17 : memref<!tpu.dma_semaphore, #tpu.memory_space<semaphore_mem>>)
    %add3A_60 = arith.constant 480 : i32
    %add3A_61 = arith.addi %mul3A_2, %add3A_60 : i32
    %dma_start3A_62 = arith.constant 0 : i32
    %dma_start3A_63 = tpu.memref_slice %arg14[%add3A_61, %dma_start3A_62] : memref<10240x128xf32, #tpu.memory_space<vmem_shared>> -> memref<80x128xf32, #tpu.memory_space<vmem_shared>>
    %dma_start3A_64 = arith.constant 0 : i32
    %dma_start3A_65 = tpu.memref_slice %arg14[%add3A_61, %dma_start3A_64] : memref<10240x128xf32, #tpu.memory_space<vmem_shared>> -> memref<80x128xf32, #tpu.memory_space<vmem_shared>>
    tpu.enqueue_dma source(%arg13 : memref<80x128xf32, #tpu.memory_space<vmem>>) target(%dma_start3A_65 : memref<80x128xf32, #tpu.memory_space<vmem_shared>>) target_semaphore(%arg17 : memref<!tpu.dma_semaphore, #tpu.memory_space<semaphore_mem>>)
    %add3A_66 = arith.constant 560 : i32
    %add3A_67 = arith.addi %mul3A_2, %add3A_66 : i32
    %dma_start3A_68 = arith.constant 0 : i32
    %dma_start3A_69 = tpu.memref_slice %arg14[%add3A_67, %dma_start3A_68] : memref<10240x128xf32, #tpu.memory_space<vmem_shared>> -> memref<80x128xf32, #tpu.memory_space<vmem_shared>>
    %dma_start3A_70 = arith.constant 0 : i32
    %dma_start3A_71 = tpu.memref_slice %arg14[%add3A_67, %dma_start3A_70] : memref<10240x128xf32, #tpu.memory_space<vmem_shared>> -> memref<80x128xf32, #tpu.memory_space<vmem_shared>>
    tpu.enqueue_dma source(%arg13 : memref<80x128xf32, #tpu.memory_space<vmem>>) target(%dma_start3A_71 : memref<80x128xf32, #tpu.memory_space<vmem_shared>>) target_semaphore(%arg17 : memref<!tpu.dma_semaphore, #tpu.memory_space<semaphore_mem>>)
    %dma_wait3A = arith.constant 0 : i32
    %dma_wait3A_72 = tpu.memref_slice %arg14[%mul3A_2, %dma_wait3A] : memref<10240x128xf32, #tpu.memory_space<vmem_shared>> -> memref<80x128xf32, #tpu.memory_space<vmem_shared>>
    %dma_wait3A_73 = arith.constant 0 : i32
    %dma_wait3A_74 = tpu.memref_slice %arg14[%mul3A_2, %dma_wait3A_73] : memref<10240x128xf32, #tpu.memory_space<vmem_shared>> -> memref<80x128xf32, #tpu.memory_space<vmem_shared>>
    tpu.wait_dma2 semaphore(%arg17 : memref<!tpu.dma_semaphore, #tpu.memory_space<semaphore_mem>>) src(%arg13 : memref<80x128xf32, #tpu.memory_space<vmem>>) dst(%dma_wait3A_74 : memref<80x128xf32, #tpu.memory_space<vmem_shared>>)
    %dma_wait3A_75 = arith.constant 0 : i32
    %dma_wait3A_76 = tpu.memref_slice %arg14[%mul3A_2, %dma_wait3A_75] : memref<10240x128xf32, #tpu.memory_space<vmem_shared>> -> memref<80x128xf32, #tpu.memory_space<vmem_shared>>
    %dma_wait3A_77 = arith.constant 0 : i32
    %dma_wait3A_78 = tpu.memref_slice %arg14[%mul3A_2, %dma_wait3A_77] : memref<10240x128xf32, #tpu.memory_space<vmem_shared>> -> memref<80x128xf32, #tpu.memory_space<vmem_shared>>
    tpu.wait_dma2 semaphore(%arg17 : memref<!tpu.dma_semaphore, #tpu.memory_space<semaphore_mem>>) src(%arg13 : memref<80x128xf32, #tpu.memory_space<vmem>>) dst(%dma_wait3A_78 : memref<80x128xf32, #tpu.memory_space<vmem_shared>>)
    %dma_wait3A_79 = arith.constant 0 : i32
    %dma_wait3A_80 = tpu.memref_slice %arg14[%mul3A_2, %dma_wait3A_79] : memref<10240x128xf32, #tpu.memory_space<vmem_shared>> -> memref<80x128xf32, #tpu.memory_space<vmem_shared>>
    %dma_wait3A_81 = arith.constant 0 : i32
    %dma_wait3A_82 = tpu.memref_slice %arg14[%mul3A_2, %dma_wait3A_81] : memref<10240x128xf32, #tpu.memory_space<vmem_shared>> -> memref<80x128xf32, #tpu.memory_space<vmem_shared>>
    tpu.wait_dma2 semaphore(%arg17 : memref<!tpu.dma_semaphore, #tpu.memory_space<semaphore_mem>>) src(%arg13 : memref<80x128xf32, #tpu.memory_space<vmem>>) dst(%dma_wait3A_82 : memref<80x128xf32, #tpu.memory_space<vmem_shared>>)
    %dma_wait3A_83 = arith.constant 0 : i32
    %dma_wait3A_84 = tpu.memref_slice %arg14[%mul3A_2, %dma_wait3A_83] : memref<10240x128xf32, #tpu.memory_space<vmem_shared>> -> memref<80x128xf32, #tpu.memory_space<vmem_shared>>
    %dma_wait3A_85 = arith.constant 0 : i32
    %dma_wait3A_86 = tpu.memref_slice %arg14[%mul3A_2, %dma_wait3A_85] : memref<10240x128xf32, #tpu.memory_space<vmem_shared>> -> memref<80x128xf32, #tpu.memory_space<vmem_shared>>
    tpu.wait_dma2 semaphore(%arg17 : memref<!tpu.dma_semaphore, #tpu.memory_space<semaphore_mem>>) src(%arg13 : memref<80x128xf32, #tpu.memory_space<vmem>>) dst(%dma_wait3A_86 : memref<80x128xf32, #tpu.memory_space<vmem_shared>>)
    %dma_wait3A_87 = arith.constant 0 : i32
    %dma_wait3A_88 = tpu.memref_slice %arg14[%mul3A_2, %dma_wait3A_87] : memref<10240x128xf32, #tpu.memory_space<vmem_shared>> -> memref<80x128xf32, #tpu.memory_space<vmem_shared>>
    %dma_wait3A_89 = arith.constant 0 : i32
    %dma_wait3A_90 = tpu.memref_slice %arg14[%mul3A_2, %dma_wait3A_89] : memref<10240x128xf32, #tpu.memory_space<vmem_shared>> -> memref<80x128xf32, #tpu.memory_space<vmem_shared>>
    tpu.wait_dma2 semaphore(%arg17 : memref<!tpu.dma_semaphore, #tpu.memory_space<semaphore_mem>>) src(%arg13 : memref<80x128xf32, #tpu.memory_space<vmem>>) dst(%dma_wait3A_90 : memref<80x128xf32, #tpu.memory_space<vmem_shared>>)
    %dma_wait3A_91 = arith.constant 0 : i32
    %dma_wait3A_92 = tpu.memref_slice %arg14[%mul3A_2, %dma_wait3A_91] : memref<10240x128xf32, #tpu.memory_space<vmem_shared>> -> memref<80x128xf32, #tpu.memory_space<vmem_shared>>
    %dma_wait3A_93 = arith.constant 0 : i32
    %dma_wait3A_94 = tpu.memref_slice %arg14[%mul3A_2, %dma_wait3A_93] : memref<10240x128xf32, #tpu.memory_space<vmem_shared>> -> memref<80x128xf32, #tpu.memory_space<vmem_shared>>
    tpu.wait_dma2 semaphore(%arg17 : memref<!tpu.dma_semaphore, #tpu.memory_space<semaphore_mem>>) src(%arg13 : memref<80x128xf32, #tpu.memory_space<vmem>>) dst(%dma_wait3A_94 : memref<80x128xf32, #tpu.memory_space<vmem_shared>>)
    %dma_wait3A_95 = arith.constant 0 : i32
    %dma_wait3A_96 = tpu.memref_slice %arg14[%mul3A_2, %dma_wait3A_95] : memref<10240x128xf32, #tpu.memory_space<vmem_shared>> -> memref<80x128xf32, #tpu.memory_space<vmem_shared>>
    %dma_wait3A_97 = arith.constant 0 : i32
    %dma_wait3A_98 = tpu.memref_slice %arg14[%mul3A_2, %dma_wait3A_97] : memref<10240x128xf32, #tpu.memory_space<vmem_shared>> -> memref<80x128xf32, #tpu.memory_space<vmem_shared>>
    tpu.wait_dma2 semaphore(%arg17 : memref<!tpu.dma_semaphore, #tpu.memory_space<semaphore_mem>>) src(%arg13 : memref<80x128xf32, #tpu.memory_space<vmem>>) dst(%dma_wait3A_98 : memref<80x128xf32, #tpu.memory_space<vmem_shared>>)
    %dma_wait3A_99 = arith.constant 0 : i32
    %dma_wait3A_100 = tpu.memref_slice %arg14[%mul3A_2, %dma_wait3A_99] : memref<10240x128xf32, #tpu.memory_space<vmem_shared>> -> memref<80x128xf32, #tpu.memory_space<vmem_shared>>
    %dma_wait3A_101 = arith.constant 0 : i32
    %dma_wait3A_102 = tpu.memref_slice %arg14[%mul3A_2, %dma_wait3A_101] : memref<10240x128xf32, #tpu.memory_space<vmem_shared>> -> memref<80x128xf32, #tpu.memory_space<vmem_shared>>
    tpu.wait_dma2 semaphore(%arg17 : memref<!tpu.dma_semaphore, #tpu.memory_space<semaphore_mem>>) src(%arg13 : memref<80x128xf32, #tpu.memory_space<vmem>>) dst(%dma_wait3A_102 : memref<80x128xf32, #tpu.memory_space<vmem_shared>>)
    "tpu.trace_stop"() : () -> ()
    %barrier3A = arith.constant 0 : index
    tpu.barrier barrier_id(%barrier3A)
    %dma_start3A_103 = arith.constant 8 : i32
    %dma_start3A_104 = arith.constant 0 : i32
    %dma_start3A_105 = tpu.memref_slice %arg3[%add3A, %dma_start3A_103, %dma_start3A_104] : memref<32x80x128xi32, #tpu.memory_space<hbm>> -> memref<1x8x128xi32, #tpu.memory_space<hbm>>
    %dma_start3A_106 = tpu.memref_squeeze %dma_start3A_105 : memref<1x8x128xi32, #tpu.memory_space<hbm>> -> memref<8x128xi32, #tpu.memory_space<hbm>>
    %dma_start3A_107 = arith.constant 8 : i32
    %dma_start3A_108 = arith.constant 0 : i32
    %dma_start3A_109 = tpu.memref_slice %arg3[%add3A, %dma_start3A_107, %dma_start3A_108] : memref<32x80x128xi32, #tpu.memory_space<hbm>> -> memref<1x8x128xi32, #tpu.memory_space<hbm>>
    %dma_start3A_110 = tpu.memref_squeeze %dma_start3A_109 : memref<1x8x128xi32, #tpu.memory_space<hbm>> -> memref<8x128xi32, #tpu.memory_space<hbm>>
    tpu.enqueue_dma source(%dma_start3A_110 : memref<8x128xi32, #tpu.memory_space<hbm>>) target(%arg9 : memref<8x128xi32, #tpu.memory_space<vmem>>) target_semaphore(%arg17 : memref<!tpu.dma_semaphore, #tpu.memory_space<semaphore_mem>>)
    %dma_start3A_111 = arith.constant 8 : i32
    %dma_start3A_112 = arith.constant 0 : i32
    %dma_start3A_113 = tpu.memref_slice %arg4[%add3A, %dma_start3A_111, %dma_start3A_112] : memref<32x80x128xi32, #tpu.memory_space<hbm>> -> memref<1x8x128xi32, #tpu.memory_space<hbm>>
    %dma_start3A_114 = tpu.memref_squeeze %dma_start3A_113 : memref<1x8x128xi32, #tpu.memory_space<hbm>> -> memref<8x128xi32, #tpu.memory_space<hbm>>
    %dma_start3A_115 = arith.constant 8 : i32
    %dma_start3A_116 = arith.constant 0 : i32
    %dma_start3A_117 = tpu.memref_slice %arg4[%add3A, %dma_start3A_115, %dma_start3A_116] : memref<32x80x128xi32, #tpu.memory_space<hbm>> -> memref<1x8x128xi32, #tpu.memory_space<hbm>>
    %dma_start3A_118 = tpu.memref_squeeze %dma_start3A_117 : memref<1x8x128xi32, #tpu.memory_space<hbm>> -> memref<8x128xi32, #tpu.memory_space<hbm>>
    tpu.enqueue_dma source(%dma_start3A_118 : memref<8x128xi32, #tpu.memory_space<hbm>>) target(%arg10 : memref<8x128xi32, #tpu.memory_space<vmem>>) target_semaphore(%arg17 : memref<!tpu.dma_semaphore, #tpu.memory_space<semaphore_mem>>)
    "tpu.trace_start"() <{level = 10 : i32, message = "degloop"}> : () -> ()
    %scan3A_119 = arith.constant 0 : i32
    %scan3A_120 = arith.constant 0 : i32
    %scan3A_121 = arith.constant 64 : i32
    %scan3A_122 = arith.addi %scan3A_120, %scan3A_121 : i32
    %scan3A_123 = arith.constant 1 : i32
    scf.for %scan3A_797 = %scan3A_120 to %scan3A_122 step %scan3A_123  : i32 {
      %jit3A = arith.constant 8 : i32
      %div3A = arith.divsi %scan3A_797, %jit3A : i32
      %sign3A = arith.constant 0 : i32
      %sign3A_798 = arith.cmpi sgt, %scan3A_797, %sign3A : i32
      %sign3A_799 = arith.extui %sign3A_798 : i1 to i32
      %sign3A_800 = arith.constant 0 : i32
      %sign3A_801 = arith.cmpi slt, %scan3A_797, %sign3A_800 : i32
      %sign3A_802 = arith.extui %sign3A_801 : i1 to i32
      %sign3A_803 = arith.subi %sign3A_799, %sign3A_802 : i32
      %sign3A_804 = arith.constant 0 : i32
      %sign3A_805 = arith.cmpi sgt, %jit3A, %sign3A_804 : i32
      %sign3A_806 = arith.extui %sign3A_805 : i1 to i32
      %sign3A_807 = arith.constant 0 : i32
      %sign3A_808 = arith.cmpi slt, %jit3A, %sign3A_807 : i32
      %sign3A_809 = arith.extui %sign3A_808 : i1 to i32
      %sign3A_810 = arith.subi %sign3A_806, %sign3A_809 : i32
      %ne3A = arith.cmpi ne, %sign3A_803, %sign3A_810 : i32
      %rem3A = arith.remsi %scan3A_797, %jit3A : i32
      %ne3A_811 = arith.constant 0 : i32
      %ne3A_812 = arith.cmpi ne, %rem3A, %ne3A_811 : i32
      %and3A = arith.andi %ne3A, %ne3A_812 : i1
      %sub3A = arith.constant 1 : i32
      %sub3A_813 = arith.subi %div3A, %sub3A : i32
      %select_n3A = arith.select %and3A, %sub3A_813, %div3A : i32
      %jit3A_814 = arith.constant 8 : i32
      %eq3A = arith.constant 0 : i32
      %eq3A_815 = arith.cmpi eq, %jit3A_814, %eq3A : i32
      %jit3A_816 = arith.constant 1 : i32
      %select_n3A_817 = arith.select %eq3A_815, %jit3A_816, %jit3A_814 : i32
      %rem3A_818 = arith.remsi %scan3A_797, %select_n3A_817 : i32
      %ne3A_819 = arith.constant 0 : i32
      %ne3A_820 = arith.cmpi ne, %rem3A_818, %ne3A_819 : i32
      %lt3A = arith.constant 0 : i32
      %lt3A_821 = arith.cmpi slt, %rem3A_818, %lt3A : i32
      %lt3A_822 = arith.constant 0 : i32
      %lt3A_823 = arith.cmpi slt, %select_n3A_817, %lt3A_822 : i32
      %ne3A_824 = arith.xori %lt3A_821, %lt3A_823 : i1
      %and3A_825 = arith.andi %ne3A_824, %ne3A_820 : i1
      %add3A_826 = arith.addi %rem3A_818, %select_n3A_817 : i32
      %select_n3A_827 = arith.select %and3A_825, %add3A_826, %rem3A_818 : i32
      %mul3A_828 = arith.constant 16 : i32
      %mul3A_829 = arith.muli %select_n3A_827, %mul3A_828 : i32
      %get3A = arith.index_cast %select_n3A : i32 to index
      %get3A_830 = arith.index_cast %mul3A_829 : i32 to index
      %get3A_831 = tpu.vector_load %arg8[%get3A, %get3A_830] {strides = array<i32>} : memref<8x128xi32, #tpu.memory_space<vmem>>, vector<16xi32>,
      %shift_right_arithmetic3A = arith.constant 7 : i32
      %shift_right_arithmetic3A_832 = vector.broadcast %shift_right_arithmetic3A : i32 to vector<16xi32>
      %shift_right_arithmetic3A_833 = arith.shrsi %get3A_831, %shift_right_arithmetic3A_832 : vector<16xi32>
      %and3A_834 = arith.constant 127 : i32
      %and3A_835 = vector.broadcast %and3A_834 : i32 to vector<16xi32>
      %and3A_836 = arith.andi %get3A_831, %and3A_835 : vector<16xi32>
      tpu.vector_store_idx %arg13[%shift_right_arithmetic3A_833, %and3A_836], %broadcast_in_dim3A_5 {add = true} : memref<80x128xf32, #tpu.memory_space<vmem>>[vector<16xi32>, vector<16xi32>], vector<16xf32>,
    }
    %scan3A_124 = arith.constant 64 : i32
    "tpu.trace_stop"() : () -> ()
    "tpu.trace_start"() <{level = 10 : i32, message = "gsloop"}> : () -> ()
    %scan3A_125 = arith.constant 0 : i32
    %scan3A_126 = arith.constant 0 : i32
    %scan3A_127 = arith.constant 3 : i32
    %scan3A_128 = arith.addi %scan3A_126, %scan3A_127 : i32
    %scan3A_129 = arith.constant 1 : i32
    scf.for %scan3A_797 = %scan3A_126 to %scan3A_128 step %scan3A_129  : i32 {
      %mul3A_798 = arith.constant 2 : i32
      %mul3A_799 = arith.muli %mul3A_798, %scan3A_797 : i32
      %dma_wait3A_800 = arith.constant 0 : i32
      %dma_wait3A_801 = arith.constant 0 : i32
      %dma_wait3A_802 = tpu.memref_slice %arg7[%dma_wait3A_800, %dma_wait3A_801] : memref<8x128xi32, #tpu.memory_space<vmem>> -> memref<1x128xi32, #tpu.memory_space<vmem>>
      %dma_wait3A_803 = tpu.memref_squeeze %dma_wait3A_802 : memref<1x128xi32, #tpu.memory_space<vmem>> -> memref<128xi32, #tpu.memory_space<vmem>>
      %dma_wait3A_804 = arith.constant 0 : i32
      %dma_wait3A_805 = arith.constant 0 : i32
      %dma_wait3A_806 = tpu.memref_slice %arg2[%dma_wait3A_804, %dma_wait3A_805] : memref<10000x128xf32, #tpu.memory_space<hbm>> -> memref<10000x128xf32, #tpu.memory_space<hbm>>
      tpu.wait_indirect_dma semaphore(%arg15 : memref<!tpu.dma_semaphore, #tpu.memory_space<semaphore_mem>>) src(%dma_wait3A_806 : memref<10000x128xf32, #tpu.memory_space<hbm>>) dst(%arg11 : memref<128x128xf32, #tpu.memory_space<vmem>>)
      "tpu.region"() ({
        %run_scoped3A_832 = tpu.sem_alloc : memref<!tpu.dma_semaphore, #tpu.memory_space<semaphore_mem>>
        %dma_start3A_833 = arith.constant 0 : i32
        %dma_start3A_834 = tpu.memref_slice %arg8[%mul3A_799, %dma_start3A_833] : memref<8x128xi32, #tpu.memory_space<vmem>> -> memref<1x128xi32, #tpu.memory_space<vmem>>
        %dma_start3A_835 = tpu.memref_squeeze %dma_start3A_834 : memref<1x128xi32, #tpu.memory_space<vmem>> -> memref<128xi32, #tpu.memory_space<vmem>>
        %dma_start3A_836 = arith.constant 0 : i32
        %dma_start3A_837 = arith.constant 0 : i32
        %dma_start3A_838 = tpu.memref_slice %arg14[%dma_start3A_836, %dma_start3A_837] : memref<10240x128xf32, #tpu.memory_space<vmem_shared>> -> memref<10240x128xf32, #tpu.memory_space<vmem_shared>>
        tpu.enqueue_indirect_dma source(%arg11 : memref<128x128xf32, #tpu.memory_space<vmem>>) target(%dma_start3A_838 : memref<10240x128xf32, #tpu.memory_space<vmem_shared>>) offsets(%dma_start3A_835 : memref<128xi32, #tpu.memory_space<vmem>>) semaphore(%run_scoped3A_832 : memref<!tpu.dma_semaphore, #tpu.memory_space<semaphore_mem>>) {add = true}
        %dma_wait3A_839 = arith.constant 0 : i32
        %dma_wait3A_840 = tpu.memref_slice %arg8[%mul3A_799, %dma_wait3A_839] : memref<8x128xi32, #tpu.memory_space<vmem>> -> memref<1x128xi32, #tpu.memory_space<vmem>>
        %dma_wait3A_841 = tpu.memref_squeeze %dma_wait3A_840 : memref<1x128xi32, #tpu.memory_space<vmem>> -> memref<128xi32, #tpu.memory_space<vmem>>
        %dma_wait3A_842 = arith.constant 0 : i32
        %dma_wait3A_843 = arith.constant 0 : i32
        %dma_wait3A_844 = tpu.memref_slice %arg14[%dma_wait3A_842, %dma_wait3A_843] : memref<10240x128xf32, #tpu.memory_space<vmem_shared>> -> memref<10240x128xf32, #tpu.memory_space<vmem_shared>>
        tpu.wait_indirect_dma semaphore(%run_scoped3A_832 : memref<!tpu.dma_semaphore, #tpu.memory_space<semaphore_mem>>) src(%arg11 : memref<128x128xf32, #tpu.memory_space<vmem>>) dst(%dma_wait3A_844 : memref<10240x128xf32, #tpu.memory_space<vmem_shared>>)
        tpu.yield
      }) : () -> ()
      %add3A_807 = arith.constant 2 : i32
      %add3A_808 = arith.addi %mul3A_799, %add3A_807 : i32
      %dma_start3A_809 = arith.constant 0 : i32
      %dma_start3A_810 = tpu.memref_slice %arg7[%add3A_808, %dma_start3A_809] : memref<8x128xi32, #tpu.memory_space<vmem>> -> memref<1x128xi32, #tpu.memory_space<vmem>>
      %dma_start3A_811 = tpu.memref_squeeze %dma_start3A_810 : memref<1x128xi32, #tpu.memory_space<vmem>> -> memref<128xi32, #tpu.memory_space<vmem>>
      %dma_start3A_812 = arith.constant 0 : i32
      %dma_start3A_813 = arith.constant 0 : i32
      %dma_start3A_814 = tpu.memref_slice %arg2[%dma_start3A_812, %dma_start3A_813] : memref<10000x128xf32, #tpu.memory_space<hbm>> -> memref<10000x128xf32, #tpu.memory_space<hbm>>
      tpu.enqueue_indirect_dma source(%dma_start3A_814 : memref<10000x128xf32, #tpu.memory_space<hbm>>) target(%arg11 : memref<128x128xf32, #tpu.memory_space<vmem>>) offsets(%dma_start3A_811 : memref<128xi32, #tpu.memory_space<vmem>>) semaphore(%arg15 : memref<!tpu.dma_semaphore, #tpu.memory_space<semaphore_mem>>)
      %dma_wait3A_815 = arith.constant 0 : i32
      %dma_wait3A_816 = arith.constant 0 : i32
      %dma_wait3A_817 = tpu.memref_slice %arg7[%dma_wait3A_815, %dma_wait3A_816] : memref<8x128xi32, #tpu.memory_space<vmem>> -> memref<1x128xi32, #tpu.memory_space<vmem>>
      %dma_wait3A_818 = tpu.memref_squeeze %dma_wait3A_817 : memref<1x128xi32, #tpu.memory_space<vmem>> -> memref<128xi32, #tpu.memory_space<vmem>>
      %dma_wait3A_819 = arith.constant 0 : i32
      %dma_wait3A_820 = arith.constant 0 : i32
      %dma_wait3A_821 = tpu.memref_slice %arg2[%dma_wait3A_819, %dma_wait3A_820] : memref<10000x128xf32, #tpu.memory_space<hbm>> -> memref<10000x128xf32, #tpu.memory_space<hbm>>
      tpu.wait_indirect_dma semaphore(%arg16 : memref<!tpu.dma_semaphore, #tpu.memory_space<semaphore_mem>>) src(%dma_wait3A_821 : memref<10000x128xf32, #tpu.memory_space<hbm>>) dst(%arg12 : memref<128x128xf32, #tpu.memory_space<vmem>>)
      %add3A_822 = arith.constant 1 : i32
      %add3A_823 = arith.addi %mul3A_799, %add3A_822 : i32
      "tpu.region"() ({
        %run_scoped3A_832 = tpu.sem_alloc : memref<!tpu.dma_semaphore, #tpu.memory_space<semaphore_mem>>
        %dma_start3A_833 = arith.constant 0 : i32
        %dma_start3A_834 = tpu.memref_slice %arg8[%add3A_823, %dma_start3A_833] : memref<8x128xi32, #tpu.memory_space<vmem>> -> memref<1x128xi32, #tpu.memory_space<vmem>>
        %dma_start3A_835 = tpu.memref_squeeze %dma_start3A_834 : memref<1x128xi32, #tpu.memory_space<vmem>> -> memref<128xi32, #tpu.memory_space<vmem>>
        %dma_start3A_836 = arith.constant 0 : i32
        %dma_start3A_837 = arith.constant 0 : i32
        %dma_start3A_838 = tpu.memref_slice %arg14[%dma_start3A_836, %dma_start3A_837] : memref<10240x128xf32, #tpu.memory_space<vmem_shared>> -> memref<10240x128xf32, #tpu.memory_space<vmem_shared>>
        tpu.enqueue_indirect_dma source(%arg12 : memref<128x128xf32, #tpu.memory_space<vmem>>) target(%dma_start3A_838 : memref<10240x128xf32, #tpu.memory_space<vmem_shared>>) offsets(%dma_start3A_835 : memref<128xi32, #tpu.memory_space<vmem>>) semaphore(%run_scoped3A_832 : memref<!tpu.dma_semaphore, #tpu.memory_space<semaphore_mem>>) {add = true}
        %dma_wait3A_839 = arith.constant 0 : i32
        %dma_wait3A_840 = tpu.memref_slice %arg8[%add3A_823, %dma_wait3A_839] : memref<8x128xi32, #tpu.memory_space<vmem>> -> memref<1x128xi32, #tpu.memory_space<vmem>>
        %dma_wait3A_841 = tpu.memref_squeeze %dma_wait3A_840 : memref<1x128xi32, #tpu.memory_space<vmem>> -> memref<128xi32, #tpu.memory_space<vmem>>
        %dma_wait3A_842 = arith.constant 0 : i32
        %dma_wait3A_843 = arith.constant 0 : i32
        %dma_wait3A_844 = tpu.memref_slice %arg14[%dma_wait3A_842, %dma_wait3A_843] : memref<10240x128xf32, #tpu.memory_space<vmem_shared>> -> memref<10240x128xf32, #tpu.memory_space<vmem_shared>>
        tpu.wait_indirect_dma semaphore(%run_scoped3A_832 : memref<!tpu.dma_semaphore, #tpu.memory_space<semaphore_mem>>) src(%arg12 : memref<128x128xf32, #tpu.memory_space<vmem>>) dst(%dma_wait3A_844 : memref<10240x128xf32, #tpu.memory_space<vmem_shared>>)
        tpu.yield
      }) : () -> ()
      %add3A_824 = arith.constant 3 : i32
      %add3A_825 = arith.addi %mul3A_799, %add3A_824 : i32
      %dma_start3A_826 = arith.constant 0 : i32
      %dma_start3A_827 = tpu.memref_slice %arg7[%add3A_825, %dma_start3A_826] : memref<8x128xi32, #tpu.memory_space<vmem>> -> memref<1x128xi32, #tpu.memory_space<vmem>>
      %dma_start3A_828 = tpu.memref_squeeze %dma_start3A_827 : memref<1x128xi32, #tpu.memory_space<vmem>> -> memref<128xi32, #tpu.memory_space<vmem>>
      %dma_start3A_829 = arith.constant 0 : i32
      %dma_start3A_830 = arith.constant 0 : i32
      %dma_start3A_831 = tpu.memref_slice %arg2[%dma_start3A_829, %dma_start3A_830] : memref<10000x128xf32, #tpu.memory_space<hbm>> -> memref<10000x128xf32, #tpu.memory_space<hbm>>
      tpu.enqueue_indirect_dma source(%dma_start3A_831 : memref<10000x128xf32, #tpu.memory_space<hbm>>) target(%arg12 : memref<128x128xf32, #tpu.memory_space<vmem>>) offsets(%dma_start3A_828 : memref<128xi32, #tpu.memory_space<vmem>>) semaphore(%arg16 : memref<!tpu.dma_semaphore, #tpu.memory_space<semaphore_mem>>)
    }
    %scan3A_130 = arith.constant 3 : i32
    %dma_wait3A_131 = arith.constant 0 : i32
    "tpu.trace_stop"() : () -> ()
    %dma_wait3A_132 = arith.constant 0 : i32
    %dma_wait3A_133 = tpu.memref_slice %arg7[%dma_wait3A_131, %dma_wait3A_132] : memref<8x128xi32, #tpu.memory_space<vmem>> -> memref<1x128xi32, #tpu.memory_space<vmem>>
    %dma_wait3A_134 = tpu.memref_squeeze %dma_wait3A_133 : memref<1x128xi32, #tpu.memory_space<vmem>> -> memref<128xi32, #tpu.memory_space<vmem>>
    %dma_wait3A_135 = arith.constant 0 : i32
    %dma_wait3A_136 = arith.constant 0 : i32
    %dma_wait3A_137 = tpu.memref_slice %arg2[%dma_wait3A_135, %dma_wait3A_136] : memref<10000x128xf32, #tpu.memory_space<hbm>> -> memref<10000x128xf32, #tpu.memory_space<hbm>>
    tpu.wait_indirect_dma semaphore(%arg15 : memref<!tpu.dma_semaphore, #tpu.memory_space<semaphore_mem>>) src(%dma_wait3A_137 : memref<10000x128xf32, #tpu.memory_space<hbm>>) dst(%arg11 : memref<128x128xf32, #tpu.memory_space<vmem>>)
    %run_scoped3A = arith.constant 6 : i32
    "tpu.region"() ({
      %run_scoped3A_797 = tpu.sem_alloc : memref<!tpu.dma_semaphore, #tpu.memory_space<semaphore_mem>>
      %dma_start3A_798 = arith.constant 0 : i32
      %dma_start3A_799 = tpu.memref_slice %arg8[%run_scoped3A, %dma_start3A_798] : memref<8x128xi32, #tpu.memory_space<vmem>> -> memref<1x128xi32, #tpu.memory_space<vmem>>
      %dma_start3A_800 = tpu.memref_squeeze %dma_start3A_799 : memref<1x128xi32, #tpu.memory_space<vmem>> -> memref<128xi32, #tpu.memory_space<vmem>>
      %dma_start3A_801 = arith.constant 0 : i32
      %dma_start3A_802 = arith.constant 0 : i32
      %dma_start3A_803 = tpu.memref_slice %arg14[%dma_start3A_801, %dma_start3A_802] : memref<10240x128xf32, #tpu.memory_space<vmem_shared>> -> memref<10240x128xf32, #tpu.memory_space<vmem_shared>>
      tpu.enqueue_indirect_dma source(%arg11 : memref<128x128xf32, #tpu.memory_space<vmem>>) target(%dma_start3A_803 : memref<10240x128xf32, #tpu.memory_space<vmem_shared>>) offsets(%dma_start3A_800 : memref<128xi32, #tpu.memory_space<vmem>>) semaphore(%run_scoped3A_797 : memref<!tpu.dma_semaphore, #tpu.memory_space<semaphore_mem>>) {add = true}
      %dma_wait3A_804 = arith.constant 0 : i32
      %dma_wait3A_805 = tpu.memref_slice %arg8[%run_scoped3A, %dma_wait3A_804] : memref<8x128xi32, #tpu.memory_space<vmem>> -> memref<1x128xi32, #tpu.memory_space<vmem>>
      %dma_wait3A_806 = tpu.memref_squeeze %dma_wait3A_805 : memref<1x128xi32, #tpu.memory_space<vmem>> -> memref<128xi32, #tpu.memory_space<vmem>>
      %dma_wait3A_807 = arith.constant 0 : i32
      %dma_wait3A_808 = arith.constant 0 : i32
      %dma_wait3A_809 = tpu.memref_slice %arg14[%dma_wait3A_807, %dma_wait3A_808] : memref<10240x128xf32, #tpu.memory_space<vmem_shared>> -> memref<10240x128xf32, #tpu.memory_space<vmem_shared>>
      tpu.wait_indirect_dma semaphore(%run_scoped3A_797 : memref<!tpu.dma_semaphore, #tpu.memory_space<semaphore_mem>>) src(%arg11 : memref<128x128xf32, #tpu.memory_space<vmem>>) dst(%dma_wait3A_809 : memref<10240x128xf32, #tpu.memory_space<vmem_shared>>)
      tpu.yield
    }) : () -> ()
    %dma_wait3A_138 = arith.constant 0 : i32
    %dma_wait3A_139 = arith.constant 0 : i32
    %dma_wait3A_140 = tpu.memref_slice %arg3[%add3A, %dma_wait3A_138, %dma_wait3A_139] : memref<32x80x128xi32, #tpu.memory_space<hbm>> -> memref<1x8x128xi32, #tpu.memory_space<hbm>>
    %dma_wait3A_141 = tpu.memref_squeeze %dma_wait3A_140 : memref<1x8x128xi32, #tpu.memory_space<hbm>> -> memref<8x128xi32, #tpu.memory_space<hbm>>
    %dma_wait3A_142 = arith.constant 0 : i32
    %dma_wait3A_143 = arith.constant 0 : i32
    %dma_wait3A_144 = tpu.memref_slice %arg3[%add3A, %dma_wait3A_142, %dma_wait3A_143] : memref<32x80x128xi32, #tpu.memory_space<hbm>> -> memref<1x8x128xi32, #tpu.memory_space<hbm>>
    %dma_wait3A_145 = tpu.memref_squeeze %dma_wait3A_144 : memref<1x8x128xi32, #tpu.memory_space<hbm>> -> memref<8x128xi32, #tpu.memory_space<hbm>>
    tpu.wait_dma2 semaphore(%arg17 : memref<!tpu.dma_semaphore, #tpu.memory_space<semaphore_mem>>) src(%dma_wait3A_145 : memref<8x128xi32, #tpu.memory_space<hbm>>) dst(%arg9 : memref<8x128xi32, #tpu.memory_space<vmem>>)
    %dma_wait3A_146 = arith.constant 0 : i32
    %dma_wait3A_147 = arith.constant 0 : i32
    %dma_wait3A_148 = tpu.memref_slice %arg3[%add3A, %dma_wait3A_146, %dma_wait3A_147] : memref<32x80x128xi32, #tpu.memory_space<hbm>> -> memref<1x8x128xi32, #tpu.memory_space<hbm>>
    %dma_wait3A_149 = tpu.memref_squeeze %dma_wait3A_148 : memref<1x8x128xi32, #tpu.memory_space<hbm>> -> memref<8x128xi32, #tpu.memory_space<hbm>>
    %dma_wait3A_150 = arith.constant 0 : i32
    %dma_wait3A_151 = arith.constant 0 : i32
    %dma_wait3A_152 = tpu.memref_slice %arg3[%add3A, %dma_wait3A_150, %dma_wait3A_151] : memref<32x80x128xi32, #tpu.memory_space<hbm>> -> memref<1x8x128xi32, #tpu.memory_space<hbm>>
    %dma_wait3A_153 = tpu.memref_squeeze %dma_wait3A_152 : memref<1x8x128xi32, #tpu.memory_space<hbm>> -> memref<8x128xi32, #tpu.memory_space<hbm>>
    tpu.wait_dma2 semaphore(%arg17 : memref<!tpu.dma_semaphore, #tpu.memory_space<semaphore_mem>>) src(%dma_wait3A_153 : memref<8x128xi32, #tpu.memory_space<hbm>>) dst(%arg10 : memref<8x128xi32, #tpu.memory_space<vmem>>)
    %dma_start3A_154 = arith.constant 0 : i32
    %dma_start3A_155 = arith.constant 0 : i32
    %dma_start3A_156 = tpu.memref_slice %arg9[%dma_start3A_154, %dma_start3A_155] : memref<8x128xi32, #tpu.memory_space<vmem>> -> memref<1x128xi32, #tpu.memory_space<vmem>>
    %dma_start3A_157 = tpu.memref_squeeze %dma_start3A_156 : memref<1x128xi32, #tpu.memory_space<vmem>> -> memref<128xi32, #tpu.memory_space<vmem>>
    %dma_start3A_158 = arith.constant 0 : i32
    %dma_start3A_159 = arith.constant 0 : i32
    %dma_start3A_160 = tpu.memref_slice %arg2[%dma_start3A_158, %dma_start3A_159] : memref<10000x128xf32, #tpu.memory_space<hbm>> -> memref<10000x128xf32, #tpu.memory_space<hbm>>
    tpu.enqueue_indirect_dma source(%dma_start3A_160 : memref<10000x128xf32, #tpu.memory_space<hbm>>) target(%arg11 : memref<128x128xf32, #tpu.memory_space<vmem>>) offsets(%dma_start3A_157 : memref<128xi32, #tpu.memory_space<vmem>>) semaphore(%arg15 : memref<!tpu.dma_semaphore, #tpu.memory_space<semaphore_mem>>)
    %dma_wait3A_161 = arith.constant 0 : i32
    %dma_wait3A_162 = arith.constant 0 : i32
    %dma_wait3A_163 = tpu.memref_slice %arg7[%dma_wait3A_161, %dma_wait3A_162] : memref<8x128xi32, #tpu.memory_space<vmem>> -> memref<1x128xi32, #tpu.memory_space<vmem>>
    %dma_wait3A_164 = tpu.memref_squeeze %dma_wait3A_163 : memref<1x128xi32, #tpu.memory_space<vmem>> -> memref<128xi32, #tpu.memory_space<vmem>>
    %dma_wait3A_165 = arith.constant 0 : i32
    %dma_wait3A_166 = arith.constant 0 : i32
    %dma_wait3A_167 = tpu.memref_slice %arg2[%dma_wait3A_165, %dma_wait3A_166] : memref<10000x128xf32, #tpu.memory_space<hbm>> -> memref<10000x128xf32, #tpu.memory_space<hbm>>
    tpu.wait_indirect_dma semaphore(%arg16 : memref<!tpu.dma_semaphore, #tpu.memory_space<semaphore_mem>>) src(%dma_wait3A_167 : memref<10000x128xf32, #tpu.memory_space<hbm>>) dst(%arg12 : memref<128x128xf32, #tpu.memory_space<vmem>>)
    %run_scoped3A_168 = arith.constant 7 : i32
    "tpu.region"() ({
      %run_scoped3A_797 = tpu.sem_alloc : memref<!tpu.dma_semaphore, #tpu.memory_space<semaphore_mem>>
      %dma_start3A_798 = arith.constant 0 : i32
      %dma_start3A_799 = tpu.memref_slice %arg8[%run_scoped3A_168, %dma_start3A_798] : memref<8x128xi32, #tpu.memory_space<vmem>> -> memref<1x128xi32, #tpu.memory_space<vmem>>
      %dma_start3A_800 = tpu.memref_squeeze %dma_start3A_799 : memref<1x128xi32, #tpu.memory_space<vmem>> -> memref<128xi32, #tpu.memory_space<vmem>>
      %dma_start3A_801 = arith.constant 0 : i32
      %dma_start3A_802 = arith.constant 0 : i32
      %dma_start3A_803 = tpu.memref_slice %arg14[%dma_start3A_801, %dma_start3A_802] : memref<10240x128xf32, #tpu.memory_space<vmem_shared>> -> memref<10240x128xf32, #tpu.memory_space<vmem_shared>>
      tpu.enqueue_indirect_dma source(%arg12 : memref<128x128xf32, #tpu.memory_space<vmem>>) target(%dma_start3A_803 : memref<10240x128xf32, #tpu.memory_space<vmem_shared>>) offsets(%dma_start3A_800 : memref<128xi32, #tpu.memory_space<vmem>>) semaphore(%run_scoped3A_797 : memref<!tpu.dma_semaphore, #tpu.memory_space<semaphore_mem>>) {add = true}
      %dma_wait3A_804 = arith.constant 0 : i32
      %dma_wait3A_805 = tpu.memref_slice %arg8[%run_scoped3A_168, %dma_wait3A_804] : memref<8x128xi32, #tpu.memory_space<vmem>> -> memref<1x128xi32, #tpu.memory_space<vmem>>
      %dma_wait3A_806 = tpu.memref_squeeze %dma_wait3A_805 : memref<1x128xi32, #tpu.memory_space<vmem>> -> memref<128xi32, #tpu.memory_space<vmem>>
      %dma_wait3A_807 = arith.constant 0 : i32
      %dma_wait3A_808 = arith.constant 0 : i32
      %dma_wait3A_809 = tpu.memref_slice %arg14[%dma_wait3A_807, %dma_wait3A_808] : memref<10240x128xf32, #tpu.memory_space<vmem_shared>> -> memref<10240x128xf32, #tpu.memory_space<vmem_shared>>
      tpu.wait_indirect_dma semaphore(%run_scoped3A_797 : memref<!tpu.dma_semaphore, #tpu.memory_space<semaphore_mem>>) src(%arg12 : memref<128x128xf32, #tpu.memory_space<vmem>>) dst(%dma_wait3A_809 : memref<10240x128xf32, #tpu.memory_space<vmem_shared>>)
      tpu.yield
    }) : () -> ()
    %dma_start3A_169 = arith.constant 1 : i32
    %dma_start3A_170 = arith.constant 0 : i32
    %dma_start3A_171 = tpu.memref_slice %arg9[%dma_start3A_169, %dma_start3A_170] : memref<8x128xi32, #tpu.memory_space<vmem>> -> memref<1x128xi32, #tpu.memory_space<vmem>>
    %dma_start3A_172 = tpu.memref_squeeze %dma_start3A_171 : memref<1x128xi32, #tpu.memory_space<vmem>> -> memref<128xi32, #tpu.memory_space<vmem>>
    %dma_start3A_173 = arith.constant 0 : i32
    %dma_start3A_174 = arith.constant 0 : i32
    %dma_start3A_175 = tpu.memref_slice %arg2[%dma_start3A_173, %dma_start3A_174] : memref<10000x128xf32, #tpu.memory_space<hbm>> -> memref<10000x128xf32, #tpu.memory_space<hbm>>
    tpu.enqueue_indirect_dma source(%dma_start3A_175 : memref<10000x128xf32, #tpu.memory_space<hbm>>) target(%arg12 : memref<128x128xf32, #tpu.memory_space<vmem>>) offsets(%dma_start3A_172 : memref<128xi32, #tpu.memory_space<vmem>>) semaphore(%arg16 : memref<!tpu.dma_semaphore, #tpu.memory_space<semaphore_mem>>)
    %dma_start3A_176 = arith.constant 16 : i32
    %dma_start3A_177 = arith.constant 0 : i32
    %dma_start3A_178 = tpu.memref_slice %arg3[%add3A, %dma_start3A_176, %dma_start3A_177] : memref<32x80x128xi32, #tpu.memory_space<hbm>> -> memref<1x8x128xi32, #tpu.memory_space<hbm>>
    %dma_start3A_179 = tpu.memref_squeeze %dma_start3A_178 : memref<1x8x128xi32, #tpu.memory_space<hbm>> -> memref<8x128xi32, #tpu.memory_space<hbm>>
    %dma_start3A_180 = arith.constant 16 : i32
    %dma_start3A_181 = arith.constant 0 : i32
    %dma_start3A_182 = tpu.memref_slice %arg3[%add3A, %dma_start3A_180, %dma_start3A_181] : memref<32x80x128xi32, #tpu.memory_space<hbm>> -> memref<1x8x128xi32, #tpu.memory_space<hbm>>
    %dma_start3A_183 = tpu.memref_squeeze %dma_start3A_182 : memref<1x8x128xi32, #tpu.memory_space<hbm>> -> memref<8x128xi32, #tpu.memory_space<hbm>>
    tpu.enqueue_dma source(%dma_start3A_183 : memref<8x128xi32, #tpu.memory_space<hbm>>) target(%arg7 : memref<8x128xi32, #tpu.memory_space<vmem>>) target_semaphore(%arg17 : memref<!tpu.dma_semaphore, #tpu.memory_space<semaphore_mem>>)
    %dma_start3A_184 = arith.constant 16 : i32
    %dma_start3A_185 = arith.constant 0 : i32
    %dma_start3A_186 = tpu.memref_slice %arg4[%add3A, %dma_start3A_184, %dma_start3A_185] : memref<32x80x128xi32, #tpu.memory_space<hbm>> -> memref<1x8x128xi32, #tpu.memory_space<hbm>>
    %dma_start3A_187 = tpu.memref_squeeze %dma_start3A_186 : memref<1x8x128xi32, #tpu.memory_space<hbm>> -> memref<8x128xi32, #tpu.memory_space<hbm>>
    %dma_start3A_188 = arith.constant 16 : i32
    %dma_start3A_189 = arith.constant 0 : i32
    %dma_start3A_190 = tpu.memref_slice %arg4[%add3A, %dma_start3A_188, %dma_start3A_189] : memref<32x80x128xi32, #tpu.memory_space<hbm>> -> memref<1x8x128xi32, #tpu.memory_space<hbm>>
    %dma_start3A_191 = tpu.memref_squeeze %dma_start3A_190 : memref<1x8x128xi32, #tpu.memory_space<hbm>> -> memref<8x128xi32, #tpu.memory_space<hbm>>
    tpu.enqueue_dma source(%dma_start3A_191 : memref<8x128xi32, #tpu.memory_space<hbm>>) target(%arg8 : memref<8x128xi32, #tpu.memory_space<vmem>>) target_semaphore(%arg17 : memref<!tpu.dma_semaphore, #tpu.memory_space<semaphore_mem>>)
    "tpu.trace_start"() <{level = 10 : i32, message = "degloop"}> : () -> ()
    %scan3A_192 = arith.constant 0 : i32
    %scan3A_193 = arith.constant 0 : i32
    %scan3A_194 = arith.constant 64 : i32
    %scan3A_195 = arith.addi %scan3A_193, %scan3A_194 : i32
    %scan3A_196 = arith.constant 1 : i32
    scf.for %scan3A_797 = %scan3A_193 to %scan3A_195 step %scan3A_196  : i32 {
      %jit3A = arith.constant 8 : i32
      %div3A = arith.divsi %scan3A_797, %jit3A : i32
      %sign3A = arith.constant 0 : i32
      %sign3A_798 = arith.cmpi sgt, %scan3A_797, %sign3A : i32
      %sign3A_799 = arith.extui %sign3A_798 : i1 to i32
      %sign3A_800 = arith.constant 0 : i32
      %sign3A_801 = arith.cmpi slt, %scan3A_797, %sign3A_800 : i32
      %sign3A_802 = arith.extui %sign3A_801 : i1 to i32
      %sign3A_803 = arith.subi %sign3A_799, %sign3A_802 : i32
      %sign3A_804 = arith.constant 0 : i32
      %sign3A_805 = arith.cmpi sgt, %jit3A, %sign3A_804 : i32
      %sign3A_806 = arith.extui %sign3A_805 : i1 to i32
      %sign3A_807 = arith.constant 0 : i32
      %sign3A_808 = arith.cmpi slt, %jit3A, %sign3A_807 : i32
      %sign3A_809 = arith.extui %sign3A_808 : i1 to i32
      %sign3A_810 = arith.subi %sign3A_806, %sign3A_809 : i32
      %ne3A = arith.cmpi ne, %sign3A_803, %sign3A_810 : i32
      %rem3A = arith.remsi %scan3A_797, %jit3A : i32
      %ne3A_811 = arith.constant 0 : i32
      %ne3A_812 = arith.cmpi ne, %rem3A, %ne3A_811 : i32
      %and3A = arith.andi %ne3A, %ne3A_812 : i1
      %sub3A = arith.constant 1 : i32
      %sub3A_813 = arith.subi %div3A, %sub3A : i32
      %select_n3A = arith.select %and3A, %sub3A_813, %div3A : i32
      %jit3A_814 = arith.constant 8 : i32
      %eq3A = arith.constant 0 : i32
      %eq3A_815 = arith.cmpi eq, %jit3A_814, %eq3A : i32
      %jit3A_816 = arith.constant 1 : i32
      %select_n3A_817 = arith.select %eq3A_815, %jit3A_816, %jit3A_814 : i32
      %rem3A_818 = arith.remsi %scan3A_797, %select_n3A_817 : i32
      %ne3A_819 = arith.constant 0 : i32
      %ne3A_820 = arith.cmpi ne, %rem3A_818, %ne3A_819 : i32
      %lt3A = arith.constant 0 : i32
      %lt3A_821 = arith.cmpi slt, %rem3A_818, %lt3A : i32
      %lt3A_822 = arith.constant 0 : i32
      %lt3A_823 = arith.cmpi slt, %select_n3A_817, %lt3A_822 : i32
      %ne3A_824 = arith.xori %lt3A_821, %lt3A_823 : i1
      %and3A_825 = arith.andi %ne3A_824, %ne3A_820 : i1
      %add3A_826 = arith.addi %rem3A_818, %select_n3A_817 : i32
      %select_n3A_827 = arith.select %and3A_825, %add3A_826, %rem3A_818 : i32
      %mul3A_828 = arith.constant 16 : i32
      %mul3A_829 = arith.muli %select_n3A_827, %mul3A_828 : i32
      %get3A = arith.index_cast %select_n3A : i32 to index
      %get3A_830 = arith.index_cast %mul3A_829 : i32 to index
      %get3A_831 = tpu.vector_load %arg10[%get3A, %get3A_830] {strides = array<i32>} : memref<8x128xi32, #tpu.memory_space<vmem>>, vector<16xi32>,
      %shift_right_arithmetic3A = arith.constant 7 : i32
      %shift_right_arithmetic3A_832 = vector.broadcast %shift_right_arithmetic3A : i32 to vector<16xi32>
      %shift_right_arithmetic3A_833 = arith.shrsi %get3A_831, %shift_right_arithmetic3A_832 : vector<16xi32>
      %and3A_834 = arith.constant 127 : i32
      %and3A_835 = vector.broadcast %and3A_834 : i32 to vector<16xi32>
      %and3A_836 = arith.andi %get3A_831, %and3A_835 : vector<16xi32>
      tpu.vector_store_idx %arg13[%shift_right_arithmetic3A_833, %and3A_836], %broadcast_in_dim3A_5 {add = true} : memref<80x128xf32, #tpu.memory_space<vmem>>[vector<16xi32>, vector<16xi32>], vector<16xf32>,
    }
    %scan3A_197 = arith.constant 64 : i32
    "tpu.trace_stop"() : () -> ()
    "tpu.trace_start"() <{level = 10 : i32, message = "gsloop"}> : () -> ()
    %scan3A_198 = arith.constant 0 : i32
    %scan3A_199 = arith.constant 0 : i32
    %scan3A_200 = arith.constant 3 : i32
    %scan3A_201 = arith.addi %scan3A_199, %scan3A_200 : i32
    %scan3A_202 = arith.constant 1 : i32
    scf.for %scan3A_797 = %scan3A_199 to %scan3A_201 step %scan3A_202  : i32 {
      %mul3A_798 = arith.constant 2 : i32
      %mul3A_799 = arith.muli %mul3A_798, %scan3A_797 : i32
      %dma_wait3A_800 = arith.constant 0 : i32
      %dma_wait3A_801 = arith.constant 0 : i32
      %dma_wait3A_802 = tpu.memref_slice %arg7[%dma_wait3A_800, %dma_wait3A_801] : memref<8x128xi32, #tpu.memory_space<vmem>> -> memref<1x128xi32, #tpu.memory_space<vmem>>
      %dma_wait3A_803 = tpu.memref_squeeze %dma_wait3A_802 : memref<1x128xi32, #tpu.memory_space<vmem>> -> memref<128xi32, #tpu.memory_space<vmem>>
      %dma_wait3A_804 = arith.constant 0 : i32
      %dma_wait3A_805 = arith.constant 0 : i32
      %dma_wait3A_806 = tpu.memref_slice %arg2[%dma_wait3A_804, %dma_wait3A_805] : memref<10000x128xf32, #tpu.memory_space<hbm>> -> memref<10000x128xf32, #tpu.memory_space<hbm>>
      tpu.wait_indirect_dma semaphore(%arg15 : memref<!tpu.dma_semaphore, #tpu.memory_space<semaphore_mem>>) src(%dma_wait3A_806 : memref<10000x128xf32, #tpu.memory_space<hbm>>) dst(%arg11 : memref<128x128xf32, #tpu.memory_space<vmem>>)
      "tpu.region"() ({
        %run_scoped3A_832 = tpu.sem_alloc : memref<!tpu.dma_semaphore, #tpu.memory_space<semaphore_mem>>
        %dma_start3A_833 = arith.constant 0 : i32
        %dma_start3A_834 = tpu.memref_slice %arg10[%mul3A_799, %dma_start3A_833] : memref<8x128xi32, #tpu.memory_space<vmem>> -> memref<1x128xi32, #tpu.memory_space<vmem>>
        %dma_start3A_835 = tpu.memref_squeeze %dma_start3A_834 : memref<1x128xi32, #tpu.memory_space<vmem>> -> memref<128xi32, #tpu.memory_space<vmem>>
        %dma_start3A_836 = arith.constant 0 : i32
        %dma_start3A_837 = arith.constant 0 : i32
        %dma_start3A_838 = tpu.memref_slice %arg14[%dma_start3A_836, %dma_start3A_837] : memref<10240x128xf32, #tpu.memory_space<vmem_shared>> -> memref<10240x128xf32, #tpu.memory_space<vmem_shared>>
        tpu.enqueue_indirect_dma source(%arg11 : memref<128x128xf32, #tpu.memory_space<vmem>>) target(%dma_start3A_838 : memref<10240x128xf32, #tpu.memory_space<vmem_shared>>) offsets(%dma_start3A_835 : memref<128xi32, #tpu.memory_space<vmem>>) semaphore(%run_scoped3A_832 : memref<!tpu.dma_semaphore, #tpu.memory_space<semaphore_mem>>) {add = true}
        %dma_wait3A_839 = arith.constant 0 : i32
        %dma_wait3A_840 = tpu.memref_slice %arg10[%mul3A_799, %dma_wait3A_839] : memref<8x128xi32, #tpu.memory_space<vmem>> -> memref<1x128xi32, #tpu.memory_space<vmem>>
        %dma_wait3A_841 = tpu.memref_squeeze %dma_wait3A_840 : memref<1x128xi32, #tpu.memory_space<vmem>> -> memref<128xi32, #tpu.memory_space<vmem>>
        %dma_wait3A_842 = arith.constant 0 : i32
        %dma_wait3A_843 = arith.constant 0 : i32
        %dma_wait3A_844 = tpu.memref_slice %arg14[%dma_wait3A_842, %dma_wait3A_843] : memref<10240x128xf32, #tpu.memory_space<vmem_shared>> -> memref<10240x128xf32, #tpu.memory_space<vmem_shared>>
        tpu.wait_indirect_dma semaphore(%run_scoped3A_832 : memref<!tpu.dma_semaphore, #tpu.memory_space<semaphore_mem>>) src(%arg11 : memref<128x128xf32, #tpu.memory_space<vmem>>) dst(%dma_wait3A_844 : memref<10240x128xf32, #tpu.memory_space<vmem_shared>>)
        tpu.yield
      }) : () -> ()
      %add3A_807 = arith.constant 2 : i32
      %add3A_808 = arith.addi %mul3A_799, %add3A_807 : i32
      %dma_start3A_809 = arith.constant 0 : i32
      %dma_start3A_810 = tpu.memref_slice %arg9[%add3A_808, %dma_start3A_809] : memref<8x128xi32, #tpu.memory_space<vmem>> -> memref<1x128xi32, #tpu.memory_space<vmem>>
      %dma_start3A_811 = tpu.memref_squeeze %dma_start3A_810 : memref<1x128xi32, #tpu.memory_space<vmem>> -> memref<128xi32, #tpu.memory_space<vmem>>
      %dma_start3A_812 = arith.constant 0 : i32
      %dma_start3A_813 = arith.constant 0 : i32
      %dma_start3A_814 = tpu.memref_slice %arg2[%dma_start3A_812, %dma_start3A_813] : memref<10000x128xf32, #tpu.memory_space<hbm>> -> memref<10000x128xf32, #tpu.memory_space<hbm>>
      tpu.enqueue_indirect_dma source(%dma_start3A_814 : memref<10000x128xf32, #tpu.memory_space<hbm>>) target(%arg11 : memref<128x128xf32, #tpu.memory_space<vmem>>) offsets(%dma_start3A_811 : memref<128xi32, #tpu.memory_space<vmem>>) semaphore(%arg15 : memref<!tpu.dma_semaphore, #tpu.memory_space<semaphore_mem>>)
      %dma_wait3A_815 = arith.constant 0 : i32
      %dma_wait3A_816 = arith.constant 0 : i32
      %dma_wait3A_817 = tpu.memref_slice %arg7[%dma_wait3A_815, %dma_wait3A_816] : memref<8x128xi32, #tpu.memory_space<vmem>> -> memref<1x128xi32, #tpu.memory_space<vmem>>
      %dma_wait3A_818 = tpu.memref_squeeze %dma_wait3A_817 : memref<1x128xi32, #tpu.memory_space<vmem>> -> memref<128xi32, #tpu.memory_space<vmem>>
      %dma_wait3A_819 = arith.constant 0 : i32
      %dma_wait3A_820 = arith.constant 0 : i32
      %dma_wait3A_821 = tpu.memref_slice %arg2[%dma_wait3A_819, %dma_wait3A_820] : memref<10000x128xf32, #tpu.memory_space<hbm>> -> memref<10000x128xf32, #tpu.memory_space<hbm>>
      tpu.wait_indirect_dma semaphore(%arg16 : memref<!tpu.dma_semaphore, #tpu.memory_space<semaphore_mem>>) src(%dma_wait3A_821 : memref<10000x128xf32, #tpu.memory_space<hbm>>) dst(%arg12 : memref<128x128xf32, #tpu.memory_space<vmem>>)
      %add3A_822 = arith.constant 1 : i32
      %add3A_823 = arith.addi %mul3A_799, %add3A_822 : i32
      "tpu.region"() ({
        %run_scoped3A_832 = tpu.sem_alloc : memref<!tpu.dma_semaphore, #tpu.memory_space<semaphore_mem>>
        %dma_start3A_833 = arith.constant 0 : i32
        %dma_start3A_834 = tpu.memref_slice %arg10[%add3A_823, %dma_start3A_833] : memref<8x128xi32, #tpu.memory_space<vmem>> -> memref<1x128xi32, #tpu.memory_space<vmem>>
        %dma_start3A_835 = tpu.memref_squeeze %dma_start3A_834 : memref<1x128xi32, #tpu.memory_space<vmem>> -> memref<128xi32, #tpu.memory_space<vmem>>
        %dma_start3A_836 = arith.constant 0 : i32
        %dma_start3A_837 = arith.constant 0 : i32
        %dma_start3A_838 = tpu.memref_slice %arg14[%dma_start3A_836, %dma_start3A_837] : memref<10240x128xf32, #tpu.memory_space<vmem_shared>> -> memref<10240x128xf32, #tpu.memory_space<vmem_shared>>
        tpu.enqueue_indirect_dma source(%arg12 : memref<128x128xf32, #tpu.memory_space<vmem>>) target(%dma_start3A_838 : memref<10240x128xf32, #tpu.memory_space<vmem_shared>>) offsets(%dma_start3A_835 : memref<128xi32, #tpu.memory_space<vmem>>) semaphore(%run_scoped3A_832 : memref<!tpu.dma_semaphore, #tpu.memory_space<semaphore_mem>>) {add = true}
        %dma_wait3A_839 = arith.constant 0 : i32
        %dma_wait3A_840 = tpu.memref_slice %arg10[%add3A_823, %dma_wait3A_839] : memref<8x128xi32, #tpu.memory_space<vmem>> -> memref<1x128xi32, #tpu.memory_space<vmem>>
        %dma_wait3A_841 = tpu.memref_squeeze %dma_wait3A_840 : memref<1x128xi32, #tpu.memory_space<vmem>> -> memref<128xi32, #tpu.memory_space<vmem>>
        %dma_wait3A_842 = arith.constant 0 : i32
        %dma_wait3A_843 = arith.constant 0 : i32
        %dma_wait3A_844 = tpu.memref_slice %arg14[%dma_wait3A_842, %dma_wait3A_843] : memref<10240x128xf32, #tpu.memory_space<vmem_shared>> -> memref<10240x128xf32, #tpu.memory_space<vmem_shared>>
        tpu.wait_indirect_dma semaphore(%run_scoped3A_832 : memref<!tpu.dma_semaphore, #tpu.memory_space<semaphore_mem>>) src(%arg12 : memref<128x128xf32, #tpu.memory_space<vmem>>) dst(%dma_wait3A_844 : memref<10240x128xf32, #tpu.memory_space<vmem_shared>>)
        tpu.yield
      }) : () -> ()
      %add3A_824 = arith.constant 3 : i32
      %add3A_825 = arith.addi %mul3A_799, %add3A_824 : i32
      %dma_start3A_826 = arith.constant 0 : i32
      %dma_start3A_827 = tpu.memref_slice %arg9[%add3A_825, %dma_start3A_826] : memref<8x128xi32, #tpu.memory_space<vmem>> -> memref<1x128xi32, #tpu.memory_space<vmem>>
      %dma_start3A_828 = tpu.memref_squeeze %dma_start3A_827 : memref<1x128xi32, #tpu.memory_space<vmem>> -> memref<128xi32, #tpu.memory_space<vmem>>
      %dma_start3A_829 = arith.constant 0 : i32
      %dma_start3A_830 = arith.constant 0 : i32
      %dma_start3A_831 = tpu.memref_slice %arg2[%dma_start3A_829, %dma_start3A_830] : memref<10000x128xf32, #tpu.memory_space<hbm>> -> memref<10000x128xf32, #tpu.memory_space<hbm>>
      tpu.enqueue_indirect_dma source(%dma_start3A_831 : memref<10000x128xf32, #tpu.memory_space<hbm>>) target(%arg12 : memref<128x128xf32, #tpu.memory_space<vmem>>) offsets(%dma_start3A_828 : memref<128xi32, #tpu.memory_space<vmem>>) semaphore(%arg16 : memref<!tpu.dma_semaphore, #tpu.memory_space<semaphore_mem>>)
    }
    %scan3A_203 = arith.constant 3 : i32
    %dma_wait3A_204 = arith.constant 0 : i32
    "tpu.trace_stop"() : () -> ()
    %dma_wait3A_205 = arith.constant 0 : i32
    %dma_wait3A_206 = tpu.memref_slice %arg7[%dma_wait3A_204, %dma_wait3A_205] : memref<8x128xi32, #tpu.memory_space<vmem>> -> memref<1x128xi32, #tpu.memory_space<vmem>>
    %dma_wait3A_207 = tpu.memref_squeeze %dma_wait3A_206 : memref<1x128xi32, #tpu.memory_space<vmem>> -> memref<128xi32, #tpu.memory_space<vmem>>
    %dma_wait3A_208 = arith.constant 0 : i32
    %dma_wait3A_209 = arith.constant 0 : i32
    %dma_wait3A_210 = tpu.memref_slice %arg2[%dma_wait3A_208, %dma_wait3A_209] : memref<10000x128xf32, #tpu.memory_space<hbm>> -> memref<10000x128xf32, #tpu.memory_space<hbm>>
    tpu.wait_indirect_dma semaphore(%arg15 : memref<!tpu.dma_semaphore, #tpu.memory_space<semaphore_mem>>) src(%dma_wait3A_210 : memref<10000x128xf32, #tpu.memory_space<hbm>>) dst(%arg11 : memref<128x128xf32, #tpu.memory_space<vmem>>)
    %run_scoped3A_211 = arith.constant 6 : i32
    "tpu.region"() ({
      %run_scoped3A_797 = tpu.sem_alloc : memref<!tpu.dma_semaphore, #tpu.memory_space<semaphore_mem>>
      %dma_start3A_798 = arith.constant 0 : i32
      %dma_start3A_799 = tpu.memref_slice %arg10[%run_scoped3A_211, %dma_start3A_798] : memref<8x128xi32, #tpu.memory_space<vmem>> -> memref<1x128xi32, #tpu.memory_space<vmem>>
      %dma_start3A_800 = tpu.memref_squeeze %dma_start3A_799 : memref<1x128xi32, #tpu.memory_space<vmem>> -> memref<128xi32, #tpu.memory_space<vmem>>
      %dma_start3A_801 = arith.constant 0 : i32
      %dma_start3A_802 = arith.constant 0 : i32
      %dma_start3A_803 = tpu.memref_slice %arg14[%dma_start3A_801, %dma_start3A_802] : memref<10240x128xf32, #tpu.memory_space<vmem_shared>> -> memref<10240x128xf32, #tpu.memory_space<vmem_shared>>
      tpu.enqueue_indirect_dma source(%arg11 : memref<128x128xf32, #tpu.memory_space<vmem>>) target(%dma_start3A_803 : memref<10240x128xf32, #tpu.memory_space<vmem_shared>>) offsets(%dma_start3A_800 : memref<128xi32, #tpu.memory_space<vmem>>) semaphore(%run_scoped3A_797 : memref<!tpu.dma_semaphore, #tpu.memory_space<semaphore_mem>>) {add = true}
      %dma_wait3A_804 = arith.constant 0 : i32
      %dma_wait3A_805 = tpu.memref_slice %arg10[%run_scoped3A_211, %dma_wait3A_804] : memref<8x128xi32, #tpu.memory_space<vmem>> -> memref<1x128xi32, #tpu.memory_space<vmem>>
      %dma_wait3A_806 = tpu.memref_squeeze %dma_wait3A_805 : memref<1x128xi32, #tpu.memory_space<vmem>> -> memref<128xi32, #tpu.memory_space<vmem>>
      %dma_wait3A_807 = arith.constant 0 : i32
      %dma_wait3A_808 = arith.constant 0 : i32
      %dma_wait3A_809 = tpu.memref_slice %arg14[%dma_wait3A_807, %dma_wait3A_808] : memref<10240x128xf32, #tpu.memory_space<vmem_shared>> -> memref<10240x128xf32, #tpu.memory_space<vmem_shared>>
      tpu.wait_indirect_dma semaphore(%run_scoped3A_797 : memref<!tpu.dma_semaphore, #tpu.memory_space<semaphore_mem>>) src(%arg11 : memref<128x128xf32, #tpu.memory_space<vmem>>) dst(%dma_wait3A_809 : memref<10240x128xf32, #tpu.memory_space<vmem_shared>>)
      tpu.yield
    }) : () -> ()
    %dma_wait3A_212 = arith.constant 0 : i32
    %dma_wait3A_213 = arith.constant 0 : i32
    %dma_wait3A_214 = tpu.memref_slice %arg3[%add3A, %dma_wait3A_212, %dma_wait3A_213] : memref<32x80x128xi32, #tpu.memory_space<hbm>> -> memref<1x8x128xi32, #tpu.memory_space<hbm>>
    %dma_wait3A_215 = tpu.memref_squeeze %dma_wait3A_214 : memref<1x8x128xi32, #tpu.memory_space<hbm>> -> memref<8x128xi32, #tpu.memory_space<hbm>>
    %dma_wait3A_216 = arith.constant 0 : i32
    %dma_wait3A_217 = arith.constant 0 : i32
    %dma_wait3A_218 = tpu.memref_slice %arg3[%add3A, %dma_wait3A_216, %dma_wait3A_217] : memref<32x80x128xi32, #tpu.memory_space<hbm>> -> memref<1x8x128xi32, #tpu.memory_space<hbm>>
    %dma_wait3A_219 = tpu.memref_squeeze %dma_wait3A_218 : memref<1x8x128xi32, #tpu.memory_space<hbm>> -> memref<8x128xi32, #tpu.memory_space<hbm>>
    tpu.wait_dma2 semaphore(%arg17 : memref<!tpu.dma_semaphore, #tpu.memory_space<semaphore_mem>>) src(%dma_wait3A_219 : memref<8x128xi32, #tpu.memory_space<hbm>>) dst(%arg7 : memref<8x128xi32, #tpu.memory_space<vmem>>)
    %dma_wait3A_220 = arith.constant 0 : i32
    %dma_wait3A_221 = arith.constant 0 : i32
    %dma_wait3A_222 = tpu.memref_slice %arg3[%add3A, %dma_wait3A_220, %dma_wait3A_221] : memref<32x80x128xi32, #tpu.memory_space<hbm>> -> memref<1x8x128xi32, #tpu.memory_space<hbm>>
    %dma_wait3A_223 = tpu.memref_squeeze %dma_wait3A_222 : memref<1x8x128xi32, #tpu.memory_space<hbm>> -> memref<8x128xi32, #tpu.memory_space<hbm>>
    %dma_wait3A_224 = arith.constant 0 : i32
    %dma_wait3A_225 = arith.constant 0 : i32
    %dma_wait3A_226 = tpu.memref_slice %arg3[%add3A, %dma_wait3A_224, %dma_wait3A_225] : memref<32x80x128xi32, #tpu.memory_space<hbm>> -> memref<1x8x128xi32, #tpu.memory_space<hbm>>
    %dma_wait3A_227 = tpu.memref_squeeze %dma_wait3A_226 : memref<1x8x128xi32, #tpu.memory_space<hbm>> -> memref<8x128xi32, #tpu.memory_space<hbm>>
    tpu.wait_dma2 semaphore(%arg17 : memref<!tpu.dma_semaphore, #tpu.memory_space<semaphore_mem>>) src(%dma_wait3A_227 : memref<8x128xi32, #tpu.memory_space<hbm>>) dst(%arg8 : memref<8x128xi32, #tpu.memory_space<vmem>>)
    %dma_start3A_228 = arith.constant 0 : i32
    %dma_start3A_229 = arith.constant 0 : i32
    %dma_start3A_230 = tpu.memref_slice %arg7[%dma_start3A_228, %dma_start3A_229] : memref<8x128xi32, #tpu.memory_space<vmem>> -> memref<1x128xi32, #tpu.memory_space<vmem>>
    %dma_start3A_231 = tpu.memref_squeeze %dma_start3A_230 : memref<1x128xi32, #tpu.memory_space<vmem>> -> memref<128xi32, #tpu.memory_space<vmem>>
    %dma_start3A_232 = arith.constant 0 : i32
    %dma_start3A_233 = arith.constant 0 : i32
    %dma_start3A_234 = tpu.memref_slice %arg2[%dma_start3A_232, %dma_start3A_233] : memref<10000x128xf32, #tpu.memory_space<hbm>> -> memref<10000x128xf32, #tpu.memory_space<hbm>>
    tpu.enqueue_indirect_dma source(%dma_start3A_234 : memref<10000x128xf32, #tpu.memory_space<hbm>>) target(%arg11 : memref<128x128xf32, #tpu.memory_space<vmem>>) offsets(%dma_start3A_231 : memref<128xi32, #tpu.memory_space<vmem>>) semaphore(%arg15 : memref<!tpu.dma_semaphore, #tpu.memory_space<semaphore_mem>>)
    %dma_wait3A_235 = arith.constant 0 : i32
    %dma_wait3A_236 = arith.constant 0 : i32
    %dma_wait3A_237 = tpu.memref_slice %arg7[%dma_wait3A_235, %dma_wait3A_236] : memref<8x128xi32, #tpu.memory_space<vmem>> -> memref<1x128xi32, #tpu.memory_space<vmem>>
    %dma_wait3A_238 = tpu.memref_squeeze %dma_wait3A_237 : memref<1x128xi32, #tpu.memory_space<vmem>> -> memref<128xi32, #tpu.memory_space<vmem>>
    %dma_wait3A_239 = arith.constant 0 : i32
    %dma_wait3A_240 = arith.constant 0 : i32
    %dma_wait3A_241 = tpu.memref_slice %arg2[%dma_wait3A_239, %dma_wait3A_240] : memref<10000x128xf32, #tpu.memory_space<hbm>> -> memref<10000x128xf32, #tpu.memory_space<hbm>>
    tpu.wait_indirect_dma semaphore(%arg16 : memref<!tpu.dma_semaphore, #tpu.memory_space<semaphore_mem>>) src(%dma_wait3A_241 : memref<10000x128xf32, #tpu.memory_space<hbm>>) dst(%arg12 : memref<128x128xf32, #tpu.memory_space<vmem>>)
    %run_scoped3A_242 = arith.constant 7 : i32
    "tpu.region"() ({
      %run_scoped3A_797 = tpu.sem_alloc : memref<!tpu.dma_semaphore, #tpu.memory_space<semaphore_mem>>
      %dma_start3A_798 = arith.constant 0 : i32
      %dma_start3A_799 = tpu.memref_slice %arg10[%run_scoped3A_242, %dma_start3A_798] : memref<8x128xi32, #tpu.memory_space<vmem>> -> memref<1x128xi32, #tpu.memory_space<vmem>>
      %dma_start3A_800 = tpu.memref_squeeze %dma_start3A_799 : memref<1x128xi32, #tpu.memory_space<vmem>> -> memref<128xi32, #tpu.memory_space<vmem>>
      %dma_start3A_801 = arith.constant 0 : i32
      %dma_start3A_802 = arith.constant 0 : i32
      %dma_start3A_803 = tpu.memref_slice %arg14[%dma_start3A_801, %dma_start3A_802] : memref<10240x128xf32, #tpu.memory_space<vmem_shared>> -> memref<10240x128xf32, #tpu.memory_space<vmem_shared>>
      tpu.enqueue_indirect_dma source(%arg12 : memref<128x128xf32, #tpu.memory_space<vmem>>) target(%dma_start3A_803 : memref<10240x128xf32, #tpu.memory_space<vmem_shared>>) offsets(%dma_start3A_800 : memref<128xi32, #tpu.memory_space<vmem>>) semaphore(%run_scoped3A_797 : memref<!tpu.dma_semaphore, #tpu.memory_space<semaphore_mem>>) {add = true}
      %dma_wait3A_804 = arith.constant 0 : i32
      %dma_wait3A_805 = tpu.memref_slice %arg10[%run_scoped3A_242, %dma_wait3A_804] : memref<8x128xi32, #tpu.memory_space<vmem>> -> memref<1x128xi32, #tpu.memory_space<vmem>>
      %dma_wait3A_806 = tpu.memref_squeeze %dma_wait3A_805 : memref<1x128xi32, #tpu.memory_space<vmem>> -> memref<128xi32, #tpu.memory_space<vmem>>
      %dma_wait3A_807 = arith.constant 0 : i32
      %dma_wait3A_808 = arith.constant 0 : i32
      %dma_wait3A_809 = tpu.memref_slice %arg14[%dma_wait3A_807, %dma_wait3A_808] : memref<10240x128xf32, #tpu.memory_space<vmem_shared>> -> memref<10240x128xf32, #tpu.memory_space<vmem_shared>>
      tpu.wait_indirect_dma semaphore(%run_scoped3A_797 : memref<!tpu.dma_semaphore, #tpu.memory_space<semaphore_mem>>) src(%arg12 : memref<128x128xf32, #tpu.memory_space<vmem>>) dst(%dma_wait3A_809 : memref<10240x128xf32, #tpu.memory_space<vmem_shared>>)
      tpu.yield
    }) : () -> ()
    %dma_start3A_243 = arith.constant 1 : i32
    %dma_start3A_244 = arith.constant 0 : i32
    %dma_start3A_245 = tpu.memref_slice %arg7[%dma_start3A_243, %dma_start3A_244] : memref<8x128xi32, #tpu.memory_space<vmem>> -> memref<1x128xi32, #tpu.memory_space<vmem>>
    %dma_start3A_246 = tpu.memref_squeeze %dma_start3A_245 : memref<1x128xi32, #tpu.memory_space<vmem>> -> memref<128xi32, #tpu.memory_space<vmem>>
    %dma_start3A_247 = arith.constant 0 : i32
    %dma_start3A_248 = arith.constant 0 : i32
    %dma_start3A_249 = tpu.memref_slice %arg2[%dma_start3A_247, %dma_start3A_248] : memref<10000x128xf32, #tpu.memory_space<hbm>> -> memref<10000x128xf32, #tpu.memory_space<hbm>>
    tpu.enqueue_indirect_dma source(%dma_start3A_249 : memref<10000x128xf32, #tpu.memory_space<hbm>>) target(%arg12 : memref<128x128xf32, #tpu.memory_space<vmem>>) offsets(%dma_start3A_246 : memref<128xi32, #tpu.memory_space<vmem>>) semaphore(%arg16 : memref<!tpu.dma_semaphore, #tpu.memory_space<semaphore_mem>>)
    %dma_start3A_250 = arith.constant 24 : i32
    %dma_start3A_251 = arith.constant 0 : i32
    %dma_start3A_252 = tpu.memref_slice %arg3[%add3A, %dma_start3A_250, %dma_start3A_251] : memref<32x80x128xi32, #tpu.memory_space<hbm>> -> memref<1x8x128xi32, #tpu.memory_space<hbm>>
    %dma_start3A_253 = tpu.memref_squeeze %dma_start3A_252 : memref<1x8x128xi32, #tpu.memory_space<hbm>> -> memref<8x128xi32, #tpu.memory_space<hbm>>
    %dma_start3A_254 = arith.constant 24 : i32
    %dma_start3A_255 = arith.constant 0 : i32
    %dma_start3A_256 = tpu.memref_slice %arg3[%add3A, %dma_start3A_254, %dma_start3A_255] : memref<32x80x128xi32, #tpu.memory_space<hbm>> -> memref<1x8x128xi32, #tpu.memory_space<hbm>>
    %dma_start3A_257 = tpu.memref_squeeze %dma_start3A_256 : memref<1x8x128xi32, #tpu.memory_space<hbm>> -> memref<8x128xi32, #tpu.memory_space<hbm>>
    tpu.enqueue_dma source(%dma_start3A_257 : memref<8x128xi32, #tpu.memory_space<hbm>>) target(%arg9 : memref<8x128xi32, #tpu.memory_space<vmem>>) target_semaphore(%arg17 : memref<!tpu.dma_semaphore, #tpu.memory_space<semaphore_mem>>)
    %dma_start3A_258 = arith.constant 24 : i32
    %dma_start3A_259 = arith.constant 0 : i32
    %dma_start3A_260 = tpu.memref_slice %arg4[%add3A, %dma_start3A_258, %dma_start3A_259] : memref<32x80x128xi32, #tpu.memory_space<hbm>> -> memref<1x8x128xi32, #tpu.memory_space<hbm>>
    %dma_start3A_261 = tpu.memref_squeeze %dma_start3A_260 : memref<1x8x128xi32, #tpu.memory_space<hbm>> -> memref<8x128xi32, #tpu.memory_space<hbm>>
    %dma_start3A_262 = arith.constant 24 : i32
    %dma_start3A_263 = arith.constant 0 : i32
    %dma_start3A_264 = tpu.memref_slice %arg4[%add3A, %dma_start3A_262, %dma_start3A_263] : memref<32x80x128xi32, #tpu.memory_space<hbm>> -> memref<1x8x128xi32, #tpu.memory_space<hbm>>
    %dma_start3A_265 = tpu.memref_squeeze %dma_start3A_264 : memref<1x8x128xi32, #tpu.memory_space<hbm>> -> memref<8x128xi32, #tpu.memory_space<hbm>>
    tpu.enqueue_dma source(%dma_start3A_265 : memref<8x128xi32, #tpu.memory_space<hbm>>) target(%arg10 : memref<8x128xi32, #tpu.memory_space<vmem>>) target_semaphore(%arg17 : memref<!tpu.dma_semaphore, #tpu.memory_space<semaphore_mem>>)
    "tpu.trace_start"() <{level = 10 : i32, message = "degloop"}> : () -> ()
    %scan3A_266 = arith.constant 0 : i32
    %scan3A_267 = arith.constant 0 : i32
    %scan3A_268 = arith.constant 64 : i32
    %scan3A_269 = arith.addi %scan3A_267, %scan3A_268 : i32
    %scan3A_270 = arith.constant 1 : i32
    scf.for %scan3A_797 = %scan3A_267 to %scan3A_269 step %scan3A_270  : i32 {
      %jit3A = arith.constant 8 : i32
      %div3A = arith.divsi %scan3A_797, %jit3A : i32
      %sign3A = arith.constant 0 : i32
      %sign3A_798 = arith.cmpi sgt, %scan3A_797, %sign3A : i32
      %sign3A_799 = arith.extui %sign3A_798 : i1 to i32
      %sign3A_800 = arith.constant 0 : i32
      %sign3A_801 = arith.cmpi slt, %scan3A_797, %sign3A_800 : i32
      %sign3A_802 = arith.extui %sign3A_801 : i1 to i32
      %sign3A_803 = arith.subi %sign3A_799, %sign3A_802 : i32
      %sign3A_804 = arith.constant 0 : i32
      %sign3A_805 = arith.cmpi sgt, %jit3A, %sign3A_804 : i32
      %sign3A_806 = arith.extui %sign3A_805 : i1 to i32
      %sign3A_807 = arith.constant 0 : i32
      %sign3A_808 = arith.cmpi slt, %jit3A, %sign3A_807 : i32
      %sign3A_809 = arith.extui %sign3A_808 : i1 to i32
      %sign3A_810 = arith.subi %sign3A_806, %sign3A_809 : i32
      %ne3A = arith.cmpi ne, %sign3A_803, %sign3A_810 : i32
      %rem3A = arith.remsi %scan3A_797, %jit3A : i32
      %ne3A_811 = arith.constant 0 : i32
      %ne3A_812 = arith.cmpi ne, %rem3A, %ne3A_811 : i32
      %and3A = arith.andi %ne3A, %ne3A_812 : i1
      %sub3A = arith.constant 1 : i32
      %sub3A_813 = arith.subi %div3A, %sub3A : i32
      %select_n3A = arith.select %and3A, %sub3A_813, %div3A : i32
      %jit3A_814 = arith.constant 8 : i32
      %eq3A = arith.constant 0 : i32
      %eq3A_815 = arith.cmpi eq, %jit3A_814, %eq3A : i32
      %jit3A_816 = arith.constant 1 : i32
      %select_n3A_817 = arith.select %eq3A_815, %jit3A_816, %jit3A_814 : i32
      %rem3A_818 = arith.remsi %scan3A_797, %select_n3A_817 : i32
      %ne3A_819 = arith.constant 0 : i32
      %ne3A_820 = arith.cmpi ne, %rem3A_818, %ne3A_819 : i32
      %lt3A = arith.constant 0 : i32
      %lt3A_821 = arith.cmpi slt, %rem3A_818, %lt3A : i32
      %lt3A_822 = arith.constant 0 : i32
      %lt3A_823 = arith.cmpi slt, %select_n3A_817, %lt3A_822 : i32
      %ne3A_824 = arith.xori %lt3A_821, %lt3A_823 : i1
      %and3A_825 = arith.andi %ne3A_824, %ne3A_820 : i1
      %add3A_826 = arith.addi %rem3A_818, %select_n3A_817 : i32
      %select_n3A_827 = arith.select %and3A_825, %add3A_826, %rem3A_818 : i32
      %mul3A_828 = arith.constant 16 : i32
      %mul3A_829 = arith.muli %select_n3A_827, %mul3A_828 : i32
      %get3A = arith.index_cast %select_n3A : i32 to index
      %get3A_830 = arith.index_cast %mul3A_829 : i32 to index
      %get3A_831 = tpu.vector_load %arg8[%get3A, %get3A_830] {strides = array<i32>} : memref<8x128xi32, #tpu.memory_space<vmem>>, vector<16xi32>,
      %shift_right_arithmetic3A = arith.constant 7 : i32
      %shift_right_arithmetic3A_832 = vector.broadcast %shift_right_arithmetic3A : i32 to vector<16xi32>
      %shift_right_arithmetic3A_833 = arith.shrsi %get3A_831, %shift_right_arithmetic3A_832 : vector<16xi32>
      %and3A_834 = arith.constant 127 : i32
      %and3A_835 = vector.broadcast %and3A_834 : i32 to vector<16xi32>
      %and3A_836 = arith.andi %get3A_831, %and3A_835 : vector<16xi32>
      tpu.vector_store_idx %arg13[%shift_right_arithmetic3A_833, %and3A_836], %broadcast_in_dim3A_5 {add = true} : memref<80x128xf32, #tpu.memory_space<vmem>>[vector<16xi32>, vector<16xi32>], vector<16xf32>,
    }
    %scan3A_271 = arith.constant 64 : i32
    "tpu.trace_stop"() : () -> ()
    "tpu.trace_start"() <{level = 10 : i32, message = "gsloop"}> : () -> ()
    %scan3A_272 = arith.constant 0 : i32
    %scan3A_273 = arith.constant 0 : i32
    %scan3A_274 = arith.constant 3 : i32
    %scan3A_275 = arith.addi %scan3A_273, %scan3A_274 : i32
    %scan3A_276 = arith.constant 1 : i32
    scf.for %scan3A_797 = %scan3A_273 to %scan3A_275 step %scan3A_276  : i32 {
      %mul3A_798 = arith.constant 2 : i32
      %mul3A_799 = arith.muli %mul3A_798, %scan3A_797 : i32
      %dma_wait3A_800 = arith.constant 0 : i32
      %dma_wait3A_801 = arith.constant 0 : i32
      %dma_wait3A_802 = tpu.memref_slice %arg7[%dma_wait3A_800, %dma_wait3A_801] : memref<8x128xi32, #tpu.memory_space<vmem>> -> memref<1x128xi32, #tpu.memory_space<vmem>>
      %dma_wait3A_803 = tpu.memref_squeeze %dma_wait3A_802 : memref<1x128xi32, #tpu.memory_space<vmem>> -> memref<128xi32, #tpu.memory_space<vmem>>
      %dma_wait3A_804 = arith.constant 0 : i32
      %dma_wait3A_805 = arith.constant 0 : i32
      %dma_wait3A_806 = tpu.memref_slice %arg2[%dma_wait3A_804, %dma_wait3A_805] : memref<10000x128xf32, #tpu.memory_space<hbm>> -> memref<10000x128xf32, #tpu.memory_space<hbm>>
      tpu.wait_indirect_dma semaphore(%arg15 : memref<!tpu.dma_semaphore, #tpu.memory_space<semaphore_mem>>) src(%dma_wait3A_806 : memref<10000x128xf32, #tpu.memory_space<hbm>>) dst(%arg11 : memref<128x128xf32, #tpu.memory_space<vmem>>)
      "tpu.region"() ({
        %run_scoped3A_832 = tpu.sem_alloc : memref<!tpu.dma_semaphore, #tpu.memory_space<semaphore_mem>>
        %dma_start3A_833 = arith.constant 0 : i32
        %dma_start3A_834 = tpu.memref_slice %arg8[%mul3A_799, %dma_start3A_833] : memref<8x128xi32, #tpu.memory_space<vmem>> -> memref<1x128xi32, #tpu.memory_space<vmem>>
        %dma_start3A_835 = tpu.memref_squeeze %dma_start3A_834 : memref<1x128xi32, #tpu.memory_space<vmem>> -> memref<128xi32, #tpu.memory_space<vmem>>
        %dma_start3A_836 = arith.constant 0 : i32
        %dma_start3A_837 = arith.constant 0 : i32
        %dma_start3A_838 = tpu.memref_slice %arg14[%dma_start3A_836, %dma_start3A_837] : memref<10240x128xf32, #tpu.memory_space<vmem_shared>> -> memref<10240x128xf32, #tpu.memory_space<vmem_shared>>
        tpu.enqueue_indirect_dma source(%arg11 : memref<128x128xf32, #tpu.memory_space<vmem>>) target(%dma_start3A_838 : memref<10240x128xf32, #tpu.memory_space<vmem_shared>>) offsets(%dma_start3A_835 : memref<128xi32, #tpu.memory_space<vmem>>) semaphore(%run_scoped3A_832 : memref<!tpu.dma_semaphore, #tpu.memory_space<semaphore_mem>>) {add = true}
        %dma_wait3A_839 = arith.constant 0 : i32
        %dma_wait3A_840 = tpu.memref_slice %arg8[%mul3A_799, %dma_wait3A_839] : memref<8x128xi32, #tpu.memory_space<vmem>> -> memref<1x128xi32, #tpu.memory_space<vmem>>
        %dma_wait3A_841 = tpu.memref_squeeze %dma_wait3A_840 : memref<1x128xi32, #tpu.memory_space<vmem>> -> memref<128xi32, #tpu.memory_space<vmem>>
        %dma_wait3A_842 = arith.constant 0 : i32
        %dma_wait3A_843 = arith.constant 0 : i32
        %dma_wait3A_844 = tpu.memref_slice %arg14[%dma_wait3A_842, %dma_wait3A_843] : memref<10240x128xf32, #tpu.memory_space<vmem_shared>> -> memref<10240x128xf32, #tpu.memory_space<vmem_shared>>
        tpu.wait_indirect_dma semaphore(%run_scoped3A_832 : memref<!tpu.dma_semaphore, #tpu.memory_space<semaphore_mem>>) src(%arg11 : memref<128x128xf32, #tpu.memory_space<vmem>>) dst(%dma_wait3A_844 : memref<10240x128xf32, #tpu.memory_space<vmem_shared>>)
        tpu.yield
      }) : () -> ()
      %add3A_807 = arith.constant 2 : i32
      %add3A_808 = arith.addi %mul3A_799, %add3A_807 : i32
      %dma_start3A_809 = arith.constant 0 : i32
      %dma_start3A_810 = tpu.memref_slice %arg7[%add3A_808, %dma_start3A_809] : memref<8x128xi32, #tpu.memory_space<vmem>> -> memref<1x128xi32, #tpu.memory_space<vmem>>
      %dma_start3A_811 = tpu.memref_squeeze %dma_start3A_810 : memref<1x128xi32, #tpu.memory_space<vmem>> -> memref<128xi32, #tpu.memory_space<vmem>>
      %dma_start3A_812 = arith.constant 0 : i32
      %dma_start3A_813 = arith.constant 0 : i32
      %dma_start3A_814 = tpu.memref_slice %arg2[%dma_start3A_812, %dma_start3A_813] : memref<10000x128xf32, #tpu.memory_space<hbm>> -> memref<10000x128xf32, #tpu.memory_space<hbm>>
      tpu.enqueue_indirect_dma source(%dma_start3A_814 : memref<10000x128xf32, #tpu.memory_space<hbm>>) target(%arg11 : memref<128x128xf32, #tpu.memory_space<vmem>>) offsets(%dma_start3A_811 : memref<128xi32, #tpu.memory_space<vmem>>) semaphore(%arg15 : memref<!tpu.dma_semaphore, #tpu.memory_space<semaphore_mem>>)
      %dma_wait3A_815 = arith.constant 0 : i32
      %dma_wait3A_816 = arith.constant 0 : i32
      %dma_wait3A_817 = tpu.memref_slice %arg7[%dma_wait3A_815, %dma_wait3A_816] : memref<8x128xi32, #tpu.memory_space<vmem>> -> memref<1x128xi32, #tpu.memory_space<vmem>>
      %dma_wait3A_818 = tpu.memref_squeeze %dma_wait3A_817 : memref<1x128xi32, #tpu.memory_space<vmem>> -> memref<128xi32, #tpu.memory_space<vmem>>
      %dma_wait3A_819 = arith.constant 0 : i32
      %dma_wait3A_820 = arith.constant 0 : i32
      %dma_wait3A_821 = tpu.memref_slice %arg2[%dma_wait3A_819, %dma_wait3A_820] : memref<10000x128xf32, #tpu.memory_space<hbm>> -> memref<10000x128xf32, #tpu.memory_space<hbm>>
      tpu.wait_indirect_dma semaphore(%arg16 : memref<!tpu.dma_semaphore, #tpu.memory_space<semaphore_mem>>) src(%dma_wait3A_821 : memref<10000x128xf32, #tpu.memory_space<hbm>>) dst(%arg12 : memref<128x128xf32, #tpu.memory_space<vmem>>)
      %add3A_822 = arith.constant 1 : i32
      %add3A_823 = arith.addi %mul3A_799, %add3A_822 : i32
      "tpu.region"() ({
        %run_scoped3A_832 = tpu.sem_alloc : memref<!tpu.dma_semaphore, #tpu.memory_space<semaphore_mem>>
        %dma_start3A_833 = arith.constant 0 : i32
        %dma_start3A_834 = tpu.memref_slice %arg8[%add3A_823, %dma_start3A_833] : memref<8x128xi32, #tpu.memory_space<vmem>> -> memref<1x128xi32, #tpu.memory_space<vmem>>
        %dma_start3A_835 = tpu.memref_squeeze %dma_start3A_834 : memref<1x128xi32, #tpu.memory_space<vmem>> -> memref<128xi32, #tpu.memory_space<vmem>>
        %dma_start3A_836 = arith.constant 0 : i32
        %dma_start3A_837 = arith.constant 0 : i32
        %dma_start3A_838 = tpu.memref_slice %arg14[%dma_start3A_836, %dma_start3A_837] : memref<10240x128xf32, #tpu.memory_space<vmem_shared>> -> memref<10240x128xf32, #tpu.memory_space<vmem_shared>>
        tpu.enqueue_indirect_dma source(%arg12 : memref<128x128xf32, #tpu.memory_space<vmem>>) target(%dma_start3A_838 : memref<10240x128xf32, #tpu.memory_space<vmem_shared>>) offsets(%dma_start3A_835 : memref<128xi32, #tpu.memory_space<vmem>>) semaphore(%run_scoped3A_832 : memref<!tpu.dma_semaphore, #tpu.memory_space<semaphore_mem>>) {add = true}
        %dma_wait3A_839 = arith.constant 0 : i32
        %dma_wait3A_840 = tpu.memref_slice %arg8[%add3A_823, %dma_wait3A_839] : memref<8x128xi32, #tpu.memory_space<vmem>> -> memref<1x128xi32, #tpu.memory_space<vmem>>
        %dma_wait3A_841 = tpu.memref_squeeze %dma_wait3A_840 : memref<1x128xi32, #tpu.memory_space<vmem>> -> memref<128xi32, #tpu.memory_space<vmem>>
        %dma_wait3A_842 = arith.constant 0 : i32
        %dma_wait3A_843 = arith.constant 0 : i32
        %dma_wait3A_844 = tpu.memref_slice %arg14[%dma_wait3A_842, %dma_wait3A_843] : memref<10240x128xf32, #tpu.memory_space<vmem_shared>> -> memref<10240x128xf32, #tpu.memory_space<vmem_shared>>
        tpu.wait_indirect_dma semaphore(%run_scoped3A_832 : memref<!tpu.dma_semaphore, #tpu.memory_space<semaphore_mem>>) src(%arg12 : memref<128x128xf32, #tpu.memory_space<vmem>>) dst(%dma_wait3A_844 : memref<10240x128xf32, #tpu.memory_space<vmem_shared>>)
        tpu.yield
      }) : () -> ()
      %add3A_824 = arith.constant 3 : i32
      %add3A_825 = arith.addi %mul3A_799, %add3A_824 : i32
      %dma_start3A_826 = arith.constant 0 : i32
      %dma_start3A_827 = tpu.memref_slice %arg7[%add3A_825, %dma_start3A_826] : memref<8x128xi32, #tpu.memory_space<vmem>> -> memref<1x128xi32, #tpu.memory_space<vmem>>
      %dma_start3A_828 = tpu.memref_squeeze %dma_start3A_827 : memref<1x128xi32, #tpu.memory_space<vmem>> -> memref<128xi32, #tpu.memory_space<vmem>>
      %dma_start3A_829 = arith.constant 0 : i32
      %dma_start3A_830 = arith.constant 0 : i32
      %dma_start3A_831 = tpu.memref_slice %arg2[%dma_start3A_829, %dma_start3A_830] : memref<10000x128xf32, #tpu.memory_space<hbm>> -> memref<10000x128xf32, #tpu.memory_space<hbm>>
      tpu.enqueue_indirect_dma source(%dma_start3A_831 : memref<10000x128xf32, #tpu.memory_space<hbm>>) target(%arg12 : memref<128x128xf32, #tpu.memory_space<vmem>>) offsets(%dma_start3A_828 : memref<128xi32, #tpu.memory_space<vmem>>) semaphore(%arg16 : memref<!tpu.dma_semaphore, #tpu.memory_space<semaphore_mem>>)
    }
    %scan3A_277 = arith.constant 3 : i32
    %dma_wait3A_278 = arith.constant 0 : i32
    "tpu.trace_stop"() : () -> ()
    %dma_wait3A_279 = arith.constant 0 : i32
    %dma_wait3A_280 = tpu.memref_slice %arg7[%dma_wait3A_278, %dma_wait3A_279] : memref<8x128xi32, #tpu.memory_space<vmem>> -> memref<1x128xi32, #tpu.memory_space<vmem>>
    %dma_wait3A_281 = tpu.memref_squeeze %dma_wait3A_280 : memref<1x128xi32, #tpu.memory_space<vmem>> -> memref<128xi32, #tpu.memory_space<vmem>>
    %dma_wait3A_282 = arith.constant 0 : i32
    %dma_wait3A_283 = arith.constant 0 : i32
    %dma_wait3A_284 = tpu.memref_slice %arg2[%dma_wait3A_282, %dma_wait3A_283] : memref<10000x128xf32, #tpu.memory_space<hbm>> -> memref<10000x128xf32, #tpu.memory_space<hbm>>
    tpu.wait_indirect_dma semaphore(%arg15 : memref<!tpu.dma_semaphore, #tpu.memory_space<semaphore_mem>>) src(%dma_wait3A_284 : memref<10000x128xf32, #tpu.memory_space<hbm>>) dst(%arg11 : memref<128x128xf32, #tpu.memory_space<vmem>>)
    %run_scoped3A_285 = arith.constant 6 : i32
    "tpu.region"() ({
      %run_scoped3A_797 = tpu.sem_alloc : memref<!tpu.dma_semaphore, #tpu.memory_space<semaphore_mem>>
      %dma_start3A_798 = arith.constant 0 : i32
      %dma_start3A_799 = tpu.memref_slice %arg8[%run_scoped3A_285, %dma_start3A_798] : memref<8x128xi32, #tpu.memory_space<vmem>> -> memref<1x128xi32, #tpu.memory_space<vmem>>
      %dma_start3A_800 = tpu.memref_squeeze %dma_start3A_799 : memref<1x128xi32, #tpu.memory_space<vmem>> -> memref<128xi32, #tpu.memory_space<vmem>>
      %dma_start3A_801 = arith.constant 0 : i32
      %dma_start3A_802 = arith.constant 0 : i32
      %dma_start3A_803 = tpu.memref_slice %arg14[%dma_start3A_801, %dma_start3A_802] : memref<10240x128xf32, #tpu.memory_space<vmem_shared>> -> memref<10240x128xf32, #tpu.memory_space<vmem_shared>>
      tpu.enqueue_indirect_dma source(%arg11 : memref<128x128xf32, #tpu.memory_space<vmem>>) target(%dma_start3A_803 : memref<10240x128xf32, #tpu.memory_space<vmem_shared>>) offsets(%dma_start3A_800 : memref<128xi32, #tpu.memory_space<vmem>>) semaphore(%run_scoped3A_797 : memref<!tpu.dma_semaphore, #tpu.memory_space<semaphore_mem>>) {add = true}
      %dma_wait3A_804 = arith.constant 0 : i32
      %dma_wait3A_805 = tpu.memref_slice %arg8[%run_scoped3A_285, %dma_wait3A_804] : memref<8x128xi32, #tpu.memory_space<vmem>> -> memref<1x128xi32, #tpu.memory_space<vmem>>
      %dma_wait3A_806 = tpu.memref_squeeze %dma_wait3A_805 : memref<1x128xi32, #tpu.memory_space<vmem>> -> memref<128xi32, #tpu.memory_space<vmem>>
      %dma_wait3A_807 = arith.constant 0 : i32
      %dma_wait3A_808 = arith.constant 0 : i32
      %dma_wait3A_809 = tpu.memref_slice %arg14[%dma_wait3A_807, %dma_wait3A_808] : memref<10240x128xf32, #tpu.memory_space<vmem_shared>> -> memref<10240x128xf32, #tpu.memory_space<vmem_shared>>
      tpu.wait_indirect_dma semaphore(%run_scoped3A_797 : memref<!tpu.dma_semaphore, #tpu.memory_space<semaphore_mem>>) src(%arg11 : memref<128x128xf32, #tpu.memory_space<vmem>>) dst(%dma_wait3A_809 : memref<10240x128xf32, #tpu.memory_space<vmem_shared>>)
      tpu.yield
    }) : () -> ()
    %dma_wait3A_286 = arith.constant 0 : i32
    %dma_wait3A_287 = arith.constant 0 : i32
    %dma_wait3A_288 = tpu.memref_slice %arg3[%add3A, %dma_wait3A_286, %dma_wait3A_287] : memref<32x80x128xi32, #tpu.memory_space<hbm>> -> memref<1x8x128xi32, #tpu.memory_space<hbm>>
    %dma_wait3A_289 = tpu.memref_squeeze %dma_wait3A_288 : memref<1x8x128xi32, #tpu.memory_space<hbm>> -> memref<8x128xi32, #tpu.memory_space<hbm>>
    %dma_wait3A_290 = arith.constant 0 : i32
    %dma_wait3A_291 = arith.constant 0 : i32
    %dma_wait3A_292 = tpu.memref_slice %arg3[%add3A, %dma_wait3A_290, %dma_wait3A_291] : memref<32x80x128xi32, #tpu.memory_space<hbm>> -> memref<1x8x128xi32, #tpu.memory_space<hbm>>
    %dma_wait3A_293 = tpu.memref_squeeze %dma_wait3A_292 : memref<1x8x128xi32, #tpu.memory_space<hbm>> -> memref<8x128xi32, #tpu.memory_space<hbm>>
    tpu.wait_dma2 semaphore(%arg17 : memref<!tpu.dma_semaphore, #tpu.memory_space<semaphore_mem>>) src(%dma_wait3A_293 : memref<8x128xi32, #tpu.memory_space<hbm>>) dst(%arg9 : memref<8x128xi32, #tpu.memory_space<vmem>>)
    %dma_wait3A_294 = arith.constant 0 : i32
    %dma_wait3A_295 = arith.constant 0 : i32
    %dma_wait3A_296 = tpu.memref_slice %arg3[%add3A, %dma_wait3A_294, %dma_wait3A_295] : memref<32x80x128xi32, #tpu.memory_space<hbm>> -> memref<1x8x128xi32, #tpu.memory_space<hbm>>
    %dma_wait3A_297 = tpu.memref_squeeze %dma_wait3A_296 : memref<1x8x128xi32, #tpu.memory_space<hbm>> -> memref<8x128xi32, #tpu.memory_space<hbm>>
    %dma_wait3A_298 = arith.constant 0 : i32
    %dma_wait3A_299 = arith.constant 0 : i32
    %dma_wait3A_300 = tpu.memref_slice %arg3[%add3A, %dma_wait3A_298, %dma_wait3A_299] : memref<32x80x128xi32, #tpu.memory_space<hbm>> -> memref<1x8x128xi32, #tpu.memory_space<hbm>>
    %dma_wait3A_301 = tpu.memref_squeeze %dma_wait3A_300 : memref<1x8x128xi32, #tpu.memory_space<hbm>> -> memref<8x128xi32, #tpu.memory_space<hbm>>
    tpu.wait_dma2 semaphore(%arg17 : memref<!tpu.dma_semaphore, #tpu.memory_space<semaphore_mem>>) src(%dma_wait3A_301 : memref<8x128xi32, #tpu.memory_space<hbm>>) dst(%arg10 : memref<8x128xi32, #tpu.memory_space<vmem>>)
    %dma_start3A_302 = arith.constant 0 : i32
    %dma_start3A_303 = arith.constant 0 : i32
    %dma_start3A_304 = tpu.memref_slice %arg9[%dma_start3A_302, %dma_start3A_303] : memref<8x128xi32, #tpu.memory_space<vmem>> -> memref<1x128xi32, #tpu.memory_space<vmem>>
    %dma_start3A_305 = tpu.memref_squeeze %dma_start3A_304 : memref<1x128xi32, #tpu.memory_space<vmem>> -> memref<128xi32, #tpu.memory_space<vmem>>
    %dma_start3A_306 = arith.constant 0 : i32
    %dma_start3A_307 = arith.constant 0 : i32
    %dma_start3A_308 = tpu.memref_slice %arg2[%dma_start3A_306, %dma_start3A_307] : memref<10000x128xf32, #tpu.memory_space<hbm>> -> memref<10000x128xf32, #tpu.memory_space<hbm>>
    tpu.enqueue_indirect_dma source(%dma_start3A_308 : memref<10000x128xf32, #tpu.memory_space<hbm>>) target(%arg11 : memref<128x128xf32, #tpu.memory_space<vmem>>) offsets(%dma_start3A_305 : memref<128xi32, #tpu.memory_space<vmem>>) semaphore(%arg15 : memref<!tpu.dma_semaphore, #tpu.memory_space<semaphore_mem>>)
    %dma_wait3A_309 = arith.constant 0 : i32
    %dma_wait3A_310 = arith.constant 0 : i32
    %dma_wait3A_311 = tpu.memref_slice %arg7[%dma_wait3A_309, %dma_wait3A_310] : memref<8x128xi32, #tpu.memory_space<vmem>> -> memref<1x128xi32, #tpu.memory_space<vmem>>
    %dma_wait3A_312 = tpu.memref_squeeze %dma_wait3A_311 : memref<1x128xi32, #tpu.memory_space<vmem>> -> memref<128xi32, #tpu.memory_space<vmem>>
    %dma_wait3A_313 = arith.constant 0 : i32
    %dma_wait3A_314 = arith.constant 0 : i32
    %dma_wait3A_315 = tpu.memref_slice %arg2[%dma_wait3A_313, %dma_wait3A_314] : memref<10000x128xf32, #tpu.memory_space<hbm>> -> memref<10000x128xf32, #tpu.memory_space<hbm>>
    tpu.wait_indirect_dma semaphore(%arg16 : memref<!tpu.dma_semaphore, #tpu.memory_space<semaphore_mem>>) src(%dma_wait3A_315 : memref<10000x128xf32, #tpu.memory_space<hbm>>) dst(%arg12 : memref<128x128xf32, #tpu.memory_space<vmem>>)
    %run_scoped3A_316 = arith.constant 7 : i32
    "tpu.region"() ({
      %run_scoped3A_797 = tpu.sem_alloc : memref<!tpu.dma_semaphore, #tpu.memory_space<semaphore_mem>>
      %dma_start3A_798 = arith.constant 0 : i32
      %dma_start3A_799 = tpu.memref_slice %arg8[%run_scoped3A_316, %dma_start3A_798] : memref<8x128xi32, #tpu.memory_space<vmem>> -> memref<1x128xi32, #tpu.memory_space<vmem>>
      %dma_start3A_800 = tpu.memref_squeeze %dma_start3A_799 : memref<1x128xi32, #tpu.memory_space<vmem>> -> memref<128xi32, #tpu.memory_space<vmem>>
      %dma_start3A_801 = arith.constant 0 : i32
      %dma_start3A_802 = arith.constant 0 : i32
      %dma_start3A_803 = tpu.memref_slice %arg14[%dma_start3A_801, %dma_start3A_802] : memref<10240x128xf32, #tpu.memory_space<vmem_shared>> -> memref<10240x128xf32, #tpu.memory_space<vmem_shared>>
      tpu.enqueue_indirect_dma source(%arg12 : memref<128x128xf32, #tpu.memory_space<vmem>>) target(%dma_start3A_803 : memref<10240x128xf32, #tpu.memory_space<vmem_shared>>) offsets(%dma_start3A_800 : memref<128xi32, #tpu.memory_space<vmem>>) semaphore(%run_scoped3A_797 : memref<!tpu.dma_semaphore, #tpu.memory_space<semaphore_mem>>) {add = true}
      %dma_wait3A_804 = arith.constant 0 : i32
      %dma_wait3A_805 = tpu.memref_slice %arg8[%run_scoped3A_316, %dma_wait3A_804] : memref<8x128xi32, #tpu.memory_space<vmem>> -> memref<1x128xi32, #tpu.memory_space<vmem>>
      %dma_wait3A_806 = tpu.memref_squeeze %dma_wait3A_805 : memref<1x128xi32, #tpu.memory_space<vmem>> -> memref<128xi32, #tpu.memory_space<vmem>>
      %dma_wait3A_807 = arith.constant 0 : i32
      %dma_wait3A_808 = arith.constant 0 : i32
      %dma_wait3A_809 = tpu.memref_slice %arg14[%dma_wait3A_807, %dma_wait3A_808] : memref<10240x128xf32, #tpu.memory_space<vmem_shared>> -> memref<10240x128xf32, #tpu.memory_space<vmem_shared>>
      tpu.wait_indirect_dma semaphore(%run_scoped3A_797 : memref<!tpu.dma_semaphore, #tpu.memory_space<semaphore_mem>>) src(%arg12 : memref<128x128xf32, #tpu.memory_space<vmem>>) dst(%dma_wait3A_809 : memref<10240x128xf32, #tpu.memory_space<vmem_shared>>)
      tpu.yield
    }) : () -> ()
    %dma_start3A_317 = arith.constant 1 : i32
    %dma_start3A_318 = arith.constant 0 : i32
    %dma_start3A_319 = tpu.memref_slice %arg9[%dma_start3A_317, %dma_start3A_318] : memref<8x128xi32, #tpu.memory_space<vmem>> -> memref<1x128xi32, #tpu.memory_space<vmem>>
    %dma_start3A_320 = tpu.memref_squeeze %dma_start3A_319 : memref<1x128xi32, #tpu.memory_space<vmem>> -> memref<128xi32, #tpu.memory_space<vmem>>
    %dma_start3A_321 = arith.constant 0 : i32
    %dma_start3A_322 = arith.constant 0 : i32
    %dma_start3A_323 = tpu.memref_slice %arg2[%dma_start3A_321, %dma_start3A_322] : memref<10000x128xf32, #tpu.memory_space<hbm>> -> memref<10000x128xf32, #tpu.memory_space<hbm>>
    tpu.enqueue_indirect_dma source(%dma_start3A_323 : memref<10000x128xf32, #tpu.memory_space<hbm>>) target(%arg12 : memref<128x128xf32, #tpu.memory_space<vmem>>) offsets(%dma_start3A_320 : memref<128xi32, #tpu.memory_space<vmem>>) semaphore(%arg16 : memref<!tpu.dma_semaphore, #tpu.memory_space<semaphore_mem>>)
    %dma_start3A_324 = arith.constant 32 : i32
    %dma_start3A_325 = arith.constant 0 : i32
    %dma_start3A_326 = tpu.memref_slice %arg3[%add3A, %dma_start3A_324, %dma_start3A_325] : memref<32x80x128xi32, #tpu.memory_space<hbm>> -> memref<1x8x128xi32, #tpu.memory_space<hbm>>
    %dma_start3A_327 = tpu.memref_squeeze %dma_start3A_326 : memref<1x8x128xi32, #tpu.memory_space<hbm>> -> memref<8x128xi32, #tpu.memory_space<hbm>>
    %dma_start3A_328 = arith.constant 32 : i32
    %dma_start3A_329 = arith.constant 0 : i32
    %dma_start3A_330 = tpu.memref_slice %arg3[%add3A, %dma_start3A_328, %dma_start3A_329] : memref<32x80x128xi32, #tpu.memory_space<hbm>> -> memref<1x8x128xi32, #tpu.memory_space<hbm>>
    %dma_start3A_331 = tpu.memref_squeeze %dma_start3A_330 : memref<1x8x128xi32, #tpu.memory_space<hbm>> -> memref<8x128xi32, #tpu.memory_space<hbm>>
    tpu.enqueue_dma source(%dma_start3A_331 : memref<8x128xi32, #tpu.memory_space<hbm>>) target(%arg7 : memref<8x128xi32, #tpu.memory_space<vmem>>) target_semaphore(%arg17 : memref<!tpu.dma_semaphore, #tpu.memory_space<semaphore_mem>>)
    %dma_start3A_332 = arith.constant 32 : i32
    %dma_start3A_333 = arith.constant 0 : i32
    %dma_start3A_334 = tpu.memref_slice %arg4[%add3A, %dma_start3A_332, %dma_start3A_333] : memref<32x80x128xi32, #tpu.memory_space<hbm>> -> memref<1x8x128xi32, #tpu.memory_space<hbm>>
    %dma_start3A_335 = tpu.memref_squeeze %dma_start3A_334 : memref<1x8x128xi32, #tpu.memory_space<hbm>> -> memref<8x128xi32, #tpu.memory_space<hbm>>
    %dma_start3A_336 = arith.constant 32 : i32
    %dma_start3A_337 = arith.constant 0 : i32
    %dma_start3A_338 = tpu.memref_slice %arg4[%add3A, %dma_start3A_336, %dma_start3A_337] : memref<32x80x128xi32, #tpu.memory_space<hbm>> -> memref<1x8x128xi32, #tpu.memory_space<hbm>>
    %dma_start3A_339 = tpu.memref_squeeze %dma_start3A_338 : memref<1x8x128xi32, #tpu.memory_space<hbm>> -> memref<8x128xi32, #tpu.memory_space<hbm>>
    tpu.enqueue_dma source(%dma_start3A_339 : memref<8x128xi32, #tpu.memory_space<hbm>>) target(%arg8 : memref<8x128xi32, #tpu.memory_space<vmem>>) target_semaphore(%arg17 : memref<!tpu.dma_semaphore, #tpu.memory_space<semaphore_mem>>)
    "tpu.trace_start"() <{level = 10 : i32, message = "degloop"}> : () -> ()
    %scan3A_340 = arith.constant 0 : i32
    %scan3A_341 = arith.constant 0 : i32
    %scan3A_342 = arith.constant 64 : i32
    %scan3A_343 = arith.addi %scan3A_341, %scan3A_342 : i32
    %scan3A_344 = arith.constant 1 : i32
    scf.for %scan3A_797 = %scan3A_341 to %scan3A_343 step %scan3A_344  : i32 {
      %jit3A = arith.constant 8 : i32
      %div3A = arith.divsi %scan3A_797, %jit3A : i32
      %sign3A = arith.constant 0 : i32
      %sign3A_798 = arith.cmpi sgt, %scan3A_797, %sign3A : i32
      %sign3A_799 = arith.extui %sign3A_798 : i1 to i32
      %sign3A_800 = arith.constant 0 : i32
      %sign3A_801 = arith.cmpi slt, %scan3A_797, %sign3A_800 : i32
      %sign3A_802 = arith.extui %sign3A_801 : i1 to i32
      %sign3A_803 = arith.subi %sign3A_799, %sign3A_802 : i32
      %sign3A_804 = arith.constant 0 : i32
      %sign3A_805 = arith.cmpi sgt, %jit3A, %sign3A_804 : i32
      %sign3A_806 = arith.extui %sign3A_805 : i1 to i32
      %sign3A_807 = arith.constant 0 : i32
      %sign3A_808 = arith.cmpi slt, %jit3A, %sign3A_807 : i32
      %sign3A_809 = arith.extui %sign3A_808 : i1 to i32
      %sign3A_810 = arith.subi %sign3A_806, %sign3A_809 : i32
      %ne3A = arith.cmpi ne, %sign3A_803, %sign3A_810 : i32
      %rem3A = arith.remsi %scan3A_797, %jit3A : i32
      %ne3A_811 = arith.constant 0 : i32
      %ne3A_812 = arith.cmpi ne, %rem3A, %ne3A_811 : i32
      %and3A = arith.andi %ne3A, %ne3A_812 : i1
      %sub3A = arith.constant 1 : i32
      %sub3A_813 = arith.subi %div3A, %sub3A : i32
      %select_n3A = arith.select %and3A, %sub3A_813, %div3A : i32
      %jit3A_814 = arith.constant 8 : i32
      %eq3A = arith.constant 0 : i32
      %eq3A_815 = arith.cmpi eq, %jit3A_814, %eq3A : i32
      %jit3A_816 = arith.constant 1 : i32
      %select_n3A_817 = arith.select %eq3A_815, %jit3A_816, %jit3A_814 : i32
      %rem3A_818 = arith.remsi %scan3A_797, %select_n3A_817 : i32
      %ne3A_819 = arith.constant 0 : i32
      %ne3A_820 = arith.cmpi ne, %rem3A_818, %ne3A_819 : i32
      %lt3A = arith.constant 0 : i32
      %lt3A_821 = arith.cmpi slt, %rem3A_818, %lt3A : i32
      %lt3A_822 = arith.constant 0 : i32
      %lt3A_823 = arith.cmpi slt, %select_n3A_817, %lt3A_822 : i32
      %ne3A_824 = arith.xori %lt3A_821, %lt3A_823 : i1
      %and3A_825 = arith.andi %ne3A_824, %ne3A_820 : i1
      %add3A_826 = arith.addi %rem3A_818, %select_n3A_817 : i32
      %select_n3A_827 = arith.select %and3A_825, %add3A_826, %rem3A_818 : i32
      %mul3A_828 = arith.constant 16 : i32
      %mul3A_829 = arith.muli %select_n3A_827, %mul3A_828 : i32
      %get3A = arith.index_cast %select_n3A : i32 to index
      %get3A_830 = arith.index_cast %mul3A_829 : i32 to index
      %get3A_831 = tpu.vector_load %arg10[%get3A, %get3A_830] {strides = array<i32>} : memref<8x128xi32, #tpu.memory_space<vmem>>, vector<16xi32>,
      %shift_right_arithmetic3A = arith.constant 7 : i32
      %shift_right_arithmetic3A_832 = vector.broadcast %shift_right_arithmetic3A : i32 to vector<16xi32>
      %shift_right_arithmetic3A_833 = arith.shrsi %get3A_831, %shift_right_arithmetic3A_832 : vector<16xi32>
      %and3A_834 = arith.constant 127 : i32
      %and3A_835 = vector.broadcast %and3A_834 : i32 to vector<16xi32>
      %and3A_836 = arith.andi %get3A_831, %and3A_835 : vector<16xi32>
      tpu.vector_store_idx %arg13[%shift_right_arithmetic3A_833, %and3A_836], %broadcast_in_dim3A_5 {add = true} : memref<80x128xf32, #tpu.memory_space<vmem>>[vector<16xi32>, vector<16xi32>], vector<16xf32>,
    }
    %scan3A_345 = arith.constant 64 : i32
    "tpu.trace_stop"() : () -> ()
    "tpu.trace_start"() <{level = 10 : i32, message = "gsloop"}> : () -> ()
    %scan3A_346 = arith.constant 0 : i32
    %scan3A_347 = arith.constant 0 : i32
    %scan3A_348 = arith.constant 3 : i32
    %scan3A_349 = arith.addi %scan3A_347, %scan3A_348 : i32
    %scan3A_350 = arith.constant 1 : i32
    scf.for %scan3A_797 = %scan3A_347 to %scan3A_349 step %scan3A_350  : i32 {
      %mul3A_798 = arith.constant 2 : i32
      %mul3A_799 = arith.muli %mul3A_798, %scan3A_797 : i32
      %dma_wait3A_800 = arith.constant 0 : i32
      %dma_wait3A_801 = arith.constant 0 : i32
      %dma_wait3A_802 = tpu.memref_slice %arg7[%dma_wait3A_800, %dma_wait3A_801] : memref<8x128xi32, #tpu.memory_space<vmem>> -> memref<1x128xi32, #tpu.memory_space<vmem>>
      %dma_wait3A_803 = tpu.memref_squeeze %dma_wait3A_802 : memref<1x128xi32, #tpu.memory_space<vmem>> -> memref<128xi32, #tpu.memory_space<vmem>>
      %dma_wait3A_804 = arith.constant 0 : i32
      %dma_wait3A_805 = arith.constant 0 : i32
      %dma_wait3A_806 = tpu.memref_slice %arg2[%dma_wait3A_804, %dma_wait3A_805] : memref<10000x128xf32, #tpu.memory_space<hbm>> -> memref<10000x128xf32, #tpu.memory_space<hbm>>
      tpu.wait_indirect_dma semaphore(%arg15 : memref<!tpu.dma_semaphore, #tpu.memory_space<semaphore_mem>>) src(%dma_wait3A_806 : memref<10000x128xf32, #tpu.memory_space<hbm>>) dst(%arg11 : memref<128x128xf32, #tpu.memory_space<vmem>>)
      "tpu.region"() ({
        %run_scoped3A_832 = tpu.sem_alloc : memref<!tpu.dma_semaphore, #tpu.memory_space<semaphore_mem>>
        %dma_start3A_833 = arith.constant 0 : i32
        %dma_start3A_834 = tpu.memref_slice %arg10[%mul3A_799, %dma_start3A_833] : memref<8x128xi32, #tpu.memory_space<vmem>> -> memref<1x128xi32, #tpu.memory_space<vmem>>
        %dma_start3A_835 = tpu.memref_squeeze %dma_start3A_834 : memref<1x128xi32, #tpu.memory_space<vmem>> -> memref<128xi32, #tpu.memory_space<vmem>>
        %dma_start3A_836 = arith.constant 0 : i32
        %dma_start3A_837 = arith.constant 0 : i32
        %dma_start3A_838 = tpu.memref_slice %arg14[%dma_start3A_836, %dma_start3A_837] : memref<10240x128xf32, #tpu.memory_space<vmem_shared>> -> memref<10240x128xf32, #tpu.memory_space<vmem_shared>>
        tpu.enqueue_indirect_dma source(%arg11 : memref<128x128xf32, #tpu.memory_space<vmem>>) target(%dma_start3A_838 : memref<10240x128xf32, #tpu.memory_space<vmem_shared>>) offsets(%dma_start3A_835 : memref<128xi32, #tpu.memory_space<vmem>>) semaphore(%run_scoped3A_832 : memref<!tpu.dma_semaphore, #tpu.memory_space<semaphore_mem>>) {add = true}
        %dma_wait3A_839 = arith.constant 0 : i32
        %dma_wait3A_840 = tpu.memref_slice %arg10[%mul3A_799, %dma_wait3A_839] : memref<8x128xi32, #tpu.memory_space<vmem>> -> memref<1x128xi32, #tpu.memory_space<vmem>>
        %dma_wait3A_841 = tpu.memref_squeeze %dma_wait3A_840 : memref<1x128xi32, #tpu.memory_space<vmem>> -> memref<128xi32, #tpu.memory_space<vmem>>
        %dma_wait3A_842 = arith.constant 0 : i32
        %dma_wait3A_843 = arith.constant 0 : i32
        %dma_wait3A_844 = tpu.memref_slice %arg14[%dma_wait3A_842, %dma_wait3A_843] : memref<10240x128xf32, #tpu.memory_space<vmem_shared>> -> memref<10240x128xf32, #tpu.memory_space<vmem_shared>>
        tpu.wait_indirect_dma semaphore(%run_scoped3A_832 : memref<!tpu.dma_semaphore, #tpu.memory_space<semaphore_mem>>) src(%arg11 : memref<128x128xf32, #tpu.memory_space<vmem>>) dst(%dma_wait3A_844 : memref<10240x128xf32, #tpu.memory_space<vmem_shared>>)
        tpu.yield
      }) : () -> ()
      %add3A_807 = arith.constant 2 : i32
      %add3A_808 = arith.addi %mul3A_799, %add3A_807 : i32
      %dma_start3A_809 = arith.constant 0 : i32
      %dma_start3A_810 = tpu.memref_slice %arg9[%add3A_808, %dma_start3A_809] : memref<8x128xi32, #tpu.memory_space<vmem>> -> memref<1x128xi32, #tpu.memory_space<vmem>>
      %dma_start3A_811 = tpu.memref_squeeze %dma_start3A_810 : memref<1x128xi32, #tpu.memory_space<vmem>> -> memref<128xi32, #tpu.memory_space<vmem>>
      %dma_start3A_812 = arith.constant 0 : i32
      %dma_start3A_813 = arith.constant 0 : i32
      %dma_start3A_814 = tpu.memref_slice %arg2[%dma_start3A_812, %dma_start3A_813] : memref<10000x128xf32, #tpu.memory_space<hbm>> -> memref<10000x128xf32, #tpu.memory_space<hbm>>
      tpu.enqueue_indirect_dma source(%dma_start3A_814 : memref<10000x128xf32, #tpu.memory_space<hbm>>) target(%arg11 : memref<128x128xf32, #tpu.memory_space<vmem>>) offsets(%dma_start3A_811 : memref<128xi32, #tpu.memory_space<vmem>>) semaphore(%arg15 : memref<!tpu.dma_semaphore, #tpu.memory_space<semaphore_mem>>)
      %dma_wait3A_815 = arith.constant 0 : i32
      %dma_wait3A_816 = arith.constant 0 : i32
      %dma_wait3A_817 = tpu.memref_slice %arg7[%dma_wait3A_815, %dma_wait3A_816] : memref<8x128xi32, #tpu.memory_space<vmem>> -> memref<1x128xi32, #tpu.memory_space<vmem>>
      %dma_wait3A_818 = tpu.memref_squeeze %dma_wait3A_817 : memref<1x128xi32, #tpu.memory_space<vmem>> -> memref<128xi32, #tpu.memory_space<vmem>>
      %dma_wait3A_819 = arith.constant 0 : i32
      %dma_wait3A_820 = arith.constant 0 : i32
      %dma_wait3A_821 = tpu.memref_slice %arg2[%dma_wait3A_819, %dma_wait3A_820] : memref<10000x128xf32, #tpu.memory_space<hbm>> -> memref<10000x128xf32, #tpu.memory_space<hbm>>
      tpu.wait_indirect_dma semaphore(%arg16 : memref<!tpu.dma_semaphore, #tpu.memory_space<semaphore_mem>>) src(%dma_wait3A_821 : memref<10000x128xf32, #tpu.memory_space<hbm>>) dst(%arg12 : memref<128x128xf32, #tpu.memory_space<vmem>>)
      %add3A_822 = arith.constant 1 : i32
      %add3A_823 = arith.addi %mul3A_799, %add3A_822 : i32
      "tpu.region"() ({
        %run_scoped3A_832 = tpu.sem_alloc : memref<!tpu.dma_semaphore, #tpu.memory_space<semaphore_mem>>
        %dma_start3A_833 = arith.constant 0 : i32
        %dma_start3A_834 = tpu.memref_slice %arg10[%add3A_823, %dma_start3A_833] : memref<8x128xi32, #tpu.memory_space<vmem>> -> memref<1x128xi32, #tpu.memory_space<vmem>>
        %dma_start3A_835 = tpu.memref_squeeze %dma_start3A_834 : memref<1x128xi32, #tpu.memory_space<vmem>> -> memref<128xi32, #tpu.memory_space<vmem>>
        %dma_start3A_836 = arith.constant 0 : i32
        %dma_start3A_837 = arith.constant 0 : i32
        %dma_start3A_838 = tpu.memref_slice %arg14[%dma_start3A_836, %dma_start3A_837] : memref<10240x128xf32, #tpu.memory_space<vmem_shared>> -> memref<10240x128xf32, #tpu.memory_space<vmem_shared>>
        tpu.enqueue_indirect_dma source(%arg12 : memref<128x128xf32, #tpu.memory_space<vmem>>) target(%dma_start3A_838 : memref<10240x128xf32, #tpu.memory_space<vmem_shared>>) offsets(%dma_start3A_835 : memref<128xi32, #tpu.memory_space<vmem>>) semaphore(%run_scoped3A_832 : memref<!tpu.dma_semaphore, #tpu.memory_space<semaphore_mem>>) {add = true}
        %dma_wait3A_839 = arith.constant 0 : i32
        %dma_wait3A_840 = tpu.memref_slice %arg10[%add3A_823, %dma_wait3A_839] : memref<8x128xi32, #tpu.memory_space<vmem>> -> memref<1x128xi32, #tpu.memory_space<vmem>>
        %dma_wait3A_841 = tpu.memref_squeeze %dma_wait3A_840 : memref<1x128xi32, #tpu.memory_space<vmem>> -> memref<128xi32, #tpu.memory_space<vmem>>
        %dma_wait3A_842 = arith.constant 0 : i32
        %dma_wait3A_843 = arith.constant 0 : i32
        %dma_wait3A_844 = tpu.memref_slice %arg14[%dma_wait3A_842, %dma_wait3A_843] : memref<10240x128xf32, #tpu.memory_space<vmem_shared>> -> memref<10240x128xf32, #tpu.memory_space<vmem_shared>>
        tpu.wait_indirect_dma semaphore(%run_scoped3A_832 : memref<!tpu.dma_semaphore, #tpu.memory_space<semaphore_mem>>) src(%arg12 : memref<128x128xf32, #tpu.memory_space<vmem>>) dst(%dma_wait3A_844 : memref<10240x128xf32, #tpu.memory_space<vmem_shared>>)
        tpu.yield
      }) : () -> ()
      %add3A_824 = arith.constant 3 : i32
      %add3A_825 = arith.addi %mul3A_799, %add3A_824 : i32
      %dma_start3A_826 = arith.constant 0 : i32
      %dma_start3A_827 = tpu.memref_slice %arg9[%add3A_825, %dma_start3A_826] : memref<8x128xi32, #tpu.memory_space<vmem>> -> memref<1x128xi32, #tpu.memory_space<vmem>>
      %dma_start3A_828 = tpu.memref_squeeze %dma_start3A_827 : memref<1x128xi32, #tpu.memory_space<vmem>> -> memref<128xi32, #tpu.memory_space<vmem>>
      %dma_start3A_829 = arith.constant 0 : i32
      %dma_start3A_830 = arith.constant 0 : i32
      %dma_start3A_831 = tpu.memref_slice %arg2[%dma_start3A_829, %dma_start3A_830] : memref<10000x128xf32, #tpu.memory_space<hbm>> -> memref<10000x128xf32, #tpu.memory_space<hbm>>
      tpu.enqueue_indirect_dma source(%dma_start3A_831 : memref<10000x128xf32, #tpu.memory_space<hbm>>) target(%arg12 : memref<128x128xf32, #tpu.memory_space<vmem>>) offsets(%dma_start3A_828 : memref<128xi32, #tpu.memory_space<vmem>>) semaphore(%arg16 : memref<!tpu.dma_semaphore, #tpu.memory_space<semaphore_mem>>)
    }
    %scan3A_351 = arith.constant 3 : i32
    %dma_wait3A_352 = arith.constant 0 : i32
    "tpu.trace_stop"() : () -> ()
    %dma_wait3A_353 = arith.constant 0 : i32
    %dma_wait3A_354 = tpu.memref_slice %arg7[%dma_wait3A_352, %dma_wait3A_353] : memref<8x128xi32, #tpu.memory_space<vmem>> -> memref<1x128xi32, #tpu.memory_space<vmem>>
    %dma_wait3A_355 = tpu.memref_squeeze %dma_wait3A_354 : memref<1x128xi32, #tpu.memory_space<vmem>> -> memref<128xi32, #tpu.memory_space<vmem>>
    %dma_wait3A_356 = arith.constant 0 : i32
    %dma_wait3A_357 = arith.constant 0 : i32
    %dma_wait3A_358 = tpu.memref_slice %arg2[%dma_wait3A_356, %dma_wait3A_357] : memref<10000x128xf32, #tpu.memory_space<hbm>> -> memref<10000x128xf32, #tpu.memory_space<hbm>>
    tpu.wait_indirect_dma semaphore(%arg15 : memref<!tpu.dma_semaphore, #tpu.memory_space<semaphore_mem>>) src(%dma_wait3A_358 : memref<10000x128xf32, #tpu.memory_space<hbm>>) dst(%arg11 : memref<128x128xf32, #tpu.memory_space<vmem>>)
    %run_scoped3A_359 = arith.constant 6 : i32
    "tpu.region"() ({
      %run_scoped3A_797 = tpu.sem_alloc : memref<!tpu.dma_semaphore, #tpu.memory_space<semaphore_mem>>
      %dma_start3A_798 = arith.constant 0 : i32
      %dma_start3A_799 = tpu.memref_slice %arg10[%run_scoped3A_359, %dma_start3A_798] : memref<8x128xi32, #tpu.memory_space<vmem>> -> memref<1x128xi32, #tpu.memory_space<vmem>>
      %dma_start3A_800 = tpu.memref_squeeze %dma_start3A_799 : memref<1x128xi32, #tpu.memory_space<vmem>> -> memref<128xi32, #tpu.memory_space<vmem>>
      %dma_start3A_801 = arith.constant 0 : i32
      %dma_start3A_802 = arith.constant 0 : i32
      %dma_start3A_803 = tpu.memref_slice %arg14[%dma_start3A_801, %dma_start3A_802] : memref<10240x128xf32, #tpu.memory_space<vmem_shared>> -> memref<10240x128xf32, #tpu.memory_space<vmem_shared>>
      tpu.enqueue_indirect_dma source(%arg11 : memref<128x128xf32, #tpu.memory_space<vmem>>) target(%dma_start3A_803 : memref<10240x128xf32, #tpu.memory_space<vmem_shared>>) offsets(%dma_start3A_800 : memref<128xi32, #tpu.memory_space<vmem>>) semaphore(%run_scoped3A_797 : memref<!tpu.dma_semaphore, #tpu.memory_space<semaphore_mem>>) {add = true}
      %dma_wait3A_804 = arith.constant 0 : i32
      %dma_wait3A_805 = tpu.memref_slice %arg10[%run_scoped3A_359, %dma_wait3A_804] : memref<8x128xi32, #tpu.memory_space<vmem>> -> memref<1x128xi32, #tpu.memory_space<vmem>>
      %dma_wait3A_806 = tpu.memref_squeeze %dma_wait3A_805 : memref<1x128xi32, #tpu.memory_space<vmem>> -> memref<128xi32, #tpu.memory_space<vmem>>
      %dma_wait3A_807 = arith.constant 0 : i32
      %dma_wait3A_808 = arith.constant 0 : i32
      %dma_wait3A_809 = tpu.memref_slice %arg14[%dma_wait3A_807, %dma_wait3A_808] : memref<10240x128xf32, #tpu.memory_space<vmem_shared>> -> memref<10240x128xf32, #tpu.memory_space<vmem_shared>>
      tpu.wait_indirect_dma semaphore(%run_scoped3A_797 : memref<!tpu.dma_semaphore, #tpu.memory_space<semaphore_mem>>) src(%arg11 : memref<128x128xf32, #tpu.memory_space<vmem>>) dst(%dma_wait3A_809 : memref<10240x128xf32, #tpu.memory_space<vmem_shared>>)
      tpu.yield
    }) : () -> ()
    %dma_wait3A_360 = arith.constant 0 : i32
    %dma_wait3A_361 = arith.constant 0 : i32
    %dma_wait3A_362 = tpu.memref_slice %arg3[%add3A, %dma_wait3A_360, %dma_wait3A_361] : memref<32x80x128xi32, #tpu.memory_space<hbm>> -> memref<1x8x128xi32, #tpu.memory_space<hbm>>
    %dma_wait3A_363 = tpu.memref_squeeze %dma_wait3A_362 : memref<1x8x128xi32, #tpu.memory_space<hbm>> -> memref<8x128xi32, #tpu.memory_space<hbm>>
    %dma_wait3A_364 = arith.constant 0 : i32
    %dma_wait3A_365 = arith.constant 0 : i32
    %dma_wait3A_366 = tpu.memref_slice %arg3[%add3A, %dma_wait3A_364, %dma_wait3A_365] : memref<32x80x128xi32, #tpu.memory_space<hbm>> -> memref<1x8x128xi32, #tpu.memory_space<hbm>>
    %dma_wait3A_367 = tpu.memref_squeeze %dma_wait3A_366 : memref<1x8x128xi32, #tpu.memory_space<hbm>> -> memref<8x128xi32, #tpu.memory_space<hbm>>
    tpu.wait_dma2 semaphore(%arg17 : memref<!tpu.dma_semaphore, #tpu.memory_space<semaphore_mem>>) src(%dma_wait3A_367 : memref<8x128xi32, #tpu.memory_space<hbm>>) dst(%arg7 : memref<8x128xi32, #tpu.memory_space<vmem>>)
    %dma_wait3A_368 = arith.constant 0 : i32
    %dma_wait3A_369 = arith.constant 0 : i32
    %dma_wait3A_370 = tpu.memref_slice %arg3[%add3A, %dma_wait3A_368, %dma_wait3A_369] : memref<32x80x128xi32, #tpu.memory_space<hbm>> -> memref<1x8x128xi32, #tpu.memory_space<hbm>>
    %dma_wait3A_371 = tpu.memref_squeeze %dma_wait3A_370 : memref<1x8x128xi32, #tpu.memory_space<hbm>> -> memref<8x128xi32, #tpu.memory_space<hbm>>
    %dma_wait3A_372 = arith.constant 0 : i32
    %dma_wait3A_373 = arith.constant 0 : i32
    %dma_wait3A_374 = tpu.memref_slice %arg3[%add3A, %dma_wait3A_372, %dma_wait3A_373] : memref<32x80x128xi32, #tpu.memory_space<hbm>> -> memref<1x8x128xi32, #tpu.memory_space<hbm>>
    %dma_wait3A_375 = tpu.memref_squeeze %dma_wait3A_374 : memref<1x8x128xi32, #tpu.memory_space<hbm>> -> memref<8x128xi32, #tpu.memory_space<hbm>>
    tpu.wait_dma2 semaphore(%arg17 : memref<!tpu.dma_semaphore, #tpu.memory_space<semaphore_mem>>) src(%dma_wait3A_375 : memref<8x128xi32, #tpu.memory_space<hbm>>) dst(%arg8 : memref<8x128xi32, #tpu.memory_space<vmem>>)
    %dma_start3A_376 = arith.constant 0 : i32
    %dma_start3A_377 = arith.constant 0 : i32
    %dma_start3A_378 = tpu.memref_slice %arg7[%dma_start3A_376, %dma_start3A_377] : memref<8x128xi32, #tpu.memory_space<vmem>> -> memref<1x128xi32, #tpu.memory_space<vmem>>
    %dma_start3A_379 = tpu.memref_squeeze %dma_start3A_378 : memref<1x128xi32, #tpu.memory_space<vmem>> -> memref<128xi32, #tpu.memory_space<vmem>>
    %dma_start3A_380 = arith.constant 0 : i32
    %dma_start3A_381 = arith.constant 0 : i32
    %dma_start3A_382 = tpu.memref_slice %arg2[%dma_start3A_380, %dma_start3A_381] : memref<10000x128xf32, #tpu.memory_space<hbm>> -> memref<10000x128xf32, #tpu.memory_space<hbm>>
    tpu.enqueue_indirect_dma source(%dma_start3A_382 : memref<10000x128xf32, #tpu.memory_space<hbm>>) target(%arg11 : memref<128x128xf32, #tpu.memory_space<vmem>>) offsets(%dma_start3A_379 : memref<128xi32, #tpu.memory_space<vmem>>) semaphore(%arg15 : memref<!tpu.dma_semaphore, #tpu.memory_space<semaphore_mem>>)
    %dma_wait3A_383 = arith.constant 0 : i32
    %dma_wait3A_384 = arith.constant 0 : i32
    %dma_wait3A_385 = tpu.memref_slice %arg7[%dma_wait3A_383, %dma_wait3A_384] : memref<8x128xi32, #tpu.memory_space<vmem>> -> memref<1x128xi32, #tpu.memory_space<vmem>>
    %dma_wait3A_386 = tpu.memref_squeeze %dma_wait3A_385 : memref<1x128xi32, #tpu.memory_space<vmem>> -> memref<128xi32, #tpu.memory_space<vmem>>
    %dma_wait3A_387 = arith.constant 0 : i32
    %dma_wait3A_388 = arith.constant 0 : i32
    %dma_wait3A_389 = tpu.memref_slice %arg2[%dma_wait3A_387, %dma_wait3A_388] : memref<10000x128xf32, #tpu.memory_space<hbm>> -> memref<10000x128xf32, #tpu.memory_space<hbm>>
    tpu.wait_indirect_dma semaphore(%arg16 : memref<!tpu.dma_semaphore, #tpu.memory_space<semaphore_mem>>) src(%dma_wait3A_389 : memref<10000x128xf32, #tpu.memory_space<hbm>>) dst(%arg12 : memref<128x128xf32, #tpu.memory_space<vmem>>)
    %run_scoped3A_390 = arith.constant 7 : i32
    "tpu.region"() ({
      %run_scoped3A_797 = tpu.sem_alloc : memref<!tpu.dma_semaphore, #tpu.memory_space<semaphore_mem>>
      %dma_start3A_798 = arith.constant 0 : i32
      %dma_start3A_799 = tpu.memref_slice %arg10[%run_scoped3A_390, %dma_start3A_798] : memref<8x128xi32, #tpu.memory_space<vmem>> -> memref<1x128xi32, #tpu.memory_space<vmem>>
      %dma_start3A_800 = tpu.memref_squeeze %dma_start3A_799 : memref<1x128xi32, #tpu.memory_space<vmem>> -> memref<128xi32, #tpu.memory_space<vmem>>
      %dma_start3A_801 = arith.constant 0 : i32
      %dma_start3A_802 = arith.constant 0 : i32
      %dma_start3A_803 = tpu.memref_slice %arg14[%dma_start3A_801, %dma_start3A_802] : memref<10240x128xf32, #tpu.memory_space<vmem_shared>> -> memref<10240x128xf32, #tpu.memory_space<vmem_shared>>
      tpu.enqueue_indirect_dma source(%arg12 : memref<128x128xf32, #tpu.memory_space<vmem>>) target(%dma_start3A_803 : memref<10240x128xf32, #tpu.memory_space<vmem_shared>>) offsets(%dma_start3A_800 : memref<128xi32, #tpu.memory_space<vmem>>) semaphore(%run_scoped3A_797 : memref<!tpu.dma_semaphore, #tpu.memory_space<semaphore_mem>>) {add = true}
      %dma_wait3A_804 = arith.constant 0 : i32
      %dma_wait3A_805 = tpu.memref_slice %arg10[%run_scoped3A_390, %dma_wait3A_804] : memref<8x128xi32, #tpu.memory_space<vmem>> -> memref<1x128xi32, #tpu.memory_space<vmem>>
      %dma_wait3A_806 = tpu.memref_squeeze %dma_wait3A_805 : memref<1x128xi32, #tpu.memory_space<vmem>> -> memref<128xi32, #tpu.memory_space<vmem>>
      %dma_wait3A_807 = arith.constant 0 : i32
      %dma_wait3A_808 = arith.constant 0 : i32
      %dma_wait3A_809 = tpu.memref_slice %arg14[%dma_wait3A_807, %dma_wait3A_808] : memref<10240x128xf32, #tpu.memory_space<vmem_shared>> -> memref<10240x128xf32, #tpu.memory_space<vmem_shared>>
      tpu.wait_indirect_dma semaphore(%run_scoped3A_797 : memref<!tpu.dma_semaphore, #tpu.memory_space<semaphore_mem>>) src(%arg12 : memref<128x128xf32, #tpu.memory_space<vmem>>) dst(%dma_wait3A_809 : memref<10240x128xf32, #tpu.memory_space<vmem_shared>>)
      tpu.yield
    }) : () -> ()
    %dma_start3A_391 = arith.constant 1 : i32
    %dma_start3A_392 = arith.constant 0 : i32
    %dma_start3A_393 = tpu.memref_slice %arg7[%dma_start3A_391, %dma_start3A_392] : memref<8x128xi32, #tpu.memory_space<vmem>> -> memref<1x128xi32, #tpu.memory_space<vmem>>
    %dma_start3A_394 = tpu.memref_squeeze %dma_start3A_393 : memref<1x128xi32, #tpu.memory_space<vmem>> -> memref<128xi32, #tpu.memory_space<vmem>>
    %dma_start3A_395 = arith.constant 0 : i32
    %dma_start3A_396 = arith.constant 0 : i32
    %dma_start3A_397 = tpu.memref_slice %arg2[%dma_start3A_395, %dma_start3A_396] : memref<10000x128xf32, #tpu.memory_space<hbm>> -> memref<10000x128xf32, #tpu.memory_space<hbm>>
    tpu.enqueue_indirect_dma source(%dma_start3A_397 : memref<10000x128xf32, #tpu.memory_space<hbm>>) target(%arg12 : memref<128x128xf32, #tpu.memory_space<vmem>>) offsets(%dma_start3A_394 : memref<128xi32, #tpu.memory_space<vmem>>) semaphore(%arg16 : memref<!tpu.dma_semaphore, #tpu.memory_space<semaphore_mem>>)
    %dma_start3A_398 = arith.constant 40 : i32
    %dma_start3A_399 = arith.constant 0 : i32
    %dma_start3A_400 = tpu.memref_slice %arg3[%add3A, %dma_start3A_398, %dma_start3A_399] : memref<32x80x128xi32, #tpu.memory_space<hbm>> -> memref<1x8x128xi32, #tpu.memory_space<hbm>>
    %dma_start3A_401 = tpu.memref_squeeze %dma_start3A_400 : memref<1x8x128xi32, #tpu.memory_space<hbm>> -> memref<8x128xi32, #tpu.memory_space<hbm>>
    %dma_start3A_402 = arith.constant 40 : i32
    %dma_start3A_403 = arith.constant 0 : i32
    %dma_start3A_404 = tpu.memref_slice %arg3[%add3A, %dma_start3A_402, %dma_start3A_403] : memref<32x80x128xi32, #tpu.memory_space<hbm>> -> memref<1x8x128xi32, #tpu.memory_space<hbm>>
    %dma_start3A_405 = tpu.memref_squeeze %dma_start3A_404 : memref<1x8x128xi32, #tpu.memory_space<hbm>> -> memref<8x128xi32, #tpu.memory_space<hbm>>
    tpu.enqueue_dma source(%dma_start3A_405 : memref<8x128xi32, #tpu.memory_space<hbm>>) target(%arg9 : memref<8x128xi32, #tpu.memory_space<vmem>>) target_semaphore(%arg17 : memref<!tpu.dma_semaphore, #tpu.memory_space<semaphore_mem>>)
    %dma_start3A_406 = arith.constant 40 : i32
    %dma_start3A_407 = arith.constant 0 : i32
    %dma_start3A_408 = tpu.memref_slice %arg4[%add3A, %dma_start3A_406, %dma_start3A_407] : memref<32x80x128xi32, #tpu.memory_space<hbm>> -> memref<1x8x128xi32, #tpu.memory_space<hbm>>
    %dma_start3A_409 = tpu.memref_squeeze %dma_start3A_408 : memref<1x8x128xi32, #tpu.memory_space<hbm>> -> memref<8x128xi32, #tpu.memory_space<hbm>>
    %dma_start3A_410 = arith.constant 40 : i32
    %dma_start3A_411 = arith.constant 0 : i32
    %dma_start3A_412 = tpu.memref_slice %arg4[%add3A, %dma_start3A_410, %dma_start3A_411] : memref<32x80x128xi32, #tpu.memory_space<hbm>> -> memref<1x8x128xi32, #tpu.memory_space<hbm>>
    %dma_start3A_413 = tpu.memref_squeeze %dma_start3A_412 : memref<1x8x128xi32, #tpu.memory_space<hbm>> -> memref<8x128xi32, #tpu.memory_space<hbm>>
    tpu.enqueue_dma source(%dma_start3A_413 : memref<8x128xi32, #tpu.memory_space<hbm>>) target(%arg10 : memref<8x128xi32, #tpu.memory_space<vmem>>) target_semaphore(%arg17 : memref<!tpu.dma_semaphore, #tpu.memory_space<semaphore_mem>>)
    "tpu.trace_start"() <{level = 10 : i32, message = "degloop"}> : () -> ()
    %scan3A_414 = arith.constant 0 : i32
    %scan3A_415 = arith.constant 0 : i32
    %scan3A_416 = arith.constant 64 : i32
    %scan3A_417 = arith.addi %scan3A_415, %scan3A_416 : i32
    %scan3A_418 = arith.constant 1 : i32
    scf.for %scan3A_797 = %scan3A_415 to %scan3A_417 step %scan3A_418  : i32 {
      %jit3A = arith.constant 8 : i32
      %div3A = arith.divsi %scan3A_797, %jit3A : i32
      %sign3A = arith.constant 0 : i32
      %sign3A_798 = arith.cmpi sgt, %scan3A_797, %sign3A : i32
      %sign3A_799 = arith.extui %sign3A_798 : i1 to i32
      %sign3A_800 = arith.constant 0 : i32
      %sign3A_801 = arith.cmpi slt, %scan3A_797, %sign3A_800 : i32
      %sign3A_802 = arith.extui %sign3A_801 : i1 to i32
      %sign3A_803 = arith.subi %sign3A_799, %sign3A_802 : i32
      %sign3A_804 = arith.constant 0 : i32
      %sign3A_805 = arith.cmpi sgt, %jit3A, %sign3A_804 : i32
      %sign3A_806 = arith.extui %sign3A_805 : i1 to i32
      %sign3A_807 = arith.constant 0 : i32
      %sign3A_808 = arith.cmpi slt, %jit3A, %sign3A_807 : i32
      %sign3A_809 = arith.extui %sign3A_808 : i1 to i32
      %sign3A_810 = arith.subi %sign3A_806, %sign3A_809 : i32
      %ne3A = arith.cmpi ne, %sign3A_803, %sign3A_810 : i32
      %rem3A = arith.remsi %scan3A_797, %jit3A : i32
      %ne3A_811 = arith.constant 0 : i32
      %ne3A_812 = arith.cmpi ne, %rem3A, %ne3A_811 : i32
      %and3A = arith.andi %ne3A, %ne3A_812 : i1
      %sub3A = arith.constant 1 : i32
      %sub3A_813 = arith.subi %div3A, %sub3A : i32
      %select_n3A = arith.select %and3A, %sub3A_813, %div3A : i32
      %jit3A_814 = arith.constant 8 : i32
      %eq3A = arith.constant 0 : i32
      %eq3A_815 = arith.cmpi eq, %jit3A_814, %eq3A : i32
      %jit3A_816 = arith.constant 1 : i32
      %select_n3A_817 = arith.select %eq3A_815, %jit3A_816, %jit3A_814 : i32
      %rem3A_818 = arith.remsi %scan3A_797, %select_n3A_817 : i32
      %ne3A_819 = arith.constant 0 : i32
      %ne3A_820 = arith.cmpi ne, %rem3A_818, %ne3A_819 : i32
      %lt3A = arith.constant 0 : i32
      %lt3A_821 = arith.cmpi slt, %rem3A_818, %lt3A : i32
      %lt3A_822 = arith.constant 0 : i32
      %lt3A_823 = arith.cmpi slt, %select_n3A_817, %lt3A_822 : i32
      %ne3A_824 = arith.xori %lt3A_821, %lt3A_823 : i1
      %and3A_825 = arith.andi %ne3A_824, %ne3A_820 : i1
      %add3A_826 = arith.addi %rem3A_818, %select_n3A_817 : i32
      %select_n3A_827 = arith.select %and3A_825, %add3A_826, %rem3A_818 : i32
      %mul3A_828 = arith.constant 16 : i32
      %mul3A_829 = arith.muli %select_n3A_827, %mul3A_828 : i32
      %get3A = arith.index_cast %select_n3A : i32 to index
      %get3A_830 = arith.index_cast %mul3A_829 : i32 to index
      %get3A_831 = tpu.vector_load %arg8[%get3A, %get3A_830] {strides = array<i32>} : memref<8x128xi32, #tpu.memory_space<vmem>>, vector<16xi32>,
      %shift_right_arithmetic3A = arith.constant 7 : i32
      %shift_right_arithmetic3A_832 = vector.broadcast %shift_right_arithmetic3A : i32 to vector<16xi32>
      %shift_right_arithmetic3A_833 = arith.shrsi %get3A_831, %shift_right_arithmetic3A_832 : vector<16xi32>
      %and3A_834 = arith.constant 127 : i32
      %and3A_835 = vector.broadcast %and3A_834 : i32 to vector<16xi32>
      %and3A_836 = arith.andi %get3A_831, %and3A_835 : vector<16xi32>
      tpu.vector_store_idx %arg13[%shift_right_arithmetic3A_833, %and3A_836], %broadcast_in_dim3A_5 {add = true} : memref<80x128xf32, #tpu.memory_space<vmem>>[vector<16xi32>, vector<16xi32>], vector<16xf32>,
    }
    %scan3A_419 = arith.constant 64 : i32
    "tpu.trace_stop"() : () -> ()
    "tpu.trace_start"() <{level = 10 : i32, message = "gsloop"}> : () -> ()
    %scan3A_420 = arith.constant 0 : i32
    %scan3A_421 = arith.constant 0 : i32
    %scan3A_422 = arith.constant 3 : i32
    %scan3A_423 = arith.addi %scan3A_421, %scan3A_422 : i32
    %scan3A_424 = arith.constant 1 : i32
    scf.for %scan3A_797 = %scan3A_421 to %scan3A_423 step %scan3A_424  : i32 {
      %mul3A_798 = arith.constant 2 : i32
      %mul3A_799 = arith.muli %mul3A_798, %scan3A_797 : i32
      %dma_wait3A_800 = arith.constant 0 : i32
      %dma_wait3A_801 = arith.constant 0 : i32
      %dma_wait3A_802 = tpu.memref_slice %arg7[%dma_wait3A_800, %dma_wait3A_801] : memref<8x128xi32, #tpu.memory_space<vmem>> -> memref<1x128xi32, #tpu.memory_space<vmem>>
      %dma_wait3A_803 = tpu.memref_squeeze %dma_wait3A_802 : memref<1x128xi32, #tpu.memory_space<vmem>> -> memref<128xi32, #tpu.memory_space<vmem>>
      %dma_wait3A_804 = arith.constant 0 : i32
      %dma_wait3A_805 = arith.constant 0 : i32
      %dma_wait3A_806 = tpu.memref_slice %arg2[%dma_wait3A_804, %dma_wait3A_805] : memref<10000x128xf32, #tpu.memory_space<hbm>> -> memref<10000x128xf32, #tpu.memory_space<hbm>>
      tpu.wait_indirect_dma semaphore(%arg15 : memref<!tpu.dma_semaphore, #tpu.memory_space<semaphore_mem>>) src(%dma_wait3A_806 : memref<10000x128xf32, #tpu.memory_space<hbm>>) dst(%arg11 : memref<128x128xf32, #tpu.memory_space<vmem>>)
      "tpu.region"() ({
        %run_scoped3A_832 = tpu.sem_alloc : memref<!tpu.dma_semaphore, #tpu.memory_space<semaphore_mem>>
        %dma_start3A_833 = arith.constant 0 : i32
        %dma_start3A_834 = tpu.memref_slice %arg8[%mul3A_799, %dma_start3A_833] : memref<8x128xi32, #tpu.memory_space<vmem>> -> memref<1x128xi32, #tpu.memory_space<vmem>>
        %dma_start3A_835 = tpu.memref_squeeze %dma_start3A_834 : memref<1x128xi32, #tpu.memory_space<vmem>> -> memref<128xi32, #tpu.memory_space<vmem>>
        %dma_start3A_836 = arith.constant 0 : i32
        %dma_start3A_837 = arith.constant 0 : i32
        %dma_start3A_838 = tpu.memref_slice %arg14[%dma_start3A_836, %dma_start3A_837] : memref<10240x128xf32, #tpu.memory_space<vmem_shared>> -> memref<10240x128xf32, #tpu.memory_space<vmem_shared>>
        tpu.enqueue_indirect_dma source(%arg11 : memref<128x128xf32, #tpu.memory_space<vmem>>) target(%dma_start3A_838 : memref<10240x128xf32, #tpu.memory_space<vmem_shared>>) offsets(%dma_start3A_835 : memref<128xi32, #tpu.memory_space<vmem>>) semaphore(%run_scoped3A_832 : memref<!tpu.dma_semaphore, #tpu.memory_space<semaphore_mem>>) {add = true}
        %dma_wait3A_839 = arith.constant 0 : i32
        %dma_wait3A_840 = tpu.memref_slice %arg8[%mul3A_799, %dma_wait3A_839] : memref<8x128xi32, #tpu.memory_space<vmem>> -> memref<1x128xi32, #tpu.memory_space<vmem>>
        %dma_wait3A_841 = tpu.memref_squeeze %dma_wait3A_840 : memref<1x128xi32, #tpu.memory_space<vmem>> -> memref<128xi32, #tpu.memory_space<vmem>>
        %dma_wait3A_842 = arith.constant 0 : i32
        %dma_wait3A_843 = arith.constant 0 : i32
        %dma_wait3A_844 = tpu.memref_slice %arg14[%dma_wait3A_842, %dma_wait3A_843] : memref<10240x128xf32, #tpu.memory_space<vmem_shared>> -> memref<10240x128xf32, #tpu.memory_space<vmem_shared>>
        tpu.wait_indirect_dma semaphore(%run_scoped3A_832 : memref<!tpu.dma_semaphore, #tpu.memory_space<semaphore_mem>>) src(%arg11 : memref<128x128xf32, #tpu.memory_space<vmem>>) dst(%dma_wait3A_844 : memref<10240x128xf32, #tpu.memory_space<vmem_shared>>)
        tpu.yield
      }) : () -> ()
      %add3A_807 = arith.constant 2 : i32
      %add3A_808 = arith.addi %mul3A_799, %add3A_807 : i32
      %dma_start3A_809 = arith.constant 0 : i32
      %dma_start3A_810 = tpu.memref_slice %arg7[%add3A_808, %dma_start3A_809] : memref<8x128xi32, #tpu.memory_space<vmem>> -> memref<1x128xi32, #tpu.memory_space<vmem>>
      %dma_start3A_811 = tpu.memref_squeeze %dma_start3A_810 : memref<1x128xi32, #tpu.memory_space<vmem>> -> memref<128xi32, #tpu.memory_space<vmem>>
      %dma_start3A_812 = arith.constant 0 : i32
      %dma_start3A_813 = arith.constant 0 : i32
      %dma_start3A_814 = tpu.memref_slice %arg2[%dma_start3A_812, %dma_start3A_813] : memref<10000x128xf32, #tpu.memory_space<hbm>> -> memref<10000x128xf32, #tpu.memory_space<hbm>>
      tpu.enqueue_indirect_dma source(%dma_start3A_814 : memref<10000x128xf32, #tpu.memory_space<hbm>>) target(%arg11 : memref<128x128xf32, #tpu.memory_space<vmem>>) offsets(%dma_start3A_811 : memref<128xi32, #tpu.memory_space<vmem>>) semaphore(%arg15 : memref<!tpu.dma_semaphore, #tpu.memory_space<semaphore_mem>>)
      %dma_wait3A_815 = arith.constant 0 : i32
      %dma_wait3A_816 = arith.constant 0 : i32
      %dma_wait3A_817 = tpu.memref_slice %arg7[%dma_wait3A_815, %dma_wait3A_816] : memref<8x128xi32, #tpu.memory_space<vmem>> -> memref<1x128xi32, #tpu.memory_space<vmem>>
      %dma_wait3A_818 = tpu.memref_squeeze %dma_wait3A_817 : memref<1x128xi32, #tpu.memory_space<vmem>> -> memref<128xi32, #tpu.memory_space<vmem>>
      %dma_wait3A_819 = arith.constant 0 : i32
      %dma_wait3A_820 = arith.constant 0 : i32
      %dma_wait3A_821 = tpu.memref_slice %arg2[%dma_wait3A_819, %dma_wait3A_820] : memref<10000x128xf32, #tpu.memory_space<hbm>> -> memref<10000x128xf32, #tpu.memory_space<hbm>>
      tpu.wait_indirect_dma semaphore(%arg16 : memref<!tpu.dma_semaphore, #tpu.memory_space<semaphore_mem>>) src(%dma_wait3A_821 : memref<10000x128xf32, #tpu.memory_space<hbm>>) dst(%arg12 : memref<128x128xf32, #tpu.memory_space<vmem>>)
      %add3A_822 = arith.constant 1 : i32
      %add3A_823 = arith.addi %mul3A_799, %add3A_822 : i32
      "tpu.region"() ({
        %run_scoped3A_832 = tpu.sem_alloc : memref<!tpu.dma_semaphore, #tpu.memory_space<semaphore_mem>>
        %dma_start3A_833 = arith.constant 0 : i32
        %dma_start3A_834 = tpu.memref_slice %arg8[%add3A_823, %dma_start3A_833] : memref<8x128xi32, #tpu.memory_space<vmem>> -> memref<1x128xi32, #tpu.memory_space<vmem>>
        %dma_start3A_835 = tpu.memref_squeeze %dma_start3A_834 : memref<1x128xi32, #tpu.memory_space<vmem>> -> memref<128xi32, #tpu.memory_space<vmem>>
        %dma_start3A_836 = arith.constant 0 : i32
        %dma_start3A_837 = arith.constant 0 : i32
        %dma_start3A_838 = tpu.memref_slice %arg14[%dma_start3A_836, %dma_start3A_837] : memref<10240x128xf32, #tpu.memory_space<vmem_shared>> -> memref<10240x128xf32, #tpu.memory_space<vmem_shared>>
        tpu.enqueue_indirect_dma source(%arg12 : memref<128x128xf32, #tpu.memory_space<vmem>>) target(%dma_start3A_838 : memref<10240x128xf32, #tpu.memory_space<vmem_shared>>) offsets(%dma_start3A_835 : memref<128xi32, #tpu.memory_space<vmem>>) semaphore(%run_scoped3A_832 : memref<!tpu.dma_semaphore, #tpu.memory_space<semaphore_mem>>) {add = true}
        %dma_wait3A_839 = arith.constant 0 : i32
        %dma_wait3A_840 = tpu.memref_slice %arg8[%add3A_823, %dma_wait3A_839] : memref<8x128xi32, #tpu.memory_space<vmem>> -> memref<1x128xi32, #tpu.memory_space<vmem>>
        %dma_wait3A_841 = tpu.memref_squeeze %dma_wait3A_840 : memref<1x128xi32, #tpu.memory_space<vmem>> -> memref<128xi32, #tpu.memory_space<vmem>>
        %dma_wait3A_842 = arith.constant 0 : i32
        %dma_wait3A_843 = arith.constant 0 : i32
        %dma_wait3A_844 = tpu.memref_slice %arg14[%dma_wait3A_842, %dma_wait3A_843] : memref<10240x128xf32, #tpu.memory_space<vmem_shared>> -> memref<10240x128xf32, #tpu.memory_space<vmem_shared>>
        tpu.wait_indirect_dma semaphore(%run_scoped3A_832 : memref<!tpu.dma_semaphore, #tpu.memory_space<semaphore_mem>>) src(%arg12 : memref<128x128xf32, #tpu.memory_space<vmem>>) dst(%dma_wait3A_844 : memref<10240x128xf32, #tpu.memory_space<vmem_shared>>)
        tpu.yield
      }) : () -> ()
      %add3A_824 = arith.constant 3 : i32
      %add3A_825 = arith.addi %mul3A_799, %add3A_824 : i32
      %dma_start3A_826 = arith.constant 0 : i32
      %dma_start3A_827 = tpu.memref_slice %arg7[%add3A_825, %dma_start3A_826] : memref<8x128xi32, #tpu.memory_space<vmem>> -> memref<1x128xi32, #tpu.memory_space<vmem>>
      %dma_start3A_828 = tpu.memref_squeeze %dma_start3A_827 : memref<1x128xi32, #tpu.memory_space<vmem>> -> memref<128xi32, #tpu.memory_space<vmem>>
      %dma_start3A_829 = arith.constant 0 : i32
      %dma_start3A_830 = arith.constant 0 : i32
      %dma_start3A_831 = tpu.memref_slice %arg2[%dma_start3A_829, %dma_start3A_830] : memref<10000x128xf32, #tpu.memory_space<hbm>> -> memref<10000x128xf32, #tpu.memory_space<hbm>>
      tpu.enqueue_indirect_dma source(%dma_start3A_831 : memref<10000x128xf32, #tpu.memory_space<hbm>>) target(%arg12 : memref<128x128xf32, #tpu.memory_space<vmem>>) offsets(%dma_start3A_828 : memref<128xi32, #tpu.memory_space<vmem>>) semaphore(%arg16 : memref<!tpu.dma_semaphore, #tpu.memory_space<semaphore_mem>>)
    }
    %scan3A_425 = arith.constant 3 : i32
    %dma_wait3A_426 = arith.constant 0 : i32
    "tpu.trace_stop"() : () -> ()
    %dma_wait3A_427 = arith.constant 0 : i32
    %dma_wait3A_428 = tpu.memref_slice %arg7[%dma_wait3A_426, %dma_wait3A_427] : memref<8x128xi32, #tpu.memory_space<vmem>> -> memref<1x128xi32, #tpu.memory_space<vmem>>
    %dma_wait3A_429 = tpu.memref_squeeze %dma_wait3A_428 : memref<1x128xi32, #tpu.memory_space<vmem>> -> memref<128xi32, #tpu.memory_space<vmem>>
    %dma_wait3A_430 = arith.constant 0 : i32
    %dma_wait3A_431 = arith.constant 0 : i32
    %dma_wait3A_432 = tpu.memref_slice %arg2[%dma_wait3A_430, %dma_wait3A_431] : memref<10000x128xf32, #tpu.memory_space<hbm>> -> memref<10000x128xf32, #tpu.memory_space<hbm>>
    tpu.wait_indirect_dma semaphore(%arg15 : memref<!tpu.dma_semaphore, #tpu.memory_space<semaphore_mem>>) src(%dma_wait3A_432 : memref<10000x128xf32, #tpu.memory_space<hbm>>) dst(%arg11 : memref<128x128xf32, #tpu.memory_space<vmem>>)
    %run_scoped3A_433 = arith.constant 6 : i32
    "tpu.region"() ({
      %run_scoped3A_797 = tpu.sem_alloc : memref<!tpu.dma_semaphore, #tpu.memory_space<semaphore_mem>>
      %dma_start3A_798 = arith.constant 0 : i32
      %dma_start3A_799 = tpu.memref_slice %arg8[%run_scoped3A_433, %dma_start3A_798] : memref<8x128xi32, #tpu.memory_space<vmem>> -> memref<1x128xi32, #tpu.memory_space<vmem>>
      %dma_start3A_800 = tpu.memref_squeeze %dma_start3A_799 : memref<1x128xi32, #tpu.memory_space<vmem>> -> memref<128xi32, #tpu.memory_space<vmem>>
      %dma_start3A_801 = arith.constant 0 : i32
      %dma_start3A_802 = arith.constant 0 : i32
      %dma_start3A_803 = tpu.memref_slice %arg14[%dma_start3A_801, %dma_start3A_802] : memref<10240x128xf32, #tpu.memory_space<vmem_shared>> -> memref<10240x128xf32, #tpu.memory_space<vmem_shared>>
      tpu.enqueue_indirect_dma source(%arg11 : memref<128x128xf32, #tpu.memory_space<vmem>>) target(%dma_start3A_803 : memref<10240x128xf32, #tpu.memory_space<vmem_shared>>) offsets(%dma_start3A_800 : memref<128xi32, #tpu.memory_space<vmem>>) semaphore(%run_scoped3A_797 : memref<!tpu.dma_semaphore, #tpu.memory_space<semaphore_mem>>) {add = true}
      %dma_wait3A_804 = arith.constant 0 : i32
      %dma_wait3A_805 = tpu.memref_slice %arg8[%run_scoped3A_433, %dma_wait3A_804] : memref<8x128xi32, #tpu.memory_space<vmem>> -> memref<1x128xi32, #tpu.memory_space<vmem>>
      %dma_wait3A_806 = tpu.memref_squeeze %dma_wait3A_805 : memref<1x128xi32, #tpu.memory_space<vmem>> -> memref<128xi32, #tpu.memory_space<vmem>>
      %dma_wait3A_807 = arith.constant 0 : i32
      %dma_wait3A_808 = arith.constant 0 : i32
      %dma_wait3A_809 = tpu.memref_slice %arg14[%dma_wait3A_807, %dma_wait3A_808] : memref<10240x128xf32, #tpu.memory_space<vmem_shared>> -> memref<10240x128xf32, #tpu.memory_space<vmem_shared>>
      tpu.wait_indirect_dma semaphore(%run_scoped3A_797 : memref<!tpu.dma_semaphore, #tpu.memory_space<semaphore_mem>>) src(%arg11 : memref<128x128xf32, #tpu.memory_space<vmem>>) dst(%dma_wait3A_809 : memref<10240x128xf32, #tpu.memory_space<vmem_shared>>)
      tpu.yield
    }) : () -> ()
    %dma_wait3A_434 = arith.constant 0 : i32
    %dma_wait3A_435 = arith.constant 0 : i32
    %dma_wait3A_436 = tpu.memref_slice %arg3[%add3A, %dma_wait3A_434, %dma_wait3A_435] : memref<32x80x128xi32, #tpu.memory_space<hbm>> -> memref<1x8x128xi32, #tpu.memory_space<hbm>>
    %dma_wait3A_437 = tpu.memref_squeeze %dma_wait3A_436 : memref<1x8x128xi32, #tpu.memory_space<hbm>> -> memref<8x128xi32, #tpu.memory_space<hbm>>
    %dma_wait3A_438 = arith.constant 0 : i32
    %dma_wait3A_439 = arith.constant 0 : i32
    %dma_wait3A_440 = tpu.memref_slice %arg3[%add3A, %dma_wait3A_438, %dma_wait3A_439] : memref<32x80x128xi32, #tpu.memory_space<hbm>> -> memref<1x8x128xi32, #tpu.memory_space<hbm>>
    %dma_wait3A_441 = tpu.memref_squeeze %dma_wait3A_440 : memref<1x8x128xi32, #tpu.memory_space<hbm>> -> memref<8x128xi32, #tpu.memory_space<hbm>>
    tpu.wait_dma2 semaphore(%arg17 : memref<!tpu.dma_semaphore, #tpu.memory_space<semaphore_mem>>) src(%dma_wait3A_441 : memref<8x128xi32, #tpu.memory_space<hbm>>) dst(%arg9 : memref<8x128xi32, #tpu.memory_space<vmem>>)
    %dma_wait3A_442 = arith.constant 0 : i32
    %dma_wait3A_443 = arith.constant 0 : i32
    %dma_wait3A_444 = tpu.memref_slice %arg3[%add3A, %dma_wait3A_442, %dma_wait3A_443] : memref<32x80x128xi32, #tpu.memory_space<hbm>> -> memref<1x8x128xi32, #tpu.memory_space<hbm>>
    %dma_wait3A_445 = tpu.memref_squeeze %dma_wait3A_444 : memref<1x8x128xi32, #tpu.memory_space<hbm>> -> memref<8x128xi32, #tpu.memory_space<hbm>>
    %dma_wait3A_446 = arith.constant 0 : i32
    %dma_wait3A_447 = arith.constant 0 : i32
    %dma_wait3A_448 = tpu.memref_slice %arg3[%add3A, %dma_wait3A_446, %dma_wait3A_447] : memref<32x80x128xi32, #tpu.memory_space<hbm>> -> memref<1x8x128xi32, #tpu.memory_space<hbm>>
    %dma_wait3A_449 = tpu.memref_squeeze %dma_wait3A_448 : memref<1x8x128xi32, #tpu.memory_space<hbm>> -> memref<8x128xi32, #tpu.memory_space<hbm>>
    tpu.wait_dma2 semaphore(%arg17 : memref<!tpu.dma_semaphore, #tpu.memory_space<semaphore_mem>>) src(%dma_wait3A_449 : memref<8x128xi32, #tpu.memory_space<hbm>>) dst(%arg10 : memref<8x128xi32, #tpu.memory_space<vmem>>)
    %dma_start3A_450 = arith.constant 0 : i32
    %dma_start3A_451 = arith.constant 0 : i32
    %dma_start3A_452 = tpu.memref_slice %arg9[%dma_start3A_450, %dma_start3A_451] : memref<8x128xi32, #tpu.memory_space<vmem>> -> memref<1x128xi32, #tpu.memory_space<vmem>>
    %dma_start3A_453 = tpu.memref_squeeze %dma_start3A_452 : memref<1x128xi32, #tpu.memory_space<vmem>> -> memref<128xi32, #tpu.memory_space<vmem>>
    %dma_start3A_454 = arith.constant 0 : i32
    %dma_start3A_455 = arith.constant 0 : i32
    %dma_start3A_456 = tpu.memref_slice %arg2[%dma_start3A_454, %dma_start3A_455] : memref<10000x128xf32, #tpu.memory_space<hbm>> -> memref<10000x128xf32, #tpu.memory_space<hbm>>
    tpu.enqueue_indirect_dma source(%dma_start3A_456 : memref<10000x128xf32, #tpu.memory_space<hbm>>) target(%arg11 : memref<128x128xf32, #tpu.memory_space<vmem>>) offsets(%dma_start3A_453 : memref<128xi32, #tpu.memory_space<vmem>>) semaphore(%arg15 : memref<!tpu.dma_semaphore, #tpu.memory_space<semaphore_mem>>)
    %dma_wait3A_457 = arith.constant 0 : i32
    %dma_wait3A_458 = arith.constant 0 : i32
    %dma_wait3A_459 = tpu.memref_slice %arg7[%dma_wait3A_457, %dma_wait3A_458] : memref<8x128xi32, #tpu.memory_space<vmem>> -> memref<1x128xi32, #tpu.memory_space<vmem>>
    %dma_wait3A_460 = tpu.memref_squeeze %dma_wait3A_459 : memref<1x128xi32, #tpu.memory_space<vmem>> -> memref<128xi32, #tpu.memory_space<vmem>>
    %dma_wait3A_461 = arith.constant 0 : i32
    %dma_wait3A_462 = arith.constant 0 : i32
    %dma_wait3A_463 = tpu.memref_slice %arg2[%dma_wait3A_461, %dma_wait3A_462] : memref<10000x128xf32, #tpu.memory_space<hbm>> -> memref<10000x128xf32, #tpu.memory_space<hbm>>
    tpu.wait_indirect_dma semaphore(%arg16 : memref<!tpu.dma_semaphore, #tpu.memory_space<semaphore_mem>>) src(%dma_wait3A_463 : memref<10000x128xf32, #tpu.memory_space<hbm>>) dst(%arg12 : memref<128x128xf32, #tpu.memory_space<vmem>>)
    %run_scoped3A_464 = arith.constant 7 : i32
    "tpu.region"() ({
      %run_scoped3A_797 = tpu.sem_alloc : memref<!tpu.dma_semaphore, #tpu.memory_space<semaphore_mem>>
      %dma_start3A_798 = arith.constant 0 : i32
      %dma_start3A_799 = tpu.memref_slice %arg8[%run_scoped3A_464, %dma_start3A_798] : memref<8x128xi32, #tpu.memory_space<vmem>> -> memref<1x128xi32, #tpu.memory_space<vmem>>
      %dma_start3A_800 = tpu.memref_squeeze %dma_start3A_799 : memref<1x128xi32, #tpu.memory_space<vmem>> -> memref<128xi32, #tpu.memory_space<vmem>>
      %dma_start3A_801 = arith.constant 0 : i32
      %dma_start3A_802 = arith.constant 0 : i32
      %dma_start3A_803 = tpu.memref_slice %arg14[%dma_start3A_801, %dma_start3A_802] : memref<10240x128xf32, #tpu.memory_space<vmem_shared>> -> memref<10240x128xf32, #tpu.memory_space<vmem_shared>>
      tpu.enqueue_indirect_dma source(%arg12 : memref<128x128xf32, #tpu.memory_space<vmem>>) target(%dma_start3A_803 : memref<10240x128xf32, #tpu.memory_space<vmem_shared>>) offsets(%dma_start3A_800 : memref<128xi32, #tpu.memory_space<vmem>>) semaphore(%run_scoped3A_797 : memref<!tpu.dma_semaphore, #tpu.memory_space<semaphore_mem>>) {add = true}
      %dma_wait3A_804 = arith.constant 0 : i32
      %dma_wait3A_805 = tpu.memref_slice %arg8[%run_scoped3A_464, %dma_wait3A_804] : memref<8x128xi32, #tpu.memory_space<vmem>> -> memref<1x128xi32, #tpu.memory_space<vmem>>
      %dma_wait3A_806 = tpu.memref_squeeze %dma_wait3A_805 : memref<1x128xi32, #tpu.memory_space<vmem>> -> memref<128xi32, #tpu.memory_space<vmem>>
      %dma_wait3A_807 = arith.constant 0 : i32
      %dma_wait3A_808 = arith.constant 0 : i32
      %dma_wait3A_809 = tpu.memref_slice %arg14[%dma_wait3A_807, %dma_wait3A_808] : memref<10240x128xf32, #tpu.memory_space<vmem_shared>> -> memref<10240x128xf32, #tpu.memory_space<vmem_shared>>
      tpu.wait_indirect_dma semaphore(%run_scoped3A_797 : memref<!tpu.dma_semaphore, #tpu.memory_space<semaphore_mem>>) src(%arg12 : memref<128x128xf32, #tpu.memory_space<vmem>>) dst(%dma_wait3A_809 : memref<10240x128xf32, #tpu.memory_space<vmem_shared>>)
      tpu.yield
    }) : () -> ()
    %dma_start3A_465 = arith.constant 1 : i32
    %dma_start3A_466 = arith.constant 0 : i32
    %dma_start3A_467 = tpu.memref_slice %arg9[%dma_start3A_465, %dma_start3A_466] : memref<8x128xi32, #tpu.memory_space<vmem>> -> memref<1x128xi32, #tpu.memory_space<vmem>>
    %dma_start3A_468 = tpu.memref_squeeze %dma_start3A_467 : memref<1x128xi32, #tpu.memory_space<vmem>> -> memref<128xi32, #tpu.memory_space<vmem>>
    %dma_start3A_469 = arith.constant 0 : i32
    %dma_start3A_470 = arith.constant 0 : i32
    %dma_start3A_471 = tpu.memref_slice %arg2[%dma_start3A_469, %dma_start3A_470] : memref<10000x128xf32, #tpu.memory_space<hbm>> -> memref<10000x128xf32, #tpu.memory_space<hbm>>
    tpu.enqueue_indirect_dma source(%dma_start3A_471 : memref<10000x128xf32, #tpu.memory_space<hbm>>) target(%arg12 : memref<128x128xf32, #tpu.memory_space<vmem>>) offsets(%dma_start3A_468 : memref<128xi32, #tpu.memory_space<vmem>>) semaphore(%arg16 : memref<!tpu.dma_semaphore, #tpu.memory_space<semaphore_mem>>)
    %dma_start3A_472 = arith.constant 48 : i32
    %dma_start3A_473 = arith.constant 0 : i32
    %dma_start3A_474 = tpu.memref_slice %arg3[%add3A, %dma_start3A_472, %dma_start3A_473] : memref<32x80x128xi32, #tpu.memory_space<hbm>> -> memref<1x8x128xi32, #tpu.memory_space<hbm>>
    %dma_start3A_475 = tpu.memref_squeeze %dma_start3A_474 : memref<1x8x128xi32, #tpu.memory_space<hbm>> -> memref<8x128xi32, #tpu.memory_space<hbm>>
    %dma_start3A_476 = arith.constant 48 : i32
    %dma_start3A_477 = arith.constant 0 : i32
    %dma_start3A_478 = tpu.memref_slice %arg3[%add3A, %dma_start3A_476, %dma_start3A_477] : memref<32x80x128xi32, #tpu.memory_space<hbm>> -> memref<1x8x128xi32, #tpu.memory_space<hbm>>
    %dma_start3A_479 = tpu.memref_squeeze %dma_start3A_478 : memref<1x8x128xi32, #tpu.memory_space<hbm>> -> memref<8x128xi32, #tpu.memory_space<hbm>>
    tpu.enqueue_dma source(%dma_start3A_479 : memref<8x128xi32, #tpu.memory_space<hbm>>) target(%arg7 : memref<8x128xi32, #tpu.memory_space<vmem>>) target_semaphore(%arg17 : memref<!tpu.dma_semaphore, #tpu.memory_space<semaphore_mem>>)
    %dma_start3A_480 = arith.constant 48 : i32
    %dma_start3A_481 = arith.constant 0 : i32
    %dma_start3A_482 = tpu.memref_slice %arg4[%add3A, %dma_start3A_480, %dma_start3A_481] : memref<32x80x128xi32, #tpu.memory_space<hbm>> -> memref<1x8x128xi32, #tpu.memory_space<hbm>>
    %dma_start3A_483 = tpu.memref_squeeze %dma_start3A_482 : memref<1x8x128xi32, #tpu.memory_space<hbm>> -> memref<8x128xi32, #tpu.memory_space<hbm>>
    %dma_start3A_484 = arith.constant 48 : i32
    %dma_start3A_485 = arith.constant 0 : i32
    %dma_start3A_486 = tpu.memref_slice %arg4[%add3A, %dma_start3A_484, %dma_start3A_485] : memref<32x80x128xi32, #tpu.memory_space<hbm>> -> memref<1x8x128xi32, #tpu.memory_space<hbm>>
    %dma_start3A_487 = tpu.memref_squeeze %dma_start3A_486 : memref<1x8x128xi32, #tpu.memory_space<hbm>> -> memref<8x128xi32, #tpu.memory_space<hbm>>
    tpu.enqueue_dma source(%dma_start3A_487 : memref<8x128xi32, #tpu.memory_space<hbm>>) target(%arg8 : memref<8x128xi32, #tpu.memory_space<vmem>>) target_semaphore(%arg17 : memref<!tpu.dma_semaphore, #tpu.memory_space<semaphore_mem>>)
    "tpu.trace_start"() <{level = 10 : i32, message = "degloop"}> : () -> ()
    %scan3A_488 = arith.constant 0 : i32
    %scan3A_489 = arith.constant 0 : i32
    %scan3A_490 = arith.constant 64 : i32
    %scan3A_491 = arith.addi %scan3A_489, %scan3A_490 : i32
    %scan3A_492 = arith.constant 1 : i32
    scf.for %scan3A_797 = %scan3A_489 to %scan3A_491 step %scan3A_492  : i32 {
      %jit3A = arith.constant 8 : i32
      %div3A = arith.divsi %scan3A_797, %jit3A : i32
      %sign3A = arith.constant 0 : i32
      %sign3A_798 = arith.cmpi sgt, %scan3A_797, %sign3A : i32
      %sign3A_799 = arith.extui %sign3A_798 : i1 to i32
      %sign3A_800 = arith.constant 0 : i32
      %sign3A_801 = arith.cmpi slt, %scan3A_797, %sign3A_800 : i32
      %sign3A_802 = arith.extui %sign3A_801 : i1 to i32
      %sign3A_803 = arith.subi %sign3A_799, %sign3A_802 : i32
      %sign3A_804 = arith.constant 0 : i32
      %sign3A_805 = arith.cmpi sgt, %jit3A, %sign3A_804 : i32
      %sign3A_806 = arith.extui %sign3A_805 : i1 to i32
      %sign3A_807 = arith.constant 0 : i32
      %sign3A_808 = arith.cmpi slt, %jit3A, %sign3A_807 : i32
      %sign3A_809 = arith.extui %sign3A_808 : i1 to i32
      %sign3A_810 = arith.subi %sign3A_806, %sign3A_809 : i32
      %ne3A = arith.cmpi ne, %sign3A_803, %sign3A_810 : i32
      %rem3A = arith.remsi %scan3A_797, %jit3A : i32
      %ne3A_811 = arith.constant 0 : i32
      %ne3A_812 = arith.cmpi ne, %rem3A, %ne3A_811 : i32
      %and3A = arith.andi %ne3A, %ne3A_812 : i1
      %sub3A = arith.constant 1 : i32
      %sub3A_813 = arith.subi %div3A, %sub3A : i32
      %select_n3A = arith.select %and3A, %sub3A_813, %div3A : i32
      %jit3A_814 = arith.constant 8 : i32
      %eq3A = arith.constant 0 : i32
      %eq3A_815 = arith.cmpi eq, %jit3A_814, %eq3A : i32
      %jit3A_816 = arith.constant 1 : i32
      %select_n3A_817 = arith.select %eq3A_815, %jit3A_816, %jit3A_814 : i32
      %rem3A_818 = arith.remsi %scan3A_797, %select_n3A_817 : i32
      %ne3A_819 = arith.constant 0 : i32
      %ne3A_820 = arith.cmpi ne, %rem3A_818, %ne3A_819 : i32
      %lt3A = arith.constant 0 : i32
      %lt3A_821 = arith.cmpi slt, %rem3A_818, %lt3A : i32
      %lt3A_822 = arith.constant 0 : i32
      %lt3A_823 = arith.cmpi slt, %select_n3A_817, %lt3A_822 : i32
      %ne3A_824 = arith.xori %lt3A_821, %lt3A_823 : i1
      %and3A_825 = arith.andi %ne3A_824, %ne3A_820 : i1
      %add3A_826 = arith.addi %rem3A_818, %select_n3A_817 : i32
      %select_n3A_827 = arith.select %and3A_825, %add3A_826, %rem3A_818 : i32
      %mul3A_828 = arith.constant 16 : i32
      %mul3A_829 = arith.muli %select_n3A_827, %mul3A_828 : i32
      %get3A = arith.index_cast %select_n3A : i32 to index
      %get3A_830 = arith.index_cast %mul3A_829 : i32 to index
      %get3A_831 = tpu.vector_load %arg10[%get3A, %get3A_830] {strides = array<i32>} : memref<8x128xi32, #tpu.memory_space<vmem>>, vector<16xi32>,
      %shift_right_arithmetic3A = arith.constant 7 : i32
      %shift_right_arithmetic3A_832 = vector.broadcast %shift_right_arithmetic3A : i32 to vector<16xi32>
      %shift_right_arithmetic3A_833 = arith.shrsi %get3A_831, %shift_right_arithmetic3A_832 : vector<16xi32>
      %and3A_834 = arith.constant 127 : i32
      %and3A_835 = vector.broadcast %and3A_834 : i32 to vector<16xi32>
      %and3A_836 = arith.andi %get3A_831, %and3A_835 : vector<16xi32>
      tpu.vector_store_idx %arg13[%shift_right_arithmetic3A_833, %and3A_836], %broadcast_in_dim3A_5 {add = true} : memref<80x128xf32, #tpu.memory_space<vmem>>[vector<16xi32>, vector<16xi32>], vector<16xf32>,
    }
    %scan3A_493 = arith.constant 64 : i32
    "tpu.trace_stop"() : () -> ()
    "tpu.trace_start"() <{level = 10 : i32, message = "gsloop"}> : () -> ()
    %scan3A_494 = arith.constant 0 : i32
    %scan3A_495 = arith.constant 0 : i32
    %scan3A_496 = arith.constant 3 : i32
    %scan3A_497 = arith.addi %scan3A_495, %scan3A_496 : i32
    %scan3A_498 = arith.constant 1 : i32
    scf.for %scan3A_797 = %scan3A_495 to %scan3A_497 step %scan3A_498  : i32 {
      %mul3A_798 = arith.constant 2 : i32
      %mul3A_799 = arith.muli %mul3A_798, %scan3A_797 : i32
      %dma_wait3A_800 = arith.constant 0 : i32
      %dma_wait3A_801 = arith.constant 0 : i32
      %dma_wait3A_802 = tpu.memref_slice %arg7[%dma_wait3A_800, %dma_wait3A_801] : memref<8x128xi32, #tpu.memory_space<vmem>> -> memref<1x128xi32, #tpu.memory_space<vmem>>
      %dma_wait3A_803 = tpu.memref_squeeze %dma_wait3A_802 : memref<1x128xi32, #tpu.memory_space<vmem>> -> memref<128xi32, #tpu.memory_space<vmem>>
      %dma_wait3A_804 = arith.constant 0 : i32
      %dma_wait3A_805 = arith.constant 0 : i32
      %dma_wait3A_806 = tpu.memref_slice %arg2[%dma_wait3A_804, %dma_wait3A_805] : memref<10000x128xf32, #tpu.memory_space<hbm>> -> memref<10000x128xf32, #tpu.memory_space<hbm>>
      tpu.wait_indirect_dma semaphore(%arg15 : memref<!tpu.dma_semaphore, #tpu.memory_space<semaphore_mem>>) src(%dma_wait3A_806 : memref<10000x128xf32, #tpu.memory_space<hbm>>) dst(%arg11 : memref<128x128xf32, #tpu.memory_space<vmem>>)
      "tpu.region"() ({
        %run_scoped3A_832 = tpu.sem_alloc : memref<!tpu.dma_semaphore, #tpu.memory_space<semaphore_mem>>
        %dma_start3A_833 = arith.constant 0 : i32
        %dma_start3A_834 = tpu.memref_slice %arg10[%mul3A_799, %dma_start3A_833] : memref<8x128xi32, #tpu.memory_space<vmem>> -> memref<1x128xi32, #tpu.memory_space<vmem>>
        %dma_start3A_835 = tpu.memref_squeeze %dma_start3A_834 : memref<1x128xi32, #tpu.memory_space<vmem>> -> memref<128xi32, #tpu.memory_space<vmem>>
        %dma_start3A_836 = arith.constant 0 : i32
        %dma_start3A_837 = arith.constant 0 : i32
        %dma_start3A_838 = tpu.memref_slice %arg14[%dma_start3A_836, %dma_start3A_837] : memref<10240x128xf32, #tpu.memory_space<vmem_shared>> -> memref<10240x128xf32, #tpu.memory_space<vmem_shared>>
        tpu.enqueue_indirect_dma source(%arg11 : memref<128x128xf32, #tpu.memory_space<vmem>>) target(%dma_start3A_838 : memref<10240x128xf32, #tpu.memory_space<vmem_shared>>) offsets(%dma_start3A_835 : memref<128xi32, #tpu.memory_space<vmem>>) semaphore(%run_scoped3A_832 : memref<!tpu.dma_semaphore, #tpu.memory_space<semaphore_mem>>) {add = true}
        %dma_wait3A_839 = arith.constant 0 : i32
        %dma_wait3A_840 = tpu.memref_slice %arg10[%mul3A_799, %dma_wait3A_839] : memref<8x128xi32, #tpu.memory_space<vmem>> -> memref<1x128xi32, #tpu.memory_space<vmem>>
        %dma_wait3A_841 = tpu.memref_squeeze %dma_wait3A_840 : memref<1x128xi32, #tpu.memory_space<vmem>> -> memref<128xi32, #tpu.memory_space<vmem>>
        %dma_wait3A_842 = arith.constant 0 : i32
        %dma_wait3A_843 = arith.constant 0 : i32
        %dma_wait3A_844 = tpu.memref_slice %arg14[%dma_wait3A_842, %dma_wait3A_843] : memref<10240x128xf32, #tpu.memory_space<vmem_shared>> -> memref<10240x128xf32, #tpu.memory_space<vmem_shared>>
        tpu.wait_indirect_dma semaphore(%run_scoped3A_832 : memref<!tpu.dma_semaphore, #tpu.memory_space<semaphore_mem>>) src(%arg11 : memref<128x128xf32, #tpu.memory_space<vmem>>) dst(%dma_wait3A_844 : memref<10240x128xf32, #tpu.memory_space<vmem_shared>>)
        tpu.yield
      }) : () -> ()
      %add3A_807 = arith.constant 2 : i32
      %add3A_808 = arith.addi %mul3A_799, %add3A_807 : i32
      %dma_start3A_809 = arith.constant 0 : i32
      %dma_start3A_810 = tpu.memref_slice %arg9[%add3A_808, %dma_start3A_809] : memref<8x128xi32, #tpu.memory_space<vmem>> -> memref<1x128xi32, #tpu.memory_space<vmem>>
      %dma_start3A_811 = tpu.memref_squeeze %dma_start3A_810 : memref<1x128xi32, #tpu.memory_space<vmem>> -> memref<128xi32, #tpu.memory_space<vmem>>
      %dma_start3A_812 = arith.constant 0 : i32
      %dma_start3A_813 = arith.constant 0 : i32
      %dma_start3A_814 = tpu.memref_slice %arg2[%dma_start3A_812, %dma_start3A_813] : memref<10000x128xf32, #tpu.memory_space<hbm>> -> memref<10000x128xf32, #tpu.memory_space<hbm>>
      tpu.enqueue_indirect_dma source(%dma_start3A_814 : memref<10000x128xf32, #tpu.memory_space<hbm>>) target(%arg11 : memref<128x128xf32, #tpu.memory_space<vmem>>) offsets(%dma_start3A_811 : memref<128xi32, #tpu.memory_space<vmem>>) semaphore(%arg15 : memref<!tpu.dma_semaphore, #tpu.memory_space<semaphore_mem>>)
      %dma_wait3A_815 = arith.constant 0 : i32
      %dma_wait3A_816 = arith.constant 0 : i32
      %dma_wait3A_817 = tpu.memref_slice %arg7[%dma_wait3A_815, %dma_wait3A_816] : memref<8x128xi32, #tpu.memory_space<vmem>> -> memref<1x128xi32, #tpu.memory_space<vmem>>
      %dma_wait3A_818 = tpu.memref_squeeze %dma_wait3A_817 : memref<1x128xi32, #tpu.memory_space<vmem>> -> memref<128xi32, #tpu.memory_space<vmem>>
      %dma_wait3A_819 = arith.constant 0 : i32
      %dma_wait3A_820 = arith.constant 0 : i32
      %dma_wait3A_821 = tpu.memref_slice %arg2[%dma_wait3A_819, %dma_wait3A_820] : memref<10000x128xf32, #tpu.memory_space<hbm>> -> memref<10000x128xf32, #tpu.memory_space<hbm>>
      tpu.wait_indirect_dma semaphore(%arg16 : memref<!tpu.dma_semaphore, #tpu.memory_space<semaphore_mem>>) src(%dma_wait3A_821 : memref<10000x128xf32, #tpu.memory_space<hbm>>) dst(%arg12 : memref<128x128xf32, #tpu.memory_space<vmem>>)
      %add3A_822 = arith.constant 1 : i32
      %add3A_823 = arith.addi %mul3A_799, %add3A_822 : i32
      "tpu.region"() ({
        %run_scoped3A_832 = tpu.sem_alloc : memref<!tpu.dma_semaphore, #tpu.memory_space<semaphore_mem>>
        %dma_start3A_833 = arith.constant 0 : i32
        %dma_start3A_834 = tpu.memref_slice %arg10[%add3A_823, %dma_start3A_833] : memref<8x128xi32, #tpu.memory_space<vmem>> -> memref<1x128xi32, #tpu.memory_space<vmem>>
        %dma_start3A_835 = tpu.memref_squeeze %dma_start3A_834 : memref<1x128xi32, #tpu.memory_space<vmem>> -> memref<128xi32, #tpu.memory_space<vmem>>
        %dma_start3A_836 = arith.constant 0 : i32
        %dma_start3A_837 = arith.constant 0 : i32
        %dma_start3A_838 = tpu.memref_slice %arg14[%dma_start3A_836, %dma_start3A_837] : memref<10240x128xf32, #tpu.memory_space<vmem_shared>> -> memref<10240x128xf32, #tpu.memory_space<vmem_shared>>
        tpu.enqueue_indirect_dma source(%arg12 : memref<128x128xf32, #tpu.memory_space<vmem>>) target(%dma_start3A_838 : memref<10240x128xf32, #tpu.memory_space<vmem_shared>>) offsets(%dma_start3A_835 : memref<128xi32, #tpu.memory_space<vmem>>) semaphore(%run_scoped3A_832 : memref<!tpu.dma_semaphore, #tpu.memory_space<semaphore_mem>>) {add = true}
        %dma_wait3A_839 = arith.constant 0 : i32
        %dma_wait3A_840 = tpu.memref_slice %arg10[%add3A_823, %dma_wait3A_839] : memref<8x128xi32, #tpu.memory_space<vmem>> -> memref<1x128xi32, #tpu.memory_space<vmem>>
        %dma_wait3A_841 = tpu.memref_squeeze %dma_wait3A_840 : memref<1x128xi32, #tpu.memory_space<vmem>> -> memref<128xi32, #tpu.memory_space<vmem>>
        %dma_wait3A_842 = arith.constant 0 : i32
        %dma_wait3A_843 = arith.constant 0 : i32
        %dma_wait3A_844 = tpu.memref_slice %arg14[%dma_wait3A_842, %dma_wait3A_843] : memref<10240x128xf32, #tpu.memory_space<vmem_shared>> -> memref<10240x128xf32, #tpu.memory_space<vmem_shared>>
        tpu.wait_indirect_dma semaphore(%run_scoped3A_832 : memref<!tpu.dma_semaphore, #tpu.memory_space<semaphore_mem>>) src(%arg12 : memref<128x128xf32, #tpu.memory_space<vmem>>) dst(%dma_wait3A_844 : memref<10240x128xf32, #tpu.memory_space<vmem_shared>>)
        tpu.yield
      }) : () -> ()
      %add3A_824 = arith.constant 3 : i32
      %add3A_825 = arith.addi %mul3A_799, %add3A_824 : i32
      %dma_start3A_826 = arith.constant 0 : i32
      %dma_start3A_827 = tpu.memref_slice %arg9[%add3A_825, %dma_start3A_826] : memref<8x128xi32, #tpu.memory_space<vmem>> -> memref<1x128xi32, #tpu.memory_space<vmem>>
      %dma_start3A_828 = tpu.memref_squeeze %dma_start3A_827 : memref<1x128xi32, #tpu.memory_space<vmem>> -> memref<128xi32, #tpu.memory_space<vmem>>
      %dma_start3A_829 = arith.constant 0 : i32
      %dma_start3A_830 = arith.constant 0 : i32
      %dma_start3A_831 = tpu.memref_slice %arg2[%dma_start3A_829, %dma_start3A_830] : memref<10000x128xf32, #tpu.memory_space<hbm>> -> memref<10000x128xf32, #tpu.memory_space<hbm>>
      tpu.enqueue_indirect_dma source(%dma_start3A_831 : memref<10000x128xf32, #tpu.memory_space<hbm>>) target(%arg12 : memref<128x128xf32, #tpu.memory_space<vmem>>) offsets(%dma_start3A_828 : memref<128xi32, #tpu.memory_space<vmem>>) semaphore(%arg16 : memref<!tpu.dma_semaphore, #tpu.memory_space<semaphore_mem>>)
    }
    %scan3A_499 = arith.constant 3 : i32
    %dma_wait3A_500 = arith.constant 0 : i32
    "tpu.trace_stop"() : () -> ()
    %dma_wait3A_501 = arith.constant 0 : i32
    %dma_wait3A_502 = tpu.memref_slice %arg7[%dma_wait3A_500, %dma_wait3A_501] : memref<8x128xi32, #tpu.memory_space<vmem>> -> memref<1x128xi32, #tpu.memory_space<vmem>>
    %dma_wait3A_503 = tpu.memref_squeeze %dma_wait3A_502 : memref<1x128xi32, #tpu.memory_space<vmem>> -> memref<128xi32, #tpu.memory_space<vmem>>
    %dma_wait3A_504 = arith.constant 0 : i32
    %dma_wait3A_505 = arith.constant 0 : i32
    %dma_wait3A_506 = tpu.memref_slice %arg2[%dma_wait3A_504, %dma_wait3A_505] : memref<10000x128xf32, #tpu.memory_space<hbm>> -> memref<10000x128xf32, #tpu.memory_space<hbm>>
    tpu.wait_indirect_dma semaphore(%arg15 : memref<!tpu.dma_semaphore, #tpu.memory_space<semaphore_mem>>) src(%dma_wait3A_506 : memref<10000x128xf32, #tpu.memory_space<hbm>>) dst(%arg11 : memref<128x128xf32, #tpu.memory_space<vmem>>)
    %run_scoped3A_507 = arith.constant 6 : i32
    "tpu.region"() ({
      %run_scoped3A_797 = tpu.sem_alloc : memref<!tpu.dma_semaphore, #tpu.memory_space<semaphore_mem>>
      %dma_start3A_798 = arith.constant 0 : i32
      %dma_start3A_799 = tpu.memref_slice %arg10[%run_scoped3A_507, %dma_start3A_798] : memref<8x128xi32, #tpu.memory_space<vmem>> -> memref<1x128xi32, #tpu.memory_space<vmem>>
      %dma_start3A_800 = tpu.memref_squeeze %dma_start3A_799 : memref<1x128xi32, #tpu.memory_space<vmem>> -> memref<128xi32, #tpu.memory_space<vmem>>
      %dma_start3A_801 = arith.constant 0 : i32
      %dma_start3A_802 = arith.constant 0 : i32
      %dma_start3A_803 = tpu.memref_slice %arg14[%dma_start3A_801, %dma_start3A_802] : memref<10240x128xf32, #tpu.memory_space<vmem_shared>> -> memref<10240x128xf32, #tpu.memory_space<vmem_shared>>
      tpu.enqueue_indirect_dma source(%arg11 : memref<128x128xf32, #tpu.memory_space<vmem>>) target(%dma_start3A_803 : memref<10240x128xf32, #tpu.memory_space<vmem_shared>>) offsets(%dma_start3A_800 : memref<128xi32, #tpu.memory_space<vmem>>) semaphore(%run_scoped3A_797 : memref<!tpu.dma_semaphore, #tpu.memory_space<semaphore_mem>>) {add = true}
      %dma_wait3A_804 = arith.constant 0 : i32
      %dma_wait3A_805 = tpu.memref_slice %arg10[%run_scoped3A_507, %dma_wait3A_804] : memref<8x128xi32, #tpu.memory_space<vmem>> -> memref<1x128xi32, #tpu.memory_space<vmem>>
      %dma_wait3A_806 = tpu.memref_squeeze %dma_wait3A_805 : memref<1x128xi32, #tpu.memory_space<vmem>> -> memref<128xi32, #tpu.memory_space<vmem>>
      %dma_wait3A_807 = arith.constant 0 : i32
      %dma_wait3A_808 = arith.constant 0 : i32
      %dma_wait3A_809 = tpu.memref_slice %arg14[%dma_wait3A_807, %dma_wait3A_808] : memref<10240x128xf32, #tpu.memory_space<vmem_shared>> -> memref<10240x128xf32, #tpu.memory_space<vmem_shared>>
      tpu.wait_indirect_dma semaphore(%run_scoped3A_797 : memref<!tpu.dma_semaphore, #tpu.memory_space<semaphore_mem>>) src(%arg11 : memref<128x128xf32, #tpu.memory_space<vmem>>) dst(%dma_wait3A_809 : memref<10240x128xf32, #tpu.memory_space<vmem_shared>>)
      tpu.yield
    }) : () -> ()
    %dma_wait3A_508 = arith.constant 0 : i32
    %dma_wait3A_509 = arith.constant 0 : i32
    %dma_wait3A_510 = tpu.memref_slice %arg3[%add3A, %dma_wait3A_508, %dma_wait3A_509] : memref<32x80x128xi32, #tpu.memory_space<hbm>> -> memref<1x8x128xi32, #tpu.memory_space<hbm>>
    %dma_wait3A_511 = tpu.memref_squeeze %dma_wait3A_510 : memref<1x8x128xi32, #tpu.memory_space<hbm>> -> memref<8x128xi32, #tpu.memory_space<hbm>>
    %dma_wait3A_512 = arith.constant 0 : i32
    %dma_wait3A_513 = arith.constant 0 : i32
    %dma_wait3A_514 = tpu.memref_slice %arg3[%add3A, %dma_wait3A_512, %dma_wait3A_513] : memref<32x80x128xi32, #tpu.memory_space<hbm>> -> memref<1x8x128xi32, #tpu.memory_space<hbm>>
    %dma_wait3A_515 = tpu.memref_squeeze %dma_wait3A_514 : memref<1x8x128xi32, #tpu.memory_space<hbm>> -> memref<8x128xi32, #tpu.memory_space<hbm>>
    tpu.wait_dma2 semaphore(%arg17 : memref<!tpu.dma_semaphore, #tpu.memory_space<semaphore_mem>>) src(%dma_wait3A_515 : memref<8x128xi32, #tpu.memory_space<hbm>>) dst(%arg7 : memref<8x128xi32, #tpu.memory_space<vmem>>)
    %dma_wait3A_516 = arith.constant 0 : i32
    %dma_wait3A_517 = arith.constant 0 : i32
    %dma_wait3A_518 = tpu.memref_slice %arg3[%add3A, %dma_wait3A_516, %dma_wait3A_517] : memref<32x80x128xi32, #tpu.memory_space<hbm>> -> memref<1x8x128xi32, #tpu.memory_space<hbm>>
    %dma_wait3A_519 = tpu.memref_squeeze %dma_wait3A_518 : memref<1x8x128xi32, #tpu.memory_space<hbm>> -> memref<8x128xi32, #tpu.memory_space<hbm>>
    %dma_wait3A_520 = arith.constant 0 : i32
    %dma_wait3A_521 = arith.constant 0 : i32
    %dma_wait3A_522 = tpu.memref_slice %arg3[%add3A, %dma_wait3A_520, %dma_wait3A_521] : memref<32x80x128xi32, #tpu.memory_space<hbm>> -> memref<1x8x128xi32, #tpu.memory_space<hbm>>
    %dma_wait3A_523 = tpu.memref_squeeze %dma_wait3A_522 : memref<1x8x128xi32, #tpu.memory_space<hbm>> -> memref<8x128xi32, #tpu.memory_space<hbm>>
    tpu.wait_dma2 semaphore(%arg17 : memref<!tpu.dma_semaphore, #tpu.memory_space<semaphore_mem>>) src(%dma_wait3A_523 : memref<8x128xi32, #tpu.memory_space<hbm>>) dst(%arg8 : memref<8x128xi32, #tpu.memory_space<vmem>>)
    %dma_start3A_524 = arith.constant 0 : i32
    %dma_start3A_525 = arith.constant 0 : i32
    %dma_start3A_526 = tpu.memref_slice %arg7[%dma_start3A_524, %dma_start3A_525] : memref<8x128xi32, #tpu.memory_space<vmem>> -> memref<1x128xi32, #tpu.memory_space<vmem>>
    %dma_start3A_527 = tpu.memref_squeeze %dma_start3A_526 : memref<1x128xi32, #tpu.memory_space<vmem>> -> memref<128xi32, #tpu.memory_space<vmem>>
    %dma_start3A_528 = arith.constant 0 : i32
    %dma_start3A_529 = arith.constant 0 : i32
    %dma_start3A_530 = tpu.memref_slice %arg2[%dma_start3A_528, %dma_start3A_529] : memref<10000x128xf32, #tpu.memory_space<hbm>> -> memref<10000x128xf32, #tpu.memory_space<hbm>>
    tpu.enqueue_indirect_dma source(%dma_start3A_530 : memref<10000x128xf32, #tpu.memory_space<hbm>>) target(%arg11 : memref<128x128xf32, #tpu.memory_space<vmem>>) offsets(%dma_start3A_527 : memref<128xi32, #tpu.memory_space<vmem>>) semaphore(%arg15 : memref<!tpu.dma_semaphore, #tpu.memory_space<semaphore_mem>>)
    %dma_wait3A_531 = arith.constant 0 : i32
    %dma_wait3A_532 = arith.constant 0 : i32
    %dma_wait3A_533 = tpu.memref_slice %arg7[%dma_wait3A_531, %dma_wait3A_532] : memref<8x128xi32, #tpu.memory_space<vmem>> -> memref<1x128xi32, #tpu.memory_space<vmem>>
    %dma_wait3A_534 = tpu.memref_squeeze %dma_wait3A_533 : memref<1x128xi32, #tpu.memory_space<vmem>> -> memref<128xi32, #tpu.memory_space<vmem>>
    %dma_wait3A_535 = arith.constant 0 : i32
    %dma_wait3A_536 = arith.constant 0 : i32
    %dma_wait3A_537 = tpu.memref_slice %arg2[%dma_wait3A_535, %dma_wait3A_536] : memref<10000x128xf32, #tpu.memory_space<hbm>> -> memref<10000x128xf32, #tpu.memory_space<hbm>>
    tpu.wait_indirect_dma semaphore(%arg16 : memref<!tpu.dma_semaphore, #tpu.memory_space<semaphore_mem>>) src(%dma_wait3A_537 : memref<10000x128xf32, #tpu.memory_space<hbm>>) dst(%arg12 : memref<128x128xf32, #tpu.memory_space<vmem>>)
    %run_scoped3A_538 = arith.constant 7 : i32
    "tpu.region"() ({
      %run_scoped3A_797 = tpu.sem_alloc : memref<!tpu.dma_semaphore, #tpu.memory_space<semaphore_mem>>
      %dma_start3A_798 = arith.constant 0 : i32
      %dma_start3A_799 = tpu.memref_slice %arg10[%run_scoped3A_538, %dma_start3A_798] : memref<8x128xi32, #tpu.memory_space<vmem>> -> memref<1x128xi32, #tpu.memory_space<vmem>>
      %dma_start3A_800 = tpu.memref_squeeze %dma_start3A_799 : memref<1x128xi32, #tpu.memory_space<vmem>> -> memref<128xi32, #tpu.memory_space<vmem>>
      %dma_start3A_801 = arith.constant 0 : i32
      %dma_start3A_802 = arith.constant 0 : i32
      %dma_start3A_803 = tpu.memref_slice %arg14[%dma_start3A_801, %dma_start3A_802] : memref<10240x128xf32, #tpu.memory_space<vmem_shared>> -> memref<10240x128xf32, #tpu.memory_space<vmem_shared>>
      tpu.enqueue_indirect_dma source(%arg12 : memref<128x128xf32, #tpu.memory_space<vmem>>) target(%dma_start3A_803 : memref<10240x128xf32, #tpu.memory_space<vmem_shared>>) offsets(%dma_start3A_800 : memref<128xi32, #tpu.memory_space<vmem>>) semaphore(%run_scoped3A_797 : memref<!tpu.dma_semaphore, #tpu.memory_space<semaphore_mem>>) {add = true}
      %dma_wait3A_804 = arith.constant 0 : i32
      %dma_wait3A_805 = tpu.memref_slice %arg10[%run_scoped3A_538, %dma_wait3A_804] : memref<8x128xi32, #tpu.memory_space<vmem>> -> memref<1x128xi32, #tpu.memory_space<vmem>>
      %dma_wait3A_806 = tpu.memref_squeeze %dma_wait3A_805 : memref<1x128xi32, #tpu.memory_space<vmem>> -> memref<128xi32, #tpu.memory_space<vmem>>
      %dma_wait3A_807 = arith.constant 0 : i32
      %dma_wait3A_808 = arith.constant 0 : i32
      %dma_wait3A_809 = tpu.memref_slice %arg14[%dma_wait3A_807, %dma_wait3A_808] : memref<10240x128xf32, #tpu.memory_space<vmem_shared>> -> memref<10240x128xf32, #tpu.memory_space<vmem_shared>>
      tpu.wait_indirect_dma semaphore(%run_scoped3A_797 : memref<!tpu.dma_semaphore, #tpu.memory_space<semaphore_mem>>) src(%arg12 : memref<128x128xf32, #tpu.memory_space<vmem>>) dst(%dma_wait3A_809 : memref<10240x128xf32, #tpu.memory_space<vmem_shared>>)
      tpu.yield
    }) : () -> ()
    %dma_start3A_539 = arith.constant 1 : i32
    %dma_start3A_540 = arith.constant 0 : i32
    %dma_start3A_541 = tpu.memref_slice %arg7[%dma_start3A_539, %dma_start3A_540] : memref<8x128xi32, #tpu.memory_space<vmem>> -> memref<1x128xi32, #tpu.memory_space<vmem>>
    %dma_start3A_542 = tpu.memref_squeeze %dma_start3A_541 : memref<1x128xi32, #tpu.memory_space<vmem>> -> memref<128xi32, #tpu.memory_space<vmem>>
    %dma_start3A_543 = arith.constant 0 : i32
    %dma_start3A_544 = arith.constant 0 : i32
    %dma_start3A_545 = tpu.memref_slice %arg2[%dma_start3A_543, %dma_start3A_544] : memref<10000x128xf32, #tpu.memory_space<hbm>> -> memref<10000x128xf32, #tpu.memory_space<hbm>>
    tpu.enqueue_indirect_dma source(%dma_start3A_545 : memref<10000x128xf32, #tpu.memory_space<hbm>>) target(%arg12 : memref<128x128xf32, #tpu.memory_space<vmem>>) offsets(%dma_start3A_542 : memref<128xi32, #tpu.memory_space<vmem>>) semaphore(%arg16 : memref<!tpu.dma_semaphore, #tpu.memory_space<semaphore_mem>>)
    %dma_start3A_546 = arith.constant 56 : i32
    %dma_start3A_547 = arith.constant 0 : i32
    %dma_start3A_548 = tpu.memref_slice %arg3[%add3A, %dma_start3A_546, %dma_start3A_547] : memref<32x80x128xi32, #tpu.memory_space<hbm>> -> memref<1x8x128xi32, #tpu.memory_space<hbm>>
    %dma_start3A_549 = tpu.memref_squeeze %dma_start3A_548 : memref<1x8x128xi32, #tpu.memory_space<hbm>> -> memref<8x128xi32, #tpu.memory_space<hbm>>
    %dma_start3A_550 = arith.constant 56 : i32
    %dma_start3A_551 = arith.constant 0 : i32
    %dma_start3A_552 = tpu.memref_slice %arg3[%add3A, %dma_start3A_550, %dma_start3A_551] : memref<32x80x128xi32, #tpu.memory_space<hbm>> -> memref<1x8x128xi32, #tpu.memory_space<hbm>>
    %dma_start3A_553 = tpu.memref_squeeze %dma_start3A_552 : memref<1x8x128xi32, #tpu.memory_space<hbm>> -> memref<8x128xi32, #tpu.memory_space<hbm>>
    tpu.enqueue_dma source(%dma_start3A_553 : memref<8x128xi32, #tpu.memory_space<hbm>>) target(%arg9 : memref<8x128xi32, #tpu.memory_space<vmem>>) target_semaphore(%arg17 : memref<!tpu.dma_semaphore, #tpu.memory_space<semaphore_mem>>)
    %dma_start3A_554 = arith.constant 56 : i32
    %dma_start3A_555 = arith.constant 0 : i32
    %dma_start3A_556 = tpu.memref_slice %arg4[%add3A, %dma_start3A_554, %dma_start3A_555] : memref<32x80x128xi32, #tpu.memory_space<hbm>> -> memref<1x8x128xi32, #tpu.memory_space<hbm>>
    %dma_start3A_557 = tpu.memref_squeeze %dma_start3A_556 : memref<1x8x128xi32, #tpu.memory_space<hbm>> -> memref<8x128xi32, #tpu.memory_space<hbm>>
    %dma_start3A_558 = arith.constant 56 : i32
    %dma_start3A_559 = arith.constant 0 : i32
    %dma_start3A_560 = tpu.memref_slice %arg4[%add3A, %dma_start3A_558, %dma_start3A_559] : memref<32x80x128xi32, #tpu.memory_space<hbm>> -> memref<1x8x128xi32, #tpu.memory_space<hbm>>
    %dma_start3A_561 = tpu.memref_squeeze %dma_start3A_560 : memref<1x8x128xi32, #tpu.memory_space<hbm>> -> memref<8x128xi32, #tpu.memory_space<hbm>>
    tpu.enqueue_dma source(%dma_start3A_561 : memref<8x128xi32, #tpu.memory_space<hbm>>) target(%arg10 : memref<8x128xi32, #tpu.memory_space<vmem>>) target_semaphore(%arg17 : memref<!tpu.dma_semaphore, #tpu.memory_space<semaphore_mem>>)
    "tpu.trace_start"() <{level = 10 : i32, message = "degloop"}> : () -> ()
    %scan3A_562 = arith.constant 0 : i32
    %scan3A_563 = arith.constant 0 : i32
    %scan3A_564 = arith.constant 64 : i32
    %scan3A_565 = arith.addi %scan3A_563, %scan3A_564 : i32
    %scan3A_566 = arith.constant 1 : i32
    scf.for %scan3A_797 = %scan3A_563 to %scan3A_565 step %scan3A_566  : i32 {
      %jit3A = arith.constant 8 : i32
      %div3A = arith.divsi %scan3A_797, %jit3A : i32
      %sign3A = arith.constant 0 : i32
      %sign3A_798 = arith.cmpi sgt, %scan3A_797, %sign3A : i32
      %sign3A_799 = arith.extui %sign3A_798 : i1 to i32
      %sign3A_800 = arith.constant 0 : i32
      %sign3A_801 = arith.cmpi slt, %scan3A_797, %sign3A_800 : i32
      %sign3A_802 = arith.extui %sign3A_801 : i1 to i32
      %sign3A_803 = arith.subi %sign3A_799, %sign3A_802 : i32
      %sign3A_804 = arith.constant 0 : i32
      %sign3A_805 = arith.cmpi sgt, %jit3A, %sign3A_804 : i32
      %sign3A_806 = arith.extui %sign3A_805 : i1 to i32
      %sign3A_807 = arith.constant 0 : i32
      %sign3A_808 = arith.cmpi slt, %jit3A, %sign3A_807 : i32
      %sign3A_809 = arith.extui %sign3A_808 : i1 to i32
      %sign3A_810 = arith.subi %sign3A_806, %sign3A_809 : i32
      %ne3A = arith.cmpi ne, %sign3A_803, %sign3A_810 : i32
      %rem3A = arith.remsi %scan3A_797, %jit3A : i32
      %ne3A_811 = arith.constant 0 : i32
      %ne3A_812 = arith.cmpi ne, %rem3A, %ne3A_811 : i32
      %and3A = arith.andi %ne3A, %ne3A_812 : i1
      %sub3A = arith.constant 1 : i32
      %sub3A_813 = arith.subi %div3A, %sub3A : i32
      %select_n3A = arith.select %and3A, %sub3A_813, %div3A : i32
      %jit3A_814 = arith.constant 8 : i32
      %eq3A = arith.constant 0 : i32
      %eq3A_815 = arith.cmpi eq, %jit3A_814, %eq3A : i32
      %jit3A_816 = arith.constant 1 : i32
      %select_n3A_817 = arith.select %eq3A_815, %jit3A_816, %jit3A_814 : i32
      %rem3A_818 = arith.remsi %scan3A_797, %select_n3A_817 : i32
      %ne3A_819 = arith.constant 0 : i32
      %ne3A_820 = arith.cmpi ne, %rem3A_818, %ne3A_819 : i32
      %lt3A = arith.constant 0 : i32
      %lt3A_821 = arith.cmpi slt, %rem3A_818, %lt3A : i32
      %lt3A_822 = arith.constant 0 : i32
      %lt3A_823 = arith.cmpi slt, %select_n3A_817, %lt3A_822 : i32
      %ne3A_824 = arith.xori %lt3A_821, %lt3A_823 : i1
      %and3A_825 = arith.andi %ne3A_824, %ne3A_820 : i1
      %add3A_826 = arith.addi %rem3A_818, %select_n3A_817 : i32
      %select_n3A_827 = arith.select %and3A_825, %add3A_826, %rem3A_818 : i32
      %mul3A_828 = arith.constant 16 : i32
      %mul3A_829 = arith.muli %select_n3A_827, %mul3A_828 : i32
      %get3A = arith.index_cast %select_n3A : i32 to index
      %get3A_830 = arith.index_cast %mul3A_829 : i32 to index
      %get3A_831 = tpu.vector_load %arg8[%get3A, %get3A_830] {strides = array<i32>} : memref<8x128xi32, #tpu.memory_space<vmem>>, vector<16xi32>,
      %shift_right_arithmetic3A = arith.constant 7 : i32
      %shift_right_arithmetic3A_832 = vector.broadcast %shift_right_arithmetic3A : i32 to vector<16xi32>
      %shift_right_arithmetic3A_833 = arith.shrsi %get3A_831, %shift_right_arithmetic3A_832 : vector<16xi32>
      %and3A_834 = arith.constant 127 : i32
      %and3A_835 = vector.broadcast %and3A_834 : i32 to vector<16xi32>
      %and3A_836 = arith.andi %get3A_831, %and3A_835 : vector<16xi32>
      tpu.vector_store_idx %arg13[%shift_right_arithmetic3A_833, %and3A_836], %broadcast_in_dim3A_5 {add = true} : memref<80x128xf32, #tpu.memory_space<vmem>>[vector<16xi32>, vector<16xi32>], vector<16xf32>,
    }
    %scan3A_567 = arith.constant 64 : i32
    "tpu.trace_stop"() : () -> ()
    "tpu.trace_start"() <{level = 10 : i32, message = "gsloop"}> : () -> ()
    %scan3A_568 = arith.constant 0 : i32
    %scan3A_569 = arith.constant 0 : i32
    %scan3A_570 = arith.constant 3 : i32
    %scan3A_571 = arith.addi %scan3A_569, %scan3A_570 : i32
    %scan3A_572 = arith.constant 1 : i32
    scf.for %scan3A_797 = %scan3A_569 to %scan3A_571 step %scan3A_572  : i32 {
      %mul3A_798 = arith.constant 2 : i32
      %mul3A_799 = arith.muli %mul3A_798, %scan3A_797 : i32
      %dma_wait3A_800 = arith.constant 0 : i32
      %dma_wait3A_801 = arith.constant 0 : i32
      %dma_wait3A_802 = tpu.memref_slice %arg7[%dma_wait3A_800, %dma_wait3A_801] : memref<8x128xi32, #tpu.memory_space<vmem>> -> memref<1x128xi32, #tpu.memory_space<vmem>>
      %dma_wait3A_803 = tpu.memref_squeeze %dma_wait3A_802 : memref<1x128xi32, #tpu.memory_space<vmem>> -> memref<128xi32, #tpu.memory_space<vmem>>
      %dma_wait3A_804 = arith.constant 0 : i32
      %dma_wait3A_805 = arith.constant 0 : i32
      %dma_wait3A_806 = tpu.memref_slice %arg2[%dma_wait3A_804, %dma_wait3A_805] : memref<10000x128xf32, #tpu.memory_space<hbm>> -> memref<10000x128xf32, #tpu.memory_space<hbm>>
      tpu.wait_indirect_dma semaphore(%arg15 : memref<!tpu.dma_semaphore, #tpu.memory_space<semaphore_mem>>) src(%dma_wait3A_806 : memref<10000x128xf32, #tpu.memory_space<hbm>>) dst(%arg11 : memref<128x128xf32, #tpu.memory_space<vmem>>)
      "tpu.region"() ({
        %run_scoped3A_832 = tpu.sem_alloc : memref<!tpu.dma_semaphore, #tpu.memory_space<semaphore_mem>>
        %dma_start3A_833 = arith.constant 0 : i32
        %dma_start3A_834 = tpu.memref_slice %arg8[%mul3A_799, %dma_start3A_833] : memref<8x128xi32, #tpu.memory_space<vmem>> -> memref<1x128xi32, #tpu.memory_space<vmem>>
        %dma_start3A_835 = tpu.memref_squeeze %dma_start3A_834 : memref<1x128xi32, #tpu.memory_space<vmem>> -> memref<128xi32, #tpu.memory_space<vmem>>
        %dma_start3A_836 = arith.constant 0 : i32
        %dma_start3A_837 = arith.constant 0 : i32
        %dma_start3A_838 = tpu.memref_slice %arg14[%dma_start3A_836, %dma_start3A_837] : memref<10240x128xf32, #tpu.memory_space<vmem_shared>> -> memref<10240x128xf32, #tpu.memory_space<vmem_shared>>
        tpu.enqueue_indirect_dma source(%arg11 : memref<128x128xf32, #tpu.memory_space<vmem>>) target(%dma_start3A_838 : memref<10240x128xf32, #tpu.memory_space<vmem_shared>>) offsets(%dma_start3A_835 : memref<128xi32, #tpu.memory_space<vmem>>) semaphore(%run_scoped3A_832 : memref<!tpu.dma_semaphore, #tpu.memory_space<semaphore_mem>>) {add = true}
        %dma_wait3A_839 = arith.constant 0 : i32
        %dma_wait3A_840 = tpu.memref_slice %arg8[%mul3A_799, %dma_wait3A_839] : memref<8x128xi32, #tpu.memory_space<vmem>> -> memref<1x128xi32, #tpu.memory_space<vmem>>
        %dma_wait3A_841 = tpu.memref_squeeze %dma_wait3A_840 : memref<1x128xi32, #tpu.memory_space<vmem>> -> memref<128xi32, #tpu.memory_space<vmem>>
        %dma_wait3A_842 = arith.constant 0 : i32
        %dma_wait3A_843 = arith.constant 0 : i32
        %dma_wait3A_844 = tpu.memref_slice %arg14[%dma_wait3A_842, %dma_wait3A_843] : memref<10240x128xf32, #tpu.memory_space<vmem_shared>> -> memref<10240x128xf32, #tpu.memory_space<vmem_shared>>
        tpu.wait_indirect_dma semaphore(%run_scoped3A_832 : memref<!tpu.dma_semaphore, #tpu.memory_space<semaphore_mem>>) src(%arg11 : memref<128x128xf32, #tpu.memory_space<vmem>>) dst(%dma_wait3A_844 : memref<10240x128xf32, #tpu.memory_space<vmem_shared>>)
        tpu.yield
      }) : () -> ()
      %add3A_807 = arith.constant 2 : i32
      %add3A_808 = arith.addi %mul3A_799, %add3A_807 : i32
      %dma_start3A_809 = arith.constant 0 : i32
      %dma_start3A_810 = tpu.memref_slice %arg7[%add3A_808, %dma_start3A_809] : memref<8x128xi32, #tpu.memory_space<vmem>> -> memref<1x128xi32, #tpu.memory_space<vmem>>
      %dma_start3A_811 = tpu.memref_squeeze %dma_start3A_810 : memref<1x128xi32, #tpu.memory_space<vmem>> -> memref<128xi32, #tpu.memory_space<vmem>>
      %dma_start3A_812 = arith.constant 0 : i32
      %dma_start3A_813 = arith.constant 0 : i32
      %dma_start3A_814 = tpu.memref_slice %arg2[%dma_start3A_812, %dma_start3A_813] : memref<10000x128xf32, #tpu.memory_space<hbm>> -> memref<10000x128xf32, #tpu.memory_space<hbm>>
      tpu.enqueue_indirect_dma source(%dma_start3A_814 : memref<10000x128xf32, #tpu.memory_space<hbm>>) target(%arg11 : memref<128x128xf32, #tpu.memory_space<vmem>>) offsets(%dma_start3A_811 : memref<128xi32, #tpu.memory_space<vmem>>) semaphore(%arg15 : memref<!tpu.dma_semaphore, #tpu.memory_space<semaphore_mem>>)
      %dma_wait3A_815 = arith.constant 0 : i32
      %dma_wait3A_816 = arith.constant 0 : i32
      %dma_wait3A_817 = tpu.memref_slice %arg7[%dma_wait3A_815, %dma_wait3A_816] : memref<8x128xi32, #tpu.memory_space<vmem>> -> memref<1x128xi32, #tpu.memory_space<vmem>>
      %dma_wait3A_818 = tpu.memref_squeeze %dma_wait3A_817 : memref<1x128xi32, #tpu.memory_space<vmem>> -> memref<128xi32, #tpu.memory_space<vmem>>
      %dma_wait3A_819 = arith.constant 0 : i32
      %dma_wait3A_820 = arith.constant 0 : i32
      %dma_wait3A_821 = tpu.memref_slice %arg2[%dma_wait3A_819, %dma_wait3A_820] : memref<10000x128xf32, #tpu.memory_space<hbm>> -> memref<10000x128xf32, #tpu.memory_space<hbm>>
      tpu.wait_indirect_dma semaphore(%arg16 : memref<!tpu.dma_semaphore, #tpu.memory_space<semaphore_mem>>) src(%dma_wait3A_821 : memref<10000x128xf32, #tpu.memory_space<hbm>>) dst(%arg12 : memref<128x128xf32, #tpu.memory_space<vmem>>)
      %add3A_822 = arith.constant 1 : i32
      %add3A_823 = arith.addi %mul3A_799, %add3A_822 : i32
      "tpu.region"() ({
        %run_scoped3A_832 = tpu.sem_alloc : memref<!tpu.dma_semaphore, #tpu.memory_space<semaphore_mem>>
        %dma_start3A_833 = arith.constant 0 : i32
        %dma_start3A_834 = tpu.memref_slice %arg8[%add3A_823, %dma_start3A_833] : memref<8x128xi32, #tpu.memory_space<vmem>> -> memref<1x128xi32, #tpu.memory_space<vmem>>
        %dma_start3A_835 = tpu.memref_squeeze %dma_start3A_834 : memref<1x128xi32, #tpu.memory_space<vmem>> -> memref<128xi32, #tpu.memory_space<vmem>>
        %dma_start3A_836 = arith.constant 0 : i32
        %dma_start3A_837 = arith.constant 0 : i32
        %dma_start3A_838 = tpu.memref_slice %arg14[%dma_start3A_836, %dma_start3A_837] : memref<10240x128xf32, #tpu.memory_space<vmem_shared>> -> memref<10240x128xf32, #tpu.memory_space<vmem_shared>>
        tpu.enqueue_indirect_dma source(%arg12 : memref<128x128xf32, #tpu.memory_space<vmem>>) target(%dma_start3A_838 : memref<10240x128xf32, #tpu.memory_space<vmem_shared>>) offsets(%dma_start3A_835 : memref<128xi32, #tpu.memory_space<vmem>>) semaphore(%run_scoped3A_832 : memref<!tpu.dma_semaphore, #tpu.memory_space<semaphore_mem>>) {add = true}
        %dma_wait3A_839 = arith.constant 0 : i32
        %dma_wait3A_840 = tpu.memref_slice %arg8[%add3A_823, %dma_wait3A_839] : memref<8x128xi32, #tpu.memory_space<vmem>> -> memref<1x128xi32, #tpu.memory_space<vmem>>
        %dma_wait3A_841 = tpu.memref_squeeze %dma_wait3A_840 : memref<1x128xi32, #tpu.memory_space<vmem>> -> memref<128xi32, #tpu.memory_space<vmem>>
        %dma_wait3A_842 = arith.constant 0 : i32
        %dma_wait3A_843 = arith.constant 0 : i32
        %dma_wait3A_844 = tpu.memref_slice %arg14[%dma_wait3A_842, %dma_wait3A_843] : memref<10240x128xf32, #tpu.memory_space<vmem_shared>> -> memref<10240x128xf32, #tpu.memory_space<vmem_shared>>
        tpu.wait_indirect_dma semaphore(%run_scoped3A_832 : memref<!tpu.dma_semaphore, #tpu.memory_space<semaphore_mem>>) src(%arg12 : memref<128x128xf32, #tpu.memory_space<vmem>>) dst(%dma_wait3A_844 : memref<10240x128xf32, #tpu.memory_space<vmem_shared>>)
        tpu.yield
      }) : () -> ()
      %add3A_824 = arith.constant 3 : i32
      %add3A_825 = arith.addi %mul3A_799, %add3A_824 : i32
      %dma_start3A_826 = arith.constant 0 : i32
      %dma_start3A_827 = tpu.memref_slice %arg7[%add3A_825, %dma_start3A_826] : memref<8x128xi32, #tpu.memory_space<vmem>> -> memref<1x128xi32, #tpu.memory_space<vmem>>
      %dma_start3A_828 = tpu.memref_squeeze %dma_start3A_827 : memref<1x128xi32, #tpu.memory_space<vmem>> -> memref<128xi32, #tpu.memory_space<vmem>>
      %dma_start3A_829 = arith.constant 0 : i32
      %dma_start3A_830 = arith.constant 0 : i32
      %dma_start3A_831 = tpu.memref_slice %arg2[%dma_start3A_829, %dma_start3A_830] : memref<10000x128xf32, #tpu.memory_space<hbm>> -> memref<10000x128xf32, #tpu.memory_space<hbm>>
      tpu.enqueue_indirect_dma source(%dma_start3A_831 : memref<10000x128xf32, #tpu.memory_space<hbm>>) target(%arg12 : memref<128x128xf32, #tpu.memory_space<vmem>>) offsets(%dma_start3A_828 : memref<128xi32, #tpu.memory_space<vmem>>) semaphore(%arg16 : memref<!tpu.dma_semaphore, #tpu.memory_space<semaphore_mem>>)
    }
    %scan3A_573 = arith.constant 3 : i32
    %dma_wait3A_574 = arith.constant 0 : i32
    "tpu.trace_stop"() : () -> ()
    %dma_wait3A_575 = arith.constant 0 : i32
    %dma_wait3A_576 = tpu.memref_slice %arg7[%dma_wait3A_574, %dma_wait3A_575] : memref<8x128xi32, #tpu.memory_space<vmem>> -> memref<1x128xi32, #tpu.memory_space<vmem>>
    %dma_wait3A_577 = tpu.memref_squeeze %dma_wait3A_576 : memref<1x128xi32, #tpu.memory_space<vmem>> -> memref<128xi32, #tpu.memory_space<vmem>>
    %dma_wait3A_578 = arith.constant 0 : i32
    %dma_wait3A_579 = arith.constant 0 : i32
    %dma_wait3A_580 = tpu.memref_slice %arg2[%dma_wait3A_578, %dma_wait3A_579] : memref<10000x128xf32, #tpu.memory_space<hbm>> -> memref<10000x128xf32, #tpu.memory_space<hbm>>
    tpu.wait_indirect_dma semaphore(%arg15 : memref<!tpu.dma_semaphore, #tpu.memory_space<semaphore_mem>>) src(%dma_wait3A_580 : memref<10000x128xf32, #tpu.memory_space<hbm>>) dst(%arg11 : memref<128x128xf32, #tpu.memory_space<vmem>>)
    %run_scoped3A_581 = arith.constant 6 : i32
    "tpu.region"() ({
      %run_scoped3A_797 = tpu.sem_alloc : memref<!tpu.dma_semaphore, #tpu.memory_space<semaphore_mem>>
      %dma_start3A_798 = arith.constant 0 : i32
      %dma_start3A_799 = tpu.memref_slice %arg8[%run_scoped3A_581, %dma_start3A_798] : memref<8x128xi32, #tpu.memory_space<vmem>> -> memref<1x128xi32, #tpu.memory_space<vmem>>
      %dma_start3A_800 = tpu.memref_squeeze %dma_start3A_799 : memref<1x128xi32, #tpu.memory_space<vmem>> -> memref<128xi32, #tpu.memory_space<vmem>>
      %dma_start3A_801 = arith.constant 0 : i32
      %dma_start3A_802 = arith.constant 0 : i32
      %dma_start3A_803 = tpu.memref_slice %arg14[%dma_start3A_801, %dma_start3A_802] : memref<10240x128xf32, #tpu.memory_space<vmem_shared>> -> memref<10240x128xf32, #tpu.memory_space<vmem_shared>>
      tpu.enqueue_indirect_dma source(%arg11 : memref<128x128xf32, #tpu.memory_space<vmem>>) target(%dma_start3A_803 : memref<10240x128xf32, #tpu.memory_space<vmem_shared>>) offsets(%dma_start3A_800 : memref<128xi32, #tpu.memory_space<vmem>>) semaphore(%run_scoped3A_797 : memref<!tpu.dma_semaphore, #tpu.memory_space<semaphore_mem>>) {add = true}
      %dma_wait3A_804 = arith.constant 0 : i32
      %dma_wait3A_805 = tpu.memref_slice %arg8[%run_scoped3A_581, %dma_wait3A_804] : memref<8x128xi32, #tpu.memory_space<vmem>> -> memref<1x128xi32, #tpu.memory_space<vmem>>
      %dma_wait3A_806 = tpu.memref_squeeze %dma_wait3A_805 : memref<1x128xi32, #tpu.memory_space<vmem>> -> memref<128xi32, #tpu.memory_space<vmem>>
      %dma_wait3A_807 = arith.constant 0 : i32
      %dma_wait3A_808 = arith.constant 0 : i32
      %dma_wait3A_809 = tpu.memref_slice %arg14[%dma_wait3A_807, %dma_wait3A_808] : memref<10240x128xf32, #tpu.memory_space<vmem_shared>> -> memref<10240x128xf32, #tpu.memory_space<vmem_shared>>
      tpu.wait_indirect_dma semaphore(%run_scoped3A_797 : memref<!tpu.dma_semaphore, #tpu.memory_space<semaphore_mem>>) src(%arg11 : memref<128x128xf32, #tpu.memory_space<vmem>>) dst(%dma_wait3A_809 : memref<10240x128xf32, #tpu.memory_space<vmem_shared>>)
      tpu.yield
    }) : () -> ()
    %dma_wait3A_582 = arith.constant 0 : i32
    %dma_wait3A_583 = arith.constant 0 : i32
    %dma_wait3A_584 = tpu.memref_slice %arg3[%add3A, %dma_wait3A_582, %dma_wait3A_583] : memref<32x80x128xi32, #tpu.memory_space<hbm>> -> memref<1x8x128xi32, #tpu.memory_space<hbm>>
    %dma_wait3A_585 = tpu.memref_squeeze %dma_wait3A_584 : memref<1x8x128xi32, #tpu.memory_space<hbm>> -> memref<8x128xi32, #tpu.memory_space<hbm>>
    %dma_wait3A_586 = arith.constant 0 : i32
    %dma_wait3A_587 = arith.constant 0 : i32
    %dma_wait3A_588 = tpu.memref_slice %arg3[%add3A, %dma_wait3A_586, %dma_wait3A_587] : memref<32x80x128xi32, #tpu.memory_space<hbm>> -> memref<1x8x128xi32, #tpu.memory_space<hbm>>
    %dma_wait3A_589 = tpu.memref_squeeze %dma_wait3A_588 : memref<1x8x128xi32, #tpu.memory_space<hbm>> -> memref<8x128xi32, #tpu.memory_space<hbm>>
    tpu.wait_dma2 semaphore(%arg17 : memref<!tpu.dma_semaphore, #tpu.memory_space<semaphore_mem>>) src(%dma_wait3A_589 : memref<8x128xi32, #tpu.memory_space<hbm>>) dst(%arg9 : memref<8x128xi32, #tpu.memory_space<vmem>>)
    %dma_wait3A_590 = arith.constant 0 : i32
    %dma_wait3A_591 = arith.constant 0 : i32
    %dma_wait3A_592 = tpu.memref_slice %arg3[%add3A, %dma_wait3A_590, %dma_wait3A_591] : memref<32x80x128xi32, #tpu.memory_space<hbm>> -> memref<1x8x128xi32, #tpu.memory_space<hbm>>
    %dma_wait3A_593 = tpu.memref_squeeze %dma_wait3A_592 : memref<1x8x128xi32, #tpu.memory_space<hbm>> -> memref<8x128xi32, #tpu.memory_space<hbm>>
    %dma_wait3A_594 = arith.constant 0 : i32
    %dma_wait3A_595 = arith.constant 0 : i32
    %dma_wait3A_596 = tpu.memref_slice %arg3[%add3A, %dma_wait3A_594, %dma_wait3A_595] : memref<32x80x128xi32, #tpu.memory_space<hbm>> -> memref<1x8x128xi32, #tpu.memory_space<hbm>>
    %dma_wait3A_597 = tpu.memref_squeeze %dma_wait3A_596 : memref<1x8x128xi32, #tpu.memory_space<hbm>> -> memref<8x128xi32, #tpu.memory_space<hbm>>
    tpu.wait_dma2 semaphore(%arg17 : memref<!tpu.dma_semaphore, #tpu.memory_space<semaphore_mem>>) src(%dma_wait3A_597 : memref<8x128xi32, #tpu.memory_space<hbm>>) dst(%arg10 : memref<8x128xi32, #tpu.memory_space<vmem>>)
    %dma_start3A_598 = arith.constant 0 : i32
    %dma_start3A_599 = arith.constant 0 : i32
    %dma_start3A_600 = tpu.memref_slice %arg9[%dma_start3A_598, %dma_start3A_599] : memref<8x128xi32, #tpu.memory_space<vmem>> -> memref<1x128xi32, #tpu.memory_space<vmem>>
    %dma_start3A_601 = tpu.memref_squeeze %dma_start3A_600 : memref<1x128xi32, #tpu.memory_space<vmem>> -> memref<128xi32, #tpu.memory_space<vmem>>
    %dma_start3A_602 = arith.constant 0 : i32
    %dma_start3A_603 = arith.constant 0 : i32
    %dma_start3A_604 = tpu.memref_slice %arg2[%dma_start3A_602, %dma_start3A_603] : memref<10000x128xf32, #tpu.memory_space<hbm>> -> memref<10000x128xf32, #tpu.memory_space<hbm>>
    tpu.enqueue_indirect_dma source(%dma_start3A_604 : memref<10000x128xf32, #tpu.memory_space<hbm>>) target(%arg11 : memref<128x128xf32, #tpu.memory_space<vmem>>) offsets(%dma_start3A_601 : memref<128xi32, #tpu.memory_space<vmem>>) semaphore(%arg15 : memref<!tpu.dma_semaphore, #tpu.memory_space<semaphore_mem>>)
    %dma_wait3A_605 = arith.constant 0 : i32
    %dma_wait3A_606 = arith.constant 0 : i32
    %dma_wait3A_607 = tpu.memref_slice %arg7[%dma_wait3A_605, %dma_wait3A_606] : memref<8x128xi32, #tpu.memory_space<vmem>> -> memref<1x128xi32, #tpu.memory_space<vmem>>
    %dma_wait3A_608 = tpu.memref_squeeze %dma_wait3A_607 : memref<1x128xi32, #tpu.memory_space<vmem>> -> memref<128xi32, #tpu.memory_space<vmem>>
    %dma_wait3A_609 = arith.constant 0 : i32
    %dma_wait3A_610 = arith.constant 0 : i32
    %dma_wait3A_611 = tpu.memref_slice %arg2[%dma_wait3A_609, %dma_wait3A_610] : memref<10000x128xf32, #tpu.memory_space<hbm>> -> memref<10000x128xf32, #tpu.memory_space<hbm>>
    tpu.wait_indirect_dma semaphore(%arg16 : memref<!tpu.dma_semaphore, #tpu.memory_space<semaphore_mem>>) src(%dma_wait3A_611 : memref<10000x128xf32, #tpu.memory_space<hbm>>) dst(%arg12 : memref<128x128xf32, #tpu.memory_space<vmem>>)
    %run_scoped3A_612 = arith.constant 7 : i32
    "tpu.region"() ({
      %run_scoped3A_797 = tpu.sem_alloc : memref<!tpu.dma_semaphore, #tpu.memory_space<semaphore_mem>>
      %dma_start3A_798 = arith.constant 0 : i32
      %dma_start3A_799 = tpu.memref_slice %arg8[%run_scoped3A_612, %dma_start3A_798] : memref<8x128xi32, #tpu.memory_space<vmem>> -> memref<1x128xi32, #tpu.memory_space<vmem>>
      %dma_start3A_800 = tpu.memref_squeeze %dma_start3A_799 : memref<1x128xi32, #tpu.memory_space<vmem>> -> memref<128xi32, #tpu.memory_space<vmem>>
      %dma_start3A_801 = arith.constant 0 : i32
      %dma_start3A_802 = arith.constant 0 : i32
      %dma_start3A_803 = tpu.memref_slice %arg14[%dma_start3A_801, %dma_start3A_802] : memref<10240x128xf32, #tpu.memory_space<vmem_shared>> -> memref<10240x128xf32, #tpu.memory_space<vmem_shared>>
      tpu.enqueue_indirect_dma source(%arg12 : memref<128x128xf32, #tpu.memory_space<vmem>>) target(%dma_start3A_803 : memref<10240x128xf32, #tpu.memory_space<vmem_shared>>) offsets(%dma_start3A_800 : memref<128xi32, #tpu.memory_space<vmem>>) semaphore(%run_scoped3A_797 : memref<!tpu.dma_semaphore, #tpu.memory_space<semaphore_mem>>) {add = true}
      %dma_wait3A_804 = arith.constant 0 : i32
      %dma_wait3A_805 = tpu.memref_slice %arg8[%run_scoped3A_612, %dma_wait3A_804] : memref<8x128xi32, #tpu.memory_space<vmem>> -> memref<1x128xi32, #tpu.memory_space<vmem>>
      %dma_wait3A_806 = tpu.memref_squeeze %dma_wait3A_805 : memref<1x128xi32, #tpu.memory_space<vmem>> -> memref<128xi32, #tpu.memory_space<vmem>>
      %dma_wait3A_807 = arith.constant 0 : i32
      %dma_wait3A_808 = arith.constant 0 : i32
      %dma_wait3A_809 = tpu.memref_slice %arg14[%dma_wait3A_807, %dma_wait3A_808] : memref<10240x128xf32, #tpu.memory_space<vmem_shared>> -> memref<10240x128xf32, #tpu.memory_space<vmem_shared>>
      tpu.wait_indirect_dma semaphore(%run_scoped3A_797 : memref<!tpu.dma_semaphore, #tpu.memory_space<semaphore_mem>>) src(%arg12 : memref<128x128xf32, #tpu.memory_space<vmem>>) dst(%dma_wait3A_809 : memref<10240x128xf32, #tpu.memory_space<vmem_shared>>)
      tpu.yield
    }) : () -> ()
    %dma_start3A_613 = arith.constant 1 : i32
    %dma_start3A_614 = arith.constant 0 : i32
    %dma_start3A_615 = tpu.memref_slice %arg9[%dma_start3A_613, %dma_start3A_614] : memref<8x128xi32, #tpu.memory_space<vmem>> -> memref<1x128xi32, #tpu.memory_space<vmem>>
    %dma_start3A_616 = tpu.memref_squeeze %dma_start3A_615 : memref<1x128xi32, #tpu.memory_space<vmem>> -> memref<128xi32, #tpu.memory_space<vmem>>
    %dma_start3A_617 = arith.constant 0 : i32
    %dma_start3A_618 = arith.constant 0 : i32
    %dma_start3A_619 = tpu.memref_slice %arg2[%dma_start3A_617, %dma_start3A_618] : memref<10000x128xf32, #tpu.memory_space<hbm>> -> memref<10000x128xf32, #tpu.memory_space<hbm>>
    tpu.enqueue_indirect_dma source(%dma_start3A_619 : memref<10000x128xf32, #tpu.memory_space<hbm>>) target(%arg12 : memref<128x128xf32, #tpu.memory_space<vmem>>) offsets(%dma_start3A_616 : memref<128xi32, #tpu.memory_space<vmem>>) semaphore(%arg16 : memref<!tpu.dma_semaphore, #tpu.memory_space<semaphore_mem>>)
    %dma_start3A_620 = arith.constant 64 : i32
    %dma_start3A_621 = arith.constant 0 : i32
    %dma_start3A_622 = tpu.memref_slice %arg3[%add3A, %dma_start3A_620, %dma_start3A_621] : memref<32x80x128xi32, #tpu.memory_space<hbm>> -> memref<1x8x128xi32, #tpu.memory_space<hbm>>
    %dma_start3A_623 = tpu.memref_squeeze %dma_start3A_622 : memref<1x8x128xi32, #tpu.memory_space<hbm>> -> memref<8x128xi32, #tpu.memory_space<hbm>>
    %dma_start3A_624 = arith.constant 64 : i32
    %dma_start3A_625 = arith.constant 0 : i32
    %dma_start3A_626 = tpu.memref_slice %arg3[%add3A, %dma_start3A_624, %dma_start3A_625] : memref<32x80x128xi32, #tpu.memory_space<hbm>> -> memref<1x8x128xi32, #tpu.memory_space<hbm>>
    %dma_start3A_627 = tpu.memref_squeeze %dma_start3A_626 : memref<1x8x128xi32, #tpu.memory_space<hbm>> -> memref<8x128xi32, #tpu.memory_space<hbm>>
    tpu.enqueue_dma source(%dma_start3A_627 : memref<8x128xi32, #tpu.memory_space<hbm>>) target(%arg7 : memref<8x128xi32, #tpu.memory_space<vmem>>) target_semaphore(%arg17 : memref<!tpu.dma_semaphore, #tpu.memory_space<semaphore_mem>>)
    %dma_start3A_628 = arith.constant 64 : i32
    %dma_start3A_629 = arith.constant 0 : i32
    %dma_start3A_630 = tpu.memref_slice %arg4[%add3A, %dma_start3A_628, %dma_start3A_629] : memref<32x80x128xi32, #tpu.memory_space<hbm>> -> memref<1x8x128xi32, #tpu.memory_space<hbm>>
    %dma_start3A_631 = tpu.memref_squeeze %dma_start3A_630 : memref<1x8x128xi32, #tpu.memory_space<hbm>> -> memref<8x128xi32, #tpu.memory_space<hbm>>
    %dma_start3A_632 = arith.constant 64 : i32
    %dma_start3A_633 = arith.constant 0 : i32
    %dma_start3A_634 = tpu.memref_slice %arg4[%add3A, %dma_start3A_632, %dma_start3A_633] : memref<32x80x128xi32, #tpu.memory_space<hbm>> -> memref<1x8x128xi32, #tpu.memory_space<hbm>>
    %dma_start3A_635 = tpu.memref_squeeze %dma_start3A_634 : memref<1x8x128xi32, #tpu.memory_space<hbm>> -> memref<8x128xi32, #tpu.memory_space<hbm>>
    tpu.enqueue_dma source(%dma_start3A_635 : memref<8x128xi32, #tpu.memory_space<hbm>>) target(%arg8 : memref<8x128xi32, #tpu.memory_space<vmem>>) target_semaphore(%arg17 : memref<!tpu.dma_semaphore, #tpu.memory_space<semaphore_mem>>)
    "tpu.trace_start"() <{level = 10 : i32, message = "degloop"}> : () -> ()
    %scan3A_636 = arith.constant 0 : i32
    %scan3A_637 = arith.constant 0 : i32
    %scan3A_638 = arith.constant 64 : i32
    %scan3A_639 = arith.addi %scan3A_637, %scan3A_638 : i32
    %scan3A_640 = arith.constant 1 : i32
    scf.for %scan3A_797 = %scan3A_637 to %scan3A_639 step %scan3A_640  : i32 {
      %jit3A = arith.constant 8 : i32
      %div3A = arith.divsi %scan3A_797, %jit3A : i32
      %sign3A = arith.constant 0 : i32
      %sign3A_798 = arith.cmpi sgt, %scan3A_797, %sign3A : i32
      %sign3A_799 = arith.extui %sign3A_798 : i1 to i32
      %sign3A_800 = arith.constant 0 : i32
      %sign3A_801 = arith.cmpi slt, %scan3A_797, %sign3A_800 : i32
      %sign3A_802 = arith.extui %sign3A_801 : i1 to i32
      %sign3A_803 = arith.subi %sign3A_799, %sign3A_802 : i32
      %sign3A_804 = arith.constant 0 : i32
      %sign3A_805 = arith.cmpi sgt, %jit3A, %sign3A_804 : i32
      %sign3A_806 = arith.extui %sign3A_805 : i1 to i32
      %sign3A_807 = arith.constant 0 : i32
      %sign3A_808 = arith.cmpi slt, %jit3A, %sign3A_807 : i32
      %sign3A_809 = arith.extui %sign3A_808 : i1 to i32
      %sign3A_810 = arith.subi %sign3A_806, %sign3A_809 : i32
      %ne3A = arith.cmpi ne, %sign3A_803, %sign3A_810 : i32
      %rem3A = arith.remsi %scan3A_797, %jit3A : i32
      %ne3A_811 = arith.constant 0 : i32
      %ne3A_812 = arith.cmpi ne, %rem3A, %ne3A_811 : i32
      %and3A = arith.andi %ne3A, %ne3A_812 : i1
      %sub3A = arith.constant 1 : i32
      %sub3A_813 = arith.subi %div3A, %sub3A : i32
      %select_n3A = arith.select %and3A, %sub3A_813, %div3A : i32
      %jit3A_814 = arith.constant 8 : i32
      %eq3A = arith.constant 0 : i32
      %eq3A_815 = arith.cmpi eq, %jit3A_814, %eq3A : i32
      %jit3A_816 = arith.constant 1 : i32
      %select_n3A_817 = arith.select %eq3A_815, %jit3A_816, %jit3A_814 : i32
      %rem3A_818 = arith.remsi %scan3A_797, %select_n3A_817 : i32
      %ne3A_819 = arith.constant 0 : i32
      %ne3A_820 = arith.cmpi ne, %rem3A_818, %ne3A_819 : i32
      %lt3A = arith.constant 0 : i32
      %lt3A_821 = arith.cmpi slt, %rem3A_818, %lt3A : i32
      %lt3A_822 = arith.constant 0 : i32
      %lt3A_823 = arith.cmpi slt, %select_n3A_817, %lt3A_822 : i32
      %ne3A_824 = arith.xori %lt3A_821, %lt3A_823 : i1
      %and3A_825 = arith.andi %ne3A_824, %ne3A_820 : i1
      %add3A_826 = arith.addi %rem3A_818, %select_n3A_817 : i32
      %select_n3A_827 = arith.select %and3A_825, %add3A_826, %rem3A_818 : i32
      %mul3A_828 = arith.constant 16 : i32
      %mul3A_829 = arith.muli %select_n3A_827, %mul3A_828 : i32
      %get3A = arith.index_cast %select_n3A : i32 to index
      %get3A_830 = arith.index_cast %mul3A_829 : i32 to index
      %get3A_831 = tpu.vector_load %arg10[%get3A, %get3A_830] {strides = array<i32>} : memref<8x128xi32, #tpu.memory_space<vmem>>, vector<16xi32>,
      %shift_right_arithmetic3A = arith.constant 7 : i32
      %shift_right_arithmetic3A_832 = vector.broadcast %shift_right_arithmetic3A : i32 to vector<16xi32>
      %shift_right_arithmetic3A_833 = arith.shrsi %get3A_831, %shift_right_arithmetic3A_832 : vector<16xi32>
      %and3A_834 = arith.constant 127 : i32
      %and3A_835 = vector.broadcast %and3A_834 : i32 to vector<16xi32>
      %and3A_836 = arith.andi %get3A_831, %and3A_835 : vector<16xi32>
      tpu.vector_store_idx %arg13[%shift_right_arithmetic3A_833, %and3A_836], %broadcast_in_dim3A_5 {add = true} : memref<80x128xf32, #tpu.memory_space<vmem>>[vector<16xi32>, vector<16xi32>], vector<16xf32>,
    }
    %scan3A_641 = arith.constant 64 : i32
    "tpu.trace_stop"() : () -> ()
    "tpu.trace_start"() <{level = 10 : i32, message = "gsloop"}> : () -> ()
    %scan3A_642 = arith.constant 0 : i32
    %scan3A_643 = arith.constant 0 : i32
    %scan3A_644 = arith.constant 3 : i32
    %scan3A_645 = arith.addi %scan3A_643, %scan3A_644 : i32
    %scan3A_646 = arith.constant 1 : i32
    scf.for %scan3A_797 = %scan3A_643 to %scan3A_645 step %scan3A_646  : i32 {
      %mul3A_798 = arith.constant 2 : i32
      %mul3A_799 = arith.muli %mul3A_798, %scan3A_797 : i32
      %dma_wait3A_800 = arith.constant 0 : i32
      %dma_wait3A_801 = arith.constant 0 : i32
      %dma_wait3A_802 = tpu.memref_slice %arg7[%dma_wait3A_800, %dma_wait3A_801] : memref<8x128xi32, #tpu.memory_space<vmem>> -> memref<1x128xi32, #tpu.memory_space<vmem>>
      %dma_wait3A_803 = tpu.memref_squeeze %dma_wait3A_802 : memref<1x128xi32, #tpu.memory_space<vmem>> -> memref<128xi32, #tpu.memory_space<vmem>>
      %dma_wait3A_804 = arith.constant 0 : i32
      %dma_wait3A_805 = arith.constant 0 : i32
      %dma_wait3A_806 = tpu.memref_slice %arg2[%dma_wait3A_804, %dma_wait3A_805] : memref<10000x128xf32, #tpu.memory_space<hbm>> -> memref<10000x128xf32, #tpu.memory_space<hbm>>
      tpu.wait_indirect_dma semaphore(%arg15 : memref<!tpu.dma_semaphore, #tpu.memory_space<semaphore_mem>>) src(%dma_wait3A_806 : memref<10000x128xf32, #tpu.memory_space<hbm>>) dst(%arg11 : memref<128x128xf32, #tpu.memory_space<vmem>>)
      "tpu.region"() ({
        %run_scoped3A_832 = tpu.sem_alloc : memref<!tpu.dma_semaphore, #tpu.memory_space<semaphore_mem>>
        %dma_start3A_833 = arith.constant 0 : i32
        %dma_start3A_834 = tpu.memref_slice %arg10[%mul3A_799, %dma_start3A_833] : memref<8x128xi32, #tpu.memory_space<vmem>> -> memref<1x128xi32, #tpu.memory_space<vmem>>
        %dma_start3A_835 = tpu.memref_squeeze %dma_start3A_834 : memref<1x128xi32, #tpu.memory_space<vmem>> -> memref<128xi32, #tpu.memory_space<vmem>>
        %dma_start3A_836 = arith.constant 0 : i32
        %dma_start3A_837 = arith.constant 0 : i32
        %dma_start3A_838 = tpu.memref_slice %arg14[%dma_start3A_836, %dma_start3A_837] : memref<10240x128xf32, #tpu.memory_space<vmem_shared>> -> memref<10240x128xf32, #tpu.memory_space<vmem_shared>>
        tpu.enqueue_indirect_dma source(%arg11 : memref<128x128xf32, #tpu.memory_space<vmem>>) target(%dma_start3A_838 : memref<10240x128xf32, #tpu.memory_space<vmem_shared>>) offsets(%dma_start3A_835 : memref<128xi32, #tpu.memory_space<vmem>>) semaphore(%run_scoped3A_832 : memref<!tpu.dma_semaphore, #tpu.memory_space<semaphore_mem>>) {add = true}
        %dma_wait3A_839 = arith.constant 0 : i32
        %dma_wait3A_840 = tpu.memref_slice %arg10[%mul3A_799, %dma_wait3A_839] : memref<8x128xi32, #tpu.memory_space<vmem>> -> memref<1x128xi32, #tpu.memory_space<vmem>>
        %dma_wait3A_841 = tpu.memref_squeeze %dma_wait3A_840 : memref<1x128xi32, #tpu.memory_space<vmem>> -> memref<128xi32, #tpu.memory_space<vmem>>
        %dma_wait3A_842 = arith.constant 0 : i32
        %dma_wait3A_843 = arith.constant 0 : i32
        %dma_wait3A_844 = tpu.memref_slice %arg14[%dma_wait3A_842, %dma_wait3A_843] : memref<10240x128xf32, #tpu.memory_space<vmem_shared>> -> memref<10240x128xf32, #tpu.memory_space<vmem_shared>>
        tpu.wait_indirect_dma semaphore(%run_scoped3A_832 : memref<!tpu.dma_semaphore, #tpu.memory_space<semaphore_mem>>) src(%arg11 : memref<128x128xf32, #tpu.memory_space<vmem>>) dst(%dma_wait3A_844 : memref<10240x128xf32, #tpu.memory_space<vmem_shared>>)
        tpu.yield
      }) : () -> ()
      %add3A_807 = arith.constant 2 : i32
      %add3A_808 = arith.addi %mul3A_799, %add3A_807 : i32
      %dma_start3A_809 = arith.constant 0 : i32
      %dma_start3A_810 = tpu.memref_slice %arg9[%add3A_808, %dma_start3A_809] : memref<8x128xi32, #tpu.memory_space<vmem>> -> memref<1x128xi32, #tpu.memory_space<vmem>>
      %dma_start3A_811 = tpu.memref_squeeze %dma_start3A_810 : memref<1x128xi32, #tpu.memory_space<vmem>> -> memref<128xi32, #tpu.memory_space<vmem>>
      %dma_start3A_812 = arith.constant 0 : i32
      %dma_start3A_813 = arith.constant 0 : i32
      %dma_start3A_814 = tpu.memref_slice %arg2[%dma_start3A_812, %dma_start3A_813] : memref<10000x128xf32, #tpu.memory_space<hbm>> -> memref<10000x128xf32, #tpu.memory_space<hbm>>
      tpu.enqueue_indirect_dma source(%dma_start3A_814 : memref<10000x128xf32, #tpu.memory_space<hbm>>) target(%arg11 : memref<128x128xf32, #tpu.memory_space<vmem>>) offsets(%dma_start3A_811 : memref<128xi32, #tpu.memory_space<vmem>>) semaphore(%arg15 : memref<!tpu.dma_semaphore, #tpu.memory_space<semaphore_mem>>)
      %dma_wait3A_815 = arith.constant 0 : i32
      %dma_wait3A_816 = arith.constant 0 : i32
      %dma_wait3A_817 = tpu.memref_slice %arg7[%dma_wait3A_815, %dma_wait3A_816] : memref<8x128xi32, #tpu.memory_space<vmem>> -> memref<1x128xi32, #tpu.memory_space<vmem>>
      %dma_wait3A_818 = tpu.memref_squeeze %dma_wait3A_817 : memref<1x128xi32, #tpu.memory_space<vmem>> -> memref<128xi32, #tpu.memory_space<vmem>>
      %dma_wait3A_819 = arith.constant 0 : i32
      %dma_wait3A_820 = arith.constant 0 : i32
      %dma_wait3A_821 = tpu.memref_slice %arg2[%dma_wait3A_819, %dma_wait3A_820] : memref<10000x128xf32, #tpu.memory_space<hbm>> -> memref<10000x128xf32, #tpu.memory_space<hbm>>
      tpu.wait_indirect_dma semaphore(%arg16 : memref<!tpu.dma_semaphore, #tpu.memory_space<semaphore_mem>>) src(%dma_wait3A_821 : memref<10000x128xf32, #tpu.memory_space<hbm>>) dst(%arg12 : memref<128x128xf32, #tpu.memory_space<vmem>>)
      %add3A_822 = arith.constant 1 : i32
      %add3A_823 = arith.addi %mul3A_799, %add3A_822 : i32
      "tpu.region"() ({
        %run_scoped3A_832 = tpu.sem_alloc : memref<!tpu.dma_semaphore, #tpu.memory_space<semaphore_mem>>
        %dma_start3A_833 = arith.constant 0 : i32
        %dma_start3A_834 = tpu.memref_slice %arg10[%add3A_823, %dma_start3A_833] : memref<8x128xi32, #tpu.memory_space<vmem>> -> memref<1x128xi32, #tpu.memory_space<vmem>>
        %dma_start3A_835 = tpu.memref_squeeze %dma_start3A_834 : memref<1x128xi32, #tpu.memory_space<vmem>> -> memref<128xi32, #tpu.memory_space<vmem>>
        %dma_start3A_836 = arith.constant 0 : i32
        %dma_start3A_837 = arith.constant 0 : i32
        %dma_start3A_838 = tpu.memref_slice %arg14[%dma_start3A_836, %dma_start3A_837] : memref<10240x128xf32, #tpu.memory_space<vmem_shared>> -> memref<10240x128xf32, #tpu.memory_space<vmem_shared>>
        tpu.enqueue_indirect_dma source(%arg12 : memref<128x128xf32, #tpu.memory_space<vmem>>) target(%dma_start3A_838 : memref<10240x128xf32, #tpu.memory_space<vmem_shared>>) offsets(%dma_start3A_835 : memref<128xi32, #tpu.memory_space<vmem>>) semaphore(%run_scoped3A_832 : memref<!tpu.dma_semaphore, #tpu.memory_space<semaphore_mem>>) {add = true}
        %dma_wait3A_839 = arith.constant 0 : i32
        %dma_wait3A_840 = tpu.memref_slice %arg10[%add3A_823, %dma_wait3A_839] : memref<8x128xi32, #tpu.memory_space<vmem>> -> memref<1x128xi32, #tpu.memory_space<vmem>>
        %dma_wait3A_841 = tpu.memref_squeeze %dma_wait3A_840 : memref<1x128xi32, #tpu.memory_space<vmem>> -> memref<128xi32, #tpu.memory_space<vmem>>
        %dma_wait3A_842 = arith.constant 0 : i32
        %dma_wait3A_843 = arith.constant 0 : i32
        %dma_wait3A_844 = tpu.memref_slice %arg14[%dma_wait3A_842, %dma_wait3A_843] : memref<10240x128xf32, #tpu.memory_space<vmem_shared>> -> memref<10240x128xf32, #tpu.memory_space<vmem_shared>>
        tpu.wait_indirect_dma semaphore(%run_scoped3A_832 : memref<!tpu.dma_semaphore, #tpu.memory_space<semaphore_mem>>) src(%arg12 : memref<128x128xf32, #tpu.memory_space<vmem>>) dst(%dma_wait3A_844 : memref<10240x128xf32, #tpu.memory_space<vmem_shared>>)
        tpu.yield
      }) : () -> ()
      %add3A_824 = arith.constant 3 : i32
      %add3A_825 = arith.addi %mul3A_799, %add3A_824 : i32
      %dma_start3A_826 = arith.constant 0 : i32
      %dma_start3A_827 = tpu.memref_slice %arg9[%add3A_825, %dma_start3A_826] : memref<8x128xi32, #tpu.memory_space<vmem>> -> memref<1x128xi32, #tpu.memory_space<vmem>>
      %dma_start3A_828 = tpu.memref_squeeze %dma_start3A_827 : memref<1x128xi32, #tpu.memory_space<vmem>> -> memref<128xi32, #tpu.memory_space<vmem>>
      %dma_start3A_829 = arith.constant 0 : i32
      %dma_start3A_830 = arith.constant 0 : i32
      %dma_start3A_831 = tpu.memref_slice %arg2[%dma_start3A_829, %dma_start3A_830] : memref<10000x128xf32, #tpu.memory_space<hbm>> -> memref<10000x128xf32, #tpu.memory_space<hbm>>
      tpu.enqueue_indirect_dma source(%dma_start3A_831 : memref<10000x128xf32, #tpu.memory_space<hbm>>) target(%arg12 : memref<128x128xf32, #tpu.memory_space<vmem>>) offsets(%dma_start3A_828 : memref<128xi32, #tpu.memory_space<vmem>>) semaphore(%arg16 : memref<!tpu.dma_semaphore, #tpu.memory_space<semaphore_mem>>)
    }
    %scan3A_647 = arith.constant 3 : i32
    %dma_wait3A_648 = arith.constant 0 : i32
    "tpu.trace_stop"() : () -> ()
    %dma_wait3A_649 = arith.constant 0 : i32
    %dma_wait3A_650 = tpu.memref_slice %arg7[%dma_wait3A_648, %dma_wait3A_649] : memref<8x128xi32, #tpu.memory_space<vmem>> -> memref<1x128xi32, #tpu.memory_space<vmem>>
    %dma_wait3A_651 = tpu.memref_squeeze %dma_wait3A_650 : memref<1x128xi32, #tpu.memory_space<vmem>> -> memref<128xi32, #tpu.memory_space<vmem>>
    %dma_wait3A_652 = arith.constant 0 : i32
    %dma_wait3A_653 = arith.constant 0 : i32
    %dma_wait3A_654 = tpu.memref_slice %arg2[%dma_wait3A_652, %dma_wait3A_653] : memref<10000x128xf32, #tpu.memory_space<hbm>> -> memref<10000x128xf32, #tpu.memory_space<hbm>>
    tpu.wait_indirect_dma semaphore(%arg15 : memref<!tpu.dma_semaphore, #tpu.memory_space<semaphore_mem>>) src(%dma_wait3A_654 : memref<10000x128xf32, #tpu.memory_space<hbm>>) dst(%arg11 : memref<128x128xf32, #tpu.memory_space<vmem>>)
    %run_scoped3A_655 = arith.constant 6 : i32
    "tpu.region"() ({
      %run_scoped3A_797 = tpu.sem_alloc : memref<!tpu.dma_semaphore, #tpu.memory_space<semaphore_mem>>
      %dma_start3A_798 = arith.constant 0 : i32
      %dma_start3A_799 = tpu.memref_slice %arg10[%run_scoped3A_655, %dma_start3A_798] : memref<8x128xi32, #tpu.memory_space<vmem>> -> memref<1x128xi32, #tpu.memory_space<vmem>>
      %dma_start3A_800 = tpu.memref_squeeze %dma_start3A_799 : memref<1x128xi32, #tpu.memory_space<vmem>> -> memref<128xi32, #tpu.memory_space<vmem>>
      %dma_start3A_801 = arith.constant 0 : i32
      %dma_start3A_802 = arith.constant 0 : i32
      %dma_start3A_803 = tpu.memref_slice %arg14[%dma_start3A_801, %dma_start3A_802] : memref<10240x128xf32, #tpu.memory_space<vmem_shared>> -> memref<10240x128xf32, #tpu.memory_space<vmem_shared>>
      tpu.enqueue_indirect_dma source(%arg11 : memref<128x128xf32, #tpu.memory_space<vmem>>) target(%dma_start3A_803 : memref<10240x128xf32, #tpu.memory_space<vmem_shared>>) offsets(%dma_start3A_800 : memref<128xi32, #tpu.memory_space<vmem>>) semaphore(%run_scoped3A_797 : memref<!tpu.dma_semaphore, #tpu.memory_space<semaphore_mem>>) {add = true}
      %dma_wait3A_804 = arith.constant 0 : i32
      %dma_wait3A_805 = tpu.memref_slice %arg10[%run_scoped3A_655, %dma_wait3A_804] : memref<8x128xi32, #tpu.memory_space<vmem>> -> memref<1x128xi32, #tpu.memory_space<vmem>>
      %dma_wait3A_806 = tpu.memref_squeeze %dma_wait3A_805 : memref<1x128xi32, #tpu.memory_space<vmem>> -> memref<128xi32, #tpu.memory_space<vmem>>
      %dma_wait3A_807 = arith.constant 0 : i32
      %dma_wait3A_808 = arith.constant 0 : i32
      %dma_wait3A_809 = tpu.memref_slice %arg14[%dma_wait3A_807, %dma_wait3A_808] : memref<10240x128xf32, #tpu.memory_space<vmem_shared>> -> memref<10240x128xf32, #tpu.memory_space<vmem_shared>>
      tpu.wait_indirect_dma semaphore(%run_scoped3A_797 : memref<!tpu.dma_semaphore, #tpu.memory_space<semaphore_mem>>) src(%arg11 : memref<128x128xf32, #tpu.memory_space<vmem>>) dst(%dma_wait3A_809 : memref<10240x128xf32, #tpu.memory_space<vmem_shared>>)
      tpu.yield
    }) : () -> ()
    %dma_wait3A_656 = arith.constant 0 : i32
    %dma_wait3A_657 = arith.constant 0 : i32
    %dma_wait3A_658 = tpu.memref_slice %arg3[%add3A, %dma_wait3A_656, %dma_wait3A_657] : memref<32x80x128xi32, #tpu.memory_space<hbm>> -> memref<1x8x128xi32, #tpu.memory_space<hbm>>
    %dma_wait3A_659 = tpu.memref_squeeze %dma_wait3A_658 : memref<1x8x128xi32, #tpu.memory_space<hbm>> -> memref<8x128xi32, #tpu.memory_space<hbm>>
    %dma_wait3A_660 = arith.constant 0 : i32
    %dma_wait3A_661 = arith.constant 0 : i32
    %dma_wait3A_662 = tpu.memref_slice %arg3[%add3A, %dma_wait3A_660, %dma_wait3A_661] : memref<32x80x128xi32, #tpu.memory_space<hbm>> -> memref<1x8x128xi32, #tpu.memory_space<hbm>>
    %dma_wait3A_663 = tpu.memref_squeeze %dma_wait3A_662 : memref<1x8x128xi32, #tpu.memory_space<hbm>> -> memref<8x128xi32, #tpu.memory_space<hbm>>
    tpu.wait_dma2 semaphore(%arg17 : memref<!tpu.dma_semaphore, #tpu.memory_space<semaphore_mem>>) src(%dma_wait3A_663 : memref<8x128xi32, #tpu.memory_space<hbm>>) dst(%arg7 : memref<8x128xi32, #tpu.memory_space<vmem>>)
    %dma_wait3A_664 = arith.constant 0 : i32
    %dma_wait3A_665 = arith.constant 0 : i32
    %dma_wait3A_666 = tpu.memref_slice %arg3[%add3A, %dma_wait3A_664, %dma_wait3A_665] : memref<32x80x128xi32, #tpu.memory_space<hbm>> -> memref<1x8x128xi32, #tpu.memory_space<hbm>>
    %dma_wait3A_667 = tpu.memref_squeeze %dma_wait3A_666 : memref<1x8x128xi32, #tpu.memory_space<hbm>> -> memref<8x128xi32, #tpu.memory_space<hbm>>
    %dma_wait3A_668 = arith.constant 0 : i32
    %dma_wait3A_669 = arith.constant 0 : i32
    %dma_wait3A_670 = tpu.memref_slice %arg3[%add3A, %dma_wait3A_668, %dma_wait3A_669] : memref<32x80x128xi32, #tpu.memory_space<hbm>> -> memref<1x8x128xi32, #tpu.memory_space<hbm>>
    %dma_wait3A_671 = tpu.memref_squeeze %dma_wait3A_670 : memref<1x8x128xi32, #tpu.memory_space<hbm>> -> memref<8x128xi32, #tpu.memory_space<hbm>>
    tpu.wait_dma2 semaphore(%arg17 : memref<!tpu.dma_semaphore, #tpu.memory_space<semaphore_mem>>) src(%dma_wait3A_671 : memref<8x128xi32, #tpu.memory_space<hbm>>) dst(%arg8 : memref<8x128xi32, #tpu.memory_space<vmem>>)
    %dma_start3A_672 = arith.constant 0 : i32
    %dma_start3A_673 = arith.constant 0 : i32
    %dma_start3A_674 = tpu.memref_slice %arg7[%dma_start3A_672, %dma_start3A_673] : memref<8x128xi32, #tpu.memory_space<vmem>> -> memref<1x128xi32, #tpu.memory_space<vmem>>
    %dma_start3A_675 = tpu.memref_squeeze %dma_start3A_674 : memref<1x128xi32, #tpu.memory_space<vmem>> -> memref<128xi32, #tpu.memory_space<vmem>>
    %dma_start3A_676 = arith.constant 0 : i32
    %dma_start3A_677 = arith.constant 0 : i32
    %dma_start3A_678 = tpu.memref_slice %arg2[%dma_start3A_676, %dma_start3A_677] : memref<10000x128xf32, #tpu.memory_space<hbm>> -> memref<10000x128xf32, #tpu.memory_space<hbm>>
    tpu.enqueue_indirect_dma source(%dma_start3A_678 : memref<10000x128xf32, #tpu.memory_space<hbm>>) target(%arg11 : memref<128x128xf32, #tpu.memory_space<vmem>>) offsets(%dma_start3A_675 : memref<128xi32, #tpu.memory_space<vmem>>) semaphore(%arg15 : memref<!tpu.dma_semaphore, #tpu.memory_space<semaphore_mem>>)
    %dma_wait3A_679 = arith.constant 0 : i32
    %dma_wait3A_680 = arith.constant 0 : i32
    %dma_wait3A_681 = tpu.memref_slice %arg7[%dma_wait3A_679, %dma_wait3A_680] : memref<8x128xi32, #tpu.memory_space<vmem>> -> memref<1x128xi32, #tpu.memory_space<vmem>>
    %dma_wait3A_682 = tpu.memref_squeeze %dma_wait3A_681 : memref<1x128xi32, #tpu.memory_space<vmem>> -> memref<128xi32, #tpu.memory_space<vmem>>
    %dma_wait3A_683 = arith.constant 0 : i32
    %dma_wait3A_684 = arith.constant 0 : i32
    %dma_wait3A_685 = tpu.memref_slice %arg2[%dma_wait3A_683, %dma_wait3A_684] : memref<10000x128xf32, #tpu.memory_space<hbm>> -> memref<10000x128xf32, #tpu.memory_space<hbm>>
    tpu.wait_indirect_dma semaphore(%arg16 : memref<!tpu.dma_semaphore, #tpu.memory_space<semaphore_mem>>) src(%dma_wait3A_685 : memref<10000x128xf32, #tpu.memory_space<hbm>>) dst(%arg12 : memref<128x128xf32, #tpu.memory_space<vmem>>)
    %run_scoped3A_686 = arith.constant 7 : i32
    "tpu.region"() ({
      %run_scoped3A_797 = tpu.sem_alloc : memref<!tpu.dma_semaphore, #tpu.memory_space<semaphore_mem>>
      %dma_start3A_798 = arith.constant 0 : i32
      %dma_start3A_799 = tpu.memref_slice %arg10[%run_scoped3A_686, %dma_start3A_798] : memref<8x128xi32, #tpu.memory_space<vmem>> -> memref<1x128xi32, #tpu.memory_space<vmem>>
      %dma_start3A_800 = tpu.memref_squeeze %dma_start3A_799 : memref<1x128xi32, #tpu.memory_space<vmem>> -> memref<128xi32, #tpu.memory_space<vmem>>
      %dma_start3A_801 = arith.constant 0 : i32
      %dma_start3A_802 = arith.constant 0 : i32
      %dma_start3A_803 = tpu.memref_slice %arg14[%dma_start3A_801, %dma_start3A_802] : memref<10240x128xf32, #tpu.memory_space<vmem_shared>> -> memref<10240x128xf32, #tpu.memory_space<vmem_shared>>
      tpu.enqueue_indirect_dma source(%arg12 : memref<128x128xf32, #tpu.memory_space<vmem>>) target(%dma_start3A_803 : memref<10240x128xf32, #tpu.memory_space<vmem_shared>>) offsets(%dma_start3A_800 : memref<128xi32, #tpu.memory_space<vmem>>) semaphore(%run_scoped3A_797 : memref<!tpu.dma_semaphore, #tpu.memory_space<semaphore_mem>>) {add = true}
      %dma_wait3A_804 = arith.constant 0 : i32
      %dma_wait3A_805 = tpu.memref_slice %arg10[%run_scoped3A_686, %dma_wait3A_804] : memref<8x128xi32, #tpu.memory_space<vmem>> -> memref<1x128xi32, #tpu.memory_space<vmem>>
      %dma_wait3A_806 = tpu.memref_squeeze %dma_wait3A_805 : memref<1x128xi32, #tpu.memory_space<vmem>> -> memref<128xi32, #tpu.memory_space<vmem>>
      %dma_wait3A_807 = arith.constant 0 : i32
      %dma_wait3A_808 = arith.constant 0 : i32
      %dma_wait3A_809 = tpu.memref_slice %arg14[%dma_wait3A_807, %dma_wait3A_808] : memref<10240x128xf32, #tpu.memory_space<vmem_shared>> -> memref<10240x128xf32, #tpu.memory_space<vmem_shared>>
      tpu.wait_indirect_dma semaphore(%run_scoped3A_797 : memref<!tpu.dma_semaphore, #tpu.memory_space<semaphore_mem>>) src(%arg12 : memref<128x128xf32, #tpu.memory_space<vmem>>) dst(%dma_wait3A_809 : memref<10240x128xf32, #tpu.memory_space<vmem_shared>>)
      tpu.yield
    }) : () -> ()
    %dma_start3A_687 = arith.constant 1 : i32
    %dma_start3A_688 = arith.constant 0 : i32
    %dma_start3A_689 = tpu.memref_slice %arg7[%dma_start3A_687, %dma_start3A_688] : memref<8x128xi32, #tpu.memory_space<vmem>> -> memref<1x128xi32, #tpu.memory_space<vmem>>
    %dma_start3A_690 = tpu.memref_squeeze %dma_start3A_689 : memref<1x128xi32, #tpu.memory_space<vmem>> -> memref<128xi32, #tpu.memory_space<vmem>>
    %dma_start3A_691 = arith.constant 0 : i32
    %dma_start3A_692 = arith.constant 0 : i32
    %dma_start3A_693 = tpu.memref_slice %arg2[%dma_start3A_691, %dma_start3A_692] : memref<10000x128xf32, #tpu.memory_space<hbm>> -> memref<10000x128xf32, #tpu.memory_space<hbm>>
    tpu.enqueue_indirect_dma source(%dma_start3A_693 : memref<10000x128xf32, #tpu.memory_space<hbm>>) target(%arg12 : memref<128x128xf32, #tpu.memory_space<vmem>>) offsets(%dma_start3A_690 : memref<128xi32, #tpu.memory_space<vmem>>) semaphore(%arg16 : memref<!tpu.dma_semaphore, #tpu.memory_space<semaphore_mem>>)
    %dma_start3A_694 = arith.constant 72 : i32
    %dma_start3A_695 = arith.constant 0 : i32
    %dma_start3A_696 = tpu.memref_slice %arg3[%add3A, %dma_start3A_694, %dma_start3A_695] : memref<32x80x128xi32, #tpu.memory_space<hbm>> -> memref<1x8x128xi32, #tpu.memory_space<hbm>>
    %dma_start3A_697 = tpu.memref_squeeze %dma_start3A_696 : memref<1x8x128xi32, #tpu.memory_space<hbm>> -> memref<8x128xi32, #tpu.memory_space<hbm>>
    %dma_start3A_698 = arith.constant 72 : i32
    %dma_start3A_699 = arith.constant 0 : i32
    %dma_start3A_700 = tpu.memref_slice %arg3[%add3A, %dma_start3A_698, %dma_start3A_699] : memref<32x80x128xi32, #tpu.memory_space<hbm>> -> memref<1x8x128xi32, #tpu.memory_space<hbm>>
    %dma_start3A_701 = tpu.memref_squeeze %dma_start3A_700 : memref<1x8x128xi32, #tpu.memory_space<hbm>> -> memref<8x128xi32, #tpu.memory_space<hbm>>
    tpu.enqueue_dma source(%dma_start3A_701 : memref<8x128xi32, #tpu.memory_space<hbm>>) target(%arg9 : memref<8x128xi32, #tpu.memory_space<vmem>>) target_semaphore(%arg17 : memref<!tpu.dma_semaphore, #tpu.memory_space<semaphore_mem>>)
    %dma_start3A_702 = arith.constant 72 : i32
    %dma_start3A_703 = arith.constant 0 : i32
    %dma_start3A_704 = tpu.memref_slice %arg4[%add3A, %dma_start3A_702, %dma_start3A_703] : memref<32x80x128xi32, #tpu.memory_space<hbm>> -> memref<1x8x128xi32, #tpu.memory_space<hbm>>
    %dma_start3A_705 = tpu.memref_squeeze %dma_start3A_704 : memref<1x8x128xi32, #tpu.memory_space<hbm>> -> memref<8x128xi32, #tpu.memory_space<hbm>>
    %dma_start3A_706 = arith.constant 72 : i32
    %dma_start3A_707 = arith.constant 0 : i32
    %dma_start3A_708 = tpu.memref_slice %arg4[%add3A, %dma_start3A_706, %dma_start3A_707] : memref<32x80x128xi32, #tpu.memory_space<hbm>> -> memref<1x8x128xi32, #tpu.memory_space<hbm>>
    %dma_start3A_709 = tpu.memref_squeeze %dma_start3A_708 : memref<1x8x128xi32, #tpu.memory_space<hbm>> -> memref<8x128xi32, #tpu.memory_space<hbm>>
    tpu.enqueue_dma source(%dma_start3A_709 : memref<8x128xi32, #tpu.memory_space<hbm>>) target(%arg10 : memref<8x128xi32, #tpu.memory_space<vmem>>) target_semaphore(%arg17 : memref<!tpu.dma_semaphore, #tpu.memory_space<semaphore_mem>>)
    "tpu.trace_start"() <{level = 10 : i32, message = "degloop"}> : () -> ()
    %scan3A_710 = arith.constant 0 : i32
    %scan3A_711 = arith.constant 0 : i32
    %scan3A_712 = arith.constant 64 : i32
    %scan3A_713 = arith.addi %scan3A_711, %scan3A_712 : i32
    %scan3A_714 = arith.constant 1 : i32
    scf.for %scan3A_797 = %scan3A_711 to %scan3A_713 step %scan3A_714  : i32 {
      %jit3A = arith.constant 8 : i32
      %div3A = arith.divsi %scan3A_797, %jit3A : i32
      %sign3A = arith.constant 0 : i32
      %sign3A_798 = arith.cmpi sgt, %scan3A_797, %sign3A : i32
      %sign3A_799 = arith.extui %sign3A_798 : i1 to i32
      %sign3A_800 = arith.constant 0 : i32
      %sign3A_801 = arith.cmpi slt, %scan3A_797, %sign3A_800 : i32
      %sign3A_802 = arith.extui %sign3A_801 : i1 to i32
      %sign3A_803 = arith.subi %sign3A_799, %sign3A_802 : i32
      %sign3A_804 = arith.constant 0 : i32
      %sign3A_805 = arith.cmpi sgt, %jit3A, %sign3A_804 : i32
      %sign3A_806 = arith.extui %sign3A_805 : i1 to i32
      %sign3A_807 = arith.constant 0 : i32
      %sign3A_808 = arith.cmpi slt, %jit3A, %sign3A_807 : i32
      %sign3A_809 = arith.extui %sign3A_808 : i1 to i32
      %sign3A_810 = arith.subi %sign3A_806, %sign3A_809 : i32
      %ne3A = arith.cmpi ne, %sign3A_803, %sign3A_810 : i32
      %rem3A = arith.remsi %scan3A_797, %jit3A : i32
      %ne3A_811 = arith.constant 0 : i32
      %ne3A_812 = arith.cmpi ne, %rem3A, %ne3A_811 : i32
      %and3A = arith.andi %ne3A, %ne3A_812 : i1
      %sub3A = arith.constant 1 : i32
      %sub3A_813 = arith.subi %div3A, %sub3A : i32
      %select_n3A = arith.select %and3A, %sub3A_813, %div3A : i32
      %jit3A_814 = arith.constant 8 : i32
      %eq3A = arith.constant 0 : i32
      %eq3A_815 = arith.cmpi eq, %jit3A_814, %eq3A : i32
      %jit3A_816 = arith.constant 1 : i32
      %select_n3A_817 = arith.select %eq3A_815, %jit3A_816, %jit3A_814 : i32
      %rem3A_818 = arith.remsi %scan3A_797, %select_n3A_817 : i32
      %ne3A_819 = arith.constant 0 : i32
      %ne3A_820 = arith.cmpi ne, %rem3A_818, %ne3A_819 : i32
      %lt3A = arith.constant 0 : i32
      %lt3A_821 = arith.cmpi slt, %rem3A_818, %lt3A : i32
      %lt3A_822 = arith.constant 0 : i32
      %lt3A_823 = arith.cmpi slt, %select_n3A_817, %lt3A_822 : i32
      %ne3A_824 = arith.xori %lt3A_821, %lt3A_823 : i1
      %and3A_825 = arith.andi %ne3A_824, %ne3A_820 : i1
      %add3A_826 = arith.addi %rem3A_818, %select_n3A_817 : i32
      %select_n3A_827 = arith.select %and3A_825, %add3A_826, %rem3A_818 : i32
      %mul3A_828 = arith.constant 16 : i32
      %mul3A_829 = arith.muli %select_n3A_827, %mul3A_828 : i32
      %get3A = arith.index_cast %select_n3A : i32 to index
      %get3A_830 = arith.index_cast %mul3A_829 : i32 to index
      %get3A_831 = tpu.vector_load %arg8[%get3A, %get3A_830] {strides = array<i32>} : memref<8x128xi32, #tpu.memory_space<vmem>>, vector<16xi32>,
      %shift_right_arithmetic3A = arith.constant 7 : i32
      %shift_right_arithmetic3A_832 = vector.broadcast %shift_right_arithmetic3A : i32 to vector<16xi32>
      %shift_right_arithmetic3A_833 = arith.shrsi %get3A_831, %shift_right_arithmetic3A_832 : vector<16xi32>
      %and3A_834 = arith.constant 127 : i32
      %and3A_835 = vector.broadcast %and3A_834 : i32 to vector<16xi32>
      %and3A_836 = arith.andi %get3A_831, %and3A_835 : vector<16xi32>
      tpu.vector_store_idx %arg13[%shift_right_arithmetic3A_833, %and3A_836], %broadcast_in_dim3A_5 {add = true} : memref<80x128xf32, #tpu.memory_space<vmem>>[vector<16xi32>, vector<16xi32>], vector<16xf32>,
    }
    %scan3A_715 = arith.constant 64 : i32
    "tpu.trace_stop"() : () -> ()
    "tpu.trace_start"() <{level = 10 : i32, message = "gsloop"}> : () -> ()
    %scan3A_716 = arith.constant 0 : i32
    %scan3A_717 = arith.constant 0 : i32
    %scan3A_718 = arith.constant 3 : i32
    %scan3A_719 = arith.addi %scan3A_717, %scan3A_718 : i32
    %scan3A_720 = arith.constant 1 : i32
    scf.for %scan3A_797 = %scan3A_717 to %scan3A_719 step %scan3A_720  : i32 {
      %mul3A_798 = arith.constant 2 : i32
      %mul3A_799 = arith.muli %mul3A_798, %scan3A_797 : i32
      %dma_wait3A_800 = arith.constant 0 : i32
      %dma_wait3A_801 = arith.constant 0 : i32
      %dma_wait3A_802 = tpu.memref_slice %arg7[%dma_wait3A_800, %dma_wait3A_801] : memref<8x128xi32, #tpu.memory_space<vmem>> -> memref<1x128xi32, #tpu.memory_space<vmem>>
      %dma_wait3A_803 = tpu.memref_squeeze %dma_wait3A_802 : memref<1x128xi32, #tpu.memory_space<vmem>> -> memref<128xi32, #tpu.memory_space<vmem>>
      %dma_wait3A_804 = arith.constant 0 : i32
      %dma_wait3A_805 = arith.constant 0 : i32
      %dma_wait3A_806 = tpu.memref_slice %arg2[%dma_wait3A_804, %dma_wait3A_805] : memref<10000x128xf32, #tpu.memory_space<hbm>> -> memref<10000x128xf32, #tpu.memory_space<hbm>>
      tpu.wait_indirect_dma semaphore(%arg15 : memref<!tpu.dma_semaphore, #tpu.memory_space<semaphore_mem>>) src(%dma_wait3A_806 : memref<10000x128xf32, #tpu.memory_space<hbm>>) dst(%arg11 : memref<128x128xf32, #tpu.memory_space<vmem>>)
      "tpu.region"() ({
        %run_scoped3A_832 = tpu.sem_alloc : memref<!tpu.dma_semaphore, #tpu.memory_space<semaphore_mem>>
        %dma_start3A_833 = arith.constant 0 : i32
        %dma_start3A_834 = tpu.memref_slice %arg8[%mul3A_799, %dma_start3A_833] : memref<8x128xi32, #tpu.memory_space<vmem>> -> memref<1x128xi32, #tpu.memory_space<vmem>>
        %dma_start3A_835 = tpu.memref_squeeze %dma_start3A_834 : memref<1x128xi32, #tpu.memory_space<vmem>> -> memref<128xi32, #tpu.memory_space<vmem>>
        %dma_start3A_836 = arith.constant 0 : i32
        %dma_start3A_837 = arith.constant 0 : i32
        %dma_start3A_838 = tpu.memref_slice %arg14[%dma_start3A_836, %dma_start3A_837] : memref<10240x128xf32, #tpu.memory_space<vmem_shared>> -> memref<10240x128xf32, #tpu.memory_space<vmem_shared>>
        tpu.enqueue_indirect_dma source(%arg11 : memref<128x128xf32, #tpu.memory_space<vmem>>) target(%dma_start3A_838 : memref<10240x128xf32, #tpu.memory_space<vmem_shared>>) offsets(%dma_start3A_835 : memref<128xi32, #tpu.memory_space<vmem>>) semaphore(%run_scoped3A_832 : memref<!tpu.dma_semaphore, #tpu.memory_space<semaphore_mem>>) {add = true}
        %dma_wait3A_839 = arith.constant 0 : i32
        %dma_wait3A_840 = tpu.memref_slice %arg8[%mul3A_799, %dma_wait3A_839] : memref<8x128xi32, #tpu.memory_space<vmem>> -> memref<1x128xi32, #tpu.memory_space<vmem>>
        %dma_wait3A_841 = tpu.memref_squeeze %dma_wait3A_840 : memref<1x128xi32, #tpu.memory_space<vmem>> -> memref<128xi32, #tpu.memory_space<vmem>>
        %dma_wait3A_842 = arith.constant 0 : i32
        %dma_wait3A_843 = arith.constant 0 : i32
        %dma_wait3A_844 = tpu.memref_slice %arg14[%dma_wait3A_842, %dma_wait3A_843] : memref<10240x128xf32, #tpu.memory_space<vmem_shared>> -> memref<10240x128xf32, #tpu.memory_space<vmem_shared>>
        tpu.wait_indirect_dma semaphore(%run_scoped3A_832 : memref<!tpu.dma_semaphore, #tpu.memory_space<semaphore_mem>>) src(%arg11 : memref<128x128xf32, #tpu.memory_space<vmem>>) dst(%dma_wait3A_844 : memref<10240x128xf32, #tpu.memory_space<vmem_shared>>)
        tpu.yield
      }) : () -> ()
      %add3A_807 = arith.constant 2 : i32
      %add3A_808 = arith.addi %mul3A_799, %add3A_807 : i32
      %dma_start3A_809 = arith.constant 0 : i32
      %dma_start3A_810 = tpu.memref_slice %arg7[%add3A_808, %dma_start3A_809] : memref<8x128xi32, #tpu.memory_space<vmem>> -> memref<1x128xi32, #tpu.memory_space<vmem>>
      %dma_start3A_811 = tpu.memref_squeeze %dma_start3A_810 : memref<1x128xi32, #tpu.memory_space<vmem>> -> memref<128xi32, #tpu.memory_space<vmem>>
      %dma_start3A_812 = arith.constant 0 : i32
      %dma_start3A_813 = arith.constant 0 : i32
      %dma_start3A_814 = tpu.memref_slice %arg2[%dma_start3A_812, %dma_start3A_813] : memref<10000x128xf32, #tpu.memory_space<hbm>> -> memref<10000x128xf32, #tpu.memory_space<hbm>>
      tpu.enqueue_indirect_dma source(%dma_start3A_814 : memref<10000x128xf32, #tpu.memory_space<hbm>>) target(%arg11 : memref<128x128xf32, #tpu.memory_space<vmem>>) offsets(%dma_start3A_811 : memref<128xi32, #tpu.memory_space<vmem>>) semaphore(%arg15 : memref<!tpu.dma_semaphore, #tpu.memory_space<semaphore_mem>>)
      %dma_wait3A_815 = arith.constant 0 : i32
      %dma_wait3A_816 = arith.constant 0 : i32
      %dma_wait3A_817 = tpu.memref_slice %arg7[%dma_wait3A_815, %dma_wait3A_816] : memref<8x128xi32, #tpu.memory_space<vmem>> -> memref<1x128xi32, #tpu.memory_space<vmem>>
      %dma_wait3A_818 = tpu.memref_squeeze %dma_wait3A_817 : memref<1x128xi32, #tpu.memory_space<vmem>> -> memref<128xi32, #tpu.memory_space<vmem>>
      %dma_wait3A_819 = arith.constant 0 : i32
      %dma_wait3A_820 = arith.constant 0 : i32
      %dma_wait3A_821 = tpu.memref_slice %arg2[%dma_wait3A_819, %dma_wait3A_820] : memref<10000x128xf32, #tpu.memory_space<hbm>> -> memref<10000x128xf32, #tpu.memory_space<hbm>>
      tpu.wait_indirect_dma semaphore(%arg16 : memref<!tpu.dma_semaphore, #tpu.memory_space<semaphore_mem>>) src(%dma_wait3A_821 : memref<10000x128xf32, #tpu.memory_space<hbm>>) dst(%arg12 : memref<128x128xf32, #tpu.memory_space<vmem>>)
      %add3A_822 = arith.constant 1 : i32
      %add3A_823 = arith.addi %mul3A_799, %add3A_822 : i32
      "tpu.region"() ({
        %run_scoped3A_832 = tpu.sem_alloc : memref<!tpu.dma_semaphore, #tpu.memory_space<semaphore_mem>>
        %dma_start3A_833 = arith.constant 0 : i32
        %dma_start3A_834 = tpu.memref_slice %arg8[%add3A_823, %dma_start3A_833] : memref<8x128xi32, #tpu.memory_space<vmem>> -> memref<1x128xi32, #tpu.memory_space<vmem>>
        %dma_start3A_835 = tpu.memref_squeeze %dma_start3A_834 : memref<1x128xi32, #tpu.memory_space<vmem>> -> memref<128xi32, #tpu.memory_space<vmem>>
        %dma_start3A_836 = arith.constant 0 : i32
        %dma_start3A_837 = arith.constant 0 : i32
        %dma_start3A_838 = tpu.memref_slice %arg14[%dma_start3A_836, %dma_start3A_837] : memref<10240x128xf32, #tpu.memory_space<vmem_shared>> -> memref<10240x128xf32, #tpu.memory_space<vmem_shared>>
        tpu.enqueue_indirect_dma source(%arg12 : memref<128x128xf32, #tpu.memory_space<vmem>>) target(%dma_start3A_838 : memref<10240x128xf32, #tpu.memory_space<vmem_shared>>) offsets(%dma_start3A_835 : memref<128xi32, #tpu.memory_space<vmem>>) semaphore(%run_scoped3A_832 : memref<!tpu.dma_semaphore, #tpu.memory_space<semaphore_mem>>) {add = true}
        %dma_wait3A_839 = arith.constant 0 : i32
        %dma_wait3A_840 = tpu.memref_slice %arg8[%add3A_823, %dma_wait3A_839] : memref<8x128xi32, #tpu.memory_space<vmem>> -> memref<1x128xi32, #tpu.memory_space<vmem>>
        %dma_wait3A_841 = tpu.memref_squeeze %dma_wait3A_840 : memref<1x128xi32, #tpu.memory_space<vmem>> -> memref<128xi32, #tpu.memory_space<vmem>>
        %dma_wait3A_842 = arith.constant 0 : i32
        %dma_wait3A_843 = arith.constant 0 : i32
        %dma_wait3A_844 = tpu.memref_slice %arg14[%dma_wait3A_842, %dma_wait3A_843] : memref<10240x128xf32, #tpu.memory_space<vmem_shared>> -> memref<10240x128xf32, #tpu.memory_space<vmem_shared>>
        tpu.wait_indirect_dma semaphore(%run_scoped3A_832 : memref<!tpu.dma_semaphore, #tpu.memory_space<semaphore_mem>>) src(%arg12 : memref<128x128xf32, #tpu.memory_space<vmem>>) dst(%dma_wait3A_844 : memref<10240x128xf32, #tpu.memory_space<vmem_shared>>)
        tpu.yield
      }) : () -> ()
      %add3A_824 = arith.constant 3 : i32
      %add3A_825 = arith.addi %mul3A_799, %add3A_824 : i32
      %dma_start3A_826 = arith.constant 0 : i32
      %dma_start3A_827 = tpu.memref_slice %arg7[%add3A_825, %dma_start3A_826] : memref<8x128xi32, #tpu.memory_space<vmem>> -> memref<1x128xi32, #tpu.memory_space<vmem>>
      %dma_start3A_828 = tpu.memref_squeeze %dma_start3A_827 : memref<1x128xi32, #tpu.memory_space<vmem>> -> memref<128xi32, #tpu.memory_space<vmem>>
      %dma_start3A_829 = arith.constant 0 : i32
      %dma_start3A_830 = arith.constant 0 : i32
      %dma_start3A_831 = tpu.memref_slice %arg2[%dma_start3A_829, %dma_start3A_830] : memref<10000x128xf32, #tpu.memory_space<hbm>> -> memref<10000x128xf32, #tpu.memory_space<hbm>>
      tpu.enqueue_indirect_dma source(%dma_start3A_831 : memref<10000x128xf32, #tpu.memory_space<hbm>>) target(%arg12 : memref<128x128xf32, #tpu.memory_space<vmem>>) offsets(%dma_start3A_828 : memref<128xi32, #tpu.memory_space<vmem>>) semaphore(%arg16 : memref<!tpu.dma_semaphore, #tpu.memory_space<semaphore_mem>>)
    }
    %scan3A_721 = arith.constant 3 : i32
    %dma_wait3A_722 = arith.constant 0 : i32
    "tpu.trace_stop"() : () -> ()
    %dma_wait3A_723 = arith.constant 0 : i32
    %dma_wait3A_724 = tpu.memref_slice %arg7[%dma_wait3A_722, %dma_wait3A_723] : memref<8x128xi32, #tpu.memory_space<vmem>> -> memref<1x128xi32, #tpu.memory_space<vmem>>
    %dma_wait3A_725 = tpu.memref_squeeze %dma_wait3A_724 : memref<1x128xi32, #tpu.memory_space<vmem>> -> memref<128xi32, #tpu.memory_space<vmem>>
    %dma_wait3A_726 = arith.constant 0 : i32
    %dma_wait3A_727 = arith.constant 0 : i32
    %dma_wait3A_728 = tpu.memref_slice %arg2[%dma_wait3A_726, %dma_wait3A_727] : memref<10000x128xf32, #tpu.memory_space<hbm>> -> memref<10000x128xf32, #tpu.memory_space<hbm>>
    tpu.wait_indirect_dma semaphore(%arg15 : memref<!tpu.dma_semaphore, #tpu.memory_space<semaphore_mem>>) src(%dma_wait3A_728 : memref<10000x128xf32, #tpu.memory_space<hbm>>) dst(%arg11 : memref<128x128xf32, #tpu.memory_space<vmem>>)
    %run_scoped3A_729 = arith.constant 6 : i32
    "tpu.region"() ({
      %run_scoped3A_797 = tpu.sem_alloc : memref<!tpu.dma_semaphore, #tpu.memory_space<semaphore_mem>>
      %dma_start3A_798 = arith.constant 0 : i32
      %dma_start3A_799 = tpu.memref_slice %arg8[%run_scoped3A_729, %dma_start3A_798] : memref<8x128xi32, #tpu.memory_space<vmem>> -> memref<1x128xi32, #tpu.memory_space<vmem>>
      %dma_start3A_800 = tpu.memref_squeeze %dma_start3A_799 : memref<1x128xi32, #tpu.memory_space<vmem>> -> memref<128xi32, #tpu.memory_space<vmem>>
      %dma_start3A_801 = arith.constant 0 : i32
      %dma_start3A_802 = arith.constant 0 : i32
      %dma_start3A_803 = tpu.memref_slice %arg14[%dma_start3A_801, %dma_start3A_802] : memref<10240x128xf32, #tpu.memory_space<vmem_shared>> -> memref<10240x128xf32, #tpu.memory_space<vmem_shared>>
      tpu.enqueue_indirect_dma source(%arg11 : memref<128x128xf32, #tpu.memory_space<vmem>>) target(%dma_start3A_803 : memref<10240x128xf32, #tpu.memory_space<vmem_shared>>) offsets(%dma_start3A_800 : memref<128xi32, #tpu.memory_space<vmem>>) semaphore(%run_scoped3A_797 : memref<!tpu.dma_semaphore, #tpu.memory_space<semaphore_mem>>) {add = true}
      %dma_wait3A_804 = arith.constant 0 : i32
      %dma_wait3A_805 = tpu.memref_slice %arg8[%run_scoped3A_729, %dma_wait3A_804] : memref<8x128xi32, #tpu.memory_space<vmem>> -> memref<1x128xi32, #tpu.memory_space<vmem>>
      %dma_wait3A_806 = tpu.memref_squeeze %dma_wait3A_805 : memref<1x128xi32, #tpu.memory_space<vmem>> -> memref<128xi32, #tpu.memory_space<vmem>>
      %dma_wait3A_807 = arith.constant 0 : i32
      %dma_wait3A_808 = arith.constant 0 : i32
      %dma_wait3A_809 = tpu.memref_slice %arg14[%dma_wait3A_807, %dma_wait3A_808] : memref<10240x128xf32, #tpu.memory_space<vmem_shared>> -> memref<10240x128xf32, #tpu.memory_space<vmem_shared>>
      tpu.wait_indirect_dma semaphore(%run_scoped3A_797 : memref<!tpu.dma_semaphore, #tpu.memory_space<semaphore_mem>>) src(%arg11 : memref<128x128xf32, #tpu.memory_space<vmem>>) dst(%dma_wait3A_809 : memref<10240x128xf32, #tpu.memory_space<vmem_shared>>)
      tpu.yield
    }) : () -> ()
    %dma_wait3A_730 = arith.constant 0 : i32
    %dma_wait3A_731 = arith.constant 0 : i32
    %dma_wait3A_732 = tpu.memref_slice %arg3[%add3A, %dma_wait3A_730, %dma_wait3A_731] : memref<32x80x128xi32, #tpu.memory_space<hbm>> -> memref<1x8x128xi32, #tpu.memory_space<hbm>>
    %dma_wait3A_733 = tpu.memref_squeeze %dma_wait3A_732 : memref<1x8x128xi32, #tpu.memory_space<hbm>> -> memref<8x128xi32, #tpu.memory_space<hbm>>
    %dma_wait3A_734 = arith.constant 0 : i32
    %dma_wait3A_735 = arith.constant 0 : i32
    %dma_wait3A_736 = tpu.memref_slice %arg3[%add3A, %dma_wait3A_734, %dma_wait3A_735] : memref<32x80x128xi32, #tpu.memory_space<hbm>> -> memref<1x8x128xi32, #tpu.memory_space<hbm>>
    %dma_wait3A_737 = tpu.memref_squeeze %dma_wait3A_736 : memref<1x8x128xi32, #tpu.memory_space<hbm>> -> memref<8x128xi32, #tpu.memory_space<hbm>>
    tpu.wait_dma2 semaphore(%arg17 : memref<!tpu.dma_semaphore, #tpu.memory_space<semaphore_mem>>) src(%dma_wait3A_737 : memref<8x128xi32, #tpu.memory_space<hbm>>) dst(%arg9 : memref<8x128xi32, #tpu.memory_space<vmem>>)
    %dma_wait3A_738 = arith.constant 0 : i32
    %dma_wait3A_739 = arith.constant 0 : i32
    %dma_wait3A_740 = tpu.memref_slice %arg3[%add3A, %dma_wait3A_738, %dma_wait3A_739] : memref<32x80x128xi32, #tpu.memory_space<hbm>> -> memref<1x8x128xi32, #tpu.memory_space<hbm>>
    %dma_wait3A_741 = tpu.memref_squeeze %dma_wait3A_740 : memref<1x8x128xi32, #tpu.memory_space<hbm>> -> memref<8x128xi32, #tpu.memory_space<hbm>>
    %dma_wait3A_742 = arith.constant 0 : i32
    %dma_wait3A_743 = arith.constant 0 : i32
    %dma_wait3A_744 = tpu.memref_slice %arg3[%add3A, %dma_wait3A_742, %dma_wait3A_743] : memref<32x80x128xi32, #tpu.memory_space<hbm>> -> memref<1x8x128xi32, #tpu.memory_space<hbm>>
    %dma_wait3A_745 = tpu.memref_squeeze %dma_wait3A_744 : memref<1x8x128xi32, #tpu.memory_space<hbm>> -> memref<8x128xi32, #tpu.memory_space<hbm>>
    tpu.wait_dma2 semaphore(%arg17 : memref<!tpu.dma_semaphore, #tpu.memory_space<semaphore_mem>>) src(%dma_wait3A_745 : memref<8x128xi32, #tpu.memory_space<hbm>>) dst(%arg10 : memref<8x128xi32, #tpu.memory_space<vmem>>)
    %dma_start3A_746 = arith.constant 0 : i32
    %dma_start3A_747 = arith.constant 0 : i32
    %dma_start3A_748 = tpu.memref_slice %arg9[%dma_start3A_746, %dma_start3A_747] : memref<8x128xi32, #tpu.memory_space<vmem>> -> memref<1x128xi32, #tpu.memory_space<vmem>>
    %dma_start3A_749 = tpu.memref_squeeze %dma_start3A_748 : memref<1x128xi32, #tpu.memory_space<vmem>> -> memref<128xi32, #tpu.memory_space<vmem>>
    %dma_start3A_750 = arith.constant 0 : i32
    %dma_start3A_751 = arith.constant 0 : i32
    %dma_start3A_752 = tpu.memref_slice %arg2[%dma_start3A_750, %dma_start3A_751] : memref<10000x128xf32, #tpu.memory_space<hbm>> -> memref<10000x128xf32, #tpu.memory_space<hbm>>
    tpu.enqueue_indirect_dma source(%dma_start3A_752 : memref<10000x128xf32, #tpu.memory_space<hbm>>) target(%arg11 : memref<128x128xf32, #tpu.memory_space<vmem>>) offsets(%dma_start3A_749 : memref<128xi32, #tpu.memory_space<vmem>>) semaphore(%arg15 : memref<!tpu.dma_semaphore, #tpu.memory_space<semaphore_mem>>)
    %dma_wait3A_753 = arith.constant 0 : i32
    %dma_wait3A_754 = arith.constant 0 : i32
    %dma_wait3A_755 = tpu.memref_slice %arg7[%dma_wait3A_753, %dma_wait3A_754] : memref<8x128xi32, #tpu.memory_space<vmem>> -> memref<1x128xi32, #tpu.memory_space<vmem>>
    %dma_wait3A_756 = tpu.memref_squeeze %dma_wait3A_755 : memref<1x128xi32, #tpu.memory_space<vmem>> -> memref<128xi32, #tpu.memory_space<vmem>>
    %dma_wait3A_757 = arith.constant 0 : i32
    %dma_wait3A_758 = arith.constant 0 : i32
    %dma_wait3A_759 = tpu.memref_slice %arg2[%dma_wait3A_757, %dma_wait3A_758] : memref<10000x128xf32, #tpu.memory_space<hbm>> -> memref<10000x128xf32, #tpu.memory_space<hbm>>
    tpu.wait_indirect_dma semaphore(%arg16 : memref<!tpu.dma_semaphore, #tpu.memory_space<semaphore_mem>>) src(%dma_wait3A_759 : memref<10000x128xf32, #tpu.memory_space<hbm>>) dst(%arg12 : memref<128x128xf32, #tpu.memory_space<vmem>>)
    %run_scoped3A_760 = arith.constant 7 : i32
    "tpu.region"() ({
      %run_scoped3A_797 = tpu.sem_alloc : memref<!tpu.dma_semaphore, #tpu.memory_space<semaphore_mem>>
      %dma_start3A_798 = arith.constant 0 : i32
      %dma_start3A_799 = tpu.memref_slice %arg8[%run_scoped3A_760, %dma_start3A_798] : memref<8x128xi32, #tpu.memory_space<vmem>> -> memref<1x128xi32, #tpu.memory_space<vmem>>
      %dma_start3A_800 = tpu.memref_squeeze %dma_start3A_799 : memref<1x128xi32, #tpu.memory_space<vmem>> -> memref<128xi32, #tpu.memory_space<vmem>>
      %dma_start3A_801 = arith.constant 0 : i32
      %dma_start3A_802 = arith.constant 0 : i32
      %dma_start3A_803 = tpu.memref_slice %arg14[%dma_start3A_801, %dma_start3A_802] : memref<10240x128xf32, #tpu.memory_space<vmem_shared>> -> memref<10240x128xf32, #tpu.memory_space<vmem_shared>>
      tpu.enqueue_indirect_dma source(%arg12 : memref<128x128xf32, #tpu.memory_space<vmem>>) target(%dma_start3A_803 : memref<10240x128xf32, #tpu.memory_space<vmem_shared>>) offsets(%dma_start3A_800 : memref<128xi32, #tpu.memory_space<vmem>>) semaphore(%run_scoped3A_797 : memref<!tpu.dma_semaphore, #tpu.memory_space<semaphore_mem>>) {add = true}
      %dma_wait3A_804 = arith.constant 0 : i32
      %dma_wait3A_805 = tpu.memref_slice %arg8[%run_scoped3A_760, %dma_wait3A_804] : memref<8x128xi32, #tpu.memory_space<vmem>> -> memref<1x128xi32, #tpu.memory_space<vmem>>
      %dma_wait3A_806 = tpu.memref_squeeze %dma_wait3A_805 : memref<1x128xi32, #tpu.memory_space<vmem>> -> memref<128xi32, #tpu.memory_space<vmem>>
      %dma_wait3A_807 = arith.constant 0 : i32
      %dma_wait3A_808 = arith.constant 0 : i32
      %dma_wait3A_809 = tpu.memref_slice %arg14[%dma_wait3A_807, %dma_wait3A_808] : memref<10240x128xf32, #tpu.memory_space<vmem_shared>> -> memref<10240x128xf32, #tpu.memory_space<vmem_shared>>
      tpu.wait_indirect_dma semaphore(%run_scoped3A_797 : memref<!tpu.dma_semaphore, #tpu.memory_space<semaphore_mem>>) src(%arg12 : memref<128x128xf32, #tpu.memory_space<vmem>>) dst(%dma_wait3A_809 : memref<10240x128xf32, #tpu.memory_space<vmem_shared>>)
      tpu.yield
    }) : () -> ()
    %dma_start3A_761 = arith.constant 1 : i32
    %dma_start3A_762 = arith.constant 0 : i32
    %dma_start3A_763 = tpu.memref_slice %arg9[%dma_start3A_761, %dma_start3A_762] : memref<8x128xi32, #tpu.memory_space<vmem>> -> memref<1x128xi32, #tpu.memory_space<vmem>>
    %dma_start3A_764 = tpu.memref_squeeze %dma_start3A_763 : memref<1x128xi32, #tpu.memory_space<vmem>> -> memref<128xi32, #tpu.memory_space<vmem>>
    %dma_start3A_765 = arith.constant 0 : i32
    %dma_start3A_766 = arith.constant 0 : i32
    %dma_start3A_767 = tpu.memref_slice %arg2[%dma_start3A_765, %dma_start3A_766] : memref<10000x128xf32, #tpu.memory_space<hbm>> -> memref<10000x128xf32, #tpu.memory_space<hbm>>
    tpu.enqueue_indirect_dma source(%dma_start3A_767 : memref<10000x128xf32, #tpu.memory_space<hbm>>) target(%arg12 : memref<128x128xf32, #tpu.memory_space<vmem>>) offsets(%dma_start3A_764 : memref<128xi32, #tpu.memory_space<vmem>>) semaphore(%arg16 : memref<!tpu.dma_semaphore, #tpu.memory_space<semaphore_mem>>)
    "tpu.trace_start"() <{level = 10 : i32, message = "degloop"}> : () -> ()
    %scan3A_768 = arith.constant 0 : i32
    %scan3A_769 = arith.constant 0 : i32
    %scan3A_770 = arith.constant 64 : i32
    %scan3A_771 = arith.addi %scan3A_769, %scan3A_770 : i32
    %scan3A_772 = arith.constant 1 : i32
    scf.for %scan3A_797 = %scan3A_769 to %scan3A_771 step %scan3A_772  : i32 {
      %jit3A = arith.constant 8 : i32
      %div3A = arith.divsi %scan3A_797, %jit3A : i32
      %sign3A = arith.constant 0 : i32
      %sign3A_798 = arith.cmpi sgt, %scan3A_797, %sign3A : i32
      %sign3A_799 = arith.extui %sign3A_798 : i1 to i32
      %sign3A_800 = arith.constant 0 : i32
      %sign3A_801 = arith.cmpi slt, %scan3A_797, %sign3A_800 : i32
      %sign3A_802 = arith.extui %sign3A_801 : i1 to i32
      %sign3A_803 = arith.subi %sign3A_799, %sign3A_802 : i32
      %sign3A_804 = arith.constant 0 : i32
      %sign3A_805 = arith.cmpi sgt, %jit3A, %sign3A_804 : i32
      %sign3A_806 = arith.extui %sign3A_805 : i1 to i32
      %sign3A_807 = arith.constant 0 : i32
      %sign3A_808 = arith.cmpi slt, %jit3A, %sign3A_807 : i32
      %sign3A_809 = arith.extui %sign3A_808 : i1 to i32
      %sign3A_810 = arith.subi %sign3A_806, %sign3A_809 : i32
      %ne3A = arith.cmpi ne, %sign3A_803, %sign3A_810 : i32
      %rem3A = arith.remsi %scan3A_797, %jit3A : i32
      %ne3A_811 = arith.constant 0 : i32
      %ne3A_812 = arith.cmpi ne, %rem3A, %ne3A_811 : i32
      %and3A = arith.andi %ne3A, %ne3A_812 : i1
      %sub3A = arith.constant 1 : i32
      %sub3A_813 = arith.subi %div3A, %sub3A : i32
      %select_n3A = arith.select %and3A, %sub3A_813, %div3A : i32
      %jit3A_814 = arith.constant 8 : i32
      %eq3A = arith.constant 0 : i32
      %eq3A_815 = arith.cmpi eq, %jit3A_814, %eq3A : i32
      %jit3A_816 = arith.constant 1 : i32
      %select_n3A_817 = arith.select %eq3A_815, %jit3A_816, %jit3A_814 : i32
      %rem3A_818 = arith.remsi %scan3A_797, %select_n3A_817 : i32
      %ne3A_819 = arith.constant 0 : i32
      %ne3A_820 = arith.cmpi ne, %rem3A_818, %ne3A_819 : i32
      %lt3A = arith.constant 0 : i32
      %lt3A_821 = arith.cmpi slt, %rem3A_818, %lt3A : i32
      %lt3A_822 = arith.constant 0 : i32
      %lt3A_823 = arith.cmpi slt, %select_n3A_817, %lt3A_822 : i32
      %ne3A_824 = arith.xori %lt3A_821, %lt3A_823 : i1
      %and3A_825 = arith.andi %ne3A_824, %ne3A_820 : i1
      %add3A_826 = arith.addi %rem3A_818, %select_n3A_817 : i32
      %select_n3A_827 = arith.select %and3A_825, %add3A_826, %rem3A_818 : i32
      %mul3A_828 = arith.constant 16 : i32
      %mul3A_829 = arith.muli %select_n3A_827, %mul3A_828 : i32
      %get3A = arith.index_cast %select_n3A : i32 to index
      %get3A_830 = arith.index_cast %mul3A_829 : i32 to index
      %get3A_831 = tpu.vector_load %arg10[%get3A, %get3A_830] {strides = array<i32>} : memref<8x128xi32, #tpu.memory_space<vmem>>, vector<16xi32>,
      %shift_right_arithmetic3A = arith.constant 7 : i32
      %shift_right_arithmetic3A_832 = vector.broadcast %shift_right_arithmetic3A : i32 to vector<16xi32>
      %shift_right_arithmetic3A_833 = arith.shrsi %get3A_831, %shift_right_arithmetic3A_832 : vector<16xi32>
      %and3A_834 = arith.constant 127 : i32
      %and3A_835 = vector.broadcast %and3A_834 : i32 to vector<16xi32>
      %and3A_836 = arith.andi %get3A_831, %and3A_835 : vector<16xi32>
      tpu.vector_store_idx %arg13[%shift_right_arithmetic3A_833, %and3A_836], %broadcast_in_dim3A_5 {add = true} : memref<80x128xf32, #tpu.memory_space<vmem>>[vector<16xi32>, vector<16xi32>], vector<16xf32>,
    }
    %scan3A_773 = arith.constant 64 : i32
    "tpu.trace_stop"() : () -> ()
    "tpu.trace_start"() <{level = 10 : i32, message = "gsloop"}> : () -> ()
    %scan3A_774 = arith.constant 0 : i32
    %scan3A_775 = arith.constant 0 : i32
    %scan3A_776 = arith.constant 3 : i32
    %scan3A_777 = arith.addi %scan3A_775, %scan3A_776 : i32
    %scan3A_778 = arith.constant 1 : i32
    scf.for %scan3A_797 = %scan3A_775 to %scan3A_777 step %scan3A_778  : i32 {
      %mul3A_798 = arith.constant 2 : i32
      %mul3A_799 = arith.muli %mul3A_798, %scan3A_797 : i32
      %dma_wait3A_800 = arith.constant 0 : i32
      %dma_wait3A_801 = arith.constant 0 : i32
      %dma_wait3A_802 = tpu.memref_slice %arg7[%dma_wait3A_800, %dma_wait3A_801] : memref<8x128xi32, #tpu.memory_space<vmem>> -> memref<1x128xi32, #tpu.memory_space<vmem>>
      %dma_wait3A_803 = tpu.memref_squeeze %dma_wait3A_802 : memref<1x128xi32, #tpu.memory_space<vmem>> -> memref<128xi32, #tpu.memory_space<vmem>>
      %dma_wait3A_804 = arith.constant 0 : i32
      %dma_wait3A_805 = arith.constant 0 : i32
      %dma_wait3A_806 = tpu.memref_slice %arg2[%dma_wait3A_804, %dma_wait3A_805] : memref<10000x128xf32, #tpu.memory_space<hbm>> -> memref<10000x128xf32, #tpu.memory_space<hbm>>
      tpu.wait_indirect_dma semaphore(%arg15 : memref<!tpu.dma_semaphore, #tpu.memory_space<semaphore_mem>>) src(%dma_wait3A_806 : memref<10000x128xf32, #tpu.memory_space<hbm>>) dst(%arg11 : memref<128x128xf32, #tpu.memory_space<vmem>>)
      "tpu.region"() ({
        %run_scoped3A_832 = tpu.sem_alloc : memref<!tpu.dma_semaphore, #tpu.memory_space<semaphore_mem>>
        %dma_start3A_833 = arith.constant 0 : i32
        %dma_start3A_834 = tpu.memref_slice %arg10[%mul3A_799, %dma_start3A_833] : memref<8x128xi32, #tpu.memory_space<vmem>> -> memref<1x128xi32, #tpu.memory_space<vmem>>
        %dma_start3A_835 = tpu.memref_squeeze %dma_start3A_834 : memref<1x128xi32, #tpu.memory_space<vmem>> -> memref<128xi32, #tpu.memory_space<vmem>>
        %dma_start3A_836 = arith.constant 0 : i32
        %dma_start3A_837 = arith.constant 0 : i32
        %dma_start3A_838 = tpu.memref_slice %arg14[%dma_start3A_836, %dma_start3A_837] : memref<10240x128xf32, #tpu.memory_space<vmem_shared>> -> memref<10240x128xf32, #tpu.memory_space<vmem_shared>>
        tpu.enqueue_indirect_dma source(%arg11 : memref<128x128xf32, #tpu.memory_space<vmem>>) target(%dma_start3A_838 : memref<10240x128xf32, #tpu.memory_space<vmem_shared>>) offsets(%dma_start3A_835 : memref<128xi32, #tpu.memory_space<vmem>>) semaphore(%run_scoped3A_832 : memref<!tpu.dma_semaphore, #tpu.memory_space<semaphore_mem>>) {add = true}
        %dma_wait3A_839 = arith.constant 0 : i32
        %dma_wait3A_840 = tpu.memref_slice %arg10[%mul3A_799, %dma_wait3A_839] : memref<8x128xi32, #tpu.memory_space<vmem>> -> memref<1x128xi32, #tpu.memory_space<vmem>>
        %dma_wait3A_841 = tpu.memref_squeeze %dma_wait3A_840 : memref<1x128xi32, #tpu.memory_space<vmem>> -> memref<128xi32, #tpu.memory_space<vmem>>
        %dma_wait3A_842 = arith.constant 0 : i32
        %dma_wait3A_843 = arith.constant 0 : i32
        %dma_wait3A_844 = tpu.memref_slice %arg14[%dma_wait3A_842, %dma_wait3A_843] : memref<10240x128xf32, #tpu.memory_space<vmem_shared>> -> memref<10240x128xf32, #tpu.memory_space<vmem_shared>>
        tpu.wait_indirect_dma semaphore(%run_scoped3A_832 : memref<!tpu.dma_semaphore, #tpu.memory_space<semaphore_mem>>) src(%arg11 : memref<128x128xf32, #tpu.memory_space<vmem>>) dst(%dma_wait3A_844 : memref<10240x128xf32, #tpu.memory_space<vmem_shared>>)
        tpu.yield
      }) : () -> ()
      %add3A_807 = arith.constant 2 : i32
      %add3A_808 = arith.addi %mul3A_799, %add3A_807 : i32
      %dma_start3A_809 = arith.constant 0 : i32
      %dma_start3A_810 = tpu.memref_slice %arg9[%add3A_808, %dma_start3A_809] : memref<8x128xi32, #tpu.memory_space<vmem>> -> memref<1x128xi32, #tpu.memory_space<vmem>>
      %dma_start3A_811 = tpu.memref_squeeze %dma_start3A_810 : memref<1x128xi32, #tpu.memory_space<vmem>> -> memref<128xi32, #tpu.memory_space<vmem>>
      %dma_start3A_812 = arith.constant 0 : i32
      %dma_start3A_813 = arith.constant 0 : i32
      %dma_start3A_814 = tpu.memref_slice %arg2[%dma_start3A_812, %dma_start3A_813] : memref<10000x128xf32, #tpu.memory_space<hbm>> -> memref<10000x128xf32, #tpu.memory_space<hbm>>
      tpu.enqueue_indirect_dma source(%dma_start3A_814 : memref<10000x128xf32, #tpu.memory_space<hbm>>) target(%arg11 : memref<128x128xf32, #tpu.memory_space<vmem>>) offsets(%dma_start3A_811 : memref<128xi32, #tpu.memory_space<vmem>>) semaphore(%arg15 : memref<!tpu.dma_semaphore, #tpu.memory_space<semaphore_mem>>)
      %dma_wait3A_815 = arith.constant 0 : i32
      %dma_wait3A_816 = arith.constant 0 : i32
      %dma_wait3A_817 = tpu.memref_slice %arg7[%dma_wait3A_815, %dma_wait3A_816] : memref<8x128xi32, #tpu.memory_space<vmem>> -> memref<1x128xi32, #tpu.memory_space<vmem>>
      %dma_wait3A_818 = tpu.memref_squeeze %dma_wait3A_817 : memref<1x128xi32, #tpu.memory_space<vmem>> -> memref<128xi32, #tpu.memory_space<vmem>>
      %dma_wait3A_819 = arith.constant 0 : i32
      %dma_wait3A_820 = arith.constant 0 : i32
      %dma_wait3A_821 = tpu.memref_slice %arg2[%dma_wait3A_819, %dma_wait3A_820] : memref<10000x128xf32, #tpu.memory_space<hbm>> -> memref<10000x128xf32, #tpu.memory_space<hbm>>
      tpu.wait_indirect_dma semaphore(%arg16 : memref<!tpu.dma_semaphore, #tpu.memory_space<semaphore_mem>>) src(%dma_wait3A_821 : memref<10000x128xf32, #tpu.memory_space<hbm>>) dst(%arg12 : memref<128x128xf32, #tpu.memory_space<vmem>>)
      %add3A_822 = arith.constant 1 : i32
      %add3A_823 = arith.addi %mul3A_799, %add3A_822 : i32
      "tpu.region"() ({
        %run_scoped3A_832 = tpu.sem_alloc : memref<!tpu.dma_semaphore, #tpu.memory_space<semaphore_mem>>
        %dma_start3A_833 = arith.constant 0 : i32
        %dma_start3A_834 = tpu.memref_slice %arg10[%add3A_823, %dma_start3A_833] : memref<8x128xi32, #tpu.memory_space<vmem>> -> memref<1x128xi32, #tpu.memory_space<vmem>>
        %dma_start3A_835 = tpu.memref_squeeze %dma_start3A_834 : memref<1x128xi32, #tpu.memory_space<vmem>> -> memref<128xi32, #tpu.memory_space<vmem>>
        %dma_start3A_836 = arith.constant 0 : i32
        %dma_start3A_837 = arith.constant 0 : i32
        %dma_start3A_838 = tpu.memref_slice %arg14[%dma_start3A_836, %dma_start3A_837] : memref<10240x128xf32, #tpu.memory_space<vmem_shared>> -> memref<10240x128xf32, #tpu.memory_space<vmem_shared>>
        tpu.enqueue_indirect_dma source(%arg12 : memref<128x128xf32, #tpu.memory_space<vmem>>) target(%dma_start3A_838 : memref<10240x128xf32, #tpu.memory_space<vmem_shared>>) offsets(%dma_start3A_835 : memref<128xi32, #tpu.memory_space<vmem>>) semaphore(%run_scoped3A_832 : memref<!tpu.dma_semaphore, #tpu.memory_space<semaphore_mem>>) {add = true}
        %dma_wait3A_839 = arith.constant 0 : i32
        %dma_wait3A_840 = tpu.memref_slice %arg10[%add3A_823, %dma_wait3A_839] : memref<8x128xi32, #tpu.memory_space<vmem>> -> memref<1x128xi32, #tpu.memory_space<vmem>>
        %dma_wait3A_841 = tpu.memref_squeeze %dma_wait3A_840 : memref<1x128xi32, #tpu.memory_space<vmem>> -> memref<128xi32, #tpu.memory_space<vmem>>
        %dma_wait3A_842 = arith.constant 0 : i32
        %dma_wait3A_843 = arith.constant 0 : i32
        %dma_wait3A_844 = tpu.memref_slice %arg14[%dma_wait3A_842, %dma_wait3A_843] : memref<10240x128xf32, #tpu.memory_space<vmem_shared>> -> memref<10240x128xf32, #tpu.memory_space<vmem_shared>>
        tpu.wait_indirect_dma semaphore(%run_scoped3A_832 : memref<!tpu.dma_semaphore, #tpu.memory_space<semaphore_mem>>) src(%arg12 : memref<128x128xf32, #tpu.memory_space<vmem>>) dst(%dma_wait3A_844 : memref<10240x128xf32, #tpu.memory_space<vmem_shared>>)
        tpu.yield
      }) : () -> ()
      %add3A_824 = arith.constant 3 : i32
      %add3A_825 = arith.addi %mul3A_799, %add3A_824 : i32
      %dma_start3A_826 = arith.constant 0 : i32
      %dma_start3A_827 = tpu.memref_slice %arg9[%add3A_825, %dma_start3A_826] : memref<8x128xi32, #tpu.memory_space<vmem>> -> memref<1x128xi32, #tpu.memory_space<vmem>>
      %dma_start3A_828 = tpu.memref_squeeze %dma_start3A_827 : memref<1x128xi32, #tpu.memory_space<vmem>> -> memref<128xi32, #tpu.memory_space<vmem>>
      %dma_start3A_829 = arith.constant 0 : i32
      %dma_start3A_830 = arith.constant 0 : i32
      %dma_start3A_831 = tpu.memref_slice %arg2[%dma_start3A_829, %dma_start3A_830] : memref<10000x128xf32, #tpu.memory_space<hbm>> -> memref<10000x128xf32, #tpu.memory_space<hbm>>
      tpu.enqueue_indirect_dma source(%dma_start3A_831 : memref<10000x128xf32, #tpu.memory_space<hbm>>) target(%arg12 : memref<128x128xf32, #tpu.memory_space<vmem>>) offsets(%dma_start3A_828 : memref<128xi32, #tpu.memory_space<vmem>>) semaphore(%arg16 : memref<!tpu.dma_semaphore, #tpu.memory_space<semaphore_mem>>)
    }
    %scan3A_779 = arith.constant 3 : i32
    %dma_wait3A_780 = arith.constant 0 : i32
    "tpu.trace_stop"() : () -> ()
    %dma_wait3A_781 = arith.constant 0 : i32
    %dma_wait3A_782 = tpu.memref_slice %arg7[%dma_wait3A_780, %dma_wait3A_781] : memref<8x128xi32, #tpu.memory_space<vmem>> -> memref<1x128xi32, #tpu.memory_space<vmem>>
    %dma_wait3A_783 = tpu.memref_squeeze %dma_wait3A_782 : memref<1x128xi32, #tpu.memory_space<vmem>> -> memref<128xi32, #tpu.memory_space<vmem>>
    %dma_wait3A_784 = arith.constant 0 : i32
    %dma_wait3A_785 = arith.constant 0 : i32
    %dma_wait3A_786 = tpu.memref_slice %arg2[%dma_wait3A_784, %dma_wait3A_785] : memref<10000x128xf32, #tpu.memory_space<hbm>> -> memref<10000x128xf32, #tpu.memory_space<hbm>>
    tpu.wait_indirect_dma semaphore(%arg15 : memref<!tpu.dma_semaphore, #tpu.memory_space<semaphore_mem>>) src(%dma_wait3A_786 : memref<10000x128xf32, #tpu.memory_space<hbm>>) dst(%arg11 : memref<128x128xf32, #tpu.memory_space<vmem>>)
    %run_scoped3A_787 = arith.constant 6 : i32
    "tpu.region"() ({
      %run_scoped3A_797 = tpu.sem_alloc : memref<!tpu.dma_semaphore, #tpu.memory_space<semaphore_mem>>
      %dma_start3A_798 = arith.constant 0 : i32
      %dma_start3A_799 = tpu.memref_slice %arg10[%run_scoped3A_787, %dma_start3A_798] : memref<8x128xi32, #tpu.memory_space<vmem>> -> memref<1x128xi32, #tpu.memory_space<vmem>>
      %dma_start3A_800 = tpu.memref_squeeze %dma_start3A_799 : memref<1x128xi32, #tpu.memory_space<vmem>> -> memref<128xi32, #tpu.memory_space<vmem>>
      %dma_start3A_801 = arith.constant 0 : i32
      %dma_start3A_802 = arith.constant 0 : i32
      %dma_start3A_803 = tpu.memref_slice %arg14[%dma_start3A_801, %dma_start3A_802] : memref<10240x128xf32, #tpu.memory_space<vmem_shared>> -> memref<10240x128xf32, #tpu.memory_space<vmem_shared>>
      tpu.enqueue_indirect_dma source(%arg11 : memref<128x128xf32, #tpu.memory_space<vmem>>) target(%dma_start3A_803 : memref<10240x128xf32, #tpu.memory_space<vmem_shared>>) offsets(%dma_start3A_800 : memref<128xi32, #tpu.memory_space<vmem>>) semaphore(%run_scoped3A_797 : memref<!tpu.dma_semaphore, #tpu.memory_space<semaphore_mem>>) {add = true}
      %dma_wait3A_804 = arith.constant 0 : i32
      %dma_wait3A_805 = tpu.memref_slice %arg10[%run_scoped3A_787, %dma_wait3A_804] : memref<8x128xi32, #tpu.memory_space<vmem>> -> memref<1x128xi32, #tpu.memory_space<vmem>>
      %dma_wait3A_806 = tpu.memref_squeeze %dma_wait3A_805 : memref<1x128xi32, #tpu.memory_space<vmem>> -> memref<128xi32, #tpu.memory_space<vmem>>
      %dma_wait3A_807 = arith.constant 0 : i32
      %dma_wait3A_808 = arith.constant 0 : i32
      %dma_wait3A_809 = tpu.memref_slice %arg14[%dma_wait3A_807, %dma_wait3A_808] : memref<10240x128xf32, #tpu.memory_space<vmem_shared>> -> memref<10240x128xf32, #tpu.memory_space<vmem_shared>>
      tpu.wait_indirect_dma semaphore(%run_scoped3A_797 : memref<!tpu.dma_semaphore, #tpu.memory_space<semaphore_mem>>) src(%arg11 : memref<128x128xf32, #tpu.memory_space<vmem>>) dst(%dma_wait3A_809 : memref<10240x128xf32, #tpu.memory_space<vmem_shared>>)
      tpu.yield
    }) : () -> ()
    %dma_wait3A_788 = arith.constant 0 : i32
    %dma_wait3A_789 = arith.constant 0 : i32
    %dma_wait3A_790 = tpu.memref_slice %arg7[%dma_wait3A_788, %dma_wait3A_789] : memref<8x128xi32, #tpu.memory_space<vmem>> -> memref<1x128xi32, #tpu.memory_space<vmem>>
    %dma_wait3A_791 = tpu.memref_squeeze %dma_wait3A_790 : memref<1x128xi32, #tpu.memory_space<vmem>> -> memref<128xi32, #tpu.memory_space<vmem>>
    %dma_wait3A_792 = arith.constant 0 : i32
    %dma_wait3A_793 = arith.constant 0 : i32
    %dma_wait3A_794 = tpu.memref_slice %arg2[%dma_wait3A_792, %dma_wait3A_793] : memref<10000x128xf32, #tpu.memory_space<hbm>> -> memref<10000x128xf32, #tpu.memory_space<hbm>>
    tpu.wait_indirect_dma semaphore(%arg16 : memref<!tpu.dma_semaphore, #tpu.memory_space<semaphore_mem>>) src(%dma_wait3A_794 : memref<10000x128xf32, #tpu.memory_space<hbm>>) dst(%arg12 : memref<128x128xf32, #tpu.memory_space<vmem>>)
    %run_scoped3A_795 = arith.constant 7 : i32
    "tpu.region"() ({
      %run_scoped3A_797 = tpu.sem_alloc : memref<!tpu.dma_semaphore, #tpu.memory_space<semaphore_mem>>
      %dma_start3A_798 = arith.constant 0 : i32
      %dma_start3A_799 = tpu.memref_slice %arg10[%run_scoped3A_795, %dma_start3A_798] : memref<8x128xi32, #tpu.memory_space<vmem>> -> memref<1x128xi32, #tpu.memory_space<vmem>>
      %dma_start3A_800 = tpu.memref_squeeze %dma_start3A_799 : memref<1x128xi32, #tpu.memory_space<vmem>> -> memref<128xi32, #tpu.memory_space<vmem>>
      %dma_start3A_801 = arith.constant 0 : i32
      %dma_start3A_802 = arith.constant 0 : i32
      %dma_start3A_803 = tpu.memref_slice %arg14[%dma_start3A_801, %dma_start3A_802] : memref<10240x128xf32, #tpu.memory_space<vmem_shared>> -> memref<10240x128xf32, #tpu.memory_space<vmem_shared>>
      tpu.enqueue_indirect_dma source(%arg12 : memref<128x128xf32, #tpu.memory_space<vmem>>) target(%dma_start3A_803 : memref<10240x128xf32, #tpu.memory_space<vmem_shared>>) offsets(%dma_start3A_800 : memref<128xi32, #tpu.memory_space<vmem>>) semaphore(%run_scoped3A_797 : memref<!tpu.dma_semaphore, #tpu.memory_space<semaphore_mem>>) {add = true}
      %dma_wait3A_804 = arith.constant 0 : i32
      %dma_wait3A_805 = tpu.memref_slice %arg10[%run_scoped3A_795, %dma_wait3A_804] : memref<8x128xi32, #tpu.memory_space<vmem>> -> memref<1x128xi32, #tpu.memory_space<vmem>>
      %dma_wait3A_806 = tpu.memref_squeeze %dma_wait3A_805 : memref<1x128xi32, #tpu.memory_space<vmem>> -> memref<128xi32, #tpu.memory_space<vmem>>
      %dma_wait3A_807 = arith.constant 0 : i32
      %dma_wait3A_808 = arith.constant 0 : i32
      %dma_wait3A_809 = tpu.memref_slice %arg14[%dma_wait3A_807, %dma_wait3A_808] : memref<10240x128xf32, #tpu.memory_space<vmem_shared>> -> memref<10240x128xf32, #tpu.memory_space<vmem_shared>>
      tpu.wait_indirect_dma semaphore(%run_scoped3A_797 : memref<!tpu.dma_semaphore, #tpu.memory_space<semaphore_mem>>) src(%arg12 : memref<128x128xf32, #tpu.memory_space<vmem>>) dst(%dma_wait3A_809 : memref<10240x128xf32, #tpu.memory_space<vmem_shared>>)
      tpu.yield
    }) : () -> ()
    "tpu.trace_start"() <{level = 10 : i32, message = "writeback"}> : () -> ()
    "tpu.region"() ({
      %run_scoped3A_797 = tpu.sem_alloc : memref<!tpu.dma_semaphore, #tpu.memory_space<semaphore_mem>>
      %dma_start3A_798 = arith.constant 0 : i32
      %dma_start3A_799 = arith.constant 0 : i32
      %dma_start3A_800 = tpu.memref_slice %arg6[%add3A, %dma_start3A_798, %dma_start3A_799] : memref<32x80x128xf32, #tpu.memory_space<hbm>> -> memref<1x80x128xf32, #tpu.memory_space<hbm>>
      %dma_start3A_801 = tpu.memref_squeeze %dma_start3A_800 : memref<1x80x128xf32, #tpu.memory_space<hbm>> -> memref<80x128xf32, #tpu.memory_space<hbm>>
      %dma_start3A_802 = arith.constant 0 : i32
      %dma_start3A_803 = arith.constant 0 : i32
      %dma_start3A_804 = tpu.memref_slice %arg6[%add3A, %dma_start3A_802, %dma_start3A_803] : memref<32x80x128xf32, #tpu.memory_space<hbm>> -> memref<1x80x128xf32, #tpu.memory_space<hbm>>
      %dma_start3A_805 = tpu.memref_squeeze %dma_start3A_804 : memref<1x80x128xf32, #tpu.memory_space<hbm>> -> memref<80x128xf32, #tpu.memory_space<hbm>>
      tpu.enqueue_dma source(%arg13 : memref<80x128xf32, #tpu.memory_space<vmem>>) target(%dma_start3A_805 : memref<80x128xf32, #tpu.memory_space<hbm>>) target_semaphore(%run_scoped3A_797 : memref<!tpu.dma_semaphore, #tpu.memory_space<semaphore_mem>>)
      %dma_wait3A_806 = arith.constant 0 : i32
      %dma_wait3A_807 = arith.constant 0 : i32
      %dma_wait3A_808 = tpu.memref_slice %arg6[%add3A, %dma_wait3A_806, %dma_wait3A_807] : memref<32x80x128xf32, #tpu.memory_space<hbm>> -> memref<1x80x128xf32, #tpu.memory_space<hbm>>
      %dma_wait3A_809 = tpu.memref_squeeze %dma_wait3A_808 : memref<1x80x128xf32, #tpu.memory_space<hbm>> -> memref<80x128xf32, #tpu.memory_space<hbm>>
      %dma_wait3A_810 = arith.constant 0 : i32
      %dma_wait3A_811 = arith.constant 0 : i32
      %dma_wait3A_812 = tpu.memref_slice %arg6[%add3A, %dma_wait3A_810, %dma_wait3A_811] : memref<32x80x128xf32, #tpu.memory_space<hbm>> -> memref<1x80x128xf32, #tpu.memory_space<hbm>>
      %dma_wait3A_813 = tpu.memref_squeeze %dma_wait3A_812 : memref<1x80x128xf32, #tpu.memory_space<hbm>> -> memref<80x128xf32, #tpu.memory_space<hbm>>
      tpu.wait_dma2 semaphore(%run_scoped3A_797 : memref<!tpu.dma_semaphore, #tpu.memory_space<semaphore_mem>>) src(%arg13 : memref<80x128xf32, #tpu.memory_space<vmem>>) dst(%dma_wait3A_813 : memref<80x128xf32, #tpu.memory_space<hbm>>)
      tpu.yield
    }) : () -> ()
    %barrier3A_796 = arith.constant 0 : index
    tpu.barrier barrier_id(%barrier3A_796)
    "tpu.region"() ({
      %run_scoped3A_797 = tpu.sem_alloc : memref<!tpu.dma_semaphore, #tpu.memory_space<semaphore_mem>>
      %dma_start3A_798 = arith.constant 0 : i32
      %dma_start3A_799 = tpu.memref_slice %arg5[%arg0, %mul3A_2, %dma_start3A_798] : memref<2x10240x128xf32, #tpu.memory_space<hbm>> -> memref<1x640x128xf32, #tpu.memory_space<hbm>>
      %dma_start3A_800 = tpu.memref_squeeze %dma_start3A_799 : memref<1x640x128xf32, #tpu.memory_space<hbm>> -> memref<640x128xf32, #tpu.memory_space<hbm>>
      %dma_start3A_801 = arith.constant 0 : i32
      %dma_start3A_802 = tpu.memref_slice %arg14[%mul3A_2, %dma_start3A_801] : memref<10240x128xf32, #tpu.memory_space<vmem_shared>> -> memref<640x128xf32, #tpu.memory_space<vmem_shared>>
      tpu.enqueue_dma source(%dma_start3A_802 : memref<640x128xf32, #tpu.memory_space<vmem_shared>>) target(%dma_start3A_800 : memref<640x128xf32, #tpu.memory_space<hbm>>) target_semaphore(%run_scoped3A_797 : memref<!tpu.dma_semaphore, #tpu.memory_space<semaphore_mem>>)
      %dma_wait3A_803 = arith.constant 0 : i32
      %dma_wait3A_804 = tpu.memref_slice %arg5[%arg0, %mul3A_2, %dma_wait3A_803] : memref<2x10240x128xf32, #tpu.memory_space<hbm>> -> memref<1x640x128xf32, #tpu.memory_space<hbm>>
      %dma_wait3A_805 = tpu.memref_squeeze %dma_wait3A_804 : memref<1x640x128xf32, #tpu.memory_space<hbm>> -> memref<640x128xf32, #tpu.memory_space<hbm>>
      %dma_wait3A_806 = arith.constant 0 : i32
      %dma_wait3A_807 = tpu.memref_slice %arg14[%mul3A_2, %dma_wait3A_806] : memref<10240x128xf32, #tpu.memory_space<vmem_shared>> -> memref<640x128xf32, #tpu.memory_space<vmem_shared>>
      tpu.wait_dma2 semaphore(%run_scoped3A_797 : memref<!tpu.dma_semaphore, #tpu.memory_space<semaphore_mem>>) src(%dma_wait3A_807 : memref<640x128xf32, #tpu.memory_space<vmem_shared>>) dst(%dma_wait3A_805 : memref<640x128xf32, #tpu.memory_space<hbm>>)
      tpu.yield
    }) : () -> ()
    "tpu.trace_stop"() : () -> ()
    return
  }
}

module attributes {stable_mosaic.version = 14 : i64} {
  func.func @_combine_body(%arg0: i32, %arg1: memref<2048x128xf32, #tpu.memory_space<vmem>>, %arg2: memref<2x2048x128xf32, #tpu.memory_space<vmem>>, %arg3: memref<32x2048xf32, #tpu.memory_space<vmem>>, %arg4: memref<128x128xf32, #tpu.memory_space<vmem>>, %arg5: memref<128x128xf32, #tpu.memory_space<vmem>>, %arg6: memref<1x128xf32, #tpu.memory_space<vmem>>, %arg7: memref<2048x128xf32, #tpu.memory_space<vmem>>) attributes {dimension_semantics = [#tpu.dimension_semantics<arbitrary>], iteration_bounds = array<i64: 5>, scalar_prefetch = 0 : i64, scratch_operands = 0 : i64, tpu.core_type = #tpu.core_type<tc>, window_params = [{transform_indices = @transform_0, window_bounds = array<i64: 2048, 128>}, {transform_indices = @transform_1, window_bounds = array<i64: 2, 2048, 128>}, {transform_indices = @transform_2, window_bounds = array<i64: 32, 2048>}, {pipeline_mode = #tpu.pipeline_mode<synchronous>, transform_indices = @transform_3, window_bounds = array<i64: 128, 128>}, {pipeline_mode = #tpu.pipeline_mode<synchronous>, transform_indices = @transform_4, window_bounds = array<i64: 128, 128>}, {pipeline_mode = #tpu.pipeline_mode<synchronous>, transform_indices = @transform_5, window_bounds = array<i64: 1, 128>}, {transform_indices = @transform_6, window_bounds = array<i64: 2048, 128>}]} {
    %get3A = arith.constant 0 : index
    %get3A_0 = arith.constant 0 : index
    %get3A_1 = vector.load %arg1[%get3A, %get3A_0] : memref<2048x128xf32, #tpu.memory_space<vmem>>, vector<2048x128xf32>
    %get3A_2 = arith.constant 0 : index
    %get3A_3 = arith.constant 0 : index
    %get3A_4 = arith.constant 0 : index
    %get3A_5 = vector.load %arg2[%get3A_2, %get3A_3, %get3A_4] : memref<2x2048x128xf32, #tpu.memory_space<vmem>>, vector<1x2048x128xf32>
    %get3A_6 = vector.shape_cast %get3A_5 : vector<1x2048x128xf32> to vector<2048x128xf32>
    %get3A_7 = arith.constant 1 : index
    %get3A_8 = arith.constant 0 : index
    %get3A_9 = arith.constant 0 : index
    %get3A_10 = vector.load %arg2[%get3A_7, %get3A_8, %get3A_9] : memref<2x2048x128xf32, #tpu.memory_space<vmem>>, vector<1x2048x128xf32>
    %get3A_11 = vector.shape_cast %get3A_10 : vector<1x2048x128xf32> to vector<2048x128xf32>
    %add3A = arith.addf %get3A_6, %get3A_11 : vector<2048x128xf32>
    %get3A_12 = arith.constant 0 : index
    %get3A_13 = arith.constant 0 : index
    %get3A_14 = vector.load %arg3[%get3A_12, %get3A_13] : memref<32x2048xf32, #tpu.memory_space<vmem>>, vector<32x2048xf32>
    %reduce_sum3A = arith.constant dense<0.000000e+00> : vector<2048xf32>
    %reduce_sum3A_15 = vector.multi_reduction <add>, %get3A_14, %reduce_sum3A [0] : vector<32x2048xf32> to vector<2048xf32>
    %broadcast_in_dim3A = vector.shape_cast %reduce_sum3A_15 : vector<2048xf32> to vector<2048x1xf32>
    %get3A_16 = arith.constant 0 : index
    %get3A_17 = arith.constant 0 : index
    %get3A_18 = vector.load %arg5[%get3A_16, %get3A_17] : memref<128x128xf32, #tpu.memory_space<vmem>>, vector<128x128xf32>
    %dot_general3A = arith.constant dense<0.000000e+00> : vector<2048x128xf32>
    %dot_general3A_19 = tpu.matmul %get3A_1, %get3A_18, %dot_general3A {dimension_numbers = #tpu.dot_dimension_numbers<[1], [1], [0], [0], [0, 0, 1, 0], [], []>, transpose_lhs_hint = false} : vector<2048x128xf32>, vector<128x128xf32>, vector<2048x128xf32> -> vector<2048x128xf32>
    %get3A_20 = arith.constant 0 : index
    %get3A_21 = arith.constant 0 : index
    %get3A_22 = vector.load %arg4[%get3A_20, %get3A_21] : memref<128x128xf32, #tpu.memory_space<vmem>>, vector<128x128xf32>
    %dot_general3A_23 = arith.constant dense<0.000000e+00> : vector<2048x128xf32>
    %dot_general3A_24 = tpu.matmul %add3A, %get3A_22, %dot_general3A_23 {dimension_numbers = #tpu.dot_dimension_numbers<[1], [1], [0], [0], [0, 0, 1, 0], [], []>, transpose_lhs_hint = false} : vector<2048x128xf32>, vector<128x128xf32>, vector<2048x128xf32> -> vector<2048x128xf32>
    %get3A_25 = arith.constant 0 : index
    %get3A_26 = arith.constant 0 : index
    %get3A_27 = vector.load %arg6[%get3A_25, %get3A_26] : memref<1x128xf32, #tpu.memory_space<vmem>>, vector<1x128xf32>
    %add3A_28 = vector.broadcast %get3A_27 : vector<1x128xf32> to vector<2048x128xf32>
    %add3A_29 = arith.addf %dot_general3A_19, %add3A_28 : vector<2048x128xf32>
    %div3A = arith.constant 1.000000e+00 : f32
    %div3A_30 = vector.broadcast %div3A : f32 to vector<2048x1xf32>
    %div3A_31 = arith.divf %div3A_30, %broadcast_in_dim3A : vector<2048x1xf32>
    %mul3A = vector.broadcast %div3A_31 : vector<2048x1xf32> to vector<2048x128xf32>
    %mul3A_32 = arith.mulf %dot_general3A_24, %mul3A : vector<2048x128xf32>
    %add3A_33 = arith.addf %add3A_29, %mul3A_32 : vector<2048x128xf32>
    %swap3A = arith.constant 0 : index
    %swap3A_34 = arith.constant 0 : index
    %swap3A_35 = vector.load %arg7[%swap3A, %swap3A_34] : memref<2048x128xf32, #tpu.memory_space<vmem>>, vector<2048x128xf32>
    tpu.vector_store %arg7[%swap3A, %swap3A_34], %add3A_33 {strides = array<i32>} : memref<2048x128xf32, #tpu.memory_space<vmem>>, vector<2048x128xf32>,
    return
  }
  func.func @transform_0(%arg0: i32) -> (i32, i32) {
    %c0_i32 = arith.constant 0 : i32
    %c0_i32_0 = arith.constant 0 : i32
    return %arg0, %c0_i32 : i32, i32
  }
  func.func @transform_1(%arg0: i32) -> (i32, i32, i32) {
    %c0_i32 = arith.constant 0 : i32
    %c0_i32_0 = arith.constant 0 : i32
    %c0_i32_1 = arith.constant 0 : i32
    return %c0_i32, %arg0, %c0_i32_0 : i32, i32, i32
  }
  func.func @transform_2(%arg0: i32) -> (i32, i32) {
    %c0_i32 = arith.constant 0 : i32
    %c0_i32_0 = arith.constant 0 : i32
    return %c0_i32, %arg0 : i32, i32
  }
  func.func @transform_3(%arg0: i32) -> (i32, i32) {
    %c0_i32 = arith.constant 0 : i32
    %c0_i32_0 = arith.constant 0 : i32
    %c0_i32_1 = arith.constant 0 : i32
    return %c0_i32, %c0_i32_0 : i32, i32
  }
  func.func @transform_4(%arg0: i32) -> (i32, i32) {
    %c0_i32 = arith.constant 0 : i32
    %c0_i32_0 = arith.constant 0 : i32
    %c0_i32_1 = arith.constant 0 : i32
    return %c0_i32, %c0_i32_0 : i32, i32
  }
  func.func @transform_5(%arg0: i32) -> (i32, i32) {
    %c0_i32 = arith.constant 0 : i32
    %c0_i32_0 = arith.constant 0 : i32
    %c0_i32_1 = arith.constant 0 : i32
    return %c0_i32, %c0_i32_0 : i32, i32
  }
  func.func @transform_6(%arg0: i32) -> (i32, i32) {
    %c0_i32 = arith.constant 0 : i32
    %c0_i32_0 = arith.constant 0 : i32
    return %arg0, %c0_i32 : i32, i32
  }
}

</mosaic_0001>

<sc_bundles>
// kernel: kernel.4.cloned.1.call-start
scs
__scs_entry_jumppad:
0x0: {  	(pc) =	sbr.rel $0x88, $3  }
0x1: {  	(tag) =	ssettag $0x0;
	lr =	simm.s32 $0x1  }
0x2: {  	[smem:$0x3F9C] =	sst lr;
	_ =	strace $0xD0000000  }
0x3: {  	_ = 	snop  }
0x4: {  	_ = 	snop  }
0x5: {  	_ = 	snop  }
0x6: {  	_ = 	snop  }
0x7: {  	_ = 	snop  }
__scs_overlays_trampoline_lowered:
0x8: {  	[smem:$0x3FAB] =	sst s0  }
0x9: {  	[smem:$0x3FAC] =	sst s1  }
0xa: {  	[smem:$0x3FAD] =	sst s2  }
0xb: {  	[smem:$0x3FAE] =	sst s3  }
0xc: {  	[smem:$0x3FAF] =	sst s4  }
0xd: {  	[smem:$0x3FB0] =	sst s5  }
0xe: {  	[smem:$0x3FB1] =	sst s6  }
0xf: {  	[smem:$0x3FB2] =	sst s7  }
0x10: {  	[smem:$0x3FB3] =	sst s8  }
0x11: {  	[smem:$0x3FB4] =	sst s9;
	s0 =	simm.s32 @!p0 $0x0  }
0x12: {  	s1 =	sld [smem:$0x3F9A];
	s0 =	simm.s32 @p0 $0x1  }
0x13: {  	[smem:$0x3FB5] =	sst s0;
	s0 =	simm.s32 @!p1 $0x0  }
0x14: {  	s2 =	sld [smem:$0x3F99];
	s0 =	simm.s32 @p1 $0x1  }
0x15: {  	[smem:$0x3FB6] =	sst s0;
	s0 =	simm.s32 @!p2 $0x0  }
0x16: {  	s3 =	sld [smem:$0x3FDB];
	s0 =	simm.s32 @p2 $0x1  }
0x17: {  	s4 =	simm.s32 $0x1BF5;
	[smem:$0x3FB8] =	sst s0  }
0x18: {  	s0 =	sld [smem:$0x3F9B];
	_ =	swait.ge [sflag:s4], $0x0  }
0x19: {  	s7 =	sld [smem:$0x3F9C]  }
0x1a: {  	s8 =	sadd.s32 $0xFFFFE003, lr  }
0x1b: {  	s9 =	sadd.s32 $0xFFFFFEF7, lr;
	s5 =	simm.s32 $0xFFFFFFFF;
	p2 =	slt.u32 s8, $0xFFFFF086  }
0x1c: {  	p1 =	slt.u32 s9, $0xF7A;
	s5 =	simm.s32 @!p2 $0x0  }
0x1d: {  	s5 =	simm.s32 @p1 $0x1;
	p0 =	seq.s32 s7, s2  }
0x1e: {  	s7 =	smul.u32 @!p0 $0xF7A, s2;
	p2 =	seq.s32 @!p0 s5, $0x0  }
0x1f: {  	s9 =	smul.u32 $0xF7A, s1;
	s8 =	simm.s32 @!p0 $0x1BF5;
	p2 =	por !p2, p0  }
0x20: {  	[sflag:s8] =	ssyncset.s32 @!p0 $0xFFFFF086;
	s6 =	sadd.s32 @!p0 s3, s7;
	s7 =	simm.s32 @!p0 $0x108  }
0x21: {  	s3 =	sadd.s32 s3, s9;
	s6 =	sadd.s32 @!p0 $0x88, s6;
	s7 =	simm.s32 @p2 $0x1082  }
0x22: {  	[simem:s7], [sflag:s8] =	dma.local @!p0 [hbm:s6], $0xF7A  }
0x23: {  	s9 =	sor.u32 $0xD0000000, s2;
	s6 =	simm.s32 $0x108;
	_ =	swait.ge @!p0 [sflag:s8], $0x0  }
0x24: {  	s3 =	sadd.s32 $0x88, s3;
	s6 =	simm.s32 @!p1 $0x1082;
	[sflag:s4] =	ssyncset.s32 $0xFFFFF086  }
0x25: {  	[simem:s6], [sflag:s4] =	dma.local [hbm:s3], $0xF7A  }
0x26: {  	[smem:$0x3F9C] =	sst s1;
	(tag) =	ssettag s2;
	_ =	strace s9  }
0x27: {  	s1 =	sld [smem:$0x3FAC]  }
0x28: {  	s2 =	sld [smem:$0x3FAD]  }
0x29: {  	s4 =	sld [smem:$0x3FAF]  }
0x2a: {  	p0 =	seq.s32 s5, $0x0;
	s5 =	sld [smem:$0x3FB0]  }
0x2b: {  	s6 =	sld [smem:$0x3FB1]  }
0x2c: {  	s7 =	sld [smem:$0x3FB2]  }
0x2d: {  	s3 =	simm.s32 $0x108;
	s8 =	sld [smem:$0x3FB3]  }
0x2e: {  	s3 =	simm.s32 @!p0 $0x1082;
	s9 =	sld [smem:$0x3FB4]  }
0x2f: {  	lr =	sadd.s32 s0, s3;
	s0 =	sld [smem:$0x3FAB]  }
0x30: {  	s3 =	sld [smem:$0x3FAE]  }
0x31: {  	[smem:$0x3FB7] =	sst s10  }
0x32: {  	s10 =	sld [smem:$0x3FB5];
	_ =	sdelay $0x3  }
0x33: {  	p0 =	seq.s32 s10, $0x1;
	s10 =	sld [smem:$0x3FB7];
	_ =	sdelay $0x3  }
0x34: {  	[smem:$0x3FB7] =	sst s10  }
0x35: {  	s10 =	sld [smem:$0x3FB6];
	_ =	sdelay $0x3  }
0x36: {  	p1 =	seq.s32 s10, $0x1;
	s10 =	sld [smem:$0x3FB7];
	_ =	sdelay $0x3  }
0x37: {  	[smem:$0x3FB7] =	sst s10  }
0x38: {  	s10 =	sld [smem:$0x3FB8]  }
0x39: {  	_ = 	snop;
	(pc) =	sbr.ind lr, $3  }
0x3a: {  	_ = 	snop  }
0x3b: {  	_ = 	snop  }
0x3c: {  	p2 =	seq.s32 s10, $0x1;
	s10 =	sld [smem:$0x3FB7]  }
0x3d: {  	_ =	shalt  }
0x3e: {  	_ =	shalt  }
0x3f: {  	_ =	shalt  }
0x40: {  	_ =	shalt  }
0x41: {  	_ =	shalt  }
0x42: {  	_ =	shalt  }
0x43: {  	_ =	shalt  }
0x44: {  	_ =	shalt  }
0x45: {  	_ =	shalt  }
0x46: {  	_ =	shalt  }
0x47: {  	_ =	shalt  }
0x48: {  	_ =	shalt  }
0x49: {  	_ =	shalt  }
0x4a: {  	_ =	shalt  }
0x4b: {  	_ =	shalt  }
0x4c: {  	_ =	shalt  }
0x4d: {  	_ =	shalt  }
0x4e: {  	_ =	shalt  }
0x4f: {  	_ =	shalt  }
0x50: {  	_ =	shalt  }
0x51: {  	_ =	shalt  }
0x52: {  	_ =	shalt  }
0x53: {  	_ =	shalt  }
0x54: {  	_ =	shalt  }
0x55: {  	_ =	shalt  }
0x56: {  	_ =	shalt  }
0x57: {  	_ =	shalt  }
0x58: {  	_ =	shalt  }
0x59: {  	_ =	shalt  }
0x5a: {  	_ =	shalt  }
0x5b: {  	_ =	shalt  }
0x5c: {  	_ =	shalt  }
0x5d: {  	_ =	shalt  }
0x5e: {  	_ =	shalt  }
0x5f: {  	_ =	shalt  }
0x60: {  	_ =	shalt  }
0x61: {  	_ =	shalt  }
0x62: {  	_ =	shalt  }
0x63: {  	_ =	shalt  }
0x64: {  	_ =	shalt  }
0x65: {  	_ =	shalt  }
0x66: {  	_ =	shalt  }
0x67: {  	_ =	shalt  }
0x68: {  	_ =	shalt  }
0x69: {  	_ =	shalt  }
0x6a: {  	_ =	shalt  }
0x6b: {  	_ =	shalt  }
0x6c: {  	_ =	shalt  }
0x6d: {  	_ =	shalt  }
0x6e: {  	_ =	shalt  }
0x6f: {  	_ =	shalt  }
0x70: {  	_ =	shalt  }
0x71: {  	_ =	shalt  }
0x72: {  	_ =	shalt  }
0x73: {  	_ =	shalt  }
0x74: {  	_ =	shalt  }
0x75: {  	_ =	shalt  }
0x76: {  	_ =	shalt  }
0x77: {  	_ =	shalt  }
0x78: {  	_ =	shalt  }
0x79: {  	_ =	shalt  }
0x7a: {  	_ =	shalt  }
0x7b: {  	_ =	shalt  }
0x7c: {  	_ =	shalt  }
0x7d: {  	_ =	shalt  }
0x7e: {  	_ =	shalt  }
0x7f: {  	_ =	shalt  }
0x80: {  	_ =	shalt  }
0x81: {  	_ =	shalt  }
0x82: {  	_ =	shalt  }
0x83: {  	_ =	shalt  }
0x84: {  	_ =	shalt  }
0x85: {  	_ =	shalt  }
0x86: {  	_ =	shalt  }
0x87: {  	_ =	shalt  }
.Lfunc_end0:
.L_simem_size_0:
called_computation_lowered:
.L_overlay_start_0:
0x88: {  	s2 =	sld [smem:$0x3FD9]  }
0x89: {  	s3 =	sld [smem:$0x3FFE];
	_ =	sdelay $0x1  }
0x8a: {  	s1 =	srdreg.scid  }
0x8b: {  	s0 =	sand.u32 $0x1, s1  }
0x8c: {  	s17 =	sshll.u32 s0, $0xA;
	s2 =	sadd.s32 s3, s2  }
0x8d: {  	s2 =	sadd.s32 s2, s17  }
0x8e: {  	[smem:$0x3FC3] =	sst s2  }
0x8f: {  	_ = 	snop  }
0x90: {  	s2 =	sld [smem:$0x3FC9]  }
0x91: {  	s18 =	sld [smem:$0x3FD0];
	(tm) =	ssettm $0x1  }
0x92: {  	s4 =	sld [smem:$0x3FFB];
	_ =	sdelay $0x3  }
0x93: {  	_ =	strace s4  }
0x94: {  	s4 =	sld [smem:$0x3FFC];
	_ =	sdelay $0x3  }
0x95: {  	_ =	strace s4  }
0x96: {  	s4 =	sld [smem:$0x3FFD];
	_ =	sdelay $0x3  }
0x97: {  	_ =	strace s4  }
0x98: {  	_ =	strace $0x8FFFFFFF  }
0x99: {  	s19 =	sld [smem:$0x3FDB];
	_ =	sdelay $0x1  }
0x9a: {  	s5 =	simm.s32 $_scs_section_size  }
0x9b: {  	s6 =	simm.s32 $_size__tile_overlayer_lowered;
	s7 =	simm.s32 $_tile_overlayer_lowered  }
0x9c: {  	s22 =	simm.s32 $0x1BFF;
	s21 =	sshll.u32 s7, $0x1;
	s4 =	sadd.s32 s5, s19  }
0x9d: {  	s8 =	simm.s32 $0x0;
	s20 =	sshll.u32 s6, $0x1;
	s6 =	sadd.s32 s21, s4  }
0x9e: {  	[timem:s8], [sflag:s22] =	dma.local [hbm:s6], s20  }
0x9f: {  	_ =	swait.ge [sflag:s22], s20  }
0xa0: {  	s5 =	ssub.s32 $0x0, s20;
	[sflag:s22] =	ssyncset.done $0x0  }
0xa1: {  	[sflag:s22] =	ssyncadd.s32 s5;
	_ =	sdelay $0x1  }
0xa2: {  	s23 =	simm.s32 $0x1B8B  }
0xa3: {  	_ =	swait.ge [sflag:s23], $0x1  }
0xa4: {  	[sflag:s23] =	ssyncset.done $0x0  }
0xa5: {  	s25 =	simm.s32 $0x1B8E;
	s24 =	sld [smem:$0x3FFE];
	[sflag:s23] =	ssyncadd.s32 $0xFFFFFFFF  }
0xa6: {  	s26 =	simm.s32 $execute0_lowered;
	[smem:$0x3FD2] =	sst s25  }
0xa7: {  	s6 =	sshll.u32 s26, $0x1;
	_ =	strace $0x80000046;
	[dreg:$0x1] =	wrdreg $0xFFFFFFFF  }
0xa8: {  	s28 =	simm.s32 $_size_execute0_lowered;
	s4 =	sadd.s32 s4, s6;
	[dreg:$0x0] =	wrdreg $0x0  }
0xa9: {  	s6 =	sshll.u32 s28, $0x1;
	[dreg:$0x2] =	wrdreg s4  }
0xaa: {  	[dreg:$0x3] =	wrdreg s6  }
0xab: {  	[dreg:$0x4] =	wrdreg $0xC0  }
0xac: {  	_ =	task [dreg:s8], $0x5FFFF  }
0xad: {  	[dreg:$0x1] =	wrdreg $0xFFFFFFFF  }
0xae: {  	[dreg:$0x0] =	wrdreg $0x60  }
0xaf: {  	[dreg:$0x2] =	wrdreg s2  }
0xb0: {  	[dreg:$0x3] =	wrdreg s18  }
0xb1: {  	[dreg:$0x4] =	wrdreg s24  }
0xb2: {  	[dreg:$0x5] =	wrdreg $0xB8000  }
0xb3: {  	[dreg:$0x6] =	wrdreg $0x9  }
0xb4: {  	_ =	task.clear_ibuf [dreg:s8], $0x7FFFF;
	_ =	strace $0x90000046  }
0xb5: {  	s29 =	simm.s32 $0x9;
	_ =	strace $0x8000005F  }
0xb6: {  	_ =	swait.ge [sflag:s29], $0x1  }
0xb7: {  	[sflag:s29] =	ssyncadd.s32 $0xFFFFFFFF  }
0xb8: {  	_ =	strace $0x9000005F  }
0xb9: {  	_ =	sfence  }
0xba: {  	s30 =	sld [smem:$0x0];
	_ =	sdelay $0x2  }
0xbb: {  	s31 =	sshll.u32 s1, $0xD;
	s1 =	sshrl.u32 s1, $0x2  }
0xbc: {  	s3 =	sand.u32 $0x4000, s31;
	s1 =	sadd.s32 s1, s30  }
0xbd: {  	s0 =	sor.u32 s3, s0;
	s1 =	sshll.u32 s1, $0x11  }
0xbe: {  	s0 =	sor.u32 s1, s0  }
0xbf: {  	s0 =	sadd.s32 $0x8F2B, s0  }
0xc0: {  	[sflag:s0] =	ssyncadd.remote.s32 $0x1  }
0xc1: {  	_ =	sfence.sel $0xFFFF  }
0xc2: {  	[dreg:$0x0] =	wrdreg $0xFFFFFFFF;
	(pc) =	sbr.abs _section_cstart, $3  }
0xc3: {  	[dreg:$0x1] =	wrdreg $0xFFFFFFFF  }
0xc4: {  	_ =	task.clear_ibuf [dreg:s8], $0x2FFFF;
	_ =	strace $0x9FFFFFFF  }
0xc5: {  	(tm) =	ssettm $0x7FFFFFFF  }
tec
execute0_lowered:
.L_overlay_start_1:
0x0: {  	(tag) =	ssettag $0x1  }
0x1: {  	s2 =	srdreg.scid  }
0x2: {  	s0 =	rddreg [dreg:$0x0];
	s9 =	stileid.u32;
	s4 =	sand.u32 $0x1, s2  }
0x3: {  	s1 =	rddreg [dreg:$0x1];
	s7 =	smul.u32 $0x14000, s9;
	s6 =	sshll.u32 s4, $0x4  }
0x4: {  	s3 =	rddreg [dreg:$0x2];
	s5 =	smul.u32 $0x140000, s4;
	s6 =	sor.u32 s9, s6  }
0x5: {  	s2 =	simm.s32 $0x0;
	s8 =	sadd.s32 $0x1000, s3;
	s6 =	smul.u32 $0x2800, s6  }
0x6: {  	[smem:$0x7FF] =	sst s2;
	s4 =	ssub.s32 $0x2, s4;
	s5 =	sadd.s32 s7, s5  }
0x7: {  	s14 =	sshrl.u32 s4, $0x1;
	s5 =	sshrl.u32 s5, $0x3;
	s6 =	sshrl.u32 s6, $0x3  }
0x8: {  	s4 =	ssub.s32 s4, s14;
	s5 =	sadd.s32 s5, s3;
	s15 =	sadd.s32 s1, s6  }
0x9: {  	s16 =	sadd.s32 s8, s6;
	s17 =	sor.u32 $0x80, s6;
	[dreg:$0x5] =	wrdreg s15  }
0xa: {  	s3 =	sadd.s32 s6, s3;
	[dreg:$0x6] =	wrdreg s16;
	s10 =	sadd.s32 s1, s17  }
0xb: {  	s18 =	sadd.s32 $0x100, s6;
	s7 =	sadd.s32 s8, s17;
	[dreg:$0x7] =	wrdreg s10  }
0xc: {  	s20 =	sadd.s32 $0x180, s6;
	s19 =	sadd.s32 s1, s18;
	[dreg:$0x8] =	wrdreg s7  }
0xd: {  	s22 =	sadd.s32 $0x200, s6;
	s21 =	sadd.s32 s1, s20;
	[dreg:$0x9] =	wrdreg s19  }
0xe: {  	s24 =	sadd.s32 $0x280, s6;
	s23 =	sadd.s32 s1, s22;
	[dreg:$0xb] =	wrdreg s21  }
0xf: {  	s26 =	sadd.s32 $0x300, s6;
	s25 =	sadd.s32 s1, s24;
	[dreg:$0xd] =	wrdreg s23  }
0x10: {  	s12 =	sadd.s32 $0x380, s6;
	s11 =	sadd.s32 s1, s26;
	[dreg:$0xf] =	wrdreg s25  }
0x11: {  	s14 =	sadd.s32 $0x400, s6;
	s13 =	sadd.s32 s1, s12;
	[dreg:$0x11] =	wrdreg s11  }
0x12: {  	s6 =	sadd.s32 $0x480, s6;
	s15 =	sadd.s32 s1, s14;
	[dreg:$0x13] =	wrdreg s13  }
0x13: {  	s1 =	sadd.s32 s1, s6;
	[dreg:$0x15] =	wrdreg s15  }
0x14: {  	[dreg:$0x17] =	wrdreg s1  }
0x15: {  	s28 =	simm.s32 $0xB80;
	s16 =	sadd.s32 s8, s6;
	s23 =	rddreg [dreg:$0x3]  }
0x16: {  	s29 =	simm.s32 $0xF00;
	s7 =	sadd.s32 s8, s18;
	[dreg:$0x18] =	wrdreg s16  }
0x17: {  	s30 =	simm.s32 $0xF80;
	[dreg:$0xa] =	wrdreg s7;
	s7 =	sadd.s32 s8, s20  }
0x18: {  	s9 =	smul.u32 $0x50000, s9;
	[dreg:$0xc] =	wrdreg s7;
	s7 =	sadd.s32 s8, s22  }
0x19: {  	s31 =	simm.s32 $0x0;
	[dreg:$0xe] =	wrdreg s7;
	s7 =	sadd.s32 s8, s24  }
0x1a: {  	s17 =	sshrl.u32 s9, $0x2;
	[dreg:$0x10] =	wrdreg s7;
	s7 =	sadd.s32 s8, s26  }
0x1b: {  	s3 =	sadd.s32 $0xB000, s3;
	[dreg:$0x12] =	wrdreg s7;
	s7 =	sadd.s32 s8, s12  }
0x1c: {  	s6 =	simm.s32 $0x4;
	[dreg:$0x14] =	wrdreg s7;
	s7 =	sadd.s32 s8, s14  }
0x1d: {  	s9 =	simm.s32 $0x1000;
	s18 =	sadd.s32 $0x15000, s5;
	[dreg:$0x16] =	wrdreg s7  }
0x1e: {  	s19 =	smax.u32 s4, $0x1;
	_ =	strace $0x80000047;
	[dreg:$0x1a] =	wrdreg s3  }
0x1f: {  	s10 =	simm.s32 $0x5000;
	s1 =	sadd.s32 s17, s23;
	[dreg:$0x1b] =	wrdreg s18  }
0x20: {  	s11 =	simm.s32 $0x9000;
	s20 =	sadd.s32 $0x2800, s1;
	[dreg:$0x1c] =	wrdreg s19  }
0x21: {  	s13 =	simm.s32 $0x800;
	s21 =	sadd.s32 $0x5000, s1;
	[dreg:$0x1d] =	wrdreg s20  }
0x22: {  	s15 =	simm.s32 $0x1;
	s22 =	sadd.s32 $0x7800, s1;
	[dreg:$0x1e] =	wrdreg s21  }
0x23: {  	s5 =	simm.s32 $0xC80;
	s24 =	sadd.s32 $0xA000, s1;
	[dreg:$0x1f] =	wrdreg s22  }
0x24: {  	s16 =	simm.s32 $0xD00;
	s25 =	sadd.s32 $0xC800, s1;
	[smem:$0x7FA] =	sst s24  }
0x25: {  	s17 =	simm.s32 $0x2;
	s26 =	sadd.s32 $0xF000, s1;
	[smem:$0x7FB] =	sst s25  }
0x26: {  	s12 =	simm.s32 $0x3;
	s8 =	simm.s32 $0x80;
	[smem:$0x7FC] =	sst s26  }
0x27: {  	s14 =	simm.s32 $0xC00;
	s7 =	simm.s32 $0x400;
	[dreg:$0x19] =	wrdreg s1  }
0x28: {  	s1 =	sadd.s32 $0x11800, s1;
	s25 =	simm.s32 $0x980;
	s18 =	simm.s32 $0xA00  }
0x29: {  	s20 =	simm.s32 $0xD80;
	s21 =	simm.s32 $0xA80;
	s22 =	simm.s32 $0xE00  }
0x2a: {  	v0 =	vimm.f32 $0.0e+00;
	v1 =	vimm.f32 $1.000000000e+00;
	s24 =	simm.s32 $0xB00;
	s26 =	simm.s32 $0xE80;
	[smem:$0x7FD] =	sst s1  }
.LBB2_1:
0x2b: {  	_ =	strace $0x80000048  }
0x2c: {  	s1 =	rddreg [dreg:$0x5]  }
0x2d: {  	[tilespmem:s2], [sflag:$0x4] =	stream.linear.gather [hbm4b:s1+s2], $0x400, $0x200038;
	[tilespmem:$0x1F800] =	vst v63  }
0x2e: {  	_ =	swait.ge [sflag:s6], $0x400  }
0x2f: {  	[sflag:s6] =	ssyncset.done $0x0  }
0x30: {  	s4 =	rddreg [dreg:$0x6];
	[sflag:s6] =	ssyncadd.s32 $0xFFFFFC00  }
0x31: {  	[tilespmem:s7], [sflag:$0x4] =	stream.linear.gather [hbm4b:s4+s2], $0x400, $0x200038;
	[tilespmem:$0x1F800] =	vst v63  }
0x32: {  	_ =	swait.ge [sflag:s6], $0x400  }
0x33: {  	[sflag:s6] =	ssyncset.done $0x0  }
0x34: {  	[sflag:s6] =	ssyncadd.s32 $0xFFFFFC00  }
0x35: {  	s19 =	sand.u32 $0xFE00, s2;
	_ =	strace $0x90000048  }
0x36: {  	[tilespmem:s9], [sflag:$0x1] =	stream.indirect.gather [hbm4b:s0+s8], $0x80, s2, s8, $0xb8;
	[tilespmem:$0x1F800] =	vst v63  }
0x37: {  	s3 =	sand.u32 $0x70, s2;
	s19 =	sshrl.u32 s19, $0x2;
	s1 =	simm.s32 $0x40  }
0x38: {  	[tilespmem:s10], [sflag:$0x2] =	stream.indirect.gather [hbm4b:s0+s8], $0x80, s8, s8, $0xb8;
	[tilespmem:$0x1F800] =	vst v63  }
0x39: {  	s3 =	sor.u32 s3, s19;
	s19 =	simm.s32 $0x0;
	_ =	strace $0x80000049  }
.LBB2_2:
0x3a: {  	p0 =	sne.s32 s1, $0x9FC0  }
0x3b: {  	[tilespmem:s3+$0x9000] =	vst v0;
	s19 =	sadd.s32 $0x10, s19;
	s3 =	smov.u32 s1;
	s1 =	sadd.s32 $0x40, s1  }
.Ltmp0:
0x3c: {  	(pc) =	sbr.rel @p0 .LBB2_2-.Ltmp0, $4  }
0x3d: {  	_ = 	snop  }
0x3e: {  	s3 =	sand.u32 $0xFE00, s3  }
0x3f: {  	s4 =	sand.u32 $0x70, s19;
	s3 =	sshrl.u32 s3, $0x2  }
0x40: {  	s3 =	sor.u32 s4, s3  }
0x41: {  	s1 =	rddreg [dreg:$0x19]  }
0x42: {  	[tilespmem:s3+$0x9000] =	vst v0;
	s4 =	rddreg [dreg:$0x1d]  }
0x43: {  	[spmem:s1] =	stream.linear.scatter [tilespmem:s11], [sflag:$0x3], $0x2800, $0x200038;
	[tilespmem:$0x1F800] =	vst v63  }
0x44: {  	s19 =	rddreg [dreg:$0x1e]  }
0x45: {  	[spmem:s4] =	stream.linear.scatter [tilespmem:s11], [sflag:$0x3], $0x2800, $0x200038;
	[tilespmem:$0x1F800] =	vst v63  }
0x46: {  	s3 =	rddreg [dreg:$0x1f]  }
0x47: {  	[spmem:s19] =	stream.linear.scatter [tilespmem:s11], [sflag:$0x3], $0x2800, $0x200038;
	[tilespmem:$0x1F800] =	vst v63  }
0x48: {  	s4 =	sld [smem:$0x7FA]  }
0x49: {  	[spmem:s3] =	stream.linear.scatter [tilespmem:s11], [sflag:$0x3], $0x2800, $0x200038;
	[tilespmem:$0x1F800] =	vst v63  }
0x4a: {  	s19 =	sld [smem:$0x7FB]  }
0x4b: {  	[spmem:s4] =	stream.linear.scatter [tilespmem:s11], [sflag:$0x3], $0x2800, $0x200038;
	[tilespmem:$0x1F800] =	vst v63  }
0x4c: {  	s3 =	sld [smem:$0x7FC]  }
0x4d: {  	[spmem:s19] =	stream.linear.scatter [tilespmem:s11], [sflag:$0x3], $0x2800, $0x200038;
	[tilespmem:$0x1F800] =	vst v63  }
0x4e: {  	s4 =	sld [smem:$0x7FD]  }
0x4f: {  	[spmem:s3] =	stream.linear.scatter [tilespmem:s11], [sflag:$0x3], $0x2800, $0x200038;
	[tilespmem:$0x1F800] =	vst v63  }
0x50: {  	_ = 	snop  }
0x51: {  	[spmem:s4] =	stream.linear.scatter [tilespmem:s11], [sflag:$0x3], $0x2800, $0x200038;
	[tilespmem:$0x1F800] =	vst v63  }
0x52: {  	_ =	swait.ge [sflag:s12], $0x2800  }
0x53: {  	[sflag:s12] =	ssyncset.done $0x0  }
0x54: {  	[sflag:s12] =	ssyncadd.s32 $0xFFFFD800  }
0x55: {  	_ =	swait.ge [sflag:s12], $0x2800  }
0x56: {  	[sflag:s12] =	ssyncset.done $0x0  }
0x57: {  	[sflag:s12] =	ssyncadd.s32 $0xFFFFD800  }
0x58: {  	_ =	swait.ge [sflag:s12], $0x2800  }
0x59: {  	[sflag:s12] =	ssyncset.done $0x0  }
0x5a: {  	[sflag:s12] =	ssyncadd.s32 $0xFFFFD800  }
0x5b: {  	_ =	swait.ge [sflag:s12], $0x2800  }
0x5c: {  	[sflag:s12] =	ssyncset.done $0x0  }
0x5d: {  	[sflag:s12] =	ssyncadd.s32 $0xFFFFD800  }
0x5e: {  	_ =	swait.ge [sflag:s12], $0x2800  }
0x5f: {  	[sflag:s12] =	ssyncset.done $0x0  }
0x60: {  	[sflag:s12] =	ssyncadd.s32 $0xFFFFD800  }
0x61: {  	_ =	swait.ge [sflag:s12], $0x2800  }
0x62: {  	[sflag:s12] =	ssyncset.done $0x0  }
0x63: {  	[sflag:s12] =	ssyncadd.s32 $0xFFFFD800  }
0x64: {  	_ =	swait.ge [sflag:s12], $0x2800  }
0x65: {  	[sflag:s12] =	ssyncset.done $0x0  }
0x66: {  	[sflag:s12] =	ssyncadd.s32 $0xFFFFD800  }
0x67: {  	_ =	swait.ge [sflag:s12], $0x2800  }
0x68: {  	[sflag:s12] =	ssyncset.done $0x0  }
0x69: {  	[sflag:s12] =	ssyncadd.s32 $0xFFFFD800  }
0x6a: {  	_ =	strace $0x90000049  }
0x6b: {  	[bflag:$0x0] =	sbarrier.arrive $0xFFFF  }
0x6c: {  	s1 =	simm.s32 $0x0;
	s19 =	rddreg [dreg:$0x7]  }
0x6d: {  	[tilespmem:s13], [sflag:$0x3] =	stream.linear.gather [hbm4b:s19+s1], $0x400, $0x38;
	[tilespmem:$0x1F800] =	vst v63  }
0x6e: {  	s4 =	rddreg [dreg:$0x8];
	s19 =	sand.u32 $0xE00, s1  }
0x6f: {  	[tilespmem:s14], [sflag:$0x3] =	stream.linear.gather [hbm4b:s4+s1], $0x400, $0x38;
	[tilespmem:$0x1F800] =	vst v63  }
0x70: {  	s3 =	sshrl.u32 s19, $0x2;
	s1 =	sand.u32 $0x70, s1  }
0x71: {  	_ =	strace $0x8000004A;
	s1 =	sor.u32 s1, s3  }
0x72: {  	v2 =	vld [tilespmem:s1+$0x400];
	_ =	sdelay $0x4  }
0x73: {  	s4 =	simm.s32 $0x40  }
0x74: {  	s19 =	simm.s32 $0x10;
	s3 =	sand.u32 $0xE00, s4;
	s1 =	simm.s32 $0x80  }
.LBB2_4:
0x75: {  	p0 =	sne.s32 s1, $0xFC0;
	s4 =	sand.u32 $0x70, s19;
	s3 =	sshrl.u32 s3, $0x2  }
0x76: {  	s3 =	sor.u32 s4, s3;
	[tilespmem:v2+s11+$0x0] =	vst.idx.add.f32.msk $0xffff, v1  }
0x77: {  	v2 =	vld [tilespmem:s3+$0x400];
	_ =	sdelay $0x1  }
.Ltmp1:
0x78: {  	(pc) =	sbr.rel @p0 .LBB2_4-.Ltmp1, $2  }
0x79: {  	_ =	sdelay $0x2  }
0x7a: {  	s19 =	sadd.s32 $0x10, s19;
	s3 =	sand.u32 $0xE00, s1;
	s1 =	sadd.s32 $0x40, s1  }
0x7b: {  	_ =	sdelay $0x2  }
0x7c: {  	s1 =	sand.u32 $0x70, s19;
	s3 =	sshrl.u32 s3, $0x2  }
0x7d: {  	[tilespmem:v2+s11+$0x0] =	vst.idx.add.f32.msk $0xffff, v1;
	s1 =	sor.u32 s1, s3  }
0x7e: {  	v2 =	vld [tilespmem:s1+$0x400];
	_ =	sdelay $0x7  }
0x7f: {  	[tilespmem:v2+s11+$0x0] =	vst.idx.add.f32.msk $0xffff, v1  }
0x80: {  	_ =	strace $0x9000004A  }
0x81: {  	_ =	strace $0x8000004B  }
0x82: {  	_ =	swait.ge [sflag:s15], $0x4000  }
0x83: {  	[sflag:s15] =	ssyncset.done $0x0  }
0x84: {  	[sflag:s15] =	ssyncadd.s32 $0xFFFFC000  }
0x85: {  	[spmem:s23] =	stream.indirect.scatter.add.f32 [tilespmem:s9], [sflag:$0x4], $0x80, s7, s8, $0x2000b8;
	[tilespmem:$0x1F800] =	vst v63  }
0x86: {  	_ =	swait.ge [sflag:s6], $0x4000  }
0x87: {  	[sflag:s6] =	ssyncset.done $0x0  }
0x88: {  	s3 =	simm.s32 $0x100;
	[sflag:s6] =	ssyncadd.s32 $0xFFFFC000  }
0x89: {  	[tilespmem:s9], [sflag:$0x1] =	stream.indirect.gather [hbm4b:s0+s8], $0x80, s3, s8, $0x2000b8;
	[tilespmem:$0x1F800] =	vst v63  }
0x8a: {  	_ =	swait.ge [sflag:s17], $0x4000  }
0x8b: {  	[sflag:s17] =	ssyncset.done $0x0  }
0x8c: {  	s4 =	simm.s32 $0x480;
	[sflag:s17] =	ssyncadd.s32 $0xFFFFC000  }
0x8d: {  	[spmem:s23] =	stream.indirect.scatter.add.f32 [tilespmem:s10], [sflag:$0x4], $0x80, s4, s8, $0x2000b8;
	[tilespmem:$0x1F800] =	vst v63  }
0x8e: {  	_ =	swait.ge [sflag:s6], $0x4000  }
0x8f: {  	[sflag:s6] =	ssyncset.done $0x0  }
0x90: {  	s19 =	simm.s32 $0x180;
	[sflag:s6] =	ssyncadd.s32 $0xFFFFC000  }
0x91: {  	[tilespmem:s10], [sflag:$0x2] =	stream.indirect.gather [hbm4b:s0+s8], $0x80, s19, s8, $0x2000b8;
	[tilespmem:$0x1F800] =	vst v63  }
0x92: {  	_ =	swait.ge [sflag:s15], $0x4000  }
0x93: {  	[sflag:s15] =	ssyncset.done $0x0  }
0x94: {  	s3 =	simm.s32 $0x500;
	[sflag:s15] =	ssyncadd.s32 $0xFFFFC000  }
0x95: {  	[spmem:s23] =	stream.indirect.scatter.add.f32 [tilespmem:s9], [sflag:$0x4], $0x80, s3, s8, $0x2000b8;
	[tilespmem:$0x1F800] =	vst v63  }
0x96: {  	_ =	swait.ge [sflag:s6], $0x4000  }
0x97: {  	[sflag:s6] =	ssyncset.done $0x0  }
0x98: {  	s4 =	simm.s32 $0x200;
	[sflag:s6] =	ssyncadd.s32 $0xFFFFC000  }
0x99: {  	[tilespmem:s9], [sflag:$0x1] =	stream.indirect.gather [hbm4b:s0+s8], $0x80, s4, s8, $0x2000b8;
	[tilespmem:$0x1F800] =	vst v63  }
0x9a: {  	_ =	swait.ge [sflag:s17], $0x4000  }
0x9b: {  	[sflag:s17] =	ssyncset.done $0x0  }
0x9c: {  	s19 =	simm.s32 $0x580;
	[sflag:s17] =	ssyncadd.s32 $0xFFFFC000  }
0x9d: {  	[spmem:s23] =	stream.indirect.scatter.add.f32 [tilespmem:s10], [sflag:$0x4], $0x80, s19, s8, $0x2000b8;
	[tilespmem:$0x1F800] =	vst v63  }
0x9e: {  	_ =	swait.ge [sflag:s6], $0x4000  }
0x9f: {  	[sflag:s6] =	ssyncset.done $0x0  }
0xa0: {  	s3 =	simm.s32 $0x280;
	[sflag:s6] =	ssyncadd.s32 $0xFFFFC000  }
0xa1: {  	[tilespmem:s10], [sflag:$0x2] =	stream.indirect.gather [hbm4b:s0+s8], $0x80, s3, s8, $0x2000b8;
	[tilespmem:$0x1F800] =	vst v63  }
0xa2: {  	_ =	swait.ge [sflag:s15], $0x4000  }
0xa3: {  	[sflag:s15] =	ssyncset.done $0x0  }
0xa4: {  	s4 =	simm.s32 $0x600;
	[sflag:s15] =	ssyncadd.s32 $0xFFFFC000  }
0xa5: {  	[spmem:s23] =	stream.indirect.scatter.add.f32 [tilespmem:s9], [sflag:$0x4], $0x80, s4, s8, $0x2000b8;
	[tilespmem:$0x1F800] =	vst v63  }
0xa6: {  	_ =	swait.ge [sflag:s6], $0x4000  }
0xa7: {  	[sflag:s6] =	ssyncset.done $0x0  }
0xa8: {  	s19 =	simm.s32 $0x300;
	[sflag:s6] =	ssyncadd.s32 $0xFFFFC000  }
0xa9: {  	[tilespmem:s9], [sflag:$0x1] =	stream.indirect.gather [hbm4b:s0+s8], $0x80, s19, s8, $0x2000b8;
	[tilespmem:$0x1F800] =	vst v63  }
0xaa: {  	_ =	swait.ge [sflag:s17], $0x4000  }
0xab: {  	[sflag:s17] =	ssyncset.done $0x0  }
0xac: {  	s3 =	simm.s32 $0x680;
	[sflag:s17] =	ssyncadd.s32 $0xFFFFC000  }
0xad: {  	[spmem:s23] =	stream.indirect.scatter.add.f32 [tilespmem:s10], [sflag:$0x4], $0x80, s3, s8, $0x2000b8;
	[tilespmem:$0x1F800] =	vst v63  }
0xae: {  	_ =	swait.ge [sflag:s6], $0x4000  }
0xaf: {  	[sflag:s6] =	ssyncset.done $0x0  }
0xb0: {  	s4 =	simm.s32 $0x380;
	[sflag:s6] =	ssyncadd.s32 $0xFFFFC000  }
0xb1: {  	[tilespmem:s10], [sflag:$0x2] =	stream.indirect.gather [hbm4b:s0+s8], $0x80, s4, s8, $0x2000b8;
	[tilespmem:$0x1F800] =	vst v63  }
0xb2: {  	_ =	strace $0x9000004B  }
0xb3: {  	_ =	swait.ge [sflag:s15], $0x4000  }
0xb4: {  	[sflag:s15] =	ssyncset.done $0x0  }
0xb5: {  	s19 =	simm.s32 $0x700;
	[sflag:s15] =	ssyncadd.s32 $0xFFFFC000  }
0xb6: {  	[spmem:s23] =	stream.indirect.scatter.add.f32 [tilespmem:s9], [sflag:$0x4], $0x80, s19, s8, $0xb8;
	[tilespmem:$0x1F800] =	vst v63  }
0xb7: {  	_ =	swait.ge [sflag:s6], $0x4000  }
0xb8: {  	[sflag:s6] =	ssyncset.done $0x0  }
0xb9: {  	[sflag:s6] =	ssyncadd.s32 $0xFFFFC000  }
0xba: {  	_ =	swait.ge [sflag:s12], $0x400  }
0xbb: {  	[sflag:s12] =	ssyncset.done $0x0  }
0xbc: {  	[sflag:s12] =	ssyncadd.s32 $0xFFFFFC00  }
0xbd: {  	_ =	swait.ge [sflag:s12], $0x400  }
0xbe: {  	[sflag:s12] =	ssyncset.done $0x0  }
0xbf: {  	[sflag:s12] =	ssyncadd.s32 $0xFFFFFC00  }
0xc0: {  	[tilespmem:s9], [sflag:$0x1] =	stream.indirect.gather [hbm4b:s0+s8], $0x80, s13, s8, $0xb8;
	[tilespmem:$0x1F800] =	vst v63  }
0xc1: {  	_ =	swait.ge [sflag:s17], $0x4000  }
0xc2: {  	[sflag:s17] =	ssyncset.done $0x0  }
0xc3: {  	s3 =	simm.s32 $0x780;
	[sflag:s17] =	ssyncadd.s32 $0xFFFFC000  }
0xc4: {  	[spmem:s23] =	stream.indirect.scatter.add.f32 [tilespmem:s10], [sflag:$0x4], $0x80, s3, s8, $0xb8;
	[tilespmem:$0x1F800] =	vst v63  }
0xc5: {  	_ =	swait.ge [sflag:s6], $0x4000  }
0xc6: {  	[sflag:s6] =	ssyncset.done $0x0  }
0xc7: {  	s4 =	simm.s32 $0x880;
	[sflag:s6] =	ssyncadd.s32 $0xFFFFC000  }
0xc8: {  	[tilespmem:s10], [sflag:$0x2] =	stream.indirect.gather [hbm4b:s0+s8], $0x80, s4, s8, $0xb8;
	[tilespmem:$0x1F800] =	vst v63  }
0xc9: {  	s1 =	simm.s32 $0x0;
	s19 =	rddreg [dreg:$0x9]  }
0xca: {  	[tilespmem:s1], [sflag:$0x3] =	stream.linear.gather [hbm4b:s19+s1], $0x400, $0x38;
	[tilespmem:$0x1F800] =	vst v63  }
0xcb: {  	s4 =	rddreg [dreg:$0xa];
	s19 =	sand.u32 $0xE00, s1  }
0xcc: {  	[tilespmem:s7], [sflag:$0x3] =	stream.linear.gather [hbm4b:s4+s1], $0x400, $0x38;
	[tilespmem:$0x1F800] =	vst v63  }
0xcd: {  	s3 =	sshrl.u32 s19, $0x2;
	s1 =	sand.u32 $0x70, s1  }
0xce: {  	_ =	strace $0x8000004C;
	s1 =	sor.u32 s1, s3  }
0xcf: {  	v2 =	vld [tilespmem:s1+$0xC00];
	_ =	sdelay $0x4  }
0xd0: {  	s4 =	simm.s32 $0x40  }
0xd1: {  	s19 =	simm.s32 $0x10;
	s3 =	sand.u32 $0xE00, s4;
	s1 =	simm.s32 $0x80  }
.LBB2_6:
0xd2: {  	p0 =	sne.s32 s1, $0xFC0;
	s4 =	sand.u32 $0x70, s19;
	s3 =	sshrl.u32 s3, $0x2  }
0xd3: {  	s3 =	sor.u32 s4, s3;
	[tilespmem:v2+s11+$0x0] =	vst.idx.add.f32.msk $0xffff, v1  }
0xd4: {  	v2 =	vld [tilespmem:s3+$0xC00];
	_ =	sdelay $0x1  }
.Ltmp2:
0xd5: {  	(pc) =	sbr.rel @p0 .LBB2_6-.Ltmp2, $2  }
0xd6: {  	_ =	sdelay $0x2  }
0xd7: {  	s19 =	sadd.s32 $0x10, s19;
	s3 =	sand.u32 $0xE00, s1;
	s1 =	sadd.s32 $0x40, s1  }
0xd8: {  	_ =	sdelay $0x2  }
0xd9: {  	s1 =	sand.u32 $0x70, s19;
	s3 =	sshrl.u32 s3, $0x2  }
0xda: {  	[tilespmem:v2+s11+$0x0] =	vst.idx.add.f32.msk $0xffff, v1;
	s1 =	sor.u32 s1, s3  }
0xdb: {  	v2 =	vld [tilespmem:s1+$0xC00];
	_ =	sdelay $0x7  }
0xdc: {  	[tilespmem:v2+s11+$0x0] =	vst.idx.add.f32.msk $0xffff, v1  }
0xdd: {  	_ =	strace $0x9000004C  }
0xde: {  	_ =	strace $0x8000004D  }
0xdf: {  	_ =	swait.ge [sflag:s15], $0x4000  }
0xe0: {  	[sflag:s15] =	ssyncset.done $0x0  }
0xe1: {  	[sflag:s15] =	ssyncadd.s32 $0xFFFFC000  }
0xe2: {  	[spmem:s23] =	stream.indirect.scatter.add.f32 [tilespmem:s9], [sflag:$0x4], $0x80, s14, s8, $0x2000b8;
	[tilespmem:$0x1F800] =	vst v63  }
0xe3: {  	_ =	swait.ge [sflag:s6], $0x4000  }
0xe4: {  	[sflag:s6] =	ssyncset.done $0x0  }
0xe5: {  	s4 =	simm.s32 $0x900;
	[sflag:s6] =	ssyncadd.s32 $0xFFFFC000  }
0xe6: {  	[tilespmem:s9], [sflag:$0x1] =	stream.indirect.gather [hbm4b:s0+s8], $0x80, s4, s8, $0x2000b8;
	[tilespmem:$0x1F800] =	vst v63  }
0xe7: {  	_ =	swait.ge [sflag:s17], $0x4000  }
0xe8: {  	[sflag:s17] =	ssyncset.done $0x0  }
0xe9: {  	[sflag:s17] =	ssyncadd.s32 $0xFFFFC000  }
0xea: {  	[spmem:s23] =	stream.indirect.scatter.add.f32 [tilespmem:s10], [sflag:$0x4], $0x80, s5, s8, $0x2000b8;
	[tilespmem:$0x1F800] =	vst v63  }
0xeb: {  	_ =	swait.ge [sflag:s6], $0x4000  }
0xec: {  	[sflag:s6] =	ssyncset.done $0x0  }
0xed: {  	[sflag:s6] =	ssyncadd.s32 $0xFFFFC000  }
0xee: {  	[tilespmem:s10], [sflag:$0x2] =	stream.indirect.gather [hbm4b:s0+s8], $0x80, s25, s8, $0x2000b8;
	[tilespmem:$0x1F800] =	vst v63  }
0xef: {  	_ =	swait.ge [sflag:s15], $0x4000  }
0xf0: {  	[sflag:s15] =	ssyncset.done $0x0  }
0xf1: {  	[sflag:s15] =	ssyncadd.s32 $0xFFFFC000  }
0xf2: {  	[spmem:s23] =	stream.indirect.scatter.add.f32 [tilespmem:s9], [sflag:$0x4], $0x80, s16, s8, $0x2000b8;
	[tilespmem:$0x1F800] =	vst v63  }
0xf3: {  	_ =	swait.ge [sflag:s6], $0x4000  }
0xf4: {  	[sflag:s6] =	ssyncset.done $0x0  }
0xf5: {  	[sflag:s6] =	ssyncadd.s32 $0xFFFFC000  }
0xf6: {  	[tilespmem:s9], [sflag:$0x1] =	stream.indirect.gather [hbm4b:s0+s8], $0x80, s18, s8, $0x2000b8;
	[tilespmem:$0x1F800] =	vst v63  }
0xf7: {  	_ =	swait.ge [sflag:s17], $0x4000  }
0xf8: {  	[sflag:s17] =	ssyncset.done $0x0  }
0xf9: {  	[sflag:s17] =	ssyncadd.s32 $0xFFFFC000  }
0xfa: {  	[spmem:s23] =	stream.indirect.scatter.add.f32 [tilespmem:s10], [sflag:$0x4], $0x80, s20, s8, $0x2000b8;
	[tilespmem:$0x1F800] =	vst v63  }
0xfb: {  	_ =	swait.ge [sflag:s6], $0x4000  }
0xfc: {  	[sflag:s6] =	ssyncset.done $0x0  }
0xfd: {  	[sflag:s6] =	ssyncadd.s32 $0xFFFFC000  }
0xfe: {  	[tilespmem:s10], [sflag:$0x2] =	stream.indirect.gather [hbm4b:s0+s8], $0x80, s21, s8, $0x2000b8;
	[tilespmem:$0x1F800] =	vst v63  }
0xff: {  	_ =	swait.ge [sflag:s15], $0x4000  }
0x100: {  	[sflag:s15] =	ssyncset.done $0x0  }
0x101: {  	[sflag:s15] =	ssyncadd.s32 $0xFFFFC000  }
0x102: {  	[spmem:s23] =	stream.indirect.scatter.add.f32 [tilespmem:s9], [sflag:$0x4], $0x80, s22, s8, $0x2000b8;
	[tilespmem:$0x1F800] =	vst v63  }
0x103: {  	_ =	swait.ge [sflag:s6], $0x4000  }
0x104: {  	[sflag:s6] =	ssyncset.done $0x0  }
0x105: {  	[sflag:s6] =	ssyncadd.s32 $0xFFFFC000  }
0x106: {  	[tilespmem:s9], [sflag:$0x1] =	stream.indirect.gather [hbm4b:s0+s8], $0x80, s24, s8, $0x2000b8;
	[tilespmem:$0x1F800] =	vst v63  }
0x107: {  	_ =	swait.ge [sflag:s17], $0x4000  }
0x108: {  	[sflag:s17] =	ssyncset.done $0x0  }
0x109: {  	[sflag:s17] =	ssyncadd.s32 $0xFFFFC000  }
0x10a: {  	[spmem:s23] =	stream.indirect.scatter.add.f32 [tilespmem:s10], [sflag:$0x4], $0x80, s26, s8, $0x2000b8;
	[tilespmem:$0x1F800] =	vst v63  }
0x10b: {  	_ =	swait.ge [sflag:s6], $0x4000  }
0x10c: {  	[sflag:s6] =	ssyncset.done $0x0  }
0x10d: {  	[sflag:s6] =	ssyncadd.s32 $0xFFFFC000  }
0x10e: {  	[tilespmem:s10], [sflag:$0x2] =	stream.indirect.gather [hbm4b:s0+s8], $0x80, s28, s8, $0x2000b8;
	[tilespmem:$0x1F800] =	vst v63  }
0x10f: {  	_ =	strace $0x9000004D  }
0x110: {  	_ =	swait.ge [sflag:s15], $0x4000  }
0x111: {  	[sflag:s15] =	ssyncset.done $0x0  }
0x112: {  	[sflag:s15] =	ssyncadd.s32 $0xFFFFC000  }
0x113: {  	[spmem:s23] =	stream.indirect.scatter.add.f32 [tilespmem:s9], [sflag:$0x4], $0x80, s29, s8, $0xb8;
	[tilespmem:$0x1F800] =	vst v63  }
0x114: {  	_ =	swait.ge [sflag:s6], $0x4000  }
0x115: {  	[sflag:s6] =	ssyncset.done $0x0  }
0x116: {  	[sflag:s6] =	ssyncadd.s32 $0xFFFFC000  }
0x117: {  	_ =	swait.ge [sflag:s12], $0x400  }
0x118: {  	[sflag:s12] =	ssyncset.done $0x0  }
0x119: {  	[sflag:s12] =	ssyncadd.s32 $0xFFFFFC00  }
0x11a: {  	_ =	swait.ge [sflag:s12], $0x400  }
0x11b: {  	[sflag:s12] =	ssyncset.done $0x0  }
0x11c: {  	s1 =	simm.s32 $0x0;
	[sflag:s12] =	ssyncadd.s32 $0xFFFFFC00  }
0x11d: {  	[tilespmem:s9], [sflag:$0x1] =	stream.indirect.gather [hbm4b:s0+s8], $0x80, s1, s8, $0xb8;
	[tilespmem:$0x1F800] =	vst v63  }
0x11e: {  	_ =	swait.ge [sflag:s17], $0x4000  }
0x11f: {  	[sflag:s17] =	ssyncset.done $0x0  }
0x120: {  	[sflag:s17] =	ssyncadd.s32 $0xFFFFC000  }
0x121: {  	[spmem:s23] =	stream.indirect.scatter.add.f32 [tilespmem:s10], [sflag:$0x4], $0x80, s30, s8, $0xb8;
	[tilespmem:$0x1F800] =	vst v63  }
0x122: {  	_ =	swait.ge [sflag:s6], $0x4000  }
0x123: {  	[sflag:s6] =	ssyncset.done $0x0  }
0x124: {  	[sflag:s6] =	ssyncadd.s32 $0xFFFFC000  }
0x125: {  	[tilespmem:s10], [sflag:$0x2] =	stream.indirect.gather [hbm4b:s0+s8], $0x80, s8, s8, $0xb8;
	[tilespmem:$0x1F800] =	vst v63  }
0x126: {  	s19 =	rddreg [dreg:$0xb]  }
0x127: {  	[tilespmem:s13], [sflag:$0x3] =	stream.linear.gather [hbm4b:s19+s1], $0x400, $0x38;
	[tilespmem:$0x1F800] =	vst v63  }
0x128: {  	s4 =	rddreg [dreg:$0xc];
	s19 =	sand.u32 $0xE00, s1  }
0x129: {  	[tilespmem:s14], [sflag:$0x3] =	stream.linear.gather [hbm4b:s4+s1], $0x400, $0x38;
	[tilespmem:$0x1F800] =	vst v63  }
0x12a: {  	s3 =	sshrl.u32 s19, $0x2;
	s1 =	sand.u32 $0x70, s1  }
0x12b: {  	_ =	strace $0x8000004E;
	s1 =	sor.u32 s1, s3  }
0x12c: {  	v2 =	vld [tilespmem:s1+$0x400];
	_ =	sdelay $0x4  }
0x12d: {  	s4 =	simm.s32 $0x40  }
0x12e: {  	s19 =	simm.s32 $0x10;
	s3 =	sand.u32 $0xE00, s4;
	s1 =	simm.s32 $0x80  }
.LBB2_8:
0x12f: {  	p0 =	sne.s32 s1, $0xFC0;
	s4 =	sand.u32 $0x70, s19;
	s3 =	sshrl.u32 s3, $0x2  }
0x130: {  	s3 =	sor.u32 s4, s3;
	[tilespmem:v2+s11+$0x0] =	vst.idx.add.f32.msk $0xffff, v1  }
0x131: {  	v2 =	vld [tilespmem:s3+$0x400];
	_ =	sdelay $0x1  }
.Ltmp3:
0x132: {  	(pc) =	sbr.rel @p0 .LBB2_8-.Ltmp3, $2  }
0x133: {  	_ =	sdelay $0x2  }
0x134: {  	s19 =	sadd.s32 $0x10, s19;
	s3 =	sand.u32 $0xE00, s1;
	s1 =	sadd.s32 $0x40, s1  }
0x135: {  	_ =	sdelay $0x2  }
0x136: {  	s1 =	sand.u32 $0x70, s19;
	s3 =	sshrl.u32 s3, $0x2  }
0x137: {  	[tilespmem:v2+s11+$0x0] =	vst.idx.add.f32.msk $0xffff, v1;
	s1 =	sor.u32 s1, s3  }
0x138: {  	v2 =	vld [tilespmem:s1+$0x400];
	_ =	sdelay $0x7  }
0x139: {  	[tilespmem:v2+s11+$0x0] =	vst.idx.add.f32.msk $0xffff, v1  }
0x13a: {  	_ =	strace $0x9000004E  }
0x13b: {  	_ =	strace $0x8000004F  }
0x13c: {  	_ =	swait.ge [sflag:s15], $0x4000  }
0x13d: {  	[sflag:s15] =	ssyncset.done $0x0  }
0x13e: {  	[sflag:s15] =	ssyncadd.s32 $0xFFFFC000  }
0x13f: {  	[spmem:s23] =	stream.indirect.scatter.add.f32 [tilespmem:s9], [sflag:$0x4], $0x80, s7, s8, $0x2000b8;
	[tilespmem:$0x1F800] =	vst v63  }
0x140: {  	_ =	swait.ge [sflag:s6], $0x4000  }
0x141: {  	[sflag:s6] =	ssyncset.done $0x0  }
0x142: {  	s3 =	simm.s32 $0x100;
	[sflag:s6] =	ssyncadd.s32 $0xFFFFC000  }
0x143: {  	[tilespmem:s9], [sflag:$0x1] =	stream.indirect.gather [hbm4b:s0+s8], $0x80, s3, s8, $0x2000b8;
	[tilespmem:$0x1F800] =	vst v63  }
0x144: {  	_ =	swait.ge [sflag:s17], $0x4000  }
0x145: {  	[sflag:s17] =	ssyncset.done $0x0  }
0x146: {  	s4 =	simm.s32 $0x480;
	[sflag:s17] =	ssyncadd.s32 $0xFFFFC000  }
0x147: {  	[spmem:s23] =	stream.indirect.scatter.add.f32 [tilespmem:s10], [sflag:$0x4], $0x80, s4, s8, $0x2000b8;
	[tilespmem:$0x1F800] =	vst v63  }
0x148: {  	_ =	swait.ge [sflag:s6], $0x4000  }
0x149: {  	[sflag:s6] =	ssyncset.done $0x0  }
0x14a: {  	s19 =	simm.s32 $0x180;
	[sflag:s6] =	ssyncadd.s32 $0xFFFFC000  }
0x14b: {  	[tilespmem:s10], [sflag:$0x2] =	stream.indirect.gather [hbm4b:s0+s8], $0x80, s19, s8, $0x2000b8;
	[tilespmem:$0x1F800] =	vst v63  }
0x14c: {  	_ =	swait.ge [sflag:s15], $0x4000  }
0x14d: {  	[sflag:s15] =	ssyncset.done $0x0  }
0x14e: {  	s3 =	simm.s32 $0x500;
	[sflag:s15] =	ssyncadd.s32 $0xFFFFC000  }
0x14f: {  	[spmem:s23] =	stream.indirect.scatter.add.f32 [tilespmem:s9], [sflag:$0x4], $0x80, s3, s8, $0x2000b8;
	[tilespmem:$0x1F800] =	vst v63  }
0x150: {  	_ =	swait.ge [sflag:s6], $0x4000  }
0x151: {  	[sflag:s6] =	ssyncset.done $0x0  }
0x152: {  	s4 =	simm.s32 $0x200;
	[sflag:s6] =	ssyncadd.s32 $0xFFFFC000  }
0x153: {  	[tilespmem:s9], [sflag:$0x1] =	stream.indirect.gather [hbm4b:s0+s8], $0x80, s4, s8, $0x2000b8;
	[tilespmem:$0x1F800] =	vst v63  }
0x154: {  	_ =	swait.ge [sflag:s17], $0x4000  }
0x155: {  	[sflag:s17] =	ssyncset.done $0x0  }
0x156: {  	s19 =	simm.s32 $0x580;
	[sflag:s17] =	ssyncadd.s32 $0xFFFFC000  }
0x157: {  	[spmem:s23] =	stream.indirect.scatter.add.f32 [tilespmem:s10], [sflag:$0x4], $0x80, s19, s8, $0x2000b8;
	[tilespmem:$0x1F800] =	vst v63  }
0x158: {  	_ =	swait.ge [sflag:s6], $0x4000  }
0x159: {  	[sflag:s6] =	ssyncset.done $0x0  }
0x15a: {  	s3 =	simm.s32 $0x280;
	[sflag:s6] =	ssyncadd.s32 $0xFFFFC000  }
0x15b: {  	[tilespmem:s10], [sflag:$0x2] =	stream.indirect.gather [hbm4b:s0+s8], $0x80, s3, s8, $0x2000b8;
	[tilespmem:$0x1F800] =	vst v63  }
0x15c: {  	_ =	swait.ge [sflag:s15], $0x4000  }
0x15d: {  	[sflag:s15] =	ssyncset.done $0x0  }
0x15e: {  	s4 =	simm.s32 $0x600;
	[sflag:s15] =	ssyncadd.s32 $0xFFFFC000  }
0x15f: {  	[spmem:s23] =	stream.indirect.scatter.add.f32 [tilespmem:s9], [sflag:$0x4], $0x80, s4, s8, $0x2000b8;
	[tilespmem:$0x1F800] =	vst v63  }
0x160: {  	_ =	swait.ge [sflag:s6], $0x4000  }
0x161: {  	[sflag:s6] =	ssyncset.done $0x0  }
0x162: {  	s19 =	simm.s32 $0x300;
	[sflag:s6] =	ssyncadd.s32 $0xFFFFC000  }
0x163: {  	[tilespmem:s9], [sflag:$0x1] =	stream.indirect.gather [hbm4b:s0+s8], $0x80, s19, s8, $0x2000b8;
	[tilespmem:$0x1F800] =	vst v63  }
0x164: {  	_ =	swait.ge [sflag:s17], $0x4000  }
0x165: {  	[sflag:s17] =	ssyncset.done $0x0  }
0x166: {  	s3 =	simm.s32 $0x680;
	[sflag:s17] =	ssyncadd.s32 $0xFFFFC000  }
0x167: {  	[spmem:s23] =	stream.indirect.scatter.add.f32 [tilespmem:s10], [sflag:$0x4], $0x80, s3, s8, $0x2000b8;
	[tilespmem:$0x1F800] =	vst v63  }
0x168: {  	_ =	swait.ge [sflag:s6], $0x4000  }
0x169: {  	[sflag:s6] =	ssyncset.done $0x0  }
0x16a: {  	s4 =	simm.s32 $0x380;
	[sflag:s6] =	ssyncadd.s32 $0xFFFFC000  }
0x16b: {  	[tilespmem:s10], [sflag:$0x2] =	stream.indirect.gather [hbm4b:s0+s8], $0x80, s4, s8, $0x2000b8;
	[tilespmem:$0x1F800] =	vst v63  }
0x16c: {  	_ =	strace $0x9000004F  }
0x16d: {  	_ =	swait.ge [sflag:s15], $0x4000  }
0x16e: {  	[sflag:s15] =	ssyncset.done $0x0  }
0x16f: {  	s19 =	simm.s32 $0x700;
	[sflag:s15] =	ssyncadd.s32 $0xFFFFC000  }
0x170: {  	[spmem:s23] =	stream.indirect.scatter.add.f32 [tilespmem:s9], [sflag:$0x4], $0x80, s19, s8, $0xb8;
	[tilespmem:$0x1F800] =	vst v63  }
0x171: {  	_ =	swait.ge [sflag:s6], $0x4000  }
0x172: {  	[sflag:s6] =	ssyncset.done $0x0  }
0x173: {  	[sflag:s6] =	ssyncadd.s32 $0xFFFFC000  }
0x174: {  	_ =	swait.ge [sflag:s12], $0x400  }
0x175: {  	[sflag:s12] =	ssyncset.done $0x0  }
0x176: {  	[sflag:s12] =	ssyncadd.s32 $0xFFFFFC00  }
0x177: {  	_ =	swait.ge [sflag:s12], $0x400  }
0x178: {  	[sflag:s12] =	ssyncset.done $0x0  }
0x179: {  	[sflag:s12] =	ssyncadd.s32 $0xFFFFFC00  }
0x17a: {  	[tilespmem:s9], [sflag:$0x1] =	stream.indirect.gather [hbm4b:s0+s8], $0x80, s13, s8, $0xb8;
	[tilespmem:$0x1F800] =	vst v63  }
0x17b: {  	_ =	swait.ge [sflag:s17], $0x4000  }
0x17c: {  	[sflag:s17] =	ssyncset.done $0x0  }
0x17d: {  	s3 =	simm.s32 $0x780;
	[sflag:s17] =	ssyncadd.s32 $0xFFFFC000  }
0x17e: {  	[spmem:s23] =	stream.indirect.scatter.add.f32 [tilespmem:s10], [sflag:$0x4], $0x80, s3, s8, $0xb8;
	[tilespmem:$0x1F800] =	vst v63  }
0x17f: {  	_ =	swait.ge [sflag:s6], $0x4000  }
0x180: {  	[sflag:s6] =	ssyncset.done $0x0  }
0x181: {  	s4 =	simm.s32 $0x880;
	[sflag:s6] =	ssyncadd.s32 $0xFFFFC000  }
0x182: {  	[tilespmem:s10], [sflag:$0x2] =	stream.indirect.gather [hbm4b:s0+s8], $0x80, s4, s8, $0xb8;
	[tilespmem:$0x1F800] =	vst v63  }
0x183: {  	s1 =	simm.s32 $0x0;
	s19 =	rddreg [dreg:$0xd]  }
0x184: {  	[tilespmem:s1], [sflag:$0x3] =	stream.linear.gather [hbm4b:s19+s1], $0x400, $0x38;
	[tilespmem:$0x1F800] =	vst v63  }
0x185: {  	s4 =	rddreg [dreg:$0xe];
	s19 =	sand.u32 $0xE00, s1  }
0x186: {  	[tilespmem:s7], [sflag:$0x3] =	stream.linear.gather [hbm4b:s4+s1], $0x400, $0x38;
	[tilespmem:$0x1F800] =	vst v63  }
0x187: {  	s3 =	sshrl.u32 s19, $0x2;
	s1 =	sand.u32 $0x70, s1  }
0x188: {  	_ =	strace $0x80000050;
	s1 =	sor.u32 s1, s3  }
0x189: {  	v2 =	vld [tilespmem:s1+$0xC00];
	_ =	sdelay $0x4  }
0x18a: {  	s4 =	simm.s32 $0x40  }
0x18b: {  	s19 =	simm.s32 $0x10;
	s3 =	sand.u32 $0xE00, s4;
	s1 =	simm.s32 $0x80  }
.LBB2_10:
0x18c: {  	p0 =	sne.s32 s1, $0xFC0;
	s4 =	sand.u32 $0x70, s19;
	s3 =	sshrl.u32 s3, $0x2  }
0x18d: {  	s3 =	sor.u32 s4, s3;
	[tilespmem:v2+s11+$0x0] =	vst.idx.add.f32.msk $0xffff, v1  }
0x18e: {  	v2 =	vld [tilespmem:s3+$0xC00];
	_ =	sdelay $0x1  }
.Ltmp4:
0x18f: {  	(pc) =	sbr.rel @p0 .LBB2_10-.Ltmp4, $2  }
0x190: {  	_ =	sdelay $0x2  }
0x191: {  	s19 =	sadd.s32 $0x10, s19;
	s3 =	sand.u32 $0xE00, s1;
	s1 =	sadd.s32 $0x40, s1  }
0x192: {  	_ =	sdelay $0x2  }
0x193: {  	s1 =	sand.u32 $0x70, s19;
	s3 =	sshrl.u32 s3, $0x2  }
0x194: {  	[tilespmem:v2+s11+$0x0] =	vst.idx.add.f32.msk $0xffff, v1;
	s1 =	sor.u32 s1, s3  }
0x195: {  	v2 =	vld [tilespmem:s1+$0xC00];
	_ =	sdelay $0x7  }
0x196: {  	[tilespmem:v2+s11+$0x0] =	vst.idx.add.f32.msk $0xffff, v1  }
0x197: {  	_ =	strace $0x90000050  }
0x198: {  	_ =	strace $0x80000051  }
0x199: {  	_ =	swait.ge [sflag:s15], $0x4000  }
0x19a: {  	[sflag:s15] =	ssyncset.done $0x0  }
0x19b: {  	[sflag:s15] =	ssyncadd.s32 $0xFFFFC000  }
0x19c: {  	[spmem:s23] =	stream.indirect.scatter.add.f32 [tilespmem:s9], [sflag:$0x4], $0x80, s14, s8, $0x2000b8;
	[tilespmem:$0x1F800] =	vst v63  }
0x19d: {  	_ =	swait.ge [sflag:s6], $0x4000  }
0x19e: {  	[sflag:s6] =	ssyncset.done $0x0  }
0x19f: {  	s4 =	simm.s32 $0x900;
	[sflag:s6] =	ssyncadd.s32 $0xFFFFC000  }
0x1a0: {  	[tilespmem:s9], [sflag:$0x1] =	stream.indirect.gather [hbm4b:s0+s8], $0x80, s4, s8, $0x2000b8;
	[tilespmem:$0x1F800] =	vst v63  }
0x1a1: {  	_ =	swait.ge [sflag:s17], $0x4000  }
0x1a2: {  	[sflag:s17] =	ssyncset.done $0x0  }
0x1a3: {  	[sflag:s17] =	ssyncadd.s32 $0xFFFFC000  }
0x1a4: {  	[spmem:s23] =	stream.indirect.scatter.add.f32 [tilespmem:s10], [sflag:$0x4], $0x80, s5, s8, $0x2000b8;
	[tilespmem:$0x1F800] =	vst v63  }
0x1a5: {  	_ =	swait.ge [sflag:s6], $0x4000  }
0x1a6: {  	[sflag:s6] =	ssyncset.done $0x0  }
0x1a7: {  	[sflag:s6] =	ssyncadd.s32 $0xFFFFC000  }
0x1a8: {  	[tilespmem:s10], [sflag:$0x2] =	stream.indirect.gather [hbm4b:s0+s8], $0x80, s25, s8, $0x2000b8;
	[tilespmem:$0x1F800] =	vst v63  }
0x1a9: {  	_ =	swait.ge [sflag:s15], $0x4000  }
0x1aa: {  	[sflag:s15] =	ssyncset.done $0x0  }
0x1ab: {  	[sflag:s15] =	ssyncadd.s32 $0xFFFFC000  }
0x1ac: {  	[spmem:s23] =	stream.indirect.scatter.add.f32 [tilespmem:s9], [sflag:$0x4], $0x80, s16, s8, $0x2000b8;
	[tilespmem:$0x1F800] =	vst v63  }
0x1ad: {  	_ =	swait.ge [sflag:s6], $0x4000  }
0x1ae: {  	[sflag:s6] =	ssyncset.done $0x0  }
0x1af: {  	[sflag:s6] =	ssyncadd.s32 $0xFFFFC000  }
0x1b0: {  	[tilespmem:s9], [sflag:$0x1] =	stream.indirect.gather [hbm4b:s0+s8], $0x80, s18, s8, $0x2000b8;
	[tilespmem:$0x1F800] =	vst v63  }
0x1b1: {  	_ =	swait.ge [sflag:s17], $0x4000  }
0x1b2: {  	[sflag:s17] =	ssyncset.done $0x0  }
0x1b3: {  	[sflag:s17] =	ssyncadd.s32 $0xFFFFC000  }
0x1b4: {  	[spmem:s23] =	stream.indirect.scatter.add.f32 [tilespmem:s10], [sflag:$0x4], $0x80, s20, s8, $0x2000b8;
	[tilespmem:$0x1F800] =	vst v63  }
0x1b5: {  	_ =	swait.ge [sflag:s6], $0x4000  }
0x1b6: {  	[sflag:s6] =	ssyncset.done $0x0  }
0x1b7: {  	[sflag:s6] =	ssyncadd.s32 $0xFFFFC000  }
0x1b8: {  	[tilespmem:s10], [sflag:$0x2] =	stream.indirect.gather [hbm4b:s0+s8], $0x80, s21, s8, $0x2000b8;
	[tilespmem:$0x1F800] =	vst v63  }
0x1b9: {  	_ =	swait.ge [sflag:s15], $0x4000  }
0x1ba: {  	[sflag:s15] =	ssyncset.done $0x0  }
0x1bb: {  	[sflag:s15] =	ssyncadd.s32 $0xFFFFC000  }
0x1bc: {  	[spmem:s23] =	stream.indirect.scatter.add.f32 [tilespmem:s9], [sflag:$0x4], $0x80, s22, s8, $0x2000b8;
	[tilespmem:$0x1F800] =	vst v63  }
0x1bd: {  	_ =	swait.ge [sflag:s6], $0x4000  }
0x1be: {  	[sflag:s6] =	ssyncset.done $0x0  }
0x1bf: {  	[sflag:s6] =	ssyncadd.s32 $0xFFFFC000  }
0x1c0: {  	[tilespmem:s9], [sflag:$0x1] =	stream.indirect.gather [hbm4b:s0+s8], $0x80, s24, s8, $0x2000b8;
	[tilespmem:$0x1F800] =	vst v63  }
0x1c1: {  	_ =	swait.ge [sflag:s17], $0x4000  }
0x1c2: {  	[sflag:s17] =	ssyncset.done $0x0  }
0x1c3: {  	[sflag:s17] =	ssyncadd.s32 $0xFFFFC000  }
0x1c4: {  	[spmem:s23] =	stream.indirect.scatter.add.f32 [tilespmem:s10], [sflag:$0x4], $0x80, s26, s8, $0x2000b8;
	[tilespmem:$0x1F800] =	vst v63  }
0x1c5: {  	_ =	swait.ge [sflag:s6], $0x4000  }
0x1c6: {  	[sflag:s6] =	ssyncset.done $0x0  }
0x1c7: {  	[sflag:s6] =	ssyncadd.s32 $0xFFFFC000  }
0x1c8: {  	[tilespmem:s10], [sflag:$0x2] =	stream.indirect.gather [hbm4b:s0+s8], $0x80, s28, s8, $0x2000b8;
	[tilespmem:$0x1F800] =	vst v63  }
0x1c9: {  	_ =	strace $0x90000051  }
0x1ca: {  	_ =	swait.ge [sflag:s15], $0x4000  }
0x1cb: {  	[sflag:s15] =	ssyncset.done $0x0  }
0x1cc: {  	[sflag:s15] =	ssyncadd.s32 $0xFFFFC000  }
0x1cd: {  	[spmem:s23] =	stream.indirect.scatter.add.f32 [tilespmem:s9], [sflag:$0x4], $0x80, s29, s8, $0xb8;
	[tilespmem:$0x1F800] =	vst v63  }
0x1ce: {  	_ =	swait.ge [sflag:s6], $0x4000  }
0x1cf: {  	[sflag:s6] =	ssyncset.done $0x0  }
0x1d0: {  	[sflag:s6] =	ssyncadd.s32 $0xFFFFC000  }
0x1d1: {  	_ =	swait.ge [sflag:s12], $0x400  }
0x1d2: {  	[sflag:s12] =	ssyncset.done $0x0  }
0x1d3: {  	[sflag:s12] =	ssyncadd.s32 $0xFFFFFC00  }
0x1d4: {  	_ =	swait.ge [sflag:s12], $0x400  }
0x1d5: {  	[sflag:s12] =	ssyncset.done $0x0  }
0x1d6: {  	s1 =	simm.s32 $0x0;
	[sflag:s12] =	ssyncadd.s32 $0xFFFFFC00  }
0x1d7: {  	[tilespmem:s9], [sflag:$0x1] =	stream.indirect.gather [hbm4b:s0+s8], $0x80, s1, s8, $0xb8;
	[tilespmem:$0x1F800] =	vst v63  }
0x1d8: {  	_ =	swait.ge [sflag:s17], $0x4000  }
0x1d9: {  	[sflag:s17] =	ssyncset.done $0x0  }
0x1da: {  	[sflag:s17] =	ssyncadd.s32 $0xFFFFC000  }
0x1db: {  	[spmem:s23] =	stream.indirect.scatter.add.f32 [tilespmem:s10], [sflag:$0x4], $0x80, s30, s8, $0xb8;
	[tilespmem:$0x1F800] =	vst v63  }
0x1dc: {  	_ =	swait.ge [sflag:s6], $0x4000  }
0x1dd: {  	[sflag:s6] =	ssyncset.done $0x0  }
0x1de: {  	[sflag:s6] =	ssyncadd.s32 $0xFFFFC000  }
0x1df: {  	[tilespmem:s10], [sflag:$0x2] =	stream.indirect.gather [hbm4b:s0+s8], $0x80, s8, s8, $0xb8;
	[tilespmem:$0x1F800] =	vst v63  }
0x1e0: {  	s19 =	rddreg [dreg:$0xf]  }
0x1e1: {  	[tilespmem:s13], [sflag:$0x3] =	stream.linear.gather [hbm4b:s19+s1], $0x400, $0x38;
	[tilespmem:$0x1F800] =	vst v63  }
0x1e2: {  	s4 =	rddreg [dreg:$0x10];
	s19 =	sand.u32 $0xE00, s1  }
0x1e3: {  	[tilespmem:s14], [sflag:$0x3] =	stream.linear.gather [hbm4b:s4+s1], $0x400, $0x38;
	[tilespmem:$0x1F800] =	vst v63  }
0x1e4: {  	s3 =	sshrl.u32 s19, $0x2;
	s1 =	sand.u32 $0x70, s1  }
0x1e5: {  	_ =	strace $0x80000052;
	s1 =	sor.u32 s1, s3  }
0x1e6: {  	v2 =	vld [tilespmem:s1+$0x400];
	_ =	sdelay $0x4  }
0x1e7: {  	s4 =	simm.s32 $0x40  }
0x1e8: {  	s19 =	simm.s32 $0x10;
	s3 =	sand.u32 $0xE00, s4;
	s1 =	simm.s32 $0x80  }
.LBB2_12:
0x1e9: {  	p0 =	sne.s32 s1, $0xFC0;
	s4 =	sand.u32 $0x70, s19;
	s3 =	sshrl.u32 s3, $0x2  }
0x1ea: {  	s3 =	sor.u32 s4, s3;
	[tilespmem:v2+s11+$0x0] =	vst.idx.add.f32.msk $0xffff, v1  }
0x1eb: {  	v2 =	vld [tilespmem:s3+$0x400];
	_ =	sdelay $0x1  }
.Ltmp5:
0x1ec: {  	(pc) =	sbr.rel @p0 .LBB2_12-.Ltmp5, $2  }
0x1ed: {  	_ =	sdelay $0x2  }
0x1ee: {  	s19 =	sadd.s32 $0x10, s19;
	s3 =	sand.u32 $0xE00, s1;
	s1 =	sadd.s32 $0x40, s1  }
0x1ef: {  	_ =	sdelay $0x2  }
0x1f0: {  	s1 =	sand.u32 $0x70, s19;
	s3 =	sshrl.u32 s3, $0x2  }
0x1f1: {  	[tilespmem:v2+s11+$0x0] =	vst.idx.add.f32.msk $0xffff, v1;
	s1 =	sor.u32 s1, s3  }
0x1f2: {  	v2 =	vld [tilespmem:s1+$0x400];
	_ =	sdelay $0x7  }
0x1f3: {  	[tilespmem:v2+s11+$0x0] =	vst.idx.add.f32.msk $0xffff, v1  }
0x1f4: {  	_ =	strace $0x90000052  }
0x1f5: {  	_ =	strace $0x80000053  }
0x1f6: {  	_ =	swait.ge [sflag:s15], $0x4000  }
0x1f7: {  	[sflag:s15] =	ssyncset.done $0x0  }
0x1f8: {  	[sflag:s15] =	ssyncadd.s32 $0xFFFFC000  }
0x1f9: {  	[spmem:s23] =	stream.indirect.scatter.add.f32 [tilespmem:s9], [sflag:$0x4], $0x80, s7, s8, $0x2000b8;
	[tilespmem:$0x1F800] =	vst v63  }
0x1fa: {  	_ =	swait.ge [sflag:s6], $0x4000  }
0x1fb: {  	[sflag:s6] =	ssyncset.done $0x0  }
0x1fc: {  	s3 =	simm.s32 $0x100;
	[sflag:s6] =	ssyncadd.s32 $0xFFFFC000  }
0x1fd: {  	[tilespmem:s9], [sflag:$0x1] =	stream.indirect.gather [hbm4b:s0+s8], $0x80, s3, s8, $0x2000b8;
	[tilespmem:$0x1F800] =	vst v63  }
0x1fe: {  	_ =	swait.ge [sflag:s17], $0x4000  }
0x1ff: {  	[sflag:s17] =	ssyncset.done $0x0  }
0x200: {  	s4 =	simm.s32 $0x480;
	[sflag:s17] =	ssyncadd.s32 $0xFFFFC000  }
0x201: {  	[spmem:s23] =	stream.indirect.scatter.add.f32 [tilespmem:s10], [sflag:$0x4], $0x80, s4, s8, $0x2000b8;
	[tilespmem:$0x1F800] =	vst v63  }
0x202: {  	_ =	swait.ge [sflag:s6], $0x4000  }
0x203: {  	[sflag:s6] =	ssyncset.done $0x0  }
0x204: {  	s19 =	simm.s32 $0x180;
	[sflag:s6] =	ssyncadd.s32 $0xFFFFC000  }
0x205: {  	[tilespmem:s10], [sflag:$0x2] =	stream.indirect.gather [hbm4b:s0+s8], $0x80, s19, s8, $0x2000b8;
	[tilespmem:$0x1F800] =	vst v63  }
0x206: {  	_ =	swait.ge [sflag:s15], $0x4000  }
0x207: {  	[sflag:s15] =	ssyncset.done $0x0  }
0x208: {  	s3 =	simm.s32 $0x500;
	[sflag:s15] =	ssyncadd.s32 $0xFFFFC000  }
0x209: {  	[spmem:s23] =	stream.indirect.scatter.add.f32 [tilespmem:s9], [sflag:$0x4], $0x80, s3, s8, $0x2000b8;
	[tilespmem:$0x1F800] =	vst v63  }
0x20a: {  	_ =	swait.ge [sflag:s6], $0x4000  }
0x20b: {  	[sflag:s6] =	ssyncset.done $0x0  }
0x20c: {  	s4 =	simm.s32 $0x200;
	[sflag:s6] =	ssyncadd.s32 $0xFFFFC000  }
0x20d: {  	[tilespmem:s9], [sflag:$0x1] =	stream.indirect.gather [hbm4b:s0+s8], $0x80, s4, s8, $0x2000b8;
	[tilespmem:$0x1F800] =	vst v63  }
0x20e: {  	_ =	swait.ge [sflag:s17], $0x4000  }
0x20f: {  	[sflag:s17] =	ssyncset.done $0x0  }
0x210: {  	s19 =	simm.s32 $0x580;
	[sflag:s17] =	ssyncadd.s32 $0xFFFFC000  }
0x211: {  	[spmem:s23] =	stream.indirect.scatter.add.f32 [tilespmem:s10], [sflag:$0x4], $0x80, s19, s8, $0x2000b8;
	[tilespmem:$0x1F800] =	vst v63  }
0x212: {  	_ =	swait.ge [sflag:s6], $0x4000  }
0x213: {  	[sflag:s6] =	ssyncset.done $0x0  }
0x214: {  	s3 =	simm.s32 $0x280;
	[sflag:s6] =	ssyncadd.s32 $0xFFFFC000  }
0x215: {  	[tilespmem:s10], [sflag:$0x2] =	stream.indirect.gather [hbm4b:s0+s8], $0x80, s3, s8, $0x2000b8;
	[tilespmem:$0x1F800] =	vst v63  }
0x216: {  	_ =	swait.ge [sflag:s15], $0x4000  }
0x217: {  	[sflag:s15] =	ssyncset.done $0x0  }
0x218: {  	s4 =	simm.s32 $0x600;
	[sflag:s15] =	ssyncadd.s32 $0xFFFFC000  }
0x219: {  	[spmem:s23] =	stream.indirect.scatter.add.f32 [tilespmem:s9], [sflag:$0x4], $0x80, s4, s8, $0x2000b8;
	[tilespmem:$0x1F800] =	vst v63  }
0x21a: {  	_ =	swait.ge [sflag:s6], $0x4000  }
0x21b: {  	[sflag:s6] =	ssyncset.done $0x0  }
0x21c: {  	s19 =	simm.s32 $0x300;
	[sflag:s6] =	ssyncadd.s32 $0xFFFFC000  }
0x21d: {  	[tilespmem:s9], [sflag:$0x1] =	stream.indirect.gather [hbm4b:s0+s8], $0x80, s19, s8, $0x2000b8;
	[tilespmem:$0x1F800] =	vst v63  }
0x21e: {  	_ =	swait.ge [sflag:s17], $0x4000  }
0x21f: {  	[sflag:s17] =	ssyncset.done $0x0  }
0x220: {  	s3 =	simm.s32 $0x680;
	[sflag:s17] =	ssyncadd.s32 $0xFFFFC000  }
0x221: {  	[spmem:s23] =	stream.indirect.scatter.add.f32 [tilespmem:s10], [sflag:$0x4], $0x80, s3, s8, $0x2000b8;
	[tilespmem:$0x1F800] =	vst v63  }
0x222: {  	_ =	swait.ge [sflag:s6], $0x4000  }
0x223: {  	[sflag:s6] =	ssyncset.done $0x0  }
0x224: {  	s4 =	simm.s32 $0x380;
	[sflag:s6] =	ssyncadd.s32 $0xFFFFC000  }
0x225: {  	[tilespmem:s10], [sflag:$0x2] =	stream.indirect.gather [hbm4b:s0+s8], $0x80, s4, s8, $0x2000b8;
	[tilespmem:$0x1F800] =	vst v63  }
0x226: {  	_ =	strace $0x90000053  }
0x227: {  	_ =	swait.ge [sflag:s15], $0x4000  }
0x228: {  	[sflag:s15] =	ssyncset.done $0x0  }
0x229: {  	s19 =	simm.s32 $0x700;
	[sflag:s15] =	ssyncadd.s32 $0xFFFFC000  }
0x22a: {  	[spmem:s23] =	stream.indirect.scatter.add.f32 [tilespmem:s9], [sflag:$0x4], $0x80, s19, s8, $0xb8;
	[tilespmem:$0x1F800] =	vst v63  }
0x22b: {  	_ =	swait.ge [sflag:s6], $0x4000  }
0x22c: {  	[sflag:s6] =	ssyncset.done $0x0  }
0x22d: {  	[sflag:s6] =	ssyncadd.s32 $0xFFFFC000  }
0x22e: {  	_ =	swait.ge [sflag:s12], $0x400  }
0x22f: {  	[sflag:s12] =	ssyncset.done $0x0  }
0x230: {  	[sflag:s12] =	ssyncadd.s32 $0xFFFFFC00  }
0x231: {  	_ =	swait.ge [sflag:s12], $0x400  }
0x232: {  	[sflag:s12] =	ssyncset.done $0x0  }
0x233: {  	[sflag:s12] =	ssyncadd.s32 $0xFFFFFC00  }
0x234: {  	[tilespmem:s9], [sflag:$0x1] =	stream.indirect.gather [hbm4b:s0+s8], $0x80, s13, s8, $0xb8;
	[tilespmem:$0x1F800] =	vst v63  }
0x235: {  	_ =	swait.ge [sflag:s17], $0x4000  }
0x236: {  	[sflag:s17] =	ssyncset.done $0x0  }
0x237: {  	s3 =	simm.s32 $0x780;
	[sflag:s17] =	ssyncadd.s32 $0xFFFFC000  }
0x238: {  	[spmem:s23] =	stream.indirect.scatter.add.f32 [tilespmem:s10], [sflag:$0x4], $0x80, s3, s8, $0xb8;
	[tilespmem:$0x1F800] =	vst v63  }
0x239: {  	_ =	swait.ge [sflag:s6], $0x4000  }
0x23a: {  	[sflag:s6] =	ssyncset.done $0x0  }
0x23b: {  	s4 =	simm.s32 $0x880;
	[sflag:s6] =	ssyncadd.s32 $0xFFFFC000  }
0x23c: {  	[tilespmem:s10], [sflag:$0x2] =	stream.indirect.gather [hbm4b:s0+s8], $0x80, s4, s8, $0xb8;
	[tilespmem:$0x1F800] =	vst v63  }
0x23d: {  	s1 =	simm.s32 $0x0;
	s19 =	rddreg [dreg:$0x11]  }
0x23e: {  	[tilespmem:s1], [sflag:$0x3] =	stream.linear.gather [hbm4b:s19+s1], $0x400, $0x38;
	[tilespmem:$0x1F800] =	vst v63  }
0x23f: {  	s4 =	rddreg [dreg:$0x12];
	s19 =	sand.u32 $0xE00, s1  }
0x240: {  	[tilespmem:s7], [sflag:$0x3] =	stream.linear.gather [hbm4b:s4+s1], $0x400, $0x38;
	[tilespmem:$0x1F800] =	vst v63  }
0x241: {  	s3 =	sshrl.u32 s19, $0x2;
	s1 =	sand.u32 $0x70, s1  }
0x242: {  	_ =	strace $0x80000054;
	s1 =	sor.u32 s1, s3  }
0x243: {  	v2 =	vld [tilespmem:s1+$0xC00];
	_ =	sdelay $0x4  }
0x244: {  	s4 =	simm.s32 $0x40  }
0x245: {  	s19 =	simm.s32 $0x10;
	s3 =	sand.u32 $0xE00, s4;
	s1 =	simm.s32 $0x80  }
.LBB2_14:
0x246: {  	p0 =	sne.s32 s1, $0xFC0;
	s4 =	sand.u32 $0x70, s19;
	s3 =	sshrl.u32 s3, $0x2  }
0x247: {  	s3 =	sor.u32 s4, s3;
	[tilespmem:v2+s11+$0x0] =	vst.idx.add.f32.msk $0xffff, v1  }
0x248: {  	v2 =	vld [tilespmem:s3+$0xC00];
	_ =	sdelay $0x1  }
.Ltmp6:
0x249: {  	(pc) =	sbr.rel @p0 .LBB2_14-.Ltmp6, $2  }
0x24a: {  	_ =	sdelay $0x2  }
0x24b: {  	s19 =	sadd.s32 $0x10, s19;
	s3 =	sand.u32 $0xE00, s1;
	s1 =	sadd.s32 $0x40, s1  }
0x24c: {  	_ =	sdelay $0x2  }
0x24d: {  	s1 =	sand.u32 $0x70, s19;
	s3 =	sshrl.u32 s3, $0x2  }
0x24e: {  	[tilespmem:v2+s11+$0x0] =	vst.idx.add.f32.msk $0xffff, v1;
	s1 =	sor.u32 s1, s3  }
0x24f: {  	v2 =	vld [tilespmem:s1+$0xC00];
	_ =	sdelay $0x7  }
0x250: {  	[tilespmem:v2+s11+$0x0] =	vst.idx.add.f32.msk $0xffff, v1  }
0x251: {  	_ =	strace $0x90000054  }
0x252: {  	_ =	strace $0x80000055  }
0x253: {  	_ =	swait.ge [sflag:s15], $0x4000  }
0x254: {  	[sflag:s15] =	ssyncset.done $0x0  }
0x255: {  	[sflag:s15] =	ssyncadd.s32 $0xFFFFC000  }
0x256: {  	[spmem:s23] =	stream.indirect.scatter.add.f32 [tilespmem:s9], [sflag:$0x4], $0x80, s14, s8, $0x2000b8;
	[tilespmem:$0x1F800] =	vst v63  }
0x257: {  	_ =	swait.ge [sflag:s6], $0x4000  }
0x258: {  	[sflag:s6] =	ssyncset.done $0x0  }
0x259: {  	s4 =	simm.s32 $0x900;
	[sflag:s6] =	ssyncadd.s32 $0xFFFFC000  }
0x25a: {  	[tilespmem:s9], [sflag:$0x1] =	stream.indirect.gather [hbm4b:s0+s8], $0x80, s4, s8, $0x2000b8;
	[tilespmem:$0x1F800] =	vst v63  }
0x25b: {  	_ =	swait.ge [sflag:s17], $0x4000  }
0x25c: {  	[sflag:s17] =	ssyncset.done $0x0  }
0x25d: {  	[sflag:s17] =	ssyncadd.s32 $0xFFFFC000  }
0x25e: {  	[spmem:s23] =	stream.indirect.scatter.add.f32 [tilespmem:s10], [sflag:$0x4], $0x80, s5, s8, $0x2000b8;
	[tilespmem:$0x1F800] =	vst v63  }
0x25f: {  	_ =	swait.ge [sflag:s6], $0x4000  }
0x260: {  	[sflag:s6] =	ssyncset.done $0x0  }
0x261: {  	[sflag:s6] =	ssyncadd.s32 $0xFFFFC000  }
0x262: {  	[tilespmem:s10], [sflag:$0x2] =	stream.indirect.gather [hbm4b:s0+s8], $0x80, s25, s8, $0x2000b8;
	[tilespmem:$0x1F800] =	vst v63  }
0x263: {  	_ =	swait.ge [sflag:s15], $0x4000  }
0x264: {  	[sflag:s15] =	ssyncset.done $0x0  }
0x265: {  	[sflag:s15] =	ssyncadd.s32 $0xFFFFC000  }
0x266: {  	[spmem:s23] =	stream.indirect.scatter.add.f32 [tilespmem:s9], [sflag:$0x4], $0x80, s16, s8, $0x2000b8;
	[tilespmem:$0x1F800] =	vst v63  }
0x267: {  	_ =	swait.ge [sflag:s6], $0x4000  }
0x268: {  	[sflag:s6] =	ssyncset.done $0x0  }
0x269: {  	[sflag:s6] =	ssyncadd.s32 $0xFFFFC000  }
0x26a: {  	[tilespmem:s9], [sflag:$0x1] =	stream.indirect.gather [hbm4b:s0+s8], $0x80, s18, s8, $0x2000b8;
	[tilespmem:$0x1F800] =	vst v63  }
0x26b: {  	_ =	swait.ge [sflag:s17], $0x4000  }
0x26c: {  	[sflag:s17] =	ssyncset.done $0x0  }
0x26d: {  	[sflag:s17] =	ssyncadd.s32 $0xFFFFC000  }
0x26e: {  	[spmem:s23] =	stream.indirect.scatter.add.f32 [tilespmem:s10], [sflag:$0x4], $0x80, s20, s8, $0x2000b8;
	[tilespmem:$0x1F800] =	vst v63  }
0x26f: {  	_ =	swait.ge [sflag:s6], $0x4000  }
0x270: {  	[sflag:s6] =	ssyncset.done $0x0  }
0x271: {  	[sflag:s6] =	ssyncadd.s32 $0xFFFFC000  }
0x272: {  	[tilespmem:s10], [sflag:$0x2] =	stream.indirect.gather [hbm4b:s0+s8], $0x80, s21, s8, $0x2000b8;
	[tilespmem:$0x1F800] =	vst v63  }
0x273: {  	_ =	swait.ge [sflag:s15], $0x4000  }
0x274: {  	[sflag:s15] =	ssyncset.done $0x0  }
0x275: {  	[sflag:s15] =	ssyncadd.s32 $0xFFFFC000  }
0x276: {  	[spmem:s23] =	stream.indirect.scatter.add.f32 [tilespmem:s9], [sflag:$0x4], $0x80, s22, s8, $0x2000b8;
	[tilespmem:$0x1F800] =	vst v63  }
0x277: {  	_ =	swait.ge [sflag:s6], $0x4000  }
0x278: {  	[sflag:s6] =	ssyncset.done $0x0  }
0x279: {  	[sflag:s6] =	ssyncadd.s32 $0xFFFFC000  }
0x27a: {  	[tilespmem:s9], [sflag:$0x1] =	stream.indirect.gather [hbm4b:s0+s8], $0x80, s24, s8, $0x2000b8;
	[tilespmem:$0x1F800] =	vst v63  }
0x27b: {  	_ =	swait.ge [sflag:s17], $0x4000  }
0x27c: {  	[sflag:s17] =	ssyncset.done $0x0  }
0x27d: {  	[sflag:s17] =	ssyncadd.s32 $0xFFFFC000  }
0x27e: {  	[spmem:s23] =	stream.indirect.scatter.add.f32 [tilespmem:s10], [sflag:$0x4], $0x80, s26, s8, $0x2000b8;
	[tilespmem:$0x1F800] =	vst v63  }
0x27f: {  	_ =	swait.ge [sflag:s6], $0x4000  }
0x280: {  	[sflag:s6] =	ssyncset.done $0x0  }
0x281: {  	[sflag:s6] =	ssyncadd.s32 $0xFFFFC000  }
0x282: {  	[tilespmem:s10], [sflag:$0x2] =	stream.indirect.gather [hbm4b:s0+s8], $0x80, s28, s8, $0x2000b8;
	[tilespmem:$0x1F800] =	vst v63  }
0x283: {  	_ =	strace $0x90000055  }
0x284: {  	_ =	swait.ge [sflag:s15], $0x4000  }
0x285: {  	[sflag:s15] =	ssyncset.done $0x0  }
0x286: {  	[sflag:s15] =	ssyncadd.s32 $0xFFFFC000  }
0x287: {  	[spmem:s23] =	stream.indirect.scatter.add.f32 [tilespmem:s9], [sflag:$0x4], $0x80, s29, s8, $0xb8;
	[tilespmem:$0x1F800] =	vst v63  }
0x288: {  	_ =	swait.ge [sflag:s6], $0x4000  }
0x289: {  	[sflag:s6] =	ssyncset.done $0x0  }
0x28a: {  	[sflag:s6] =	ssyncadd.s32 $0xFFFFC000  }
0x28b: {  	_ =	swait.ge [sflag:s12], $0x400  }
0x28c: {  	[sflag:s12] =	ssyncset.done $0x0  }
0x28d: {  	[sflag:s12] =	ssyncadd.s32 $0xFFFFFC00  }
0x28e: {  	_ =	swait.ge [sflag:s12], $0x400  }
0x28f: {  	[sflag:s12] =	ssyncset.done $0x0  }
0x290: {  	s1 =	simm.s32 $0x0;
	[sflag:s12] =	ssyncadd.s32 $0xFFFFFC00  }
0x291: {  	[tilespmem:s9], [sflag:$0x1] =	stream.indirect.gather [hbm4b:s0+s8], $0x80, s1, s8, $0xb8;
	[tilespmem:$0x1F800] =	vst v63  }
0x292: {  	_ =	swait.ge [sflag:s17], $0x4000  }
0x293: {  	[sflag:s17] =	ssyncset.done $0x0  }
0x294: {  	[sflag:s17] =	ssyncadd.s32 $0xFFFFC000  }
0x295: {  	[spmem:s23] =	stream.indirect.scatter.add.f32 [tilespmem:s10], [sflag:$0x4], $0x80, s30, s8, $0xb8;
	[tilespmem:$0x1F800] =	vst v63  }
0x296: {  	_ =	swait.ge [sflag:s6], $0x4000  }
0x297: {  	[sflag:s6] =	ssyncset.done $0x0  }
0x298: {  	[sflag:s6] =	ssyncadd.s32 $0xFFFFC000  }
0x299: {  	[tilespmem:s10], [sflag:$0x2] =	stream.indirect.gather [hbm4b:s0+s8], $0x80, s8, s8, $0xb8;
	[tilespmem:$0x1F800] =	vst v63  }
0x29a: {  	s19 =	rddreg [dreg:$0x13]  }
0x29b: {  	[tilespmem:s13], [sflag:$0x3] =	stream.linear.gather [hbm4b:s19+s1], $0x400, $0x38;
	[tilespmem:$0x1F800] =	vst v63  }
0x29c: {  	s4 =	rddreg [dreg:$0x14];
	s19 =	sand.u32 $0xE00, s1  }
0x29d: {  	[tilespmem:s14], [sflag:$0x3] =	stream.linear.gather [hbm4b:s4+s1], $0x400, $0x38;
	[tilespmem:$0x1F800] =	vst v63  }
0x29e: {  	s3 =	sshrl.u32 s19, $0x2;
	s1 =	sand.u32 $0x70, s1  }
0x29f: {  	_ =	strace $0x80000056;
	s1 =	sor.u32 s1, s3  }
0x2a0: {  	v2 =	vld [tilespmem:s1+$0x400];
	_ =	sdelay $0x4  }
0x2a1: {  	s4 =	simm.s32 $0x40  }
0x2a2: {  	s19 =	simm.s32 $0x10;
	s3 =	sand.u32 $0xE00, s4;
	s1 =	simm.s32 $0x80  }
.LBB2_16:
0x2a3: {  	p0 =	sne.s32 s1, $0xFC0;
	s4 =	sand.u32 $0x70, s19;
	s3 =	sshrl.u32 s3, $0x2  }
0x2a4: {  	s3 =	sor.u32 s4, s3;
	[tilespmem:v2+s11+$0x0] =	vst.idx.add.f32.msk $0xffff, v1  }
0x2a5: {  	v2 =	vld [tilespmem:s3+$0x400];
	_ =	sdelay $0x1  }
.Ltmp7:
0x2a6: {  	(pc) =	sbr.rel @p0 .LBB2_16-.Ltmp7, $2  }
0x2a7: {  	_ =	sdelay $0x2  }
0x2a8: {  	s19 =	sadd.s32 $0x10, s19;
	s3 =	sand.u32 $0xE00, s1;
	s1 =	sadd.s32 $0x40, s1  }
0x2a9: {  	_ =	sdelay $0x2  }
0x2aa: {  	s1 =	sand.u32 $0x70, s19;
	s3 =	sshrl.u32 s3, $0x2  }
0x2ab: {  	[tilespmem:v2+s11+$0x0] =	vst.idx.add.f32.msk $0xffff, v1;
	s1 =	sor.u32 s1, s3  }
0x2ac: {  	v2 =	vld [tilespmem:s1+$0x400];
	_ =	sdelay $0x7  }
0x2ad: {  	[tilespmem:v2+s11+$0x0] =	vst.idx.add.f32.msk $0xffff, v1  }
0x2ae: {  	_ =	strace $0x90000056  }
0x2af: {  	_ =	strace $0x80000057  }
0x2b0: {  	_ =	swait.ge [sflag:s15], $0x4000  }
0x2b1: {  	[sflag:s15] =	ssyncset.done $0x0  }
0x2b2: {  	[sflag:s15] =	ssyncadd.s32 $0xFFFFC000  }
0x2b3: {  	[spmem:s23] =	stream.indirect.scatter.add.f32 [tilespmem:s9], [sflag:$0x4], $0x80, s7, s8, $0x2000b8;
	[tilespmem:$0x1F800] =	vst v63  }
0x2b4: {  	_ =	swait.ge [sflag:s6], $0x4000  }
0x2b5: {  	[sflag:s6] =	ssyncset.done $0x0  }
0x2b6: {  	s3 =	simm.s32 $0x100;
	[sflag:s6] =	ssyncadd.s32 $0xFFFFC000  }
0x2b7: {  	[tilespmem:s9], [sflag:$0x1] =	stream.indirect.gather [hbm4b:s0+s8], $0x80, s3, s8, $0x2000b8;
	[tilespmem:$0x1F800] =	vst v63  }
0x2b8: {  	_ =	swait.ge [sflag:s17], $0x4000  }
0x2b9: {  	[sflag:s17] =	ssyncset.done $0x0  }
0x2ba: {  	s4 =	simm.s32 $0x480;
	[sflag:s17] =	ssyncadd.s32 $0xFFFFC000  }
0x2bb: {  	[spmem:s23] =	stream.indirect.scatter.add.f32 [tilespmem:s10], [sflag:$0x4], $0x80, s4, s8, $0x2000b8;
	[tilespmem:$0x1F800] =	vst v63  }
0x2bc: {  	_ =	swait.ge [sflag:s6], $0x4000  }
0x2bd: {  	[sflag:s6] =	ssyncset.done $0x0  }
0x2be: {  	s19 =	simm.s32 $0x180;
	[sflag:s6] =	ssyncadd.s32 $0xFFFFC000  }
0x2bf: {  	[tilespmem:s10], [sflag:$0x2] =	stream.indirect.gather [hbm4b:s0+s8], $0x80, s19, s8, $0x2000b8;
	[tilespmem:$0x1F800] =	vst v63  }
0x2c0: {  	_ =	swait.ge [sflag:s15], $0x4000  }
0x2c1: {  	[sflag:s15] =	ssyncset.done $0x0  }
0x2c2: {  	s3 =	simm.s32 $0x500;
	[sflag:s15] =	ssyncadd.s32 $0xFFFFC000  }
0x2c3: {  	[spmem:s23] =	stream.indirect.scatter.add.f32 [tilespmem:s9], [sflag:$0x4], $0x80, s3, s8, $0x2000b8;
	[tilespmem:$0x1F800] =	vst v63  }
0x2c4: {  	_ =	swait.ge [sflag:s6], $0x4000  }
0x2c5: {  	[sflag:s6] =	ssyncset.done $0x0  }
0x2c6: {  	s4 =	simm.s32 $0x200;
	[sflag:s6] =	ssyncadd.s32 $0xFFFFC000  }
0x2c7: {  	[tilespmem:s9], [sflag:$0x1] =	stream.indirect.gather [hbm4b:s0+s8], $0x80, s4, s8, $0x2000b8;
	[tilespmem:$0x1F800] =	vst v63  }
0x2c8: {  	_ =	swait.ge [sflag:s17], $0x4000  }
0x2c9: {  	[sflag:s17] =	ssyncset.done $0x0  }
0x2ca: {  	s19 =	simm.s32 $0x580;
	[sflag:s17] =	ssyncadd.s32 $0xFFFFC000  }
0x2cb: {  	[spmem:s23] =	stream.indirect.scatter.add.f32 [tilespmem:s10], [sflag:$0x4], $0x80, s19, s8, $0x2000b8;
	[tilespmem:$0x1F800] =	vst v63  }
0x2cc: {  	_ =	swait.ge [sflag:s6], $0x4000  }
0x2cd: {  	[sflag:s6] =	ssyncset.done $0x0  }
0x2ce: {  	s3 =	simm.s32 $0x280;
	[sflag:s6] =	ssyncadd.s32 $0xFFFFC000  }
0x2cf: {  	[tilespmem:s10], [sflag:$0x2] =	stream.indirect.gather [hbm4b:s0+s8], $0x80, s3, s8, $0x2000b8;
	[tilespmem:$0x1F800] =	vst v63  }
0x2d0: {  	_ =	swait.ge [sflag:s15], $0x4000  }
0x2d1: {  	[sflag:s15] =	ssyncset.done $0x0  }
0x2d2: {  	s4 =	simm.s32 $0x600;
	[sflag:s15] =	ssyncadd.s32 $0xFFFFC000  }
0x2d3: {  	[spmem:s23] =	stream.indirect.scatter.add.f32 [tilespmem:s9], [sflag:$0x4], $0x80, s4, s8, $0x2000b8;
	[tilespmem:$0x1F800] =	vst v63  }
0x2d4: {  	_ =	swait.ge [sflag:s6], $0x4000  }
0x2d5: {  	[sflag:s6] =	ssyncset.done $0x0  }
0x2d6: {  	s19 =	simm.s32 $0x300;
	[sflag:s6] =	ssyncadd.s32 $0xFFFFC000  }
0x2d7: {  	[tilespmem:s9], [sflag:$0x1] =	stream.indirect.gather [hbm4b:s0+s8], $0x80, s19, s8, $0x2000b8;
	[tilespmem:$0x1F800] =	vst v63  }
0x2d8: {  	_ =	swait.ge [sflag:s17], $0x4000  }
0x2d9: {  	[sflag:s17] =	ssyncset.done $0x0  }
0x2da: {  	s3 =	simm.s32 $0x680;
	[sflag:s17] =	ssyncadd.s32 $0xFFFFC000  }
0x2db: {  	[spmem:s23] =	stream.indirect.scatter.add.f32 [tilespmem:s10], [sflag:$0x4], $0x80, s3, s8, $0x2000b8;
	[tilespmem:$0x1F800] =	vst v63  }
0x2dc: {  	_ =	swait.ge [sflag:s6], $0x4000  }
0x2dd: {  	[sflag:s6] =	ssyncset.done $0x0  }
0x2de: {  	s4 =	simm.s32 $0x380;
	[sflag:s6] =	ssyncadd.s32 $0xFFFFC000  }
0x2df: {  	[tilespmem:s10], [sflag:$0x2] =	stream.indirect.gather [hbm4b:s0+s8], $0x80, s4, s8, $0x2000b8;
	[tilespmem:$0x1F800] =	vst v63  }
0x2e0: {  	_ =	strace $0x90000057  }
0x2e1: {  	_ =	swait.ge [sflag:s15], $0x4000  }
0x2e2: {  	[sflag:s15] =	ssyncset.done $0x0  }
0x2e3: {  	s19 =	simm.s32 $0x700;
	[sflag:s15] =	ssyncadd.s32 $0xFFFFC000  }
0x2e4: {  	[spmem:s23] =	stream.indirect.scatter.add.f32 [tilespmem:s9], [sflag:$0x4], $0x80, s19, s8, $0xb8;
	[tilespmem:$0x1F800] =	vst v63  }
0x2e5: {  	_ =	swait.ge [sflag:s6], $0x4000  }
0x2e6: {  	[sflag:s6] =	ssyncset.done $0x0  }
0x2e7: {  	[sflag:s6] =	ssyncadd.s32 $0xFFFFC000  }
0x2e8: {  	_ =	swait.ge [sflag:s12], $0x400  }
0x2e9: {  	[sflag:s12] =	ssyncset.done $0x0  }
0x2ea: {  	[sflag:s12] =	ssyncadd.s32 $0xFFFFFC00  }
0x2eb: {  	_ =	swait.ge [sflag:s12], $0x400  }
0x2ec: {  	[sflag:s12] =	ssyncset.done $0x0  }
0x2ed: {  	[sflag:s12] =	ssyncadd.s32 $0xFFFFFC00  }
0x2ee: {  	[tilespmem:s9], [sflag:$0x1] =	stream.indirect.gather [hbm4b:s0+s8], $0x80, s13, s8, $0xb8;
	[tilespmem:$0x1F800] =	vst v63  }
0x2ef: {  	_ =	swait.ge [sflag:s17], $0x4000  }
0x2f0: {  	[sflag:s17] =	ssyncset.done $0x0  }
0x2f1: {  	s3 =	simm.s32 $0x780;
	[sflag:s17] =	ssyncadd.s32 $0xFFFFC000  }
0x2f2: {  	[spmem:s23] =	stream.indirect.scatter.add.f32 [tilespmem:s10], [sflag:$0x4], $0x80, s3, s8, $0xb8;
	[tilespmem:$0x1F800] =	vst v63  }
0x2f3: {  	_ =	swait.ge [sflag:s6], $0x4000  }
0x2f4: {  	[sflag:s6] =	ssyncset.done $0x0  }
0x2f5: {  	s4 =	simm.s32 $0x880;
	[sflag:s6] =	ssyncadd.s32 $0xFFFFC000  }
0x2f6: {  	[tilespmem:s10], [sflag:$0x2] =	stream.indirect.gather [hbm4b:s0+s8], $0x80, s4, s8, $0xb8;
	[tilespmem:$0x1F800] =	vst v63  }
0x2f7: {  	s1 =	simm.s32 $0x0;
	s19 =	rddreg [dreg:$0x15]  }
0x2f8: {  	[tilespmem:s1], [sflag:$0x3] =	stream.linear.gather [hbm4b:s19+s1], $0x400, $0x38;
	[tilespmem:$0x1F800] =	vst v63  }
0x2f9: {  	s4 =	rddreg [dreg:$0x16];
	s19 =	sand.u32 $0xE00, s1  }
0x2fa: {  	[tilespmem:s7], [sflag:$0x3] =	stream.linear.gather [hbm4b:s4+s1], $0x400, $0x38;
	[tilespmem:$0x1F800] =	vst v63  }
0x2fb: {  	s3 =	sshrl.u32 s19, $0x2;
	s1 =	sand.u32 $0x70, s1  }
0x2fc: {  	_ =	strace $0x80000058;
	s1 =	sor.u32 s1, s3  }
0x2fd: {  	v2 =	vld [tilespmem:s1+$0xC00];
	_ =	sdelay $0x4  }
0x2fe: {  	s4 =	simm.s32 $0x40  }
0x2ff: {  	s19 =	simm.s32 $0x10;
	s3 =	sand.u32 $0xE00, s4;
	s1 =	simm.s32 $0x80  }
.LBB2_18:
0x300: {  	p0 =	sne.s32 s1, $0xFC0;
	s4 =	sand.u32 $0x70, s19;
	s3 =	sshrl.u32 s3, $0x2  }
0x301: {  	s3 =	sor.u32 s4, s3;
	[tilespmem:v2+s11+$0x0] =	vst.idx.add.f32.msk $0xffff, v1  }
0x302: {  	v2 =	vld [tilespmem:s3+$0xC00];
	_ =	sdelay $0x1  }
.Ltmp8:
0x303: {  	(pc) =	sbr.rel @p0 .LBB2_18-.Ltmp8, $2  }
0x304: {  	_ =	sdelay $0x2  }
0x305: {  	s19 =	sadd.s32 $0x10, s19;
	s3 =	sand.u32 $0xE00, s1;
	s1 =	sadd.s32 $0x40, s1  }
0x306: {  	_ =	sdelay $0x2  }
0x307: {  	s1 =	sand.u32 $0x70, s19;
	s3 =	sshrl.u32 s3, $0x2  }
0x308: {  	[tilespmem:v2+s11+$0x0] =	vst.idx.add.f32.msk $0xffff, v1;
	s1 =	sor.u32 s1, s3  }
0x309: {  	v2 =	vld [tilespmem:s1+$0xC00];
	_ =	sdelay $0x7  }
0x30a: {  	[tilespmem:v2+s11+$0x0] =	vst.idx.add.f32.msk $0xffff, v1  }
0x30b: {  	_ =	strace $0x90000058  }
0x30c: {  	_ =	strace $0x80000059  }
0x30d: {  	_ =	swait.ge [sflag:s15], $0x4000  }
0x30e: {  	[sflag:s15] =	ssyncset.done $0x0  }
0x30f: {  	[sflag:s15] =	ssyncadd.s32 $0xFFFFC000  }
0x310: {  	[spmem:s23] =	stream.indirect.scatter.add.f32 [tilespmem:s9], [sflag:$0x4], $0x80, s14, s8, $0x2000b8;
	[tilespmem:$0x1F800] =	vst v63  }
0x311: {  	_ =	swait.ge [sflag:s6], $0x4000  }
0x312: {  	[sflag:s6] =	ssyncset.done $0x0  }
0x313: {  	s4 =	simm.s32 $0x900;
	[sflag:s6] =	ssyncadd.s32 $0xFFFFC000  }
0x314: {  	[tilespmem:s9], [sflag:$0x1] =	stream.indirect.gather [hbm4b:s0+s8], $0x80, s4, s8, $0x2000b8;
	[tilespmem:$0x1F800] =	vst v63  }
0x315: {  	_ =	swait.ge [sflag:s17], $0x4000  }
0x316: {  	[sflag:s17] =	ssyncset.done $0x0  }
0x317: {  	[sflag:s17] =	ssyncadd.s32 $0xFFFFC000  }
0x318: {  	[spmem:s23] =	stream.indirect.scatter.add.f32 [tilespmem:s10], [sflag:$0x4], $0x80, s5, s8, $0x2000b8;
	[tilespmem:$0x1F800] =	vst v63  }
0x319: {  	_ =	swait.ge [sflag:s6], $0x4000  }
0x31a: {  	[sflag:s6] =	ssyncset.done $0x0  }
0x31b: {  	[sflag:s6] =	ssyncadd.s32 $0xFFFFC000  }
0x31c: {  	[tilespmem:s10], [sflag:$0x2] =	stream.indirect.gather [hbm4b:s0+s8], $0x80, s25, s8, $0x2000b8;
	[tilespmem:$0x1F800] =	vst v63  }
0x31d: {  	_ =	swait.ge [sflag:s15], $0x4000  }
0x31e: {  	[sflag:s15] =	ssyncset.done $0x0  }
0x31f: {  	[sflag:s15] =	ssyncadd.s32 $0xFFFFC000  }
0x320: {  	[spmem:s23] =	stream.indirect.scatter.add.f32 [tilespmem:s9], [sflag:$0x4], $0x80, s16, s8, $0x2000b8;
	[tilespmem:$0x1F800] =	vst v63  }
0x321: {  	_ =	swait.ge [sflag:s6], $0x4000  }
0x322: {  	[sflag:s6] =	ssyncset.done $0x0  }
0x323: {  	[sflag:s6] =	ssyncadd.s32 $0xFFFFC000  }
0x324: {  	[tilespmem:s9], [sflag:$0x1] =	stream.indirect.gather [hbm4b:s0+s8], $0x80, s18, s8, $0x2000b8;
	[tilespmem:$0x1F800] =	vst v63  }
0x325: {  	_ =	swait.ge [sflag:s17], $0x4000  }
0x326: {  	[sflag:s17] =	ssyncset.done $0x0  }
0x327: {  	[sflag:s17] =	ssyncadd.s32 $0xFFFFC000  }
0x328: {  	[spmem:s23] =	stream.indirect.scatter.add.f32 [tilespmem:s10], [sflag:$0x4], $0x80, s20, s8, $0x2000b8;
	[tilespmem:$0x1F800] =	vst v63  }
0x329: {  	_ =	swait.ge [sflag:s6], $0x4000  }
0x32a: {  	[sflag:s6] =	ssyncset.done $0x0  }
0x32b: {  	[sflag:s6] =	ssyncadd.s32 $0xFFFFC000  }
0x32c: {  	[tilespmem:s10], [sflag:$0x2] =	stream.indirect.gather [hbm4b:s0+s8], $0x80, s21, s8, $0x2000b8;
	[tilespmem:$0x1F800] =	vst v63  }
0x32d: {  	_ =	swait.ge [sflag:s15], $0x4000  }
0x32e: {  	[sflag:s15] =	ssyncset.done $0x0  }
0x32f: {  	[sflag:s15] =	ssyncadd.s32 $0xFFFFC000  }
0x330: {  	[spmem:s23] =	stream.indirect.scatter.add.f32 [tilespmem:s9], [sflag:$0x4], $0x80, s22, s8, $0x2000b8;
	[tilespmem:$0x1F800] =	vst v63  }
0x331: {  	_ =	swait.ge [sflag:s6], $0x4000  }
0x332: {  	[sflag:s6] =	ssyncset.done $0x0  }
0x333: {  	[sflag:s6] =	ssyncadd.s32 $0xFFFFC000  }
0x334: {  	[tilespmem:s9], [sflag:$0x1] =	stream.indirect.gather [hbm4b:s0+s8], $0x80, s24, s8, $0x2000b8;
	[tilespmem:$0x1F800] =	vst v63  }
0x335: {  	_ =	swait.ge [sflag:s17], $0x4000  }
0x336: {  	[sflag:s17] =	ssyncset.done $0x0  }
0x337: {  	[sflag:s17] =	ssyncadd.s32 $0xFFFFC000  }
0x338: {  	[spmem:s23] =	stream.indirect.scatter.add.f32 [tilespmem:s10], [sflag:$0x4], $0x80, s26, s8, $0x2000b8;
	[tilespmem:$0x1F800] =	vst v63  }
0x339: {  	_ =	swait.ge [sflag:s6], $0x4000  }
0x33a: {  	[sflag:s6] =	ssyncset.done $0x0  }
0x33b: {  	[sflag:s6] =	ssyncadd.s32 $0xFFFFC000  }
0x33c: {  	[tilespmem:s10], [sflag:$0x2] =	stream.indirect.gather [hbm4b:s0+s8], $0x80, s28, s8, $0x2000b8;
	[tilespmem:$0x1F800] =	vst v63  }
0x33d: {  	_ =	strace $0x90000059  }
0x33e: {  	_ =	swait.ge [sflag:s15], $0x4000  }
0x33f: {  	[sflag:s15] =	ssyncset.done $0x0  }
0x340: {  	[sflag:s15] =	ssyncadd.s32 $0xFFFFC000  }
0x341: {  	[spmem:s23] =	stream.indirect.scatter.add.f32 [tilespmem:s9], [sflag:$0x4], $0x80, s29, s8, $0xb8;
	[tilespmem:$0x1F800] =	vst v63  }
0x342: {  	_ =	swait.ge [sflag:s6], $0x4000  }
0x343: {  	[sflag:s6] =	ssyncset.done $0x0  }
0x344: {  	[sflag:s6] =	ssyncadd.s32 $0xFFFFC000  }
0x345: {  	_ =	swait.ge [sflag:s12], $0x400  }
0x346: {  	[sflag:s12] =	ssyncset.done $0x0  }
0x347: {  	[sflag:s12] =	ssyncadd.s32 $0xFFFFFC00  }
0x348: {  	_ =	swait.ge [sflag:s12], $0x400  }
0x349: {  	[sflag:s12] =	ssyncset.done $0x0  }
0x34a: {  	s1 =	simm.s32 $0x0;
	[sflag:s12] =	ssyncadd.s32 $0xFFFFFC00  }
0x34b: {  	[tilespmem:s9], [sflag:$0x1] =	stream.indirect.gather [hbm4b:s0+s8], $0x80, s1, s8, $0xb8;
	[tilespmem:$0x1F800] =	vst v63  }
0x34c: {  	_ =	swait.ge [sflag:s17], $0x4000  }
0x34d: {  	[sflag:s17] =	ssyncset.done $0x0  }
0x34e: {  	[sflag:s17] =	ssyncadd.s32 $0xFFFFC000  }
0x34f: {  	[spmem:s23] =	stream.indirect.scatter.add.f32 [tilespmem:s10], [sflag:$0x4], $0x80, s30, s8, $0xb8;
	[tilespmem:$0x1F800] =	vst v63  }
0x350: {  	_ =	swait.ge [sflag:s6], $0x4000  }
0x351: {  	[sflag:s6] =	ssyncset.done $0x0  }
0x352: {  	[sflag:s6] =	ssyncadd.s32 $0xFFFFC000  }
0x353: {  	[tilespmem:s10], [sflag:$0x2] =	stream.indirect.gather [hbm4b:s0+s8], $0x80, s8, s8, $0xb8;
	[tilespmem:$0x1F800] =	vst v63  }
0x354: {  	s19 =	rddreg [dreg:$0x17]  }
0x355: {  	[tilespmem:s13], [sflag:$0x3] =	stream.linear.gather [hbm4b:s19+s1], $0x400, $0x38;
	[tilespmem:$0x1F800] =	vst v63  }
0x356: {  	s4 =	rddreg [dreg:$0x18];
	s19 =	sand.u32 $0xE00, s1  }
0x357: {  	[tilespmem:s14], [sflag:$0x3] =	stream.linear.gather [hbm4b:s4+s1], $0x400, $0x38;
	[tilespmem:$0x1F800] =	vst v63  }
0x358: {  	s3 =	sshrl.u32 s19, $0x2;
	s1 =	sand.u32 $0x70, s1  }
0x359: {  	_ =	strace $0x8000005A;
	s1 =	sor.u32 s1, s3  }
0x35a: {  	v2 =	vld [tilespmem:s1+$0x400];
	_ =	sdelay $0x4  }
0x35b: {  	s4 =	simm.s32 $0x40  }
0x35c: {  	s19 =	simm.s32 $0x10;
	s3 =	sand.u32 $0xE00, s4;
	s1 =	simm.s32 $0x80  }
.LBB2_20:
0x35d: {  	p0 =	sne.s32 s1, $0xFC0;
	s4 =	sand.u32 $0x70, s19;
	s3 =	sshrl.u32 s3, $0x2  }
0x35e: {  	s3 =	sor.u32 s4, s3;
	[tilespmem:v2+s11+$0x0] =	vst.idx.add.f32.msk $0xffff, v1  }
0x35f: {  	v2 =	vld [tilespmem:s3+$0x400];
	_ =	sdelay $0x1  }
.Ltmp9:
0x360: {  	(pc) =	sbr.rel @p0 .LBB2_20-.Ltmp9, $2  }
0x361: {  	_ =	sdelay $0x2  }
0x362: {  	s19 =	sadd.s32 $0x10, s19;
	s3 =	sand.u32 $0xE00, s1;
	s1 =	sadd.s32 $0x40, s1  }
0x363: {  	_ =	sdelay $0x2  }
0x364: {  	s1 =	sand.u32 $0x70, s19;
	s3 =	sshrl.u32 s3, $0x2  }
0x365: {  	[tilespmem:v2+s11+$0x0] =	vst.idx.add.f32.msk $0xffff, v1;
	s1 =	sor.u32 s1, s3  }
0x366: {  	v2 =	vld [tilespmem:s1+$0x400];
	_ =	sdelay $0x7  }
0x367: {  	[tilespmem:v2+s11+$0x0] =	vst.idx.add.f32.msk $0xffff, v1  }
0x368: {  	_ =	strace $0x9000005A  }
0x369: {  	_ =	strace $0x8000005B  }
0x36a: {  	_ =	swait.ge [sflag:s15], $0x4000  }
0x36b: {  	[sflag:s15] =	ssyncset.done $0x0  }
0x36c: {  	[sflag:s15] =	ssyncadd.s32 $0xFFFFC000  }
0x36d: {  	[spmem:s23] =	stream.indirect.scatter.add.f32 [tilespmem:s9], [sflag:$0x4], $0x80, s7, s8, $0x2000b8;
	[tilespmem:$0x1F800] =	vst v63  }
0x36e: {  	_ =	swait.ge [sflag:s6], $0x4000  }
0x36f: {  	[sflag:s6] =	ssyncset.done $0x0  }
0x370: {  	s19 =	simm.s32 $0x100;
	[sflag:s6] =	ssyncadd.s32 $0xFFFFC000  }
0x371: {  	[tilespmem:s9], [sflag:$0x1] =	stream.indirect.gather [hbm4b:s0+s8], $0x80, s19, s8, $0x2000b8;
	[tilespmem:$0x1F800] =	vst v63  }
0x372: {  	_ =	swait.ge [sflag:s17], $0x4000  }
0x373: {  	[sflag:s17] =	ssyncset.done $0x0  }
0x374: {  	s3 =	simm.s32 $0x480;
	[sflag:s17] =	ssyncadd.s32 $0xFFFFC000  }
0x375: {  	[spmem:s23] =	stream.indirect.scatter.add.f32 [tilespmem:s10], [sflag:$0x4], $0x80, s3, s8, $0x2000b8;
	[tilespmem:$0x1F800] =	vst v63  }
0x376: {  	_ =	swait.ge [sflag:s6], $0x4000  }
0x377: {  	[sflag:s6] =	ssyncset.done $0x0  }
0x378: {  	s4 =	simm.s32 $0x180;
	[sflag:s6] =	ssyncadd.s32 $0xFFFFC000  }
0x379: {  	[tilespmem:s10], [sflag:$0x2] =	stream.indirect.gather [hbm4b:s0+s8], $0x80, s4, s8, $0x2000b8;
	[tilespmem:$0x1F800] =	vst v63  }
0x37a: {  	_ =	swait.ge [sflag:s15], $0x4000  }
0x37b: {  	[sflag:s15] =	ssyncset.done $0x0  }
0x37c: {  	s19 =	simm.s32 $0x500;
	[sflag:s15] =	ssyncadd.s32 $0xFFFFC000  }
0x37d: {  	[spmem:s23] =	stream.indirect.scatter.add.f32 [tilespmem:s9], [sflag:$0x4], $0x80, s19, s8, $0x2000b8;
	[tilespmem:$0x1F800] =	vst v63  }
0x37e: {  	_ =	swait.ge [sflag:s6], $0x4000  }
0x37f: {  	[sflag:s6] =	ssyncset.done $0x0  }
0x380: {  	s3 =	simm.s32 $0x200;
	[sflag:s6] =	ssyncadd.s32 $0xFFFFC000  }
0x381: {  	[tilespmem:s9], [sflag:$0x1] =	stream.indirect.gather [hbm4b:s0+s8], $0x80, s3, s8, $0x2000b8;
	[tilespmem:$0x1F800] =	vst v63  }
0x382: {  	_ =	swait.ge [sflag:s17], $0x4000  }
0x383: {  	[sflag:s17] =	ssyncset.done $0x0  }
0x384: {  	s4 =	simm.s32 $0x580;
	[sflag:s17] =	ssyncadd.s32 $0xFFFFC000  }
0x385: {  	[spmem:s23] =	stream.indirect.scatter.add.f32 [tilespmem:s10], [sflag:$0x4], $0x80, s4, s8, $0x2000b8;
	[tilespmem:$0x1F800] =	vst v63  }
0x386: {  	_ =	swait.ge [sflag:s6], $0x4000  }
0x387: {  	[sflag:s6] =	ssyncset.done $0x0  }
0x388: {  	s19 =	simm.s32 $0x280;
	[sflag:s6] =	ssyncadd.s32 $0xFFFFC000  }
0x389: {  	[tilespmem:s10], [sflag:$0x2] =	stream.indirect.gather [hbm4b:s0+s8], $0x80, s19, s8, $0x2000b8;
	[tilespmem:$0x1F800] =	vst v63  }
0x38a: {  	_ =	swait.ge [sflag:s15], $0x4000  }
0x38b: {  	[sflag:s15] =	ssyncset.done $0x0  }
0x38c: {  	s3 =	simm.s32 $0x600;
	[sflag:s15] =	ssyncadd.s32 $0xFFFFC000  }
0x38d: {  	[spmem:s23] =	stream.indirect.scatter.add.f32 [tilespmem:s9], [sflag:$0x4], $0x80, s3, s8, $0x2000b8;
	[tilespmem:$0x1F800] =	vst v63  }
0x38e: {  	_ =	swait.ge [sflag:s6], $0x4000  }
0x38f: {  	[sflag:s6] =	ssyncset.done $0x0  }
0x390: {  	s4 =	simm.s32 $0x300;
	[sflag:s6] =	ssyncadd.s32 $0xFFFFC000  }
0x391: {  	[tilespmem:s9], [sflag:$0x1] =	stream.indirect.gather [hbm4b:s0+s8], $0x80, s4, s8, $0x2000b8;
	[tilespmem:$0x1F800] =	vst v63  }
0x392: {  	_ =	swait.ge [sflag:s17], $0x4000  }
0x393: {  	[sflag:s17] =	ssyncset.done $0x0  }
0x394: {  	s19 =	simm.s32 $0x680;
	[sflag:s17] =	ssyncadd.s32 $0xFFFFC000  }
0x395: {  	[spmem:s23] =	stream.indirect.scatter.add.f32 [tilespmem:s10], [sflag:$0x4], $0x80, s19, s8, $0x2000b8;
	[tilespmem:$0x1F800] =	vst v63  }
0x396: {  	_ =	swait.ge [sflag:s6], $0x4000  }
0x397: {  	[sflag:s6] =	ssyncset.done $0x0  }
0x398: {  	s3 =	simm.s32 $0x380;
	[sflag:s6] =	ssyncadd.s32 $0xFFFFC000  }
0x399: {  	[tilespmem:s10], [sflag:$0x2] =	stream.indirect.gather [hbm4b:s0+s8], $0x80, s3, s8, $0x2000b8;
	[tilespmem:$0x1F800] =	vst v63  }
0x39a: {  	_ =	strace $0x9000005B  }
0x39b: {  	_ =	swait.ge [sflag:s15], $0x4000  }
0x39c: {  	[sflag:s15] =	ssyncset.done $0x0  }
0x39d: {  	s4 =	simm.s32 $0x700;
	[sflag:s15] =	ssyncadd.s32 $0xFFFFC000  }
0x39e: {  	[spmem:s23] =	stream.indirect.scatter.add.f32 [tilespmem:s9], [sflag:$0x4], $0x80, s4, s8, $0xb8;
	[tilespmem:$0x1F800] =	vst v63  }
0x39f: {  	_ =	swait.ge [sflag:s6], $0x4000  }
0x3a0: {  	[sflag:s6] =	ssyncset.done $0x0  }
0x3a1: {  	[sflag:s6] =	ssyncadd.s32 $0xFFFFC000  }
0x3a2: {  	_ =	swait.ge [sflag:s12], $0x400  }
0x3a3: {  	[sflag:s12] =	ssyncset.done $0x0  }
0x3a4: {  	[sflag:s12] =	ssyncadd.s32 $0xFFFFFC00  }
0x3a5: {  	_ =	swait.ge [sflag:s12], $0x400  }
0x3a6: {  	[sflag:s12] =	ssyncset.done $0x0  }
0x3a7: {  	[sflag:s12] =	ssyncadd.s32 $0xFFFFFC00  }
0x3a8: {  	[tilespmem:s9], [sflag:$0x1] =	stream.indirect.gather [hbm4b:s0+s8], $0x80, s13, s8, $0xb8;
	[tilespmem:$0x1F800] =	vst v63  }
0x3a9: {  	_ =	swait.ge [sflag:s17], $0x4000  }
0x3aa: {  	[sflag:s17] =	ssyncset.done $0x0  }
0x3ab: {  	s19 =	simm.s32 $0x780;
	[sflag:s17] =	ssyncadd.s32 $0xFFFFC000  }
0x3ac: {  	[spmem:s23] =	stream.indirect.scatter.add.f32 [tilespmem:s10], [sflag:$0x4], $0x80, s19, s8, $0xb8;
	[tilespmem:$0x1F800] =	vst v63  }
0x3ad: {  	_ =	swait.ge [sflag:s6], $0x4000  }
0x3ae: {  	s4 =	simm.s32 $0x0;
	[sflag:s6] =	ssyncset.done $0x0  }
0x3af: {  	s3 =	simm.s32 $0x880;
	s19 =	sand.u32 $0xE00, s4;
	[sflag:s6] =	ssyncadd.s32 $0xFFFFC000  }
0x3b0: {  	[tilespmem:s10], [sflag:$0x2] =	stream.indirect.gather [hbm4b:s0+s8], $0x80, s3, s8, $0xb8;
	[tilespmem:$0x1F800] =	vst v63  }
0x3b1: {  	s1 =	sand.u32 $0x70, s4;
	s3 =	sshrl.u32 s19, $0x2  }
0x3b2: {  	_ =	strace $0x8000005C;
	s1 =	sor.u32 s1, s3  }
0x3b3: {  	v2 =	vld [tilespmem:s1+$0xC00];
	_ =	sdelay $0x4  }
0x3b4: {  	s4 =	simm.s32 $0x40  }
0x3b5: {  	s19 =	simm.s32 $0x10;
	s3 =	sand.u32 $0xE00, s4;
	s1 =	simm.s32 $0x80  }
.LBB2_22:
0x3b6: {  	p0 =	sne.s32 s1, $0xFC0;
	s4 =	sand.u32 $0x70, s19;
	s3 =	sshrl.u32 s3, $0x2  }
0x3b7: {  	s3 =	sor.u32 s4, s3;
	[tilespmem:v2+s11+$0x0] =	vst.idx.add.f32.msk $0xffff, v1  }
0x3b8: {  	v2 =	vld [tilespmem:s3+$0xC00];
	_ =	sdelay $0x1  }
.Ltmp10:
0x3b9: {  	(pc) =	sbr.rel @p0 .LBB2_22-.Ltmp10, $2  }
0x3ba: {  	_ =	sdelay $0x2  }
0x3bb: {  	s19 =	sadd.s32 $0x10, s19;
	s3 =	sand.u32 $0xE00, s1;
	s1 =	sadd.s32 $0x40, s1  }
0x3bc: {  	_ =	sdelay $0x2  }
0x3bd: {  	s1 =	sand.u32 $0x70, s19;
	s3 =	sshrl.u32 s3, $0x2  }
0x3be: {  	[tilespmem:v2+s11+$0x0] =	vst.idx.add.f32.msk $0xffff, v1;
	s1 =	sor.u32 s1, s3  }
0x3bf: {  	v2 =	vld [tilespmem:s1+$0xC00];
	_ =	sdelay $0x7  }
0x3c0: {  	[tilespmem:v2+s11+$0x0] =	vst.idx.add.f32.msk $0xffff, v1  }
0x3c1: {  	_ =	strace $0x9000005C  }
0x3c2: {  	_ =	strace $0x8000005D  }
0x3c3: {  	_ =	swait.ge [sflag:s15], $0x4000  }
0x3c4: {  	[sflag:s15] =	ssyncset.done $0x0  }
0x3c5: {  	[sflag:s15] =	ssyncadd.s32 $0xFFFFC000  }
0x3c6: {  	[spmem:s23] =	stream.indirect.scatter.add.f32 [tilespmem:s9], [sflag:$0x4], $0x80, s14, s8, $0x2000b8;
	[tilespmem:$0x1F800] =	vst v63  }
0x3c7: {  	_ =	swait.ge [sflag:s6], $0x4000  }
0x3c8: {  	[sflag:s6] =	ssyncset.done $0x0  }
0x3c9: {  	s4 =	simm.s32 $0x900;
	[sflag:s6] =	ssyncadd.s32 $0xFFFFC000  }
0x3ca: {  	[tilespmem:s9], [sflag:$0x1] =	stream.indirect.gather [hbm4b:s0+s8], $0x80, s4, s8, $0x2000b8;
	[tilespmem:$0x1F800] =	vst v63  }
0x3cb: {  	_ =	swait.ge [sflag:s17], $0x4000  }
0x3cc: {  	[sflag:s17] =	ssyncset.done $0x0  }
0x3cd: {  	[sflag:s17] =	ssyncadd.s32 $0xFFFFC000  }
0x3ce: {  	[spmem:s23] =	stream.indirect.scatter.add.f32 [tilespmem:s10], [sflag:$0x4], $0x80, s5, s8, $0x2000b8;
	[tilespmem:$0x1F800] =	vst v63  }
0x3cf: {  	_ =	swait.ge [sflag:s6], $0x4000  }
0x3d0: {  	[sflag:s6] =	ssyncset.done $0x0  }
0x3d1: {  	[sflag:s6] =	ssyncadd.s32 $0xFFFFC000  }
0x3d2: {  	[tilespmem:s10], [sflag:$0x2] =	stream.indirect.gather [hbm4b:s0+s8], $0x80, s25, s8, $0x2000b8;
	[tilespmem:$0x1F800] =	vst v63  }
0x3d3: {  	_ =	swait.ge [sflag:s15], $0x4000  }
0x3d4: {  	[sflag:s15] =	ssyncset.done $0x0  }
0x3d5: {  	[sflag:s15] =	ssyncadd.s32 $0xFFFFC000  }
0x3d6: {  	[spmem:s23] =	stream.indirect.scatter.add.f32 [tilespmem:s9], [sflag:$0x4], $0x80, s16, s8, $0x2000b8;
	[tilespmem:$0x1F800] =	vst v63  }
0x3d7: {  	_ =	swait.ge [sflag:s6], $0x4000  }
0x3d8: {  	[sflag:s6] =	ssyncset.done $0x0  }
0x3d9: {  	[sflag:s6] =	ssyncadd.s32 $0xFFFFC000  }
0x3da: {  	[tilespmem:s9], [sflag:$0x1] =	stream.indirect.gather [hbm4b:s0+s8], $0x80, s18, s8, $0x2000b8;
	[tilespmem:$0x1F800] =	vst v63  }
0x3db: {  	_ =	swait.ge [sflag:s17], $0x4000  }
0x3dc: {  	[sflag:s17] =	ssyncset.done $0x0  }
0x3dd: {  	[sflag:s17] =	ssyncadd.s32 $0xFFFFC000  }
0x3de: {  	[spmem:s23] =	stream.indirect.scatter.add.f32 [tilespmem:s10], [sflag:$0x4], $0x80, s20, s8, $0x2000b8;
	[tilespmem:$0x1F800] =	vst v63  }
0x3df: {  	_ =	swait.ge [sflag:s6], $0x4000  }
0x3e0: {  	[sflag:s6] =	ssyncset.done $0x0  }
0x3e1: {  	[sflag:s6] =	ssyncadd.s32 $0xFFFFC000  }
0x3e2: {  	[tilespmem:s10], [sflag:$0x2] =	stream.indirect.gather [hbm4b:s0+s8], $0x80, s21, s8, $0x2000b8;
	[tilespmem:$0x1F800] =	vst v63  }
0x3e3: {  	_ =	swait.ge [sflag:s15], $0x4000  }
0x3e4: {  	[sflag:s15] =	ssyncset.done $0x0  }
0x3e5: {  	[sflag:s15] =	ssyncadd.s32 $0xFFFFC000  }
0x3e6: {  	[spmem:s23] =	stream.indirect.scatter.add.f32 [tilespmem:s9], [sflag:$0x4], $0x80, s22, s8, $0x2000b8;
	[tilespmem:$0x1F800] =	vst v63  }
0x3e7: {  	_ =	swait.ge [sflag:s6], $0x4000  }
0x3e8: {  	[sflag:s6] =	ssyncset.done $0x0  }
0x3e9: {  	[sflag:s6] =	ssyncadd.s32 $0xFFFFC000  }
0x3ea: {  	[tilespmem:s9], [sflag:$0x1] =	stream.indirect.gather [hbm4b:s0+s8], $0x80, s24, s8, $0x2000b8;
	[tilespmem:$0x1F800] =	vst v63  }
0x3eb: {  	_ =	swait.ge [sflag:s17], $0x4000  }
0x3ec: {  	[sflag:s17] =	ssyncset.done $0x0  }
0x3ed: {  	[sflag:s17] =	ssyncadd.s32 $0xFFFFC000  }
0x3ee: {  	[spmem:s23] =	stream.indirect.scatter.add.f32 [tilespmem:s10], [sflag:$0x4], $0x80, s26, s8, $0x2000b8;
	[tilespmem:$0x1F800] =	vst v63  }
0x3ef: {  	_ =	swait.ge [sflag:s6], $0x4000  }
0x3f0: {  	[sflag:s6] =	ssyncset.done $0x0  }
0x3f1: {  	[sflag:s6] =	ssyncadd.s32 $0xFFFFC000  }
0x3f2: {  	[tilespmem:s10], [sflag:$0x2] =	stream.indirect.gather [hbm4b:s0+s8], $0x80, s28, s8, $0x2000b8;
	[tilespmem:$0x1F800] =	vst v63  }
0x3f3: {  	_ =	strace $0x9000005D  }
0x3f4: {  	_ =	swait.ge [sflag:s15], $0x4000  }
0x3f5: {  	[sflag:s15] =	ssyncset.done $0x0  }
0x3f6: {  	[sflag:s15] =	ssyncadd.s32 $0xFFFFC000  }
0x3f7: {  	[spmem:s23] =	stream.indirect.scatter.add.f32 [tilespmem:s9], [sflag:$0x4], $0x80, s29, s8, $0xb8;
	[tilespmem:$0x1F800] =	vst v63  }
0x3f8: {  	_ =	swait.ge [sflag:s6], $0x4000  }
0x3f9: {  	[sflag:s6] =	ssyncset.done $0x0  }
0x3fa: {  	[sflag:s6] =	ssyncadd.s32 $0xFFFFC000  }
0x3fb: {  	_ =	swait.ge [sflag:s17], $0x4000  }
0x3fc: {  	[sflag:s17] =	ssyncset.done $0x0  }
0x3fd: {  	[sflag:s17] =	ssyncadd.s32 $0xFFFFC000  }
0x3fe: {  	[spmem:s23] =	stream.indirect.scatter.add.f32 [tilespmem:s10], [sflag:$0x4], $0x80, s30, s8, $0xb8;
	[tilespmem:$0x1F800] =	vst v63  }
0x3ff: {  	_ =	swait.ge [sflag:s6], $0x4000  }
0x400: {  	[sflag:s6] =	ssyncset.done $0x0  }
0x401: {  	[sflag:s6] =	ssyncadd.s32 $0xFFFFC000  }
0x402: {  	_ =	strace $0x8000005E  }
0x403: {  	s19 =	rddreg [dreg:$0x1a]  }
0x404: {  	[hbm4b:s19+s2] =	stream.linear.scatter [tilespmem:s11], [sflag:$0x4], $0x2800, $0x200038;
	[tilespmem:$0x1F800] =	vst v63  }
0x405: {  	_ =	swait.ge [sflag:s6], $0x2800  }
0x406: {  	[sflag:s6] =	ssyncset.done $0x0  }
0x407: {  	[sflag:s6] =	ssyncadd.s32 $0xFFFFD800  }
0x408: {  	s3 =	stileid.u32;
	[bflag:$0x0] =	sbarrier.arrive $0xFFFF  }
0x409: {  	s1 =	sshll.u32 s3, $0x6;
	s4 =	rddreg [dreg:$0x19]  }
0x40a: {  	s1 =	sor.u32 $0x1C04, s1;
	s3 =	sshrl.u32 s4, $0x3;
	s4 =	rddreg [dreg:$0x1b]  }
0x40b: {  	[hbm:s4], [sflag:s1] =	dma.local [spmem:s3], $0x2800  }
0x40c: {  	_ =	swait.ge [sflag:s6], $0x2800  }
0x40d: {  	s31 =	sadd.s32 $0x1, s31;
	s19 =	rddreg [dreg:$0x1c]  }
0x40e: {  	p0 =	sne.s32 s31, s19  }
.Ltmp11:
0x40f: {  	_ = 	snop;
	(pc) =	sbr.rel @p0 .LBB2_1-.Ltmp11, $4  }
0x410: {  	_ = 	snop  }
0x411: {  	[sflag:s6] =	ssyncset.done $0x0  }
0x412: {  	[sflag:s6] =	ssyncadd.s32 $0xFFFFD800  }
0x413: {  	_ =	strace $0x9000005E  }
0x414: {  	_ =	sfence.sel $0x180000  }
0x415: {  	[bflag:$0x0] =	sbarrier.arrive $0xFFFF  }
0x416: {  	_ =	strace $0x90000047  }
0x417: {  	s0 =	stileid.u32;
	[bflag:$0x2] =	sbarrier.arrive $0xFFFF  }
0x418: {  	p0 =	sne.s32 s0, $0x0;
	s0 =	rddreg [dreg:$0x4]  }
0x419: {  	s0 =	sadd.s32 @!p0 $0x100000, s0  }
0x41a: {  	[sflag:s0] =	ssyncadd.tile.s32 @!p0 $0x1;
	_ =	shalt  }
.Lfunc_end2:
_tile_overlayer_lowered:
.L_overlay_start_2:
0x41b: {  	(tag) =	ssettag $0x2  }
0x41c: {  	s0 =	rddreg [dreg:$0x0];
	s2 =	stileid.u32  }
0x41d: {  	s1 =	rddreg [dreg:$0x1];
	p0 =	sne.s32 s2, $0x0  }
0x41e: {  	s3 =	rddreg [dreg:$0x2];
	[bflag:$0x3] =	sbarrier.arrive $0xFFFF;
	s2 =	simm.s32 @!p0 $0x1C04  }
0x41f: {  	[timem:s3], [sflag:s2] =	dma.local @!p0 [hbm:s0], s1  }
0x420: {  	s0 =	simm.s32 @!p0 $0x4  }
0x421: {  	_ =	swait.ge @!p0 [sflag:s0], s1  }
0x422: {  	s1 =	ssub.s32 @!p0 $0x0, s1;
	[sflag:s0] =	ssyncset.done @!p0 $0x0  }
0x423: {  	[sflag:s0] =	ssyncadd.s32 @!p0 s1  }
0x424: {  	[bflag:$0x3] =	sbarrier.arrive $0xFFFF  }
0x425: {  	_ =	shalt  }

</sc_bundles>
